<compile_context>
chip_gen: v7x
topology: tpu7x:2x2x1
jax: 0.10.2.dev20260603
libtpu: 0.0.44.dev20260713+nightly
codegen_flags: <defaults>
</compile_context>

<pallas_src>
import functools

import jax
import jax.numpy as jnp
from jax import lax
from jax.experimental import pallas as pl
from jax.experimental.pallas import tpu as pltpu
from jax.experimental.pallas import tpu_sc as plsc

N_NODES = 10000
N_EDGES = 320000
D = 128
H = 64

NC = 2
NS = 16
L = 16

EDGES_PER_SUB = N_EDGES // NS
EB = 80
NB = EDGES_PER_SUB // EB
DRAIN_ROWS = 1000
ND = N_NODES // DRAIN_ROWS
ZB_ROWS = 40
UNROLL = 4


def _node_mm_body(h_ref, w_ref, b_ref, ah_ref, bh_ref, dh_ref, eh_ref):
    acc = jnp.dot(h_ref[...], w_ref[0], preferred_element_type=jnp.float32)
    acc = acc + b_ref[0]
    ah_ref[...] = acc[:, 0 * H:1 * H]
    bh_ref[...] = acc[:, 1 * H:2 * H]
    dh_ref[...] = acc[:, 2 * H:3 * H]
    eh_ref[...] = acc[:, 3 * H:4 * H]


def _node_matmuls(h, w4, b4):
    bm = 1000
    gm = N_NODES // bm
    out = jax.ShapeDtypeStruct((NC * N_NODES, H), jnp.float32)
    spec_out = pl.BlockSpec((bm, H), lambda i, c: (c * gm + i, 0))
    return pl.pallas_call(
        _node_mm_body,
        grid=(gm, NC),
        in_specs=[
            pl.BlockSpec((bm, D), lambda i, c: (i, 0)),
            pl.BlockSpec((1, D, 4 * H), lambda i, c: (c, 0, 0)),
            pl.BlockSpec((1, 1, 4 * H), lambda i, c: (c, 0, 0)),
        ],
        out_specs=[spec_out] * 4,
        out_shape=[out] * 4,
    )(h, w4, b4)


def _edge_mm_body(e_ref, w_ref, b_ref, ce_ref):
    ce_ref[...] = (
        jnp.dot(e_ref[...], w_ref[...], preferred_element_type=jnp.float32)
        + b_ref[...]
    )


def _edge_matmul(e, wc, bc):
    bm = 2000
    gm = N_EDGES // bm
    return pl.pallas_call(
        _edge_mm_body,
        grid=(gm,),
        in_specs=[
            pl.BlockSpec((bm, D), lambda i: (i, 0)),
            pl.BlockSpec((D, D), lambda i: (0, 0)),
            pl.BlockSpec((1, D), lambda i: (0, 0)),
        ],
        out_specs=pl.BlockSpec((bm, D), lambda i: (i, 0)),
        out_shape=jax.ShapeDtypeStruct((N_EDGES, D), jnp.float32),
    )(e, wc, bc)


def _sc_body(src_h, dst_h, dh_t, eh_t, bh_t, ce_t,
             eij_out, num_out, den_out,
             src_land, dst_land, src_g, dst_g, dst_scat,
             ce_b, dh_b, eh_b, bh_b, eij_b,
             zb, num_sp, den_sp,
             si_src, si_dst, sg_dh, sg_eh, sg_bh, sg_ce,
             ss_num, ss_den, se):
    c = lax.axis_index("c")
    s = lax.axis_index("s")
    node_off = c * N_NODES
    offs = jnp.full((L,), node_off, jnp.int32)

    r0 = s * DRAIN_ROWS

    @pl.when(s < ND)
    def _init():
        def _zero_row(j, _):
            for k in range(H // L):
                zb[j, pl.ds(k * L, L)] = jnp.zeros((L,), jnp.float32)
            return 0
        lax.fori_loop(0, ZB_ROWS, _zero_row, 0)

        def _zero_chunk(t, _):
            rr = r0 + t * ZB_ROWS
            pltpu.sync_copy(zb, num_sp.at[pl.ds(rr, ZB_ROWS)])
            pltpu.sync_copy(zb, den_sp.at[pl.ds(rr, ZB_ROWS)])
            return 0
        lax.fori_loop(0, DRAIN_ROWS // ZB_ROWS, _zero_chunk, 0)

    plsc.subcore_barrier()

    ebase = s * EDGES_PER_SUB

    def _offset_and_gather(p, e0):
        for i in range(EB // L):
            sl = pl.ds(i * L, L)
            src_g[p][sl] = src_land[p][sl] + offs
            dst_g[p][sl] = dst_land[p][sl] + offs
            dst_scat[p][sl] = dst_land[p][sl]
        pltpu.async_copy(dh_t.at[src_g[p]], dh_b[p], sg_dh[p])
        pltpu.async_copy(eh_t.at[dst_g[p]], eh_b[p], sg_eh[p])
        pltpu.async_copy(bh_t.at[src_g[p]], bh_b[p], sg_bh[p])
        pltpu.async_copy(ce_t.at[pl.ds(e0, EB), pl.ds(c * H, H)],
                         ce_b[p], sg_ce[p])

    pltpu.sync_copy(src_h.at[pl.ds(ebase, EB)], src_land[0])
    pltpu.sync_copy(dst_h.at[pl.ds(ebase, EB)], dst_land[0])
    _offset_and_gather(0, ebase)
    pltpu.async_copy(src_h.at[pl.ds(ebase + EB, EB)], src_land[1], si_src[1])
    pltpu.async_copy(dst_h.at[pl.ds(ebase + EB, EB)], dst_land[1], si_dst[1])

    def _slot(p, b):
        q = 1 - p
        e0 = ebase + b * EB
        pltpu.make_async_copy(dh_t.at[src_g[p]], dh_b[p], sg_dh[p]).wait()
        pltpu.make_async_copy(eh_t.at[dst_g[p]], eh_b[p], sg_eh[p]).wait()
        pltpu.make_async_copy(bh_t.at[src_g[p]], bh_b[p], sg_bh[p]).wait()
        pltpu.make_async_copy(ce_t.at[pl.ds(e0, EB), pl.ds(c * H, H)],
                              ce_b[p], sg_ce[p]).wait()

        @pl.when(b + 1 < NB)
        def _prefetch():
            @pl.when(b >= 1)
            def _ws():
                pltpu.make_async_copy(dh_b[q], num_sp.at[dst_scat[q]],
                                      ss_num[q]).wait()
                pltpu.make_async_copy(ce_b[q], den_sp.at[dst_scat[q]],
                                      ss_den[q]).wait()
            pltpu.make_async_copy(src_h.at[pl.ds(e0 + EB, EB)],
                                  src_land[q], si_src[q]).wait()
            pltpu.make_async_copy(dst_h.at[pl.ds(e0 + EB, EB)],
                                  dst_land[q], si_dst[q]).wait()
            _offset_and_gather(q, e0 + EB)

            @pl.when(b + 2 < NB)
            def _idx2():
                pltpu.async_copy(src_h.at[pl.ds(e0 + 2 * EB, EB)],
                                 src_land[p], si_src[p])
                pltpu.async_copy(dst_h.at[pl.ds(e0 + 2 * EB, EB)],
                                 dst_land[p], si_dst[p])

        @pl.when(b >= 1)
        def _we():
            pltpu.make_async_copy(eij_b,
                                  eij_out.at[pl.ds(e0, EB), pl.ds(c * H, H)],
                                  se).wait()

        def _edge(u, _):
            for d in range(UNROLL):
                j = u * UNROLL + d
                for k in range(H // L):
                    sl = pl.ds(k * L, L)
                    x = ce_b[p][j, sl] + dh_b[p][j, sl] + eh_b[p][j, sl]
                    eij_b[j, sl] = x
                    sg = 1.0 / (1.0 + jnp.exp(-x))
                    ce_b[p][j, sl] = sg
                    dh_b[p][j, sl] = sg * bh_b[p][j, sl]
            return 0

        lax.fori_loop(0, EB // UNROLL, _edge, 0)
        pltpu.async_copy(eij_b, eij_out.at[pl.ds(e0, EB), pl.ds(c * H, H)], se)
        pltpu.async_copy(dh_b[p], num_sp.at[dst_scat[p]], ss_num[p], add=True)
        pltpu.async_copy(ce_b[p], den_sp.at[dst_scat[p]], ss_den[p], add=True)
        return 0

    def _pair(g, _):
        _slot(0, 2 * g)
        _slot(1, 2 * g + 1)
        return 0

    lax.fori_loop(0, NB // 2, _pair, 0)
    pltpu.make_async_copy(dh_b[0], num_sp.at[dst_scat[0]], ss_num[0]).wait()
    pltpu.make_async_copy(ce_b[0], den_sp.at[dst_scat[0]], ss_den[0]).wait()
    pltpu.make_async_copy(dh_b[1], num_sp.at[dst_scat[1]], ss_num[1]).wait()
    pltpu.make_async_copy(ce_b[1], den_sp.at[dst_scat[1]], ss_den[1]).wait()
    pltpu.make_async_copy(eij_b, eij_out.at[pl.ds(ebase, EB), pl.ds(c * H, H)],
                          se).wait()
    plsc.subcore_barrier()

    @pl.when(s < ND)
    def _drain():
        pltpu.sync_copy(num_sp.at[pl.ds(r0, DRAIN_ROWS)],
                        num_out.at[pl.ds(node_off + r0, DRAIN_ROWS)])
        pltpu.sync_copy(den_sp.at[pl.ds(r0, DRAIN_ROWS)],
                        den_out.at[pl.ds(node_off + r0, DRAIN_ROWS)])


def _sc_message_pass(edge_index, dh_t, eh_t, bh_t, ce_t):
    f32 = jnp.float32
    idx2 = [pltpu.VMEM((EB,), jnp.int32)] * 2
    buf2 = [pltpu.VMEM((EB, H), f32)] * 2
    sem2 = [pltpu.SemaphoreType.DMA] * 2
    kern = pl.kernel(
        _sc_body,
        out_type=[
            jax.ShapeDtypeStruct((N_EDGES, D), f32),
            jax.ShapeDtypeStruct((NC * N_NODES, H), f32),
            jax.ShapeDtypeStruct((NC * N_NODES, H), f32),
        ],
        mesh=plsc.VectorSubcoreMesh(core_axis_name="c", subcore_axis_name="s"),
        compiler_params=pltpu.CompilerParams(use_tc_tiling_on_sc=False),
        scratch_types=[
            idx2, idx2, idx2, idx2, idx2,
            buf2, buf2, buf2, buf2,
            pltpu.VMEM((EB, H), f32),
            pltpu.VMEM((ZB_ROWS, H), f32),
            pltpu.VMEM_SHARED((N_NODES, H), f32),
            pltpu.VMEM_SHARED((N_NODES, H), f32),
            sem2, sem2, sem2, sem2, sem2, sem2,
            sem2, sem2,
            pltpu.SemaphoreType.DMA,
        ],
    )
    return kern(edge_index[0], edge_index[1], dh_t, eh_t, bh_t, ce_t)


def _h_fin_body(ah_ref, num_ref, den_ref, h_ref, g_ref, b_ref, out_ref):
    ah = ah_ref[...]
    num = num_ref[...]
    den = den_ref[...]
    upd_lo = ah[:N_NODES] + num[:N_NODES] / (den[:N_NODES] + 1e-6)
    upd_hi = ah[N_NODES:] + num[N_NODES:] / (den[N_NODES:] + 1e-6)
    h_upd = jnp.concatenate([upd_lo, upd_hi], axis=1)
    has_in = jnp.max(den[:N_NODES], axis=1, keepdims=True) > 0.0
    h_new = jnp.where(has_in, h_upd, h_ref[...])
    mu = jnp.mean(h_new, axis=0, keepdims=True)
    xc = h_new - mu
    var = jnp.mean(xc * xc, axis=0, keepdims=True)
    y = g_ref[...] * xc / jnp.sqrt(var + 1e-5) + b_ref[...]
    out_ref[...] = jnp.maximum(y, 0.0)


def _h_finalize(ah, num, den, h, gamma_h, beta_h):
    whole2 = pl.BlockSpec((NC * N_NODES, H), lambda: (0, 0))
    return pl.pallas_call(
        _h_fin_body,
        in_specs=[
            whole2, whole2, whole2,
            pl.BlockSpec((N_NODES, D), lambda: (0, 0)),
            pl.BlockSpec((1, D), lambda: (0, 0)),
            pl.BlockSpec((1, D), lambda: (0, 0)),
        ],
        out_specs=pl.BlockSpec((N_NODES, D), lambda: (0, 0)),
        out_shape=jax.ShapeDtypeStruct((N_NODES, D), jnp.float32),
    )(ah, num, den, h, gamma_h.reshape(1, D), beta_h.reshape(1, D))


def _e_fin_body(e_ref, g_ref, b_ref, out_ref, acc_ref):
    t = pl.program_id(0)
    i = pl.program_id(1)

    @pl.when((t == 0) & (i == 0))
    def _zero():
        acc_ref[...] = jnp.zeros_like(acc_ref)

    @pl.when(t == 0)
    def _accum():
        x = e_ref[...]
        acc_ref[0, :] += jnp.sum(x, axis=0)
        acc_ref[1, :] += jnp.sum(x * x, axis=0)

    @pl.when(t == 1)
    def _apply():
        inv_n = 1.0 / N_EDGES
        mu = acc_ref[0, :] * inv_n
        var = acc_ref[1, :] * inv_n - mu * mu
        scale = g_ref[0] / jnp.sqrt(var + 1e-5)
        y = scale[None, :] * (e_ref[...] - mu[None, :]) + b_ref[0][None, :]
        out_ref[...] = jnp.maximum(y, 0.0)


def _e_finalize(eij, gamma_e, beta_e):
    bm = 2000
    gm = N_EDGES // bm
    return pl.pallas_call(
        _e_fin_body,
        grid=(2, gm),
        in_specs=[
            pl.BlockSpec((bm, D), lambda t, i: (i, 0)),
            pl.BlockSpec((1, D), lambda t, i: (0, 0)),
            pl.BlockSpec((1, D), lambda t, i: (0, 0)),
        ],
        out_specs=pl.BlockSpec((bm, D), lambda t, i: (i * t, 0)),
        out_shape=jax.ShapeDtypeStruct((N_EDGES, D), jnp.float32),
        scratch_shapes=[pltpu.VMEM((2, D), jnp.float32)],
    )(eij, gamma_e.reshape(1, D), beta_e.reshape(1, D))


def kernel(h, e, edge_index, W_A, b_A, W_B, b_B, W_C, b_C, W_D, b_D, W_E, b_E,
           gamma_h, beta_h, gamma_e, beta_e):
    w4 = jnp.stack([
        jnp.concatenate([W.T[:, c * H:(c + 1) * H]
                         for W in (W_A, W_B, W_D, W_E)], axis=1)
        for c in range(NC)
    ])
    b4 = jnp.stack([
        jnp.concatenate([b[c * H:(c + 1) * H]
                         for b in (b_A, b_B, b_D, b_E)])
        for c in range(NC)
    ])[:, None, :]
    wc = W_C.T
    bc = b_C.reshape(1, D)

    ah, bh, dh, eh = _node_matmuls(h, w4, b4)
    ce = _edge_matmul(e, wc, bc)
    eij, num, den = _sc_message_pass(edge_index, dh, eh, bh, ce)
    h_out = _h_finalize(ah, num, den, h, gamma_h, beta_h)
    e_out = _e_finalize(eij, gamma_e, beta_e)
    return (h_out, e_out)

# --- scband reference (transcript-rebuilt; emitter-appended) ---
"""Pipeline reference for scband-gated-gcnnet-26474178413024 (READ-ONLY COPY).

The authoritative reference and input builder live on the scoring server;
editing this copy changes nothing except your own understanding.
"""

import jax, jax.numpy as jnp
import numpy as np

N_NODES = 10000
N_EDGES = 320000
D = 128


def _bn(x, gamma, beta, eps=1e-5):
    # BatchNorm1d in training mode: batch statistics, biased variance
    mu = jnp.mean(x, axis=0)
    var = jnp.mean((x - mu) ** 2, axis=0)
    return gamma * (x - mu) / jnp.sqrt(var + eps) + beta


def setup_inputs(seed: int = 0) -> dict:
    key = jax.random.key(seed)
    ks = jax.random.split(key, 24)
    s = 1.0 / np.sqrt(D)
    inp = {
        'h': jax.random.normal(ks[0], (N_NODES, D), jnp.float32),
        'e': jax.random.normal(ks[1], (N_EDGES, D), jnp.float32),
        'edge_index': jax.random.randint(ks[2], (2, N_EDGES), 0, N_NODES, dtype=jnp.int32),
    }
    names = ['A', 'B', 'C', 'D', 'E']
    for i, nm in enumerate(names):
        inp['W_' + nm] = jax.random.normal(ks[3 + 2 * i], (D, D), jnp.float32) * s
        inp['b_' + nm] = jax.random.normal(ks[4 + 2 * i], (D,), jnp.float32) * s
    inp['gamma_h'] = jnp.ones((D,), jnp.float32)
    inp['beta_h'] = jnp.zeros((D,), jnp.float32)
    inp['gamma_e'] = jnp.ones((D,), jnp.float32)
    inp['beta_e'] = jnp.zeros((D,), jnp.float32)
    return inp


def reference(h, e, edge_index, W_A, b_A, W_B, b_B, W_C, b_C, W_D, b_D, W_E, b_E,
              gamma_h, beta_h, gamma_e, beta_e):
    src = edge_index[0]
    dst = edge_index[1]
    # Linear projections (torch Linear: x @ W.T + b)
    Ah = h @ W_A.T + b_A
    Bh = h @ W_B.T + b_B
    Dh = h @ W_D.T + b_D
    Eh = h @ W_E.T + b_E
    Ce = e @ W_C.T + b_C
    # message: e_ij = Ce + Dh[src] + Eh[dst]
    e_ij = Ce + jnp.take(Dh, src, axis=0) + jnp.take(Eh, dst, axis=0)
    sigma = jax.nn.sigmoid(e_ij)
    Bh_j = jnp.take(Bh, src, axis=0)
    num = jax.ops.segment_sum(sigma * Bh_j, dst, num_segments=N_NODES)
    den = jax.ops.segment_sum(sigma, dst, num_segments=N_NODES)
    h_upd = Ah + num / (den + 1e-6)
    # DGL update_all only updates nodes that receive messages
    deg = jnp.bincount(dst, length=N_NODES)
    has_in = (deg > 0)[:, None]
    h_new = jnp.where(has_in, h_upd, h)
    h_out = jax.nn.relu(_bn(h_new, gamma_h, beta_h))
    e_out = jax.nn.relu(_bn(e_ij, gamma_e, beta_e))
    return (h_out, e_out)

if __name__ == "__main__":
    import jax
    _d = setup_inputs()
    print(jax.jit(kernel)(*tuple(_d.values())))

</pallas_src>

<mosaic_0001>
#map = affine_map<(d0, d1) -> (0)>
#map1 = affine_map<(d0, d1) -> (0, 0)>
module attributes {stable_mosaic.version = 14 : i64} {
  func.func @_sc_body(%arg0: i32, %arg1: i32, %arg2: memref<320000xi32, #tpu.memory_space<hbm>>, %arg3: memref<320000xi32, #tpu.memory_space<hbm>>, %arg4: memref<20000x64xf32, #tpu.memory_space<hbm>>, %arg5: memref<20000x64xf32, #tpu.memory_space<hbm>>, %arg6: memref<20000x64xf32, #tpu.memory_space<hbm>>, %arg7: memref<320000x128xf32, #tpu.memory_space<hbm>>, %arg8: memref<320000x128xf32, #tpu.memory_space<hbm>>, %arg9: memref<20000x64xf32, #tpu.memory_space<hbm>>, %arg10: memref<20000x64xf32, #tpu.memory_space<hbm>>, %arg11: memref<80xi32, #tpu.memory_space<vmem>>, %arg12: memref<80xi32, #tpu.memory_space<vmem>>, %arg13: memref<80xi32, #tpu.memory_space<vmem>>, %arg14: memref<80xi32, #tpu.memory_space<vmem>>, %arg15: memref<80xi32, #tpu.memory_space<vmem>>, %arg16: memref<80xi32, #tpu.memory_space<vmem>>, %arg17: memref<80xi32, #tpu.memory_space<vmem>>, %arg18: memref<80xi32, #tpu.memory_space<vmem>>, %arg19: memref<80xi32, #tpu.memory_space<vmem>>, %arg20: memref<80xi32, #tpu.memory_space<vmem>>, %arg21: memref<80x64xf32, #tpu.memory_space<vmem>>, %arg22: memref<80x64xf32, #tpu.memory_space<vmem>>, %arg23: memref<80x64xf32, #tpu.memory_space<vmem>>, %arg24: memref<80x64xf32, #tpu.memory_space<vmem>>, %arg25: memref<80x64xf32, #tpu.memory_space<vmem>>, %arg26: memref<80x64xf32, #tpu.memory_space<vmem>>, %arg27: memref<80x64xf32, #tpu.memory_space<vmem>>, %arg28: memref<80x64xf32, #tpu.memory_space<vmem>>, %arg29: memref<80x64xf32, #tpu.memory_space<vmem>>, %arg30: memref<40x64xf32, #tpu.memory_space<vmem>>, %arg31: memref<10000x64xf32, #tpu.memory_space<vmem_shared>>, %arg32: memref<10000x64xf32, #tpu.memory_space<vmem_shared>>, %arg33: memref<!tpu.dma_semaphore, #tpu.memory_space<semaphore_mem>>, %arg34: memref<!tpu.dma_semaphore, #tpu.memory_space<semaphore_mem>>, %arg35: memref<!tpu.dma_semaphore, #tpu.memory_space<semaphore_mem>>, %arg36: memref<!tpu.dma_semaphore, #tpu.memory_space<semaphore_mem>>, %arg37: memref<!tpu.dma_semaphore, #tpu.memory_space<semaphore_mem>>, %arg38: memref<!tpu.dma_semaphore, #tpu.memory_space<semaphore_mem>>, %arg39: memref<!tpu.dma_semaphore, #tpu.memory_space<semaphore_mem>>, %arg40: memref<!tpu.dma_semaphore, #tpu.memory_space<semaphore_mem>>, %arg41: memref<!tpu.dma_semaphore, #tpu.memory_space<semaphore_mem>>, %arg42: memref<!tpu.dma_semaphore, #tpu.memory_space<semaphore_mem>>, %arg43: memref<!tpu.dma_semaphore, #tpu.memory_space<semaphore_mem>>, %arg44: memref<!tpu.dma_semaphore, #tpu.memory_space<semaphore_mem>>, %arg45: memref<!tpu.dma_semaphore, #tpu.memory_space<semaphore_mem>>, %arg46: memref<!tpu.dma_semaphore, #tpu.memory_space<semaphore_mem>>, %arg47: memref<!tpu.dma_semaphore, #tpu.memory_space<semaphore_mem>>, %arg48: memref<!tpu.dma_semaphore, #tpu.memory_space<semaphore_mem>>, %arg49: memref<!tpu.dma_semaphore, #tpu.memory_space<semaphore_mem>>) attributes {dimension_semantics = [#tpu.dimension_semantics<core_parallel>, #tpu.dimension_semantics<subcore_parallel>], iteration_bounds = array<i64: 2, 16>, scalar_prefetch = 0 : i64, scratch_operands = 39 : i64, tpu.core_type = #tpu.core_type<sc_vector_subcore>, window_params = [{transform_indices = #map}, {transform_indices = #map}, {transform_indices = #map1}, {transform_indices = #map1}, {transform_indices = #map1}, {transform_indices = #map1}, {transform_indices = #map1}, {transform_indices = #map1}, {transform_indices = #map1}]} {
    %mul3A = arith.constant 10000 : i32
    %mul3A_0 = arith.muli %arg0, %mul3A : i32
    %broadcast_in_dim3A = vector.broadcast %mul3A_0 : i32 to vector<16xi32>
    %mul3A_1 = arith.constant 1000 : i32
    %mul3A_2 = arith.muli %arg1, %mul3A_1 : i32
    %lt3A = arith.constant 10 : i32
    %lt3A_3 = arith.cmpi slt, %arg1, %lt3A : i32
    %convert_element_type3A = arith.extui %lt3A_3 : i1 to i32
    %cond3A = arith.constant 0 : i32
    %cond3A_4 = arith.cmpi ne, %convert_element_type3A, %cond3A : i32
    scf.if %cond3A_4 {
      %scan3A_166 = arith.constant 0 : i32
      %scan3A_167 = arith.constant 0 : i32
      %scan3A_168 = arith.constant 40 : i32
      %scan3A_169 = arith.addi %scan3A_167, %scan3A_168 : i32
      %scan3A_170 = arith.constant 1 : i32
      %scan3A_171 = scf.for %scan3A_180 = %scan3A_167 to %scan3A_169 step %scan3A_170 iter_args(%scan3A_181 = %scan3A_166) -> (i32)  : i32 {
        %broadcast_in_dim3A_182 = arith.constant 0.000000e+00 : f32
        %broadcast_in_dim3A_183 = vector.broadcast %broadcast_in_dim3A_182 : f32 to vector<16xf32>
        %swap3A_184 = arith.index_cast %scan3A_180 : i32 to index
        %swap3A_185 = arith.constant 0 : index
        %swap3A_186 = tpu.vector_load %arg30[%swap3A_184, %swap3A_185] {strides = array<i32>} : memref<40x64xf32, #tpu.memory_space<vmem>>, vector<1x16xf32>,
        %swap3A_187 = vector.shape_cast %swap3A_186 : vector<1x16xf32> to vector<16xf32>
        %swap3A_188 = vector.shape_cast %broadcast_in_dim3A_183 : vector<16xf32> to vector<1x16xf32>
        tpu.vector_store %arg30[%swap3A_184, %swap3A_185], %swap3A_188 {strides = array<i32>} : memref<40x64xf32, #tpu.memory_space<vmem>>, vector<1x16xf32>,
        %broadcast_in_dim3A_189 = arith.constant 0.000000e+00 : f32
        %broadcast_in_dim3A_190 = vector.broadcast %broadcast_in_dim3A_189 : f32 to vector<16xf32>
        %swap3A_191 = arith.index_cast %scan3A_180 : i32 to index
        %swap3A_192 = arith.constant 16 : index
        %swap3A_193 = tpu.vector_load %arg30[%swap3A_191, %swap3A_192] {strides = array<i32>} : memref<40x64xf32, #tpu.memory_space<vmem>>, vector<1x16xf32>,
        %swap3A_194 = vector.shape_cast %swap3A_193 : vector<1x16xf32> to vector<16xf32>
        %swap3A_195 = vector.shape_cast %broadcast_in_dim3A_190 : vector<16xf32> to vector<1x16xf32>
        tpu.vector_store %arg30[%swap3A_191, %swap3A_192], %swap3A_195 {strides = array<i32>} : memref<40x64xf32, #tpu.memory_space<vmem>>, vector<1x16xf32>,
        %broadcast_in_dim3A_196 = arith.constant 0.000000e+00 : f32
        %broadcast_in_dim3A_197 = vector.broadcast %broadcast_in_dim3A_196 : f32 to vector<16xf32>
        %swap3A_198 = arith.index_cast %scan3A_180 : i32 to index
        %swap3A_199 = arith.constant 32 : index
        %swap3A_200 = tpu.vector_load %arg30[%swap3A_198, %swap3A_199] {strides = array<i32>} : memref<40x64xf32, #tpu.memory_space<vmem>>, vector<1x16xf32>,
        %swap3A_201 = vector.shape_cast %swap3A_200 : vector<1x16xf32> to vector<16xf32>
        %swap3A_202 = vector.shape_cast %broadcast_in_dim3A_197 : vector<16xf32> to vector<1x16xf32>
        tpu.vector_store %arg30[%swap3A_198, %swap3A_199], %swap3A_202 {strides = array<i32>} : memref<40x64xf32, #tpu.memory_space<vmem>>, vector<1x16xf32>,
        %broadcast_in_dim3A_203 = arith.constant 0.000000e+00 : f32
        %broadcast_in_dim3A_204 = vector.broadcast %broadcast_in_dim3A_203 : f32 to vector<16xf32>
        %swap3A_205 = arith.index_cast %scan3A_180 : i32 to index
        %swap3A_206 = arith.constant 48 : index
        %swap3A_207 = tpu.vector_load %arg30[%swap3A_205, %swap3A_206] {strides = array<i32>} : memref<40x64xf32, #tpu.memory_space<vmem>>, vector<1x16xf32>,
        %swap3A_208 = vector.shape_cast %swap3A_207 : vector<1x16xf32> to vector<16xf32>
        %swap3A_209 = vector.shape_cast %broadcast_in_dim3A_204 : vector<16xf32> to vector<1x16xf32>
        tpu.vector_store %arg30[%swap3A_205, %swap3A_206], %swap3A_209 {strides = array<i32>} : memref<40x64xf32, #tpu.memory_space<vmem>>, vector<1x16xf32>,
        %scan3A_210 = arith.constant 0 : i32
        scf.yield %scan3A_210 : i32
      }
      %scan3A_172 = arith.constant 40 : i32
      %scan3A_173 = arith.constant 0 : i32
      %scan3A_174 = arith.constant 0 : i32
      %scan3A_175 = arith.constant 25 : i32
      %scan3A_176 = arith.addi %scan3A_174, %scan3A_175 : i32
      %scan3A_177 = arith.constant 1 : i32
      %scan3A_178 = scf.for %scan3A_180 = %scan3A_174 to %scan3A_176 step %scan3A_177 iter_args(%scan3A_181 = %scan3A_173) -> (i32)  : i32 {
        %mul3A_182 = arith.constant 40 : i32
        %mul3A_183 = arith.muli %scan3A_180, %mul3A_182 : i32
        %add3A_184 = arith.addi %mul3A_2, %mul3A_183 : i32
        "tpu.region"() ({
          %run_scoped3A = tpu.sem_alloc : memref<!tpu.dma_semaphore, #tpu.memory_space<semaphore_mem>>
          %dma_start3A_186 = arith.constant 0 : i32
          %dma_start3A_187 = tpu.memref_slice %arg31[%add3A_184, %dma_start3A_186] : memref<10000x64xf32, #tpu.memory_space<vmem_shared>> -> memref<40x64xf32, #tpu.memory_space<vmem_shared>>
          %dma_start3A_188 = arith.constant 0 : i32
          %dma_start3A_189 = tpu.memref_slice %arg31[%add3A_184, %dma_start3A_188] : memref<10000x64xf32, #tpu.memory_space<vmem_shared>> -> memref<40x64xf32, #tpu.memory_space<vmem_shared>>
          tpu.enqueue_dma source(%arg30 : memref<40x64xf32, #tpu.memory_space<vmem>>) target(%dma_start3A_189 : memref<40x64xf32, #tpu.memory_space<vmem_shared>>) target_semaphore(%run_scoped3A : memref<!tpu.dma_semaphore, #tpu.memory_space<semaphore_mem>>)
          %dma_wait3A_190 = arith.constant 0 : i32
          %dma_wait3A_191 = tpu.memref_slice %arg31[%add3A_184, %dma_wait3A_190] : memref<10000x64xf32, #tpu.memory_space<vmem_shared>> -> memref<40x64xf32, #tpu.memory_space<vmem_shared>>
          %dma_wait3A_192 = arith.constant 0 : i32
          %dma_wait3A_193 = tpu.memref_slice %arg31[%add3A_184, %dma_wait3A_192] : memref<10000x64xf32, #tpu.memory_space<vmem_shared>> -> memref<40x64xf32, #tpu.memory_space<vmem_shared>>
          tpu.wait_dma2 semaphore(%run_scoped3A : memref<!tpu.dma_semaphore, #tpu.memory_space<semaphore_mem>>) src(%arg30 : memref<40x64xf32, #tpu.memory_space<vmem>>) dst(%dma_wait3A_193 : memref<40x64xf32, #tpu.memory_space<vmem_shared>>)
          tpu.yield
        }) : () -> ()
        "tpu.region"() ({
          %run_scoped3A = tpu.sem_alloc : memref<!tpu.dma_semaphore, #tpu.memory_space<semaphore_mem>>
          %dma_start3A_186 = arith.constant 0 : i32
          %dma_start3A_187 = tpu.memref_slice %arg32[%add3A_184, %dma_start3A_186] : memref<10000x64xf32, #tpu.memory_space<vmem_shared>> -> memref<40x64xf32, #tpu.memory_space<vmem_shared>>
          %dma_start3A_188 = arith.constant 0 : i32
          %dma_start3A_189 = tpu.memref_slice %arg32[%add3A_184, %dma_start3A_188] : memref<10000x64xf32, #tpu.memory_space<vmem_shared>> -> memref<40x64xf32, #tpu.memory_space<vmem_shared>>
          tpu.enqueue_dma source(%arg30 : memref<40x64xf32, #tpu.memory_space<vmem>>) target(%dma_start3A_189 : memref<40x64xf32, #tpu.memory_space<vmem_shared>>) target_semaphore(%run_scoped3A : memref<!tpu.dma_semaphore, #tpu.memory_space<semaphore_mem>>)
          %dma_wait3A_190 = arith.constant 0 : i32
          %dma_wait3A_191 = tpu.memref_slice %arg32[%add3A_184, %dma_wait3A_190] : memref<10000x64xf32, #tpu.memory_space<vmem_shared>> -> memref<40x64xf32, #tpu.memory_space<vmem_shared>>
          %dma_wait3A_192 = arith.constant 0 : i32
          %dma_wait3A_193 = tpu.memref_slice %arg32[%add3A_184, %dma_wait3A_192] : memref<10000x64xf32, #tpu.memory_space<vmem_shared>> -> memref<40x64xf32, #tpu.memory_space<vmem_shared>>
          tpu.wait_dma2 semaphore(%run_scoped3A : memref<!tpu.dma_semaphore, #tpu.memory_space<semaphore_mem>>) src(%arg30 : memref<40x64xf32, #tpu.memory_space<vmem>>) dst(%dma_wait3A_193 : memref<40x64xf32, #tpu.memory_space<vmem_shared>>)
          tpu.yield
        }) : () -> ()
        %scan3A_185 = arith.constant 0 : i32
        scf.yield %scan3A_185 : i32
      }
      %scan3A_179 = arith.constant 25 : i32
    } else {
    }
    %barrier3A = arith.constant 0 : index
    tpu.barrier barrier_id(%barrier3A)
    %mul3A_5 = arith.constant 20000 : i32
    %mul3A_6 = arith.muli %arg1, %mul3A_5 : i32
    "tpu.region"() ({
      %run_scoped3A = tpu.sem_alloc : memref<!tpu.dma_semaphore, #tpu.memory_space<semaphore_mem>>
      %dma_start3A_166 = tpu.memref_slice %arg2[%mul3A_6] : memref<320000xi32, #tpu.memory_space<hbm>> -> memref<80xi32, #tpu.memory_space<hbm>>
      %dma_start3A_167 = tpu.memref_slice %arg2[%mul3A_6] : memref<320000xi32, #tpu.memory_space<hbm>> -> memref<80xi32, #tpu.memory_space<hbm>>
      tpu.enqueue_dma source(%dma_start3A_167 : memref<80xi32, #tpu.memory_space<hbm>>) target(%arg11 : memref<80xi32, #tpu.memory_space<vmem>>) target_semaphore(%run_scoped3A : memref<!tpu.dma_semaphore, #tpu.memory_space<semaphore_mem>>)
      %dma_wait3A_168 = tpu.memref_slice %arg2[%mul3A_6] : memref<320000xi32, #tpu.memory_space<hbm>> -> memref<80xi32, #tpu.memory_space<hbm>>
      %dma_wait3A_169 = tpu.memref_slice %arg2[%mul3A_6] : memref<320000xi32, #tpu.memory_space<hbm>> -> memref<80xi32, #tpu.memory_space<hbm>>
      tpu.wait_dma2 semaphore(%run_scoped3A : memref<!tpu.dma_semaphore, #tpu.memory_space<semaphore_mem>>) src(%dma_wait3A_169 : memref<80xi32, #tpu.memory_space<hbm>>) dst(%arg11 : memref<80xi32, #tpu.memory_space<vmem>>)
      tpu.yield
    }) : () -> ()
    "tpu.region"() ({
      %run_scoped3A = tpu.sem_alloc : memref<!tpu.dma_semaphore, #tpu.memory_space<semaphore_mem>>
      %dma_start3A_166 = tpu.memref_slice %arg3[%mul3A_6] : memref<320000xi32, #tpu.memory_space<hbm>> -> memref<80xi32, #tpu.memory_space<hbm>>
      %dma_start3A_167 = tpu.memref_slice %arg3[%mul3A_6] : memref<320000xi32, #tpu.memory_space<hbm>> -> memref<80xi32, #tpu.memory_space<hbm>>
      tpu.enqueue_dma source(%dma_start3A_167 : memref<80xi32, #tpu.memory_space<hbm>>) target(%arg13 : memref<80xi32, #tpu.memory_space<vmem>>) target_semaphore(%run_scoped3A : memref<!tpu.dma_semaphore, #tpu.memory_space<semaphore_mem>>)
      %dma_wait3A_168 = tpu.memref_slice %arg3[%mul3A_6] : memref<320000xi32, #tpu.memory_space<hbm>> -> memref<80xi32, #tpu.memory_space<hbm>>
      %dma_wait3A_169 = tpu.memref_slice %arg3[%mul3A_6] : memref<320000xi32, #tpu.memory_space<hbm>> -> memref<80xi32, #tpu.memory_space<hbm>>
      tpu.wait_dma2 semaphore(%run_scoped3A : memref<!tpu.dma_semaphore, #tpu.memory_space<semaphore_mem>>) src(%dma_wait3A_169 : memref<80xi32, #tpu.memory_space<hbm>>) dst(%arg13 : memref<80xi32, #tpu.memory_space<vmem>>)
      tpu.yield
    }) : () -> ()
    %get3A = arith.constant 0 : index
    %get3A_7 = tpu.vector_load %arg11[%get3A] {strides = array<i32>} : memref<80xi32, #tpu.memory_space<vmem>>, vector<16xi32>,
    %get3A_8 = vector.shape_cast %get3A_7 : vector<16xi32> to vector<16xi32>
    %add3A = arith.addi %get3A_8, %broadcast_in_dim3A : vector<16xi32>
    %swap3A = arith.constant 0 : index
    %swap3A_9 = tpu.vector_load %arg15[%swap3A] {strides = array<i32>} : memref<80xi32, #tpu.memory_space<vmem>>, vector<16xi32>,
    %swap3A_10 = vector.shape_cast %swap3A_9 : vector<16xi32> to vector<16xi32>
    %swap3A_11 = vector.shape_cast %add3A : vector<16xi32> to vector<16xi32>
    tpu.vector_store %arg15[%swap3A], %swap3A_11 {strides = array<i32>} : memref<80xi32, #tpu.memory_space<vmem>>, vector<16xi32>,
    %get3A_12 = arith.constant 0 : index
    %get3A_13 = tpu.vector_load %arg13[%get3A_12] {strides = array<i32>} : memref<80xi32, #tpu.memory_space<vmem>>, vector<16xi32>,
    %get3A_14 = vector.shape_cast %get3A_13 : vector<16xi32> to vector<16xi32>
    %add3A_15 = arith.addi %get3A_14, %broadcast_in_dim3A : vector<16xi32>
    %swap3A_16 = arith.constant 0 : index
    %swap3A_17 = tpu.vector_load %arg17[%swap3A_16] {strides = array<i32>} : memref<80xi32, #tpu.memory_space<vmem>>, vector<16xi32>,
    %swap3A_18 = vector.shape_cast %swap3A_17 : vector<16xi32> to vector<16xi32>
    %swap3A_19 = vector.shape_cast %add3A_15 : vector<16xi32> to vector<16xi32>
    tpu.vector_store %arg17[%swap3A_16], %swap3A_19 {strides = array<i32>} : memref<80xi32, #tpu.memory_space<vmem>>, vector<16xi32>,
    %get3A_20 = arith.constant 0 : index
    %get3A_21 = tpu.vector_load %arg13[%get3A_20] {strides = array<i32>} : memref<80xi32, #tpu.memory_space<vmem>>, vector<16xi32>,
    %get3A_22 = vector.shape_cast %get3A_21 : vector<16xi32> to vector<16xi32>
    %swap3A_23 = arith.constant 0 : index
    %swap3A_24 = tpu.vector_load %arg19[%swap3A_23] {strides = array<i32>} : memref<80xi32, #tpu.memory_space<vmem>>, vector<16xi32>,
    %swap3A_25 = vector.shape_cast %swap3A_24 : vector<16xi32> to vector<16xi32>
    %swap3A_26 = vector.shape_cast %get3A_22 : vector<16xi32> to vector<16xi32>
    tpu.vector_store %arg19[%swap3A_23], %swap3A_26 {strides = array<i32>} : memref<80xi32, #tpu.memory_space<vmem>>, vector<16xi32>,
    %get3A_27 = arith.constant 16 : index
    %get3A_28 = tpu.vector_load %arg11[%get3A_27] {strides = array<i32>} : memref<80xi32, #tpu.memory_space<vmem>>, vector<16xi32>,
    %get3A_29 = vector.shape_cast %get3A_28 : vector<16xi32> to vector<16xi32>
    %add3A_30 = arith.addi %get3A_29, %broadcast_in_dim3A : vector<16xi32>
    %swap3A_31 = arith.constant 16 : index
    %swap3A_32 = tpu.vector_load %arg15[%swap3A_31] {strides = array<i32>} : memref<80xi32, #tpu.memory_space<vmem>>, vector<16xi32>,
    %swap3A_33 = vector.shape_cast %swap3A_32 : vector<16xi32> to vector<16xi32>
    %swap3A_34 = vector.shape_cast %add3A_30 : vector<16xi32> to vector<16xi32>
    tpu.vector_store %arg15[%swap3A_31], %swap3A_34 {strides = array<i32>} : memref<80xi32, #tpu.memory_space<vmem>>, vector<16xi32>,
    %get3A_35 = arith.constant 16 : index
    %get3A_36 = tpu.vector_load %arg13[%get3A_35] {strides = array<i32>} : memref<80xi32, #tpu.memory_space<vmem>>, vector<16xi32>,
    %get3A_37 = vector.shape_cast %get3A_36 : vector<16xi32> to vector<16xi32>
    %add3A_38 = arith.addi %get3A_37, %broadcast_in_dim3A : vector<16xi32>
    %swap3A_39 = arith.constant 16 : index
    %swap3A_40 = tpu.vector_load %arg17[%swap3A_39] {strides = array<i32>} : memref<80xi32, #tpu.memory_space<vmem>>, vector<16xi32>,
    %swap3A_41 = vector.shape_cast %swap3A_40 : vector<16xi32> to vector<16xi32>
    %swap3A_42 = vector.shape_cast %add3A_38 : vector<16xi32> to vector<16xi32>
    tpu.vector_store %arg17[%swap3A_39], %swap3A_42 {strides = array<i32>} : memref<80xi32, #tpu.memory_space<vmem>>, vector<16xi32>,
    %get3A_43 = arith.constant 16 : index
    %get3A_44 = tpu.vector_load %arg13[%get3A_43] {strides = array<i32>} : memref<80xi32, #tpu.memory_space<vmem>>, vector<16xi32>,
    %get3A_45 = vector.shape_cast %get3A_44 : vector<16xi32> to vector<16xi32>
    %swap3A_46 = arith.constant 16 : index
    %swap3A_47 = tpu.vector_load %arg19[%swap3A_46] {strides = array<i32>} : memref<80xi32, #tpu.memory_space<vmem>>, vector<16xi32>,
    %swap3A_48 = vector.shape_cast %swap3A_47 : vector<16xi32> to vector<16xi32>
    %swap3A_49 = vector.shape_cast %get3A_45 : vector<16xi32> to vector<16xi32>
    tpu.vector_store %arg19[%swap3A_46], %swap3A_49 {strides = array<i32>} : memref<80xi32, #tpu.memory_space<vmem>>, vector<16xi32>,
    %get3A_50 = arith.constant 32 : index
    %get3A_51 = tpu.vector_load %arg11[%get3A_50] {strides = array<i32>} : memref<80xi32, #tpu.memory_space<vmem>>, vector<16xi32>,
    %get3A_52 = vector.shape_cast %get3A_51 : vector<16xi32> to vector<16xi32>
    %add3A_53 = arith.addi %get3A_52, %broadcast_in_dim3A : vector<16xi32>
    %swap3A_54 = arith.constant 32 : index
    %swap3A_55 = tpu.vector_load %arg15[%swap3A_54] {strides = array<i32>} : memref<80xi32, #tpu.memory_space<vmem>>, vector<16xi32>,
    %swap3A_56 = vector.shape_cast %swap3A_55 : vector<16xi32> to vector<16xi32>
    %swap3A_57 = vector.shape_cast %add3A_53 : vector<16xi32> to vector<16xi32>
    tpu.vector_store %arg15[%swap3A_54], %swap3A_57 {strides = array<i32>} : memref<80xi32, #tpu.memory_space<vmem>>, vector<16xi32>,
    %get3A_58 = arith.constant 32 : index
    %get3A_59 = tpu.vector_load %arg13[%get3A_58] {strides = array<i32>} : memref<80xi32, #tpu.memory_space<vmem>>, vector<16xi32>,
    %get3A_60 = vector.shape_cast %get3A_59 : vector<16xi32> to vector<16xi32>
    %add3A_61 = arith.addi %get3A_60, %broadcast_in_dim3A : vector<16xi32>
    %swap3A_62 = arith.constant 32 : index
    %swap3A_63 = tpu.vector_load %arg17[%swap3A_62] {strides = array<i32>} : memref<80xi32, #tpu.memory_space<vmem>>, vector<16xi32>,
    %swap3A_64 = vector.shape_cast %swap3A_63 : vector<16xi32> to vector<16xi32>
    %swap3A_65 = vector.shape_cast %add3A_61 : vector<16xi32> to vector<16xi32>
    tpu.vector_store %arg17[%swap3A_62], %swap3A_65 {strides = array<i32>} : memref<80xi32, #tpu.memory_space<vmem>>, vector<16xi32>,
    %get3A_66 = arith.constant 32 : index
    %get3A_67 = tpu.vector_load %arg13[%get3A_66] {strides = array<i32>} : memref<80xi32, #tpu.memory_space<vmem>>, vector<16xi32>,
    %get3A_68 = vector.shape_cast %get3A_67 : vector<16xi32> to vector<16xi32>
    %swap3A_69 = arith.constant 32 : index
    %swap3A_70 = tpu.vector_load %arg19[%swap3A_69] {strides = array<i32>} : memref<80xi32, #tpu.memory_space<vmem>>, vector<16xi32>,
    %swap3A_71 = vector.shape_cast %swap3A_70 : vector<16xi32> to vector<16xi32>
    %swap3A_72 = vector.shape_cast %get3A_68 : vector<16xi32> to vector<16xi32>
    tpu.vector_store %arg19[%swap3A_69], %swap3A_72 {strides = array<i32>} : memref<80xi32, #tpu.memory_space<vmem>>, vector<16xi32>,
    %get3A_73 = arith.constant 48 : index
    %get3A_74 = tpu.vector_load %arg11[%get3A_73] {strides = array<i32>} : memref<80xi32, #tpu.memory_space<vmem>>, vector<16xi32>,
    %get3A_75 = vector.shape_cast %get3A_74 : vector<16xi32> to vector<16xi32>
    %add3A_76 = arith.addi %get3A_75, %broadcast_in_dim3A : vector<16xi32>
    %swap3A_77 = arith.constant 48 : index
    %swap3A_78 = tpu.vector_load %arg15[%swap3A_77] {strides = array<i32>} : memref<80xi32, #tpu.memory_space<vmem>>, vector<16xi32>,
    %swap3A_79 = vector.shape_cast %swap3A_78 : vector<16xi32> to vector<16xi32>
    %swap3A_80 = vector.shape_cast %add3A_76 : vector<16xi32> to vector<16xi32>
    tpu.vector_store %arg15[%swap3A_77], %swap3A_80 {strides = array<i32>} : memref<80xi32, #tpu.memory_space<vmem>>, vector<16xi32>,
    %get3A_81 = arith.constant 48 : index
    %get3A_82 = tpu.vector_load %arg13[%get3A_81] {strides = array<i32>} : memref<80xi32, #tpu.memory_space<vmem>>, vector<16xi32>,
    %get3A_83 = vector.shape_cast %get3A_82 : vector<16xi32> to vector<16xi32>
    %add3A_84 = arith.addi %get3A_83, %broadcast_in_dim3A : vector<16xi32>
    %swap3A_85 = arith.constant 48 : index
    %swap3A_86 = tpu.vector_load %arg17[%swap3A_85] {strides = array<i32>} : memref<80xi32, #tpu.memory_space<vmem>>, vector<16xi32>,
    %swap3A_87 = vector.shape_cast %swap3A_86 : vector<16xi32> to vector<16xi32>
    %swap3A_88 = vector.shape_cast %add3A_84 : vector<16xi32> to vector<16xi32>
    tpu.vector_store %arg17[%swap3A_85], %swap3A_88 {strides = array<i32>} : memref<80xi32, #tpu.memory_space<vmem>>, vector<16xi32>,
    %get3A_89 = arith.constant 48 : index
    %get3A_90 = tpu.vector_load %arg13[%get3A_89] {strides = array<i32>} : memref<80xi32, #tpu.memory_space<vmem>>, vector<16xi32>,
    %get3A_91 = vector.shape_cast %get3A_90 : vector<16xi32> to vector<16xi32>
    %swap3A_92 = arith.constant 48 : index
    %swap3A_93 = tpu.vector_load %arg19[%swap3A_92] {strides = array<i32>} : memref<80xi32, #tpu.memory_space<vmem>>, vector<16xi32>,
    %swap3A_94 = vector.shape_cast %swap3A_93 : vector<16xi32> to vector<16xi32>
    %swap3A_95 = vector.shape_cast %get3A_91 : vector<16xi32> to vector<16xi32>
    tpu.vector_store %arg19[%swap3A_92], %swap3A_95 {strides = array<i32>} : memref<80xi32, #tpu.memory_space<vmem>>, vector<16xi32>,
    %get3A_96 = arith.constant 64 : index
    %get3A_97 = tpu.vector_load %arg11[%get3A_96] {strides = array<i32>} : memref<80xi32, #tpu.memory_space<vmem>>, vector<16xi32>,
    %get3A_98 = vector.shape_cast %get3A_97 : vector<16xi32> to vector<16xi32>
    %add3A_99 = arith.addi %get3A_98, %broadcast_in_dim3A : vector<16xi32>
    %swap3A_100 = arith.constant 64 : index
    %swap3A_101 = tpu.vector_load %arg15[%swap3A_100] {strides = array<i32>} : memref<80xi32, #tpu.memory_space<vmem>>, vector<16xi32>,
    %swap3A_102 = vector.shape_cast %swap3A_101 : vector<16xi32> to vector<16xi32>
    %swap3A_103 = vector.shape_cast %add3A_99 : vector<16xi32> to vector<16xi32>
    tpu.vector_store %arg15[%swap3A_100], %swap3A_103 {strides = array<i32>} : memref<80xi32, #tpu.memory_space<vmem>>, vector<16xi32>,
    %get3A_104 = arith.constant 64 : index
    %get3A_105 = tpu.vector_load %arg13[%get3A_104] {strides = array<i32>} : memref<80xi32, #tpu.memory_space<vmem>>, vector<16xi32>,
    %get3A_106 = vector.shape_cast %get3A_105 : vector<16xi32> to vector<16xi32>
    %add3A_107 = arith.addi %get3A_106, %broadcast_in_dim3A : vector<16xi32>
    %swap3A_108 = arith.constant 64 : index
    %swap3A_109 = tpu.vector_load %arg17[%swap3A_108] {strides = array<i32>} : memref<80xi32, #tpu.memory_space<vmem>>, vector<16xi32>,
    %swap3A_110 = vector.shape_cast %swap3A_109 : vector<16xi32> to vector<16xi32>
    %swap3A_111 = vector.shape_cast %add3A_107 : vector<16xi32> to vector<16xi32>
    tpu.vector_store %arg17[%swap3A_108], %swap3A_111 {strides = array<i32>} : memref<80xi32, #tpu.memory_space<vmem>>, vector<16xi32>,
    %get3A_112 = arith.constant 64 : index
    %get3A_113 = tpu.vector_load %arg13[%get3A_112] {strides = array<i32>} : memref<80xi32, #tpu.memory_space<vmem>>, vector<16xi32>,
    %get3A_114 = vector.shape_cast %get3A_113 : vector<16xi32> to vector<16xi32>
    %swap3A_115 = arith.constant 64 : index
    %swap3A_116 = tpu.vector_load %arg19[%swap3A_115] {strides = array<i32>} : memref<80xi32, #tpu.memory_space<vmem>>, vector<16xi32>,
    %swap3A_117 = vector.shape_cast %swap3A_116 : vector<16xi32> to vector<16xi32>
    %swap3A_118 = vector.shape_cast %get3A_114 : vector<16xi32> to vector<16xi32>
    tpu.vector_store %arg19[%swap3A_115], %swap3A_118 {strides = array<i32>} : memref<80xi32, #tpu.memory_space<vmem>>, vector<16xi32>,
    %dma_start3A = arith.constant 0 : i32
    %dma_start3A_119 = arith.constant 0 : i32
    %dma_start3A_120 = tpu.memref_slice %arg4[%dma_start3A, %dma_start3A_119] : memref<20000x64xf32, #tpu.memory_space<hbm>> -> memref<20000x64xf32, #tpu.memory_space<hbm>>
    tpu.enqueue_indirect_dma source(%dma_start3A_120 : memref<20000x64xf32, #tpu.memory_space<hbm>>) target(%arg23 : memref<80x64xf32, #tpu.memory_space<vmem>>) offsets(%arg15 : memref<80xi32, #tpu.memory_space<vmem>>) semaphore(%arg37 : memref<!tpu.dma_semaphore, #tpu.memory_space<semaphore_mem>>)
    %dma_start3A_121 = arith.constant 0 : i32
    %dma_start3A_122 = arith.constant 0 : i32
    %dma_start3A_123 = tpu.memref_slice %arg5[%dma_start3A_121, %dma_start3A_122] : memref<20000x64xf32, #tpu.memory_space<hbm>> -> memref<20000x64xf32, #tpu.memory_space<hbm>>
    tpu.enqueue_indirect_dma source(%dma_start3A_123 : memref<20000x64xf32, #tpu.memory_space<hbm>>) target(%arg25 : memref<80x64xf32, #tpu.memory_space<vmem>>) offsets(%arg17 : memref<80xi32, #tpu.memory_space<vmem>>) semaphore(%arg39 : memref<!tpu.dma_semaphore, #tpu.memory_space<semaphore_mem>>)
    %dma_start3A_124 = arith.constant 0 : i32
    %dma_start3A_125 = arith.constant 0 : i32
    %dma_start3A_126 = tpu.memref_slice %arg6[%dma_start3A_124, %dma_start3A_125] : memref<20000x64xf32, #tpu.memory_space<hbm>> -> memref<20000x64xf32, #tpu.memory_space<hbm>>
    tpu.enqueue_indirect_dma source(%dma_start3A_126 : memref<20000x64xf32, #tpu.memory_space<hbm>>) target(%arg27 : memref<80x64xf32, #tpu.memory_space<vmem>>) offsets(%arg15 : memref<80xi32, #tpu.memory_space<vmem>>) semaphore(%arg41 : memref<!tpu.dma_semaphore, #tpu.memory_space<semaphore_mem>>)
    %mul3A_127 = arith.constant 64 : i32
    %mul3A_128 = arith.muli %arg0, %mul3A_127 : i32
    %dma_start3A_129 = tpu.memref_slice %arg7[%mul3A_6, %mul3A_128] : memref<320000x128xf32, #tpu.memory_space<hbm>> -> memref<80x64xf32, #tpu.memory_space<hbm>>
    %dma_start3A_130 = tpu.memref_slice %arg7[%mul3A_6, %mul3A_128] : memref<320000x128xf32, #tpu.memory_space<hbm>> -> memref<80x64xf32, #tpu.memory_space<hbm>>
    tpu.enqueue_dma source(%dma_start3A_130 : memref<80x64xf32, #tpu.memory_space<hbm>>) target(%arg21 : memref<80x64xf32, #tpu.memory_space<vmem>>) target_semaphore(%arg43 : memref<!tpu.dma_semaphore, #tpu.memory_space<semaphore_mem>>)
    %add3A_131 = arith.constant 80 : i32
    %add3A_132 = arith.addi %mul3A_6, %add3A_131 : i32
    %dma_start3A_133 = tpu.memref_slice %arg2[%add3A_132] : memref<320000xi32, #tpu.memory_space<hbm>> -> memref<80xi32, #tpu.memory_space<hbm>>
    %dma_start3A_134 = tpu.memref_slice %arg2[%add3A_132] : memref<320000xi32, #tpu.memory_space<hbm>> -> memref<80xi32, #tpu.memory_space<hbm>>
    tpu.enqueue_dma source(%dma_start3A_134 : memref<80xi32, #tpu.memory_space<hbm>>) target(%arg12 : memref<80xi32, #tpu.memory_space<vmem>>) target_semaphore(%arg34 : memref<!tpu.dma_semaphore, #tpu.memory_space<semaphore_mem>>)
    %add3A_135 = arith.constant 80 : i32
    %add3A_136 = arith.addi %mul3A_6, %add3A_135 : i32
    %dma_start3A_137 = tpu.memref_slice %arg3[%add3A_136] : memref<320000xi32, #tpu.memory_space<hbm>> -> memref<80xi32, #tpu.memory_space<hbm>>
    %dma_start3A_138 = tpu.memref_slice %arg3[%add3A_136] : memref<320000xi32, #tpu.memory_space<hbm>> -> memref<80xi32, #tpu.memory_space<hbm>>
    tpu.enqueue_dma source(%dma_start3A_138 : memref<80xi32, #tpu.memory_space<hbm>>) target(%arg14 : memref<80xi32, #tpu.memory_space<vmem>>) target_semaphore(%arg36 : memref<!tpu.dma_semaphore, #tpu.memory_space<semaphore_mem>>)
    %scan3A = arith.constant 0 : i32
    %scan3A_139 = arith.constant 0 : i32
    %scan3A_140 = arith.constant 125 : i32
    %scan3A_141 = arith.addi %scan3A_139, %scan3A_140 : i32
    %scan3A_142 = arith.constant 1 : i32
    %scan3A_143 = scf.for %scan3A_166 = %scan3A_139 to %scan3A_141 step %scan3A_142 iter_args(%scan3A_167 = %scan3A) -> (i32)  : i32 {
      %mul3A_168 = arith.constant 2 : i32
      %mul3A_169 = arith.muli %mul3A_168, %scan3A_166 : i32
      %mul3A_170 = arith.constant 80 : i32
      %mul3A_171 = arith.muli %mul3A_169, %mul3A_170 : i32
      %add3A_172 = arith.addi %mul3A_6, %mul3A_171 : i32
      %dma_wait3A_173 = arith.constant 0 : i32
      %dma_wait3A_174 = arith.constant 0 : i32
      %dma_wait3A_175 = tpu.memref_slice %arg4[%dma_wait3A_173, %dma_wait3A_174] : memref<20000x64xf32, #tpu.memory_space<hbm>> -> memref<20000x64xf32, #tpu.memory_space<hbm>>
      tpu.wait_indirect_dma semaphore(%arg37 : memref<!tpu.dma_semaphore, #tpu.memory_space<semaphore_mem>>) src(%dma_wait3A_175 : memref<20000x64xf32, #tpu.memory_space<hbm>>) dst(%arg23 : memref<80x64xf32, #tpu.memory_space<vmem>>)
      %dma_wait3A_176 = arith.constant 0 : i32
      %dma_wait3A_177 = arith.constant 0 : i32
      %dma_wait3A_178 = tpu.memref_slice %arg5[%dma_wait3A_176, %dma_wait3A_177] : memref<20000x64xf32, #tpu.memory_space<hbm>> -> memref<20000x64xf32, #tpu.memory_space<hbm>>
      tpu.wait_indirect_dma semaphore(%arg39 : memref<!tpu.dma_semaphore, #tpu.memory_space<semaphore_mem>>) src(%dma_wait3A_178 : memref<20000x64xf32, #tpu.memory_space<hbm>>) dst(%arg25 : memref<80x64xf32, #tpu.memory_space<vmem>>)
      %dma_wait3A_179 = arith.constant 0 : i32
      %dma_wait3A_180 = arith.constant 0 : i32
      %dma_wait3A_181 = tpu.memref_slice %arg6[%dma_wait3A_179, %dma_wait3A_180] : memref<20000x64xf32, #tpu.memory_space<hbm>> -> memref<20000x64xf32, #tpu.memory_space<hbm>>
      tpu.wait_indirect_dma semaphore(%arg41 : memref<!tpu.dma_semaphore, #tpu.memory_space<semaphore_mem>>) src(%dma_wait3A_181 : memref<20000x64xf32, #tpu.memory_space<hbm>>) dst(%arg27 : memref<80x64xf32, #tpu.memory_space<vmem>>)
      %mul3A_182 = arith.constant 64 : i32
      %mul3A_183 = arith.muli %arg0, %mul3A_182 : i32
      %dma_wait3A_184 = tpu.memref_slice %arg7[%add3A_172, %mul3A_183] : memref<320000x128xf32, #tpu.memory_space<hbm>> -> memref<80x64xf32, #tpu.memory_space<hbm>>
      %dma_wait3A_185 = tpu.memref_slice %arg7[%add3A_172, %mul3A_183] : memref<320000x128xf32, #tpu.memory_space<hbm>> -> memref<80x64xf32, #tpu.memory_space<hbm>>
      tpu.wait_dma2 semaphore(%arg43 : memref<!tpu.dma_semaphore, #tpu.memory_space<semaphore_mem>>) src(%dma_wait3A_185 : memref<80x64xf32, #tpu.memory_space<hbm>>) dst(%arg21 : memref<80x64xf32, #tpu.memory_space<vmem>>)
      %add3A_186 = arith.constant 1 : i32
      %add3A_187 = arith.addi %mul3A_169, %add3A_186 : i32
      %lt3A_188 = arith.constant 250 : i32
      %lt3A_189 = arith.cmpi slt, %add3A_187, %lt3A_188 : i32
      %convert_element_type3A_190 = arith.extui %lt3A_189 : i1 to i32
      %cond3A_191 = arith.constant 0 : i32
      %cond3A_192 = arith.cmpi ne, %convert_element_type3A_190, %cond3A_191 : i32
      scf.if %cond3A_192 {
        %ge3A_264 = arith.constant 1 : i32
        %ge3A_265 = arith.cmpi sge, %mul3A_169, %ge3A_264 : i32
        %convert_element_type3A_266 = arith.extui %ge3A_265 : i1 to i32
        %cond3A_267 = arith.constant 0 : i32
        %cond3A_268 = arith.cmpi ne, %convert_element_type3A_266, %cond3A_267 : i32
        scf.if %cond3A_268 {
          %dma_wait3A_414 = arith.constant 0 : i32
          %dma_wait3A_415 = arith.constant 0 : i32
          %dma_wait3A_416 = tpu.memref_slice %arg31[%dma_wait3A_414, %dma_wait3A_415] : memref<10000x64xf32, #tpu.memory_space<vmem_shared>> -> memref<10000x64xf32, #tpu.memory_space<vmem_shared>>
          tpu.wait_indirect_dma semaphore(%arg46 : memref<!tpu.dma_semaphore, #tpu.memory_space<semaphore_mem>>) src(%arg24 : memref<80x64xf32, #tpu.memory_space<vmem>>) dst(%dma_wait3A_416 : memref<10000x64xf32, #tpu.memory_space<vmem_shared>>)
          %dma_wait3A_417 = arith.constant 0 : i32
          %dma_wait3A_418 = arith.constant 0 : i32
          %dma_wait3A_419 = tpu.memref_slice %arg32[%dma_wait3A_417, %dma_wait3A_418] : memref<10000x64xf32, #tpu.memory_space<vmem_shared>> -> memref<10000x64xf32, #tpu.memory_space<vmem_shared>>
          tpu.wait_indirect_dma semaphore(%arg48 : memref<!tpu.dma_semaphore, #tpu.memory_space<semaphore_mem>>) src(%arg22 : memref<80x64xf32, #tpu.memory_space<vmem>>) dst(%dma_wait3A_419 : memref<10000x64xf32, #tpu.memory_space<vmem_shared>>)
        } else {
        }
        %add3A_269 = arith.constant 80 : i32
        %add3A_270 = arith.addi %add3A_172, %add3A_269 : i32
        %dma_wait3A_271 = tpu.memref_slice %arg2[%add3A_270] : memref<320000xi32, #tpu.memory_space<hbm>> -> memref<80xi32, #tpu.memory_space<hbm>>
        %dma_wait3A_272 = tpu.memref_slice %arg2[%add3A_270] : memref<320000xi32, #tpu.memory_space<hbm>> -> memref<80xi32, #tpu.memory_space<hbm>>
        tpu.wait_dma2 semaphore(%arg34 : memref<!tpu.dma_semaphore, #tpu.memory_space<semaphore_mem>>) src(%dma_wait3A_272 : memref<80xi32, #tpu.memory_space<hbm>>) dst(%arg12 : memref<80xi32, #tpu.memory_space<vmem>>)
        %add3A_273 = arith.constant 80 : i32
        %add3A_274 = arith.addi %add3A_172, %add3A_273 : i32
        %dma_wait3A_275 = tpu.memref_slice %arg3[%add3A_274] : memref<320000xi32, #tpu.memory_space<hbm>> -> memref<80xi32, #tpu.memory_space<hbm>>
        %dma_wait3A_276 = tpu.memref_slice %arg3[%add3A_274] : memref<320000xi32, #tpu.memory_space<hbm>> -> memref<80xi32, #tpu.memory_space<hbm>>
        tpu.wait_dma2 semaphore(%arg36 : memref<!tpu.dma_semaphore, #tpu.memory_space<semaphore_mem>>) src(%dma_wait3A_276 : memref<80xi32, #tpu.memory_space<hbm>>) dst(%arg14 : memref<80xi32, #tpu.memory_space<vmem>>)
        %add3A_277 = arith.constant 80 : i32
        %add3A_278 = arith.addi %add3A_172, %add3A_277 : i32
        %get3A_279 = arith.constant 0 : index
        %get3A_280 = tpu.vector_load %arg12[%get3A_279] {strides = array<i32>} : memref<80xi32, #tpu.memory_space<vmem>>, vector<16xi32>,
        %get3A_281 = vector.shape_cast %get3A_280 : vector<16xi32> to vector<16xi32>
        %add3A_282 = arith.addi %get3A_281, %broadcast_in_dim3A : vector<16xi32>
        %swap3A_283 = arith.constant 0 : index
        %swap3A_284 = tpu.vector_load %arg16[%swap3A_283] {strides = array<i32>} : memref<80xi32, #tpu.memory_space<vmem>>, vector<16xi32>,
        %swap3A_285 = vector.shape_cast %swap3A_284 : vector<16xi32> to vector<16xi32>
        %swap3A_286 = vector.shape_cast %add3A_282 : vector<16xi32> to vector<16xi32>
        tpu.vector_store %arg16[%swap3A_283], %swap3A_286 {strides = array<i32>} : memref<80xi32, #tpu.memory_space<vmem>>, vector<16xi32>,
        %get3A_287 = arith.constant 0 : index
        %get3A_288 = tpu.vector_load %arg14[%get3A_287] {strides = array<i32>} : memref<80xi32, #tpu.memory_space<vmem>>, vector<16xi32>,
        %get3A_289 = vector.shape_cast %get3A_288 : vector<16xi32> to vector<16xi32>
        %add3A_290 = arith.addi %get3A_289, %broadcast_in_dim3A : vector<16xi32>
        %swap3A_291 = arith.constant 0 : index
        %swap3A_292 = tpu.vector_load %arg18[%swap3A_291] {strides = array<i32>} : memref<80xi32, #tpu.memory_space<vmem>>, vector<16xi32>,
        %swap3A_293 = vector.shape_cast %swap3A_292 : vector<16xi32> to vector<16xi32>
        %swap3A_294 = vector.shape_cast %add3A_290 : vector<16xi32> to vector<16xi32>
        tpu.vector_store %arg18[%swap3A_291], %swap3A_294 {strides = array<i32>} : memref<80xi32, #tpu.memory_space<vmem>>, vector<16xi32>,
        %get3A_295 = arith.constant 0 : index
        %get3A_296 = tpu.vector_load %arg14[%get3A_295] {strides = array<i32>} : memref<80xi32, #tpu.memory_space<vmem>>, vector<16xi32>,
        %get3A_297 = vector.shape_cast %get3A_296 : vector<16xi32> to vector<16xi32>
        %swap3A_298 = arith.constant 0 : index
        %swap3A_299 = tpu.vector_load %arg20[%swap3A_298] {strides = array<i32>} : memref<80xi32, #tpu.memory_space<vmem>>, vector<16xi32>,
        %swap3A_300 = vector.shape_cast %swap3A_299 : vector<16xi32> to vector<16xi32>
        %swap3A_301 = vector.shape_cast %get3A_297 : vector<16xi32> to vector<16xi32>
        tpu.vector_store %arg20[%swap3A_298], %swap3A_301 {strides = array<i32>} : memref<80xi32, #tpu.memory_space<vmem>>, vector<16xi32>,
        %get3A_302 = arith.constant 16 : index
        %get3A_303 = tpu.vector_load %arg12[%get3A_302] {strides = array<i32>} : memref<80xi32, #tpu.memory_space<vmem>>, vector<16xi32>,
        %get3A_304 = vector.shape_cast %get3A_303 : vector<16xi32> to vector<16xi32>
        %add3A_305 = arith.addi %get3A_304, %broadcast_in_dim3A : vector<16xi32>
        %swap3A_306 = arith.constant 16 : index
        %swap3A_307 = tpu.vector_load %arg16[%swap3A_306] {strides = array<i32>} : memref<80xi32, #tpu.memory_space<vmem>>, vector<16xi32>,
        %swap3A_308 = vector.shape_cast %swap3A_307 : vector<16xi32> to vector<16xi32>
        %swap3A_309 = vector.shape_cast %add3A_305 : vector<16xi32> to vector<16xi32>
        tpu.vector_store %arg16[%swap3A_306], %swap3A_309 {strides = array<i32>} : memref<80xi32, #tpu.memory_space<vmem>>, vector<16xi32>,
        %get3A_310 = arith.constant 16 : index
        %get3A_311 = tpu.vector_load %arg14[%get3A_310] {strides = array<i32>} : memref<80xi32, #tpu.memory_space<vmem>>, vector<16xi32>,
        %get3A_312 = vector.shape_cast %get3A_311 : vector<16xi32> to vector<16xi32>
        %add3A_313 = arith.addi %get3A_312, %broadcast_in_dim3A : vector<16xi32>
        %swap3A_314 = arith.constant 16 : index
        %swap3A_315 = tpu.vector_load %arg18[%swap3A_314] {strides = array<i32>} : memref<80xi32, #tpu.memory_space<vmem>>, vector<16xi32>,
        %swap3A_316 = vector.shape_cast %swap3A_315 : vector<16xi32> to vector<16xi32>
        %swap3A_317 = vector.shape_cast %add3A_313 : vector<16xi32> to vector<16xi32>
        tpu.vector_store %arg18[%swap3A_314], %swap3A_317 {strides = array<i32>} : memref<80xi32, #tpu.memory_space<vmem>>, vector<16xi32>,
        %get3A_318 = arith.constant 16 : index
        %get3A_319 = tpu.vector_load %arg14[%get3A_318] {strides = array<i32>} : memref<80xi32, #tpu.memory_space<vmem>>, vector<16xi32>,
        %get3A_320 = vector.shape_cast %get3A_319 : vector<16xi32> to vector<16xi32>
        %swap3A_321 = arith.constant 16 : index
        %swap3A_322 = tpu.vector_load %arg20[%swap3A_321] {strides = array<i32>} : memref<80xi32, #tpu.memory_space<vmem>>, vector<16xi32>,
        %swap3A_323 = vector.shape_cast %swap3A_322 : vector<16xi32> to vector<16xi32>
        %swap3A_324 = vector.shape_cast %get3A_320 : vector<16xi32> to vector<16xi32>
        tpu.vector_store %arg20[%swap3A_321], %swap3A_324 {strides = array<i32>} : memref<80xi32, #tpu.memory_space<vmem>>, vector<16xi32>,
        %get3A_325 = arith.constant 32 : index
        %get3A_326 = tpu.vector_load %arg12[%get3A_325] {strides = array<i32>} : memref<80xi32, #tpu.memory_space<vmem>>, vector<16xi32>,
        %get3A_327 = vector.shape_cast %get3A_326 : vector<16xi32> to vector<16xi32>
        %add3A_328 = arith.addi %get3A_327, %broadcast_in_dim3A : vector<16xi32>
        %swap3A_329 = arith.constant 32 : index
        %swap3A_330 = tpu.vector_load %arg16[%swap3A_329] {strides = array<i32>} : memref<80xi32, #tpu.memory_space<vmem>>, vector<16xi32>,
        %swap3A_331 = vector.shape_cast %swap3A_330 : vector<16xi32> to vector<16xi32>
        %swap3A_332 = vector.shape_cast %add3A_328 : vector<16xi32> to vector<16xi32>
        tpu.vector_store %arg16[%swap3A_329], %swap3A_332 {strides = array<i32>} : memref<80xi32, #tpu.memory_space<vmem>>, vector<16xi32>,
        %get3A_333 = arith.constant 32 : index
        %get3A_334 = tpu.vector_load %arg14[%get3A_333] {strides = array<i32>} : memref<80xi32, #tpu.memory_space<vmem>>, vector<16xi32>,
        %get3A_335 = vector.shape_cast %get3A_334 : vector<16xi32> to vector<16xi32>
        %add3A_336 = arith.addi %get3A_335, %broadcast_in_dim3A : vector<16xi32>
        %swap3A_337 = arith.constant 32 : index
        %swap3A_338 = tpu.vector_load %arg18[%swap3A_337] {strides = array<i32>} : memref<80xi32, #tpu.memory_space<vmem>>, vector<16xi32>,
        %swap3A_339 = vector.shape_cast %swap3A_338 : vector<16xi32> to vector<16xi32>
        %swap3A_340 = vector.shape_cast %add3A_336 : vector<16xi32> to vector<16xi32>
        tpu.vector_store %arg18[%swap3A_337], %swap3A_340 {strides = array<i32>} : memref<80xi32, #tpu.memory_space<vmem>>, vector<16xi32>,
        %get3A_341 = arith.constant 32 : index
        %get3A_342 = tpu.vector_load %arg14[%get3A_341] {strides = array<i32>} : memref<80xi32, #tpu.memory_space<vmem>>, vector<16xi32>,
        %get3A_343 = vector.shape_cast %get3A_342 : vector<16xi32> to vector<16xi32>
        %swap3A_344 = arith.constant 32 : index
        %swap3A_345 = tpu.vector_load %arg20[%swap3A_344] {strides = array<i32>} : memref<80xi32, #tpu.memory_space<vmem>>, vector<16xi32>,
        %swap3A_346 = vector.shape_cast %swap3A_345 : vector<16xi32> to vector<16xi32>
        %swap3A_347 = vector.shape_cast %get3A_343 : vector<16xi32> to vector<16xi32>
        tpu.vector_store %arg20[%swap3A_344], %swap3A_347 {strides = array<i32>} : memref<80xi32, #tpu.memory_space<vmem>>, vector<16xi32>,
        %get3A_348 = arith.constant 48 : index
        %get3A_349 = tpu.vector_load %arg12[%get3A_348] {strides = array<i32>} : memref<80xi32, #tpu.memory_space<vmem>>, vector<16xi32>,
        %get3A_350 = vector.shape_cast %get3A_349 : vector<16xi32> to vector<16xi32>
        %add3A_351 = arith.addi %get3A_350, %broadcast_in_dim3A : vector<16xi32>
        %swap3A_352 = arith.constant 48 : index
        %swap3A_353 = tpu.vector_load %arg16[%swap3A_352] {strides = array<i32>} : memref<80xi32, #tpu.memory_space<vmem>>, vector<16xi32>,
        %swap3A_354 = vector.shape_cast %swap3A_353 : vector<16xi32> to vector<16xi32>
        %swap3A_355 = vector.shape_cast %add3A_351 : vector<16xi32> to vector<16xi32>
        tpu.vector_store %arg16[%swap3A_352], %swap3A_355 {strides = array<i32>} : memref<80xi32, #tpu.memory_space<vmem>>, vector<16xi32>,
        %get3A_356 = arith.constant 48 : index
        %get3A_357 = tpu.vector_load %arg14[%get3A_356] {strides = array<i32>} : memref<80xi32, #tpu.memory_space<vmem>>, vector<16xi32>,
        %get3A_358 = vector.shape_cast %get3A_357 : vector<16xi32> to vector<16xi32>
        %add3A_359 = arith.addi %get3A_358, %broadcast_in_dim3A : vector<16xi32>
        %swap3A_360 = arith.constant 48 : index
        %swap3A_361 = tpu.vector_load %arg18[%swap3A_360] {strides = array<i32>} : memref<80xi32, #tpu.memory_space<vmem>>, vector<16xi32>,
        %swap3A_362 = vector.shape_cast %swap3A_361 : vector<16xi32> to vector<16xi32>
        %swap3A_363 = vector.shape_cast %add3A_359 : vector<16xi32> to vector<16xi32>
        tpu.vector_store %arg18[%swap3A_360], %swap3A_363 {strides = array<i32>} : memref<80xi32, #tpu.memory_space<vmem>>, vector<16xi32>,
        %get3A_364 = arith.constant 48 : index
        %get3A_365 = tpu.vector_load %arg14[%get3A_364] {strides = array<i32>} : memref<80xi32, #tpu.memory_space<vmem>>, vector<16xi32>,
        %get3A_366 = vector.shape_cast %get3A_365 : vector<16xi32> to vector<16xi32>
        %swap3A_367 = arith.constant 48 : index
        %swap3A_368 = tpu.vector_load %arg20[%swap3A_367] {strides = array<i32>} : memref<80xi32, #tpu.memory_space<vmem>>, vector<16xi32>,
        %swap3A_369 = vector.shape_cast %swap3A_368 : vector<16xi32> to vector<16xi32>
        %swap3A_370 = vector.shape_cast %get3A_366 : vector<16xi32> to vector<16xi32>
        tpu.vector_store %arg20[%swap3A_367], %swap3A_370 {strides = array<i32>} : memref<80xi32, #tpu.memory_space<vmem>>, vector<16xi32>,
        %get3A_371 = arith.constant 64 : index
        %get3A_372 = tpu.vector_load %arg12[%get3A_371] {strides = array<i32>} : memref<80xi32, #tpu.memory_space<vmem>>, vector<16xi32>,
        %get3A_373 = vector.shape_cast %get3A_372 : vector<16xi32> to vector<16xi32>
        %add3A_374 = arith.addi %get3A_373, %broadcast_in_dim3A : vector<16xi32>
        %swap3A_375 = arith.constant 64 : index
        %swap3A_376 = tpu.vector_load %arg16[%swap3A_375] {strides = array<i32>} : memref<80xi32, #tpu.memory_space<vmem>>, vector<16xi32>,
        %swap3A_377 = vector.shape_cast %swap3A_376 : vector<16xi32> to vector<16xi32>
        %swap3A_378 = vector.shape_cast %add3A_374 : vector<16xi32> to vector<16xi32>
        tpu.vector_store %arg16[%swap3A_375], %swap3A_378 {strides = array<i32>} : memref<80xi32, #tpu.memory_space<vmem>>, vector<16xi32>,
        %get3A_379 = arith.constant 64 : index
        %get3A_380 = tpu.vector_load %arg14[%get3A_379] {strides = array<i32>} : memref<80xi32, #tpu.memory_space<vmem>>, vector<16xi32>,
        %get3A_381 = vector.shape_cast %get3A_380 : vector<16xi32> to vector<16xi32>
        %add3A_382 = arith.addi %get3A_381, %broadcast_in_dim3A : vector<16xi32>
        %swap3A_383 = arith.constant 64 : index
        %swap3A_384 = tpu.vector_load %arg18[%swap3A_383] {strides = array<i32>} : memref<80xi32, #tpu.memory_space<vmem>>, vector<16xi32>,
        %swap3A_385 = vector.shape_cast %swap3A_384 : vector<16xi32> to vector<16xi32>
        %swap3A_386 = vector.shape_cast %add3A_382 : vector<16xi32> to vector<16xi32>
        tpu.vector_store %arg18[%swap3A_383], %swap3A_386 {strides = array<i32>} : memref<80xi32, #tpu.memory_space<vmem>>, vector<16xi32>,
        %get3A_387 = arith.constant 64 : index
        %get3A_388 = tpu.vector_load %arg14[%get3A_387] {strides = array<i32>} : memref<80xi32, #tpu.memory_space<vmem>>, vector<16xi32>,
        %get3A_389 = vector.shape_cast %get3A_388 : vector<16xi32> to vector<16xi32>
        %swap3A_390 = arith.constant 64 : index
        %swap3A_391 = tpu.vector_load %arg20[%swap3A_390] {strides = array<i32>} : memref<80xi32, #tpu.memory_space<vmem>>, vector<16xi32>,
        %swap3A_392 = vector.shape_cast %swap3A_391 : vector<16xi32> to vector<16xi32>
        %swap3A_393 = vector.shape_cast %get3A_389 : vector<16xi32> to vector<16xi32>
        tpu.vector_store %arg20[%swap3A_390], %swap3A_393 {strides = array<i32>} : memref<80xi32, #tpu.memory_space<vmem>>, vector<16xi32>,
        %dma_start3A_394 = arith.constant 0 : i32
        %dma_start3A_395 = arith.constant 0 : i32
        %dma_start3A_396 = tpu.memref_slice %arg4[%dma_start3A_394, %dma_start3A_395] : memref<20000x64xf32, #tpu.memory_space<hbm>> -> memref<20000x64xf32, #tpu.memory_space<hbm>>
        tpu.enqueue_indirect_dma source(%dma_start3A_396 : memref<20000x64xf32, #tpu.memory_space<hbm>>) target(%arg24 : memref<80x64xf32, #tpu.memory_space<vmem>>) offsets(%arg16 : memref<80xi32, #tpu.memory_space<vmem>>) semaphore(%arg38 : memref<!tpu.dma_semaphore, #tpu.memory_space<semaphore_mem>>)
        %dma_start3A_397 = arith.constant 0 : i32
        %dma_start3A_398 = arith.constant 0 : i32
        %dma_start3A_399 = tpu.memref_slice %arg5[%dma_start3A_397, %dma_start3A_398] : memref<20000x64xf32, #tpu.memory_space<hbm>> -> memref<20000x64xf32, #tpu.memory_space<hbm>>
        tpu.enqueue_indirect_dma source(%dma_start3A_399 : memref<20000x64xf32, #tpu.memory_space<hbm>>) target(%arg26 : memref<80x64xf32, #tpu.memory_space<vmem>>) offsets(%arg18 : memref<80xi32, #tpu.memory_space<vmem>>) semaphore(%arg40 : memref<!tpu.dma_semaphore, #tpu.memory_space<semaphore_mem>>)
        %dma_start3A_400 = arith.constant 0 : i32
        %dma_start3A_401 = arith.constant 0 : i32
        %dma_start3A_402 = tpu.memref_slice %arg6[%dma_start3A_400, %dma_start3A_401] : memref<20000x64xf32, #tpu.memory_space<hbm>> -> memref<20000x64xf32, #tpu.memory_space<hbm>>
        tpu.enqueue_indirect_dma source(%dma_start3A_402 : memref<20000x64xf32, #tpu.memory_space<hbm>>) target(%arg28 : memref<80x64xf32, #tpu.memory_space<vmem>>) offsets(%arg16 : memref<80xi32, #tpu.memory_space<vmem>>) semaphore(%arg42 : memref<!tpu.dma_semaphore, #tpu.memory_space<semaphore_mem>>)
        %mul3A_403 = arith.constant 64 : i32
        %mul3A_404 = arith.muli %arg0, %mul3A_403 : i32
        %dma_start3A_405 = tpu.memref_slice %arg7[%add3A_278, %mul3A_404] : memref<320000x128xf32, #tpu.memory_space<hbm>> -> memref<80x64xf32, #tpu.memory_space<hbm>>
        %dma_start3A_406 = tpu.memref_slice %arg7[%add3A_278, %mul3A_404] : memref<320000x128xf32, #tpu.memory_space<hbm>> -> memref<80x64xf32, #tpu.memory_space<hbm>>
        tpu.enqueue_dma source(%dma_start3A_406 : memref<80x64xf32, #tpu.memory_space<hbm>>) target(%arg22 : memref<80x64xf32, #tpu.memory_space<vmem>>) target_semaphore(%arg44 : memref<!tpu.dma_semaphore, #tpu.memory_space<semaphore_mem>>)
        %add3A_407 = arith.constant 2 : i32
        %add3A_408 = arith.addi %mul3A_169, %add3A_407 : i32
        %lt3A_409 = arith.constant 250 : i32
        %lt3A_410 = arith.cmpi slt, %add3A_408, %lt3A_409 : i32
        %convert_element_type3A_411 = arith.extui %lt3A_410 : i1 to i32
        %cond3A_412 = arith.constant 0 : i32
        %cond3A_413 = arith.cmpi ne, %convert_element_type3A_411, %cond3A_412 : i32
        scf.if %cond3A_413 {
          %add3A_414 = arith.constant 160 : i32
          %add3A_415 = arith.addi %add3A_172, %add3A_414 : i32
          %dma_start3A_416 = tpu.memref_slice %arg2[%add3A_415] : memref<320000xi32, #tpu.memory_space<hbm>> -> memref<80xi32, #tpu.memory_space<hbm>>
          %dma_start3A_417 = tpu.memref_slice %arg2[%add3A_415] : memref<320000xi32, #tpu.memory_space<hbm>> -> memref<80xi32, #tpu.memory_space<hbm>>
          tpu.enqueue_dma source(%dma_start3A_417 : memref<80xi32, #tpu.memory_space<hbm>>) target(%arg11 : memref<80xi32, #tpu.memory_space<vmem>>) target_semaphore(%arg33 : memref<!tpu.dma_semaphore, #tpu.memory_space<semaphore_mem>>)
          %add3A_418 = arith.constant 160 : i32
          %add3A_419 = arith.addi %add3A_172, %add3A_418 : i32
          %dma_start3A_420 = tpu.memref_slice %arg3[%add3A_419] : memref<320000xi32, #tpu.memory_space<hbm>> -> memref<80xi32, #tpu.memory_space<hbm>>
          %dma_start3A_421 = tpu.memref_slice %arg3[%add3A_419] : memref<320000xi32, #tpu.memory_space<hbm>> -> memref<80xi32, #tpu.memory_space<hbm>>
          tpu.enqueue_dma source(%dma_start3A_421 : memref<80xi32, #tpu.memory_space<hbm>>) target(%arg13 : memref<80xi32, #tpu.memory_space<vmem>>) target_semaphore(%arg35 : memref<!tpu.dma_semaphore, #tpu.memory_space<semaphore_mem>>)
        } else {
        }
      } else {
      }
      %ge3A = arith.constant 1 : i32
      %ge3A_193 = arith.cmpi sge, %mul3A_169, %ge3A : i32
      %convert_element_type3A_194 = arith.extui %ge3A_193 : i1 to i32
      %cond3A_195 = arith.constant 0 : i32
      %cond3A_196 = arith.cmpi ne, %convert_element_type3A_194, %cond3A_195 : i32
      scf.if %cond3A_196 {
        %mul3A_264 = arith.constant 64 : i32
        %mul3A_265 = arith.muli %arg0, %mul3A_264 : i32
        %dma_wait3A_266 = tpu.memref_slice %arg8[%add3A_172, %mul3A_265] : memref<320000x128xf32, #tpu.memory_space<hbm>> -> memref<80x64xf32, #tpu.memory_space<hbm>>
        %dma_wait3A_267 = tpu.memref_slice %arg8[%add3A_172, %mul3A_265] : memref<320000x128xf32, #tpu.memory_space<hbm>> -> memref<80x64xf32, #tpu.memory_space<hbm>>
        tpu.wait_dma2 semaphore(%arg49 : memref<!tpu.dma_semaphore, #tpu.memory_space<semaphore_mem>>) src(%arg29 : memref<80x64xf32, #tpu.memory_space<vmem>>) dst(%dma_wait3A_267 : memref<80x64xf32, #tpu.memory_space<hbm>>)
      } else {
      }
      %scan3A_197 = arith.constant 0 : i32
      %scan3A_198 = arith.constant 0 : i32
      %scan3A_199 = arith.constant 20 : i32
      %scan3A_200 = arith.addi %scan3A_198, %scan3A_199 : i32
      %scan3A_201 = arith.constant 1 : i32
      %scan3A_202 = scf.for %scan3A_264 = %scan3A_198 to %scan3A_200 step %scan3A_201 iter_args(%scan3A_265 = %scan3A_197) -> (i32)  : i32 {
        %mul3A_266 = arith.constant 4 : i32
        %mul3A_267 = arith.muli %scan3A_264, %mul3A_266 : i32
        %add3A_268 = arith.constant 0 : i32
        %add3A_269 = arith.addi %mul3A_267, %add3A_268 : i32
        %get3A_270 = arith.index_cast %add3A_269 : i32 to index
        %get3A_271 = arith.constant 0 : index
        %get3A_272 = tpu.vector_load %arg21[%get3A_270, %get3A_271] {strides = array<i32>} : memref<80x64xf32, #tpu.memory_space<vmem>>, vector<1x16xf32>,
        %get3A_273 = vector.shape_cast %get3A_272 : vector<1x16xf32> to vector<16xf32>
        %get3A_274 = arith.index_cast %add3A_269 : i32 to index
        %get3A_275 = arith.constant 0 : index
        %get3A_276 = tpu.vector_load %arg23[%get3A_274, %get3A_275] {strides = array<i32>} : memref<80x64xf32, #tpu.memory_space<vmem>>, vector<1x16xf32>,
        %get3A_277 = vector.shape_cast %get3A_276 : vector<1x16xf32> to vector<16xf32>
        %add3A_278 = arith.addf %get3A_273, %get3A_277 : vector<16xf32>
        %get3A_279 = arith.index_cast %add3A_269 : i32 to index
        %get3A_280 = arith.constant 0 : index
        %get3A_281 = tpu.vector_load %arg25[%get3A_279, %get3A_280] {strides = array<i32>} : memref<80x64xf32, #tpu.memory_space<vmem>>, vector<1x16xf32>,
        %get3A_282 = vector.shape_cast %get3A_281 : vector<1x16xf32> to vector<16xf32>
        %add3A_283 = arith.addf %add3A_278, %get3A_282 : vector<16xf32>
        %swap3A_284 = arith.index_cast %add3A_269 : i32 to index
        %swap3A_285 = arith.constant 0 : index
        %swap3A_286 = tpu.vector_load %arg29[%swap3A_284, %swap3A_285] {strides = array<i32>} : memref<80x64xf32, #tpu.memory_space<vmem>>, vector<1x16xf32>,
        %swap3A_287 = vector.shape_cast %swap3A_286 : vector<1x16xf32> to vector<16xf32>
        %swap3A_288 = vector.shape_cast %add3A_283 : vector<16xf32> to vector<1x16xf32>
        tpu.vector_store %arg29[%swap3A_284, %swap3A_285], %swap3A_288 {strides = array<i32>} : memref<80x64xf32, #tpu.memory_space<vmem>>, vector<1x16xf32>,
        %neg3A = arith.constant 0.000000e+00 : f32
        %neg3A_289 = vector.broadcast %neg3A : f32 to vector<16xf32>
        %neg3A_290 = arith.subf %neg3A_289, %add3A_283 : vector<16xf32>
        %exp3A = math.exp %neg3A_290 : vector<16xf32>
        %add3A_291 = arith.constant 1.000000e+00 : f32
        %add3A_292 = vector.broadcast %add3A_291 : f32 to vector<16xf32>
        %add3A_293 = arith.addf %add3A_292, %exp3A : vector<16xf32>
        %div3A = arith.constant 1.000000e+00 : f32
        %div3A_294 = vector.broadcast %div3A : f32 to vector<16xf32>
        %div3A_295 = arith.divf %div3A_294, %add3A_293 : vector<16xf32>
        %swap3A_296 = arith.index_cast %add3A_269 : i32 to index
        %swap3A_297 = arith.constant 0 : index
        %swap3A_298 = tpu.vector_load %arg21[%swap3A_296, %swap3A_297] {strides = array<i32>} : memref<80x64xf32, #tpu.memory_space<vmem>>, vector<1x16xf32>,
        %swap3A_299 = vector.shape_cast %swap3A_298 : vector<1x16xf32> to vector<16xf32>
        %swap3A_300 = vector.shape_cast %div3A_295 : vector<16xf32> to vector<1x16xf32>
        tpu.vector_store %arg21[%swap3A_296, %swap3A_297], %swap3A_300 {strides = array<i32>} : memref<80x64xf32, #tpu.memory_space<vmem>>, vector<1x16xf32>,
        %get3A_301 = arith.index_cast %add3A_269 : i32 to index
        %get3A_302 = arith.constant 0 : index
        %get3A_303 = tpu.vector_load %arg27[%get3A_301, %get3A_302] {strides = array<i32>} : memref<80x64xf32, #tpu.memory_space<vmem>>, vector<1x16xf32>,
        %get3A_304 = vector.shape_cast %get3A_303 : vector<1x16xf32> to vector<16xf32>
        %mul3A_305 = arith.mulf %div3A_295, %get3A_304 : vector<16xf32>
        %swap3A_306 = arith.index_cast %add3A_269 : i32 to index
        %swap3A_307 = arith.constant 0 : index
        %swap3A_308 = tpu.vector_load %arg23[%swap3A_306, %swap3A_307] {strides = array<i32>} : memref<80x64xf32, #tpu.memory_space<vmem>>, vector<1x16xf32>,
        %swap3A_309 = vector.shape_cast %swap3A_308 : vector<1x16xf32> to vector<16xf32>
        %swap3A_310 = vector.shape_cast %mul3A_305 : vector<16xf32> to vector<1x16xf32>
        tpu.vector_store %arg23[%swap3A_306, %swap3A_307], %swap3A_310 {strides = array<i32>} : memref<80x64xf32, #tpu.memory_space<vmem>>, vector<1x16xf32>,
        %get3A_311 = arith.index_cast %add3A_269 : i32 to index
        %get3A_312 = arith.constant 16 : index
        %get3A_313 = tpu.vector_load %arg21[%get3A_311, %get3A_312] {strides = array<i32>} : memref<80x64xf32, #tpu.memory_space<vmem>>, vector<1x16xf32>,
        %get3A_314 = vector.shape_cast %get3A_313 : vector<1x16xf32> to vector<16xf32>
        %get3A_315 = arith.index_cast %add3A_269 : i32 to index
        %get3A_316 = arith.constant 16 : index
        %get3A_317 = tpu.vector_load %arg23[%get3A_315, %get3A_316] {strides = array<i32>} : memref<80x64xf32, #tpu.memory_space<vmem>>, vector<1x16xf32>,
        %get3A_318 = vector.shape_cast %get3A_317 : vector<1x16xf32> to vector<16xf32>
        %add3A_319 = arith.addf %get3A_314, %get3A_318 : vector<16xf32>
        %get3A_320 = arith.index_cast %add3A_269 : i32 to index
        %get3A_321 = arith.constant 16 : index
        %get3A_322 = tpu.vector_load %arg25[%get3A_320, %get3A_321] {strides = array<i32>} : memref<80x64xf32, #tpu.memory_space<vmem>>, vector<1x16xf32>,
        %get3A_323 = vector.shape_cast %get3A_322 : vector<1x16xf32> to vector<16xf32>
        %add3A_324 = arith.addf %add3A_319, %get3A_323 : vector<16xf32>
        %swap3A_325 = arith.index_cast %add3A_269 : i32 to index
        %swap3A_326 = arith.constant 16 : index
        %swap3A_327 = tpu.vector_load %arg29[%swap3A_325, %swap3A_326] {strides = array<i32>} : memref<80x64xf32, #tpu.memory_space<vmem>>, vector<1x16xf32>,
        %swap3A_328 = vector.shape_cast %swap3A_327 : vector<1x16xf32> to vector<16xf32>
        %swap3A_329 = vector.shape_cast %add3A_324 : vector<16xf32> to vector<1x16xf32>
        tpu.vector_store %arg29[%swap3A_325, %swap3A_326], %swap3A_329 {strides = array<i32>} : memref<80x64xf32, #tpu.memory_space<vmem>>, vector<1x16xf32>,
        %neg3A_330 = arith.constant 0.000000e+00 : f32
        %neg3A_331 = vector.broadcast %neg3A_330 : f32 to vector<16xf32>
        %neg3A_332 = arith.subf %neg3A_331, %add3A_324 : vector<16xf32>
        %exp3A_333 = math.exp %neg3A_332 : vector<16xf32>
        %add3A_334 = arith.constant 1.000000e+00 : f32
        %add3A_335 = vector.broadcast %add3A_334 : f32 to vector<16xf32>
        %add3A_336 = arith.addf %add3A_335, %exp3A_333 : vector<16xf32>
        %div3A_337 = arith.constant 1.000000e+00 : f32
        %div3A_338 = vector.broadcast %div3A_337 : f32 to vector<16xf32>
        %div3A_339 = arith.divf %div3A_338, %add3A_336 : vector<16xf32>
        %swap3A_340 = arith.index_cast %add3A_269 : i32 to index
        %swap3A_341 = arith.constant 16 : index
        %swap3A_342 = tpu.vector_load %arg21[%swap3A_340, %swap3A_341] {strides = array<i32>} : memref<80x64xf32, #tpu.memory_space<vmem>>, vector<1x16xf32>,
        %swap3A_343 = vector.shape_cast %swap3A_342 : vector<1x16xf32> to vector<16xf32>
        %swap3A_344 = vector.shape_cast %div3A_339 : vector<16xf32> to vector<1x16xf32>
        tpu.vector_store %arg21[%swap3A_340, %swap3A_341], %swap3A_344 {strides = array<i32>} : memref<80x64xf32, #tpu.memory_space<vmem>>, vector<1x16xf32>,
        %get3A_345 = arith.index_cast %add3A_269 : i32 to index
        %get3A_346 = arith.constant 16 : index
        %get3A_347 = tpu.vector_load %arg27[%get3A_345, %get3A_346] {strides = array<i32>} : memref<80x64xf32, #tpu.memory_space<vmem>>, vector<1x16xf32>,
        %get3A_348 = vector.shape_cast %get3A_347 : vector<1x16xf32> to vector<16xf32>
        %mul3A_349 = arith.mulf %div3A_339, %get3A_348 : vector<16xf32>
        %swap3A_350 = arith.index_cast %add3A_269 : i32 to index
        %swap3A_351 = arith.constant 16 : index
        %swap3A_352 = tpu.vector_load %arg23[%swap3A_350, %swap3A_351] {strides = array<i32>} : memref<80x64xf32, #tpu.memory_space<vmem>>, vector<1x16xf32>,
        %swap3A_353 = vector.shape_cast %swap3A_352 : vector<1x16xf32> to vector<16xf32>
        %swap3A_354 = vector.shape_cast %mul3A_349 : vector<16xf32> to vector<1x16xf32>
        tpu.vector_store %arg23[%swap3A_350, %swap3A_351], %swap3A_354 {strides = array<i32>} : memref<80x64xf32, #tpu.memory_space<vmem>>, vector<1x16xf32>,
        %get3A_355 = arith.index_cast %add3A_269 : i32 to index
        %get3A_356 = arith.constant 32 : index
        %get3A_357 = tpu.vector_load %arg21[%get3A_355, %get3A_356] {strides = array<i32>} : memref<80x64xf32, #tpu.memory_space<vmem>>, vector<1x16xf32>,
        %get3A_358 = vector.shape_cast %get3A_357 : vector<1x16xf32> to vector<16xf32>
        %get3A_359 = arith.index_cast %add3A_269 : i32 to index
        %get3A_360 = arith.constant 32 : index
        %get3A_361 = tpu.vector_load %arg23[%get3A_359, %get3A_360] {strides = array<i32>} : memref<80x64xf32, #tpu.memory_space<vmem>>, vector<1x16xf32>,
        %get3A_362 = vector.shape_cast %get3A_361 : vector<1x16xf32> to vector<16xf32>
        %add3A_363 = arith.addf %get3A_358, %get3A_362 : vector<16xf32>
        %get3A_364 = arith.index_cast %add3A_269 : i32 to index
        %get3A_365 = arith.constant 32 : index
        %get3A_366 = tpu.vector_load %arg25[%get3A_364, %get3A_365] {strides = array<i32>} : memref<80x64xf32, #tpu.memory_space<vmem>>, vector<1x16xf32>,
        %get3A_367 = vector.shape_cast %get3A_366 : vector<1x16xf32> to vector<16xf32>
        %add3A_368 = arith.addf %add3A_363, %get3A_367 : vector<16xf32>
        %swap3A_369 = arith.index_cast %add3A_269 : i32 to index
        %swap3A_370 = arith.constant 32 : index
        %swap3A_371 = tpu.vector_load %arg29[%swap3A_369, %swap3A_370] {strides = array<i32>} : memref<80x64xf32, #tpu.memory_space<vmem>>, vector<1x16xf32>,
        %swap3A_372 = vector.shape_cast %swap3A_371 : vector<1x16xf32> to vector<16xf32>
        %swap3A_373 = vector.shape_cast %add3A_368 : vector<16xf32> to vector<1x16xf32>
        tpu.vector_store %arg29[%swap3A_369, %swap3A_370], %swap3A_373 {strides = array<i32>} : memref<80x64xf32, #tpu.memory_space<vmem>>, vector<1x16xf32>,
        %neg3A_374 = arith.constant 0.000000e+00 : f32
        %neg3A_375 = vector.broadcast %neg3A_374 : f32 to vector<16xf32>
        %neg3A_376 = arith.subf %neg3A_375, %add3A_368 : vector<16xf32>
        %exp3A_377 = math.exp %neg3A_376 : vector<16xf32>
        %add3A_378 = arith.constant 1.000000e+00 : f32
        %add3A_379 = vector.broadcast %add3A_378 : f32 to vector<16xf32>
        %add3A_380 = arith.addf %add3A_379, %exp3A_377 : vector<16xf32>
        %div3A_381 = arith.constant 1.000000e+00 : f32
        %div3A_382 = vector.broadcast %div3A_381 : f32 to vector<16xf32>
        %div3A_383 = arith.divf %div3A_382, %add3A_380 : vector<16xf32>
        %swap3A_384 = arith.index_cast %add3A_269 : i32 to index
        %swap3A_385 = arith.constant 32 : index
        %swap3A_386 = tpu.vector_load %arg21[%swap3A_384, %swap3A_385] {strides = array<i32>} : memref<80x64xf32, #tpu.memory_space<vmem>>, vector<1x16xf32>,
        %swap3A_387 = vector.shape_cast %swap3A_386 : vector<1x16xf32> to vector<16xf32>
        %swap3A_388 = vector.shape_cast %div3A_383 : vector<16xf32> to vector<1x16xf32>
        tpu.vector_store %arg21[%swap3A_384, %swap3A_385], %swap3A_388 {strides = array<i32>} : memref<80x64xf32, #tpu.memory_space<vmem>>, vector<1x16xf32>,
        %get3A_389 = arith.index_cast %add3A_269 : i32 to index
        %get3A_390 = arith.constant 32 : index
        %get3A_391 = tpu.vector_load %arg27[%get3A_389, %get3A_390] {strides = array<i32>} : memref<80x64xf32, #tpu.memory_space<vmem>>, vector<1x16xf32>,
        %get3A_392 = vector.shape_cast %get3A_391 : vector<1x16xf32> to vector<16xf32>
        %mul3A_393 = arith.mulf %div3A_383, %get3A_392 : vector<16xf32>
        %swap3A_394 = arith.index_cast %add3A_269 : i32 to index
        %swap3A_395 = arith.constant 32 : index
        %swap3A_396 = tpu.vector_load %arg23[%swap3A_394, %swap3A_395] {strides = array<i32>} : memref<80x64xf32, #tpu.memory_space<vmem>>, vector<1x16xf32>,
        %swap3A_397 = vector.shape_cast %swap3A_396 : vector<1x16xf32> to vector<16xf32>
        %swap3A_398 = vector.shape_cast %mul3A_393 : vector<16xf32> to vector<1x16xf32>
        tpu.vector_store %arg23[%swap3A_394, %swap3A_395], %swap3A_398 {strides = array<i32>} : memref<80x64xf32, #tpu.memory_space<vmem>>, vector<1x16xf32>,
        %get3A_399 = arith.index_cast %add3A_269 : i32 to index
        %get3A_400 = arith.constant 48 : index
        %get3A_401 = tpu.vector_load %arg21[%get3A_399, %get3A_400] {strides = array<i32>} : memref<80x64xf32, #tpu.memory_space<vmem>>, vector<1x16xf32>,
        %get3A_402 = vector.shape_cast %get3A_401 : vector<1x16xf32> to vector<16xf32>
        %get3A_403 = arith.index_cast %add3A_269 : i32 to index
        %get3A_404 = arith.constant 48 : index
        %get3A_405 = tpu.vector_load %arg23[%get3A_403, %get3A_404] {strides = array<i32>} : memref<80x64xf32, #tpu.memory_space<vmem>>, vector<1x16xf32>,
        %get3A_406 = vector.shape_cast %get3A_405 : vector<1x16xf32> to vector<16xf32>
        %add3A_407 = arith.addf %get3A_402, %get3A_406 : vector<16xf32>
        %get3A_408 = arith.index_cast %add3A_269 : i32 to index
        %get3A_409 = arith.constant 48 : index
        %get3A_410 = tpu.vector_load %arg25[%get3A_408, %get3A_409] {strides = array<i32>} : memref<80x64xf32, #tpu.memory_space<vmem>>, vector<1x16xf32>,
        %get3A_411 = vector.shape_cast %get3A_410 : vector<1x16xf32> to vector<16xf32>
        %add3A_412 = arith.addf %add3A_407, %get3A_411 : vector<16xf32>
        %swap3A_413 = arith.index_cast %add3A_269 : i32 to index
        %swap3A_414 = arith.constant 48 : index
        %swap3A_415 = tpu.vector_load %arg29[%swap3A_413, %swap3A_414] {strides = array<i32>} : memref<80x64xf32, #tpu.memory_space<vmem>>, vector<1x16xf32>,
        %swap3A_416 = vector.shape_cast %swap3A_415 : vector<1x16xf32> to vector<16xf32>
        %swap3A_417 = vector.shape_cast %add3A_412 : vector<16xf32> to vector<1x16xf32>
        tpu.vector_store %arg29[%swap3A_413, %swap3A_414], %swap3A_417 {strides = array<i32>} : memref<80x64xf32, #tpu.memory_space<vmem>>, vector<1x16xf32>,
        %neg3A_418 = arith.constant 0.000000e+00 : f32
        %neg3A_419 = vector.broadcast %neg3A_418 : f32 to vector<16xf32>
        %neg3A_420 = arith.subf %neg3A_419, %add3A_412 : vector<16xf32>
        %exp3A_421 = math.exp %neg3A_420 : vector<16xf32>
        %add3A_422 = arith.constant 1.000000e+00 : f32
        %add3A_423 = vector.broadcast %add3A_422 : f32 to vector<16xf32>
        %add3A_424 = arith.addf %add3A_423, %exp3A_421 : vector<16xf32>
        %div3A_425 = arith.constant 1.000000e+00 : f32
        %div3A_426 = vector.broadcast %div3A_425 : f32 to vector<16xf32>
        %div3A_427 = arith.divf %div3A_426, %add3A_424 : vector<16xf32>
        %swap3A_428 = arith.index_cast %add3A_269 : i32 to index
        %swap3A_429 = arith.constant 48 : index
        %swap3A_430 = tpu.vector_load %arg21[%swap3A_428, %swap3A_429] {strides = array<i32>} : memref<80x64xf32, #tpu.memory_space<vmem>>, vector<1x16xf32>,
        %swap3A_431 = vector.shape_cast %swap3A_430 : vector<1x16xf32> to vector<16xf32>
        %swap3A_432 = vector.shape_cast %div3A_427 : vector<16xf32> to vector<1x16xf32>
        tpu.vector_store %arg21[%swap3A_428, %swap3A_429], %swap3A_432 {strides = array<i32>} : memref<80x64xf32, #tpu.memory_space<vmem>>, vector<1x16xf32>,
        %get3A_433 = arith.index_cast %add3A_269 : i32 to index
        %get3A_434 = arith.constant 48 : index
        %get3A_435 = tpu.vector_load %arg27[%get3A_433, %get3A_434] {strides = array<i32>} : memref<80x64xf32, #tpu.memory_space<vmem>>, vector<1x16xf32>,
        %get3A_436 = vector.shape_cast %get3A_435 : vector<1x16xf32> to vector<16xf32>
        %mul3A_437 = arith.mulf %div3A_427, %get3A_436 : vector<16xf32>
        %swap3A_438 = arith.index_cast %add3A_269 : i32 to index
        %swap3A_439 = arith.constant 48 : index
        %swap3A_440 = tpu.vector_load %arg23[%swap3A_438, %swap3A_439] {strides = array<i32>} : memref<80x64xf32, #tpu.memory_space<vmem>>, vector<1x16xf32>,
        %swap3A_441 = vector.shape_cast %swap3A_440 : vector<1x16xf32> to vector<16xf32>
        %swap3A_442 = vector.shape_cast %mul3A_437 : vector<16xf32> to vector<1x16xf32>
        tpu.vector_store %arg23[%swap3A_438, %swap3A_439], %swap3A_442 {strides = array<i32>} : memref<80x64xf32, #tpu.memory_space<vmem>>, vector<1x16xf32>,
        %mul3A_443 = arith.constant 4 : i32
        %mul3A_444 = arith.muli %scan3A_264, %mul3A_443 : i32
        %add3A_445 = arith.constant 1 : i32
        %add3A_446 = arith.addi %mul3A_444, %add3A_445 : i32
        %get3A_447 = arith.index_cast %add3A_446 : i32 to index
        %get3A_448 = arith.constant 0 : index
        %get3A_449 = tpu.vector_load %arg21[%get3A_447, %get3A_448] {strides = array<i32>} : memref<80x64xf32, #tpu.memory_space<vmem>>, vector<1x16xf32>,
        %get3A_450 = vector.shape_cast %get3A_449 : vector<1x16xf32> to vector<16xf32>
        %get3A_451 = arith.index_cast %add3A_446 : i32 to index
        %get3A_452 = arith.constant 0 : index
        %get3A_453 = tpu.vector_load %arg23[%get3A_451, %get3A_452] {strides = array<i32>} : memref<80x64xf32, #tpu.memory_space<vmem>>, vector<1x16xf32>,
        %get3A_454 = vector.shape_cast %get3A_453 : vector<1x16xf32> to vector<16xf32>
        %add3A_455 = arith.addf %get3A_450, %get3A_454 : vector<16xf32>
        %get3A_456 = arith.index_cast %add3A_446 : i32 to index
        %get3A_457 = arith.constant 0 : index
        %get3A_458 = tpu.vector_load %arg25[%get3A_456, %get3A_457] {strides = array<i32>} : memref<80x64xf32, #tpu.memory_space<vmem>>, vector<1x16xf32>,
        %get3A_459 = vector.shape_cast %get3A_458 : vector<1x16xf32> to vector<16xf32>
        %add3A_460 = arith.addf %add3A_455, %get3A_459 : vector<16xf32>
        %swap3A_461 = arith.index_cast %add3A_446 : i32 to index
        %swap3A_462 = arith.constant 0 : index
        %swap3A_463 = tpu.vector_load %arg29[%swap3A_461, %swap3A_462] {strides = array<i32>} : memref<80x64xf32, #tpu.memory_space<vmem>>, vector<1x16xf32>,
        %swap3A_464 = vector.shape_cast %swap3A_463 : vector<1x16xf32> to vector<16xf32>
        %swap3A_465 = vector.shape_cast %add3A_460 : vector<16xf32> to vector<1x16xf32>
        tpu.vector_store %arg29[%swap3A_461, %swap3A_462], %swap3A_465 {strides = array<i32>} : memref<80x64xf32, #tpu.memory_space<vmem>>, vector<1x16xf32>,
        %neg3A_466 = arith.constant 0.000000e+00 : f32
        %neg3A_467 = vector.broadcast %neg3A_466 : f32 to vector<16xf32>
        %neg3A_468 = arith.subf %neg3A_467, %add3A_460 : vector<16xf32>
        %exp3A_469 = math.exp %neg3A_468 : vector<16xf32>
        %add3A_470 = arith.constant 1.000000e+00 : f32
        %add3A_471 = vector.broadcast %add3A_470 : f32 to vector<16xf32>
        %add3A_472 = arith.addf %add3A_471, %exp3A_469 : vector<16xf32>
        %div3A_473 = arith.constant 1.000000e+00 : f32
        %div3A_474 = vector.broadcast %div3A_473 : f32 to vector<16xf32>
        %div3A_475 = arith.divf %div3A_474, %add3A_472 : vector<16xf32>
        %swap3A_476 = arith.index_cast %add3A_446 : i32 to index
        %swap3A_477 = arith.constant 0 : index
        %swap3A_478 = tpu.vector_load %arg21[%swap3A_476, %swap3A_477] {strides = array<i32>} : memref<80x64xf32, #tpu.memory_space<vmem>>, vector<1x16xf32>,
        %swap3A_479 = vector.shape_cast %swap3A_478 : vector<1x16xf32> to vector<16xf32>
        %swap3A_480 = vector.shape_cast %div3A_475 : vector<16xf32> to vector<1x16xf32>
        tpu.vector_store %arg21[%swap3A_476, %swap3A_477], %swap3A_480 {strides = array<i32>} : memref<80x64xf32, #tpu.memory_space<vmem>>, vector<1x16xf32>,
        %get3A_481 = arith.index_cast %add3A_446 : i32 to index
        %get3A_482 = arith.constant 0 : index
        %get3A_483 = tpu.vector_load %arg27[%get3A_481, %get3A_482] {strides = array<i32>} : memref<80x64xf32, #tpu.memory_space<vmem>>, vector<1x16xf32>,
        %get3A_484 = vector.shape_cast %get3A_483 : vector<1x16xf32> to vector<16xf32>
        %mul3A_485 = arith.mulf %div3A_475, %get3A_484 : vector<16xf32>
        %swap3A_486 = arith.index_cast %add3A_446 : i32 to index
        %swap3A_487 = arith.constant 0 : index
        %swap3A_488 = tpu.vector_load %arg23[%swap3A_486, %swap3A_487] {strides = array<i32>} : memref<80x64xf32, #tpu.memory_space<vmem>>, vector<1x16xf32>,
        %swap3A_489 = vector.shape_cast %swap3A_488 : vector<1x16xf32> to vector<16xf32>
        %swap3A_490 = vector.shape_cast %mul3A_485 : vector<16xf32> to vector<1x16xf32>
        tpu.vector_store %arg23[%swap3A_486, %swap3A_487], %swap3A_490 {strides = array<i32>} : memref<80x64xf32, #tpu.memory_space<vmem>>, vector<1x16xf32>,
        %get3A_491 = arith.index_cast %add3A_446 : i32 to index
        %get3A_492 = arith.constant 16 : index
        %get3A_493 = tpu.vector_load %arg21[%get3A_491, %get3A_492] {strides = array<i32>} : memref<80x64xf32, #tpu.memory_space<vmem>>, vector<1x16xf32>,
        %get3A_494 = vector.shape_cast %get3A_493 : vector<1x16xf32> to vector<16xf32>
        %get3A_495 = arith.index_cast %add3A_446 : i32 to index
        %get3A_496 = arith.constant 16 : index
        %get3A_497 = tpu.vector_load %arg23[%get3A_495, %get3A_496] {strides = array<i32>} : memref<80x64xf32, #tpu.memory_space<vmem>>, vector<1x16xf32>,
        %get3A_498 = vector.shape_cast %get3A_497 : vector<1x16xf32> to vector<16xf32>
        %add3A_499 = arith.addf %get3A_494, %get3A_498 : vector<16xf32>
        %get3A_500 = arith.index_cast %add3A_446 : i32 to index
        %get3A_501 = arith.constant 16 : index
        %get3A_502 = tpu.vector_load %arg25[%get3A_500, %get3A_501] {strides = array<i32>} : memref<80x64xf32, #tpu.memory_space<vmem>>, vector<1x16xf32>,
        %get3A_503 = vector.shape_cast %get3A_502 : vector<1x16xf32> to vector<16xf32>
        %add3A_504 = arith.addf %add3A_499, %get3A_503 : vector<16xf32>
        %swap3A_505 = arith.index_cast %add3A_446 : i32 to index
        %swap3A_506 = arith.constant 16 : index
        %swap3A_507 = tpu.vector_load %arg29[%swap3A_505, %swap3A_506] {strides = array<i32>} : memref<80x64xf32, #tpu.memory_space<vmem>>, vector<1x16xf32>,
        %swap3A_508 = vector.shape_cast %swap3A_507 : vector<1x16xf32> to vector<16xf32>
        %swap3A_509 = vector.shape_cast %add3A_504 : vector<16xf32> to vector<1x16xf32>
        tpu.vector_store %arg29[%swap3A_505, %swap3A_506], %swap3A_509 {strides = array<i32>} : memref<80x64xf32, #tpu.memory_space<vmem>>, vector<1x16xf32>,
        %neg3A_510 = arith.constant 0.000000e+00 : f32
        %neg3A_511 = vector.broadcast %neg3A_510 : f32 to vector<16xf32>
        %neg3A_512 = arith.subf %neg3A_511, %add3A_504 : vector<16xf32>
        %exp3A_513 = math.exp %neg3A_512 : vector<16xf32>
        %add3A_514 = arith.constant 1.000000e+00 : f32
        %add3A_515 = vector.broadcast %add3A_514 : f32 to vector<16xf32>
        %add3A_516 = arith.addf %add3A_515, %exp3A_513 : vector<16xf32>
        %div3A_517 = arith.constant 1.000000e+00 : f32
        %div3A_518 = vector.broadcast %div3A_517 : f32 to vector<16xf32>
        %div3A_519 = arith.divf %div3A_518, %add3A_516 : vector<16xf32>
        %swap3A_520 = arith.index_cast %add3A_446 : i32 to index
        %swap3A_521 = arith.constant 16 : index
        %swap3A_522 = tpu.vector_load %arg21[%swap3A_520, %swap3A_521] {strides = array<i32>} : memref<80x64xf32, #tpu.memory_space<vmem>>, vector<1x16xf32>,
        %swap3A_523 = vector.shape_cast %swap3A_522 : vector<1x16xf32> to vector<16xf32>
        %swap3A_524 = vector.shape_cast %div3A_519 : vector<16xf32> to vector<1x16xf32>
        tpu.vector_store %arg21[%swap3A_520, %swap3A_521], %swap3A_524 {strides = array<i32>} : memref<80x64xf32, #tpu.memory_space<vmem>>, vector<1x16xf32>,
        %get3A_525 = arith.index_cast %add3A_446 : i32 to index
        %get3A_526 = arith.constant 16 : index
        %get3A_527 = tpu.vector_load %arg27[%get3A_525, %get3A_526] {strides = array<i32>} : memref<80x64xf32, #tpu.memory_space<vmem>>, vector<1x16xf32>,
        %get3A_528 = vector.shape_cast %get3A_527 : vector<1x16xf32> to vector<16xf32>
        %mul3A_529 = arith.mulf %div3A_519, %get3A_528 : vector<16xf32>
        %swap3A_530 = arith.index_cast %add3A_446 : i32 to index
        %swap3A_531 = arith.constant 16 : index
        %swap3A_532 = tpu.vector_load %arg23[%swap3A_530, %swap3A_531] {strides = array<i32>} : memref<80x64xf32, #tpu.memory_space<vmem>>, vector<1x16xf32>,
        %swap3A_533 = vector.shape_cast %swap3A_532 : vector<1x16xf32> to vector<16xf32>
        %swap3A_534 = vector.shape_cast %mul3A_529 : vector<16xf32> to vector<1x16xf32>
        tpu.vector_store %arg23[%swap3A_530, %swap3A_531], %swap3A_534 {strides = array<i32>} : memref<80x64xf32, #tpu.memory_space<vmem>>, vector<1x16xf32>,
        %get3A_535 = arith.index_cast %add3A_446 : i32 to index
        %get3A_536 = arith.constant 32 : index
        %get3A_537 = tpu.vector_load %arg21[%get3A_535, %get3A_536] {strides = array<i32>} : memref<80x64xf32, #tpu.memory_space<vmem>>, vector<1x16xf32>,
        %get3A_538 = vector.shape_cast %get3A_537 : vector<1x16xf32> to vector<16xf32>
        %get3A_539 = arith.index_cast %add3A_446 : i32 to index
        %get3A_540 = arith.constant 32 : index
        %get3A_541 = tpu.vector_load %arg23[%get3A_539, %get3A_540] {strides = array<i32>} : memref<80x64xf32, #tpu.memory_space<vmem>>, vector<1x16xf32>,
        %get3A_542 = vector.shape_cast %get3A_541 : vector<1x16xf32> to vector<16xf32>
        %add3A_543 = arith.addf %get3A_538, %get3A_542 : vector<16xf32>
        %get3A_544 = arith.index_cast %add3A_446 : i32 to index
        %get3A_545 = arith.constant 32 : index
        %get3A_546 = tpu.vector_load %arg25[%get3A_544, %get3A_545] {strides = array<i32>} : memref<80x64xf32, #tpu.memory_space<vmem>>, vector<1x16xf32>,
        %get3A_547 = vector.shape_cast %get3A_546 : vector<1x16xf32> to vector<16xf32>
        %add3A_548 = arith.addf %add3A_543, %get3A_547 : vector<16xf32>
        %swap3A_549 = arith.index_cast %add3A_446 : i32 to index
        %swap3A_550 = arith.constant 32 : index
        %swap3A_551 = tpu.vector_load %arg29[%swap3A_549, %swap3A_550] {strides = array<i32>} : memref<80x64xf32, #tpu.memory_space<vmem>>, vector<1x16xf32>,
        %swap3A_552 = vector.shape_cast %swap3A_551 : vector<1x16xf32> to vector<16xf32>
        %swap3A_553 = vector.shape_cast %add3A_548 : vector<16xf32> to vector<1x16xf32>
        tpu.vector_store %arg29[%swap3A_549, %swap3A_550], %swap3A_553 {strides = array<i32>} : memref<80x64xf32, #tpu.memory_space<vmem>>, vector<1x16xf32>,
        %neg3A_554 = arith.constant 0.000000e+00 : f32
        %neg3A_555 = vector.broadcast %neg3A_554 : f32 to vector<16xf32>
        %neg3A_556 = arith.subf %neg3A_555, %add3A_548 : vector<16xf32>
        %exp3A_557 = math.exp %neg3A_556 : vector<16xf32>
        %add3A_558 = arith.constant 1.000000e+00 : f32
        %add3A_559 = vector.broadcast %add3A_558 : f32 to vector<16xf32>
        %add3A_560 = arith.addf %add3A_559, %exp3A_557 : vector<16xf32>
        %div3A_561 = arith.constant 1.000000e+00 : f32
        %div3A_562 = vector.broadcast %div3A_561 : f32 to vector<16xf32>
        %div3A_563 = arith.divf %div3A_562, %add3A_560 : vector<16xf32>
        %swap3A_564 = arith.index_cast %add3A_446 : i32 to index
        %swap3A_565 = arith.constant 32 : index
        %swap3A_566 = tpu.vector_load %arg21[%swap3A_564, %swap3A_565] {strides = array<i32>} : memref<80x64xf32, #tpu.memory_space<vmem>>, vector<1x16xf32>,
        %swap3A_567 = vector.shape_cast %swap3A_566 : vector<1x16xf32> to vector<16xf32>
        %swap3A_568 = vector.shape_cast %div3A_563 : vector<16xf32> to vector<1x16xf32>
        tpu.vector_store %arg21[%swap3A_564, %swap3A_565], %swap3A_568 {strides = array<i32>} : memref<80x64xf32, #tpu.memory_space<vmem>>, vector<1x16xf32>,
        %get3A_569 = arith.index_cast %add3A_446 : i32 to index
        %get3A_570 = arith.constant 32 : index
        %get3A_571 = tpu.vector_load %arg27[%get3A_569, %get3A_570] {strides = array<i32>} : memref<80x64xf32, #tpu.memory_space<vmem>>, vector<1x16xf32>,
        %get3A_572 = vector.shape_cast %get3A_571 : vector<1x16xf32> to vector<16xf32>
        %mul3A_573 = arith.mulf %div3A_563, %get3A_572 : vector<16xf32>
        %swap3A_574 = arith.index_cast %add3A_446 : i32 to index
        %swap3A_575 = arith.constant 32 : index
        %swap3A_576 = tpu.vector_load %arg23[%swap3A_574, %swap3A_575] {strides = array<i32>} : memref<80x64xf32, #tpu.memory_space<vmem>>, vector<1x16xf32>,
        %swap3A_577 = vector.shape_cast %swap3A_576 : vector<1x16xf32> to vector<16xf32>
        %swap3A_578 = vector.shape_cast %mul3A_573 : vector<16xf32> to vector<1x16xf32>
        tpu.vector_store %arg23[%swap3A_574, %swap3A_575], %swap3A_578 {strides = array<i32>} : memref<80x64xf32, #tpu.memory_space<vmem>>, vector<1x16xf32>,
        %get3A_579 = arith.index_cast %add3A_446 : i32 to index
        %get3A_580 = arith.constant 48 : index
        %get3A_581 = tpu.vector_load %arg21[%get3A_579, %get3A_580] {strides = array<i32>} : memref<80x64xf32, #tpu.memory_space<vmem>>, vector<1x16xf32>,
        %get3A_582 = vector.shape_cast %get3A_581 : vector<1x16xf32> to vector<16xf32>
        %get3A_583 = arith.index_cast %add3A_446 : i32 to index
        %get3A_584 = arith.constant 48 : index
        %get3A_585 = tpu.vector_load %arg23[%get3A_583, %get3A_584] {strides = array<i32>} : memref<80x64xf32, #tpu.memory_space<vmem>>, vector<1x16xf32>,
        %get3A_586 = vector.shape_cast %get3A_585 : vector<1x16xf32> to vector<16xf32>
        %add3A_587 = arith.addf %get3A_582, %get3A_586 : vector<16xf32>
        %get3A_588 = arith.index_cast %add3A_446 : i32 to index
        %get3A_589 = arith.constant 48 : index
        %get3A_590 = tpu.vector_load %arg25[%get3A_588, %get3A_589] {strides = array<i32>} : memref<80x64xf32, #tpu.memory_space<vmem>>, vector<1x16xf32>,
        %get3A_591 = vector.shape_cast %get3A_590 : vector<1x16xf32> to vector<16xf32>
        %add3A_592 = arith.addf %add3A_587, %get3A_591 : vector<16xf32>
        %swap3A_593 = arith.index_cast %add3A_446 : i32 to index
        %swap3A_594 = arith.constant 48 : index
        %swap3A_595 = tpu.vector_load %arg29[%swap3A_593, %swap3A_594] {strides = array<i32>} : memref<80x64xf32, #tpu.memory_space<vmem>>, vector<1x16xf32>,
        %swap3A_596 = vector.shape_cast %swap3A_595 : vector<1x16xf32> to vector<16xf32>
        %swap3A_597 = vector.shape_cast %add3A_592 : vector<16xf32> to vector<1x16xf32>
        tpu.vector_store %arg29[%swap3A_593, %swap3A_594], %swap3A_597 {strides = array<i32>} : memref<80x64xf32, #tpu.memory_space<vmem>>, vector<1x16xf32>,
        %neg3A_598 = arith.constant 0.000000e+00 : f32
        %neg3A_599 = vector.broadcast %neg3A_598 : f32 to vector<16xf32>
        %neg3A_600 = arith.subf %neg3A_599, %add3A_592 : vector<16xf32>
        %exp3A_601 = math.exp %neg3A_600 : vector<16xf32>
        %add3A_602 = arith.constant 1.000000e+00 : f32
        %add3A_603 = vector.broadcast %add3A_602 : f32 to vector<16xf32>
        %add3A_604 = arith.addf %add3A_603, %exp3A_601 : vector<16xf32>
        %div3A_605 = arith.constant 1.000000e+00 : f32
        %div3A_606 = vector.broadcast %div3A_605 : f32 to vector<16xf32>
        %div3A_607 = arith.divf %div3A_606, %add3A_604 : vector<16xf32>
        %swap3A_608 = arith.index_cast %add3A_446 : i32 to index
        %swap3A_609 = arith.constant 48 : index
        %swap3A_610 = tpu.vector_load %arg21[%swap3A_608, %swap3A_609] {strides = array<i32>} : memref<80x64xf32, #tpu.memory_space<vmem>>, vector<1x16xf32>,
        %swap3A_611 = vector.shape_cast %swap3A_610 : vector<1x16xf32> to vector<16xf32>
        %swap3A_612 = vector.shape_cast %div3A_607 : vector<16xf32> to vector<1x16xf32>
        tpu.vector_store %arg21[%swap3A_608, %swap3A_609], %swap3A_612 {strides = array<i32>} : memref<80x64xf32, #tpu.memory_space<vmem>>, vector<1x16xf32>,
        %get3A_613 = arith.index_cast %add3A_446 : i32 to index
        %get3A_614 = arith.constant 48 : index
        %get3A_615 = tpu.vector_load %arg27[%get3A_613, %get3A_614] {strides = array<i32>} : memref<80x64xf32, #tpu.memory_space<vmem>>, vector<1x16xf32>,
        %get3A_616 = vector.shape_cast %get3A_615 : vector<1x16xf32> to vector<16xf32>
        %mul3A_617 = arith.mulf %div3A_607, %get3A_616 : vector<16xf32>
        %swap3A_618 = arith.index_cast %add3A_446 : i32 to index
        %swap3A_619 = arith.constant 48 : index
        %swap3A_620 = tpu.vector_load %arg23[%swap3A_618, %swap3A_619] {strides = array<i32>} : memref<80x64xf32, #tpu.memory_space<vmem>>, vector<1x16xf32>,
        %swap3A_621 = vector.shape_cast %swap3A_620 : vector<1x16xf32> to vector<16xf32>
        %swap3A_622 = vector.shape_cast %mul3A_617 : vector<16xf32> to vector<1x16xf32>
        tpu.vector_store %arg23[%swap3A_618, %swap3A_619], %swap3A_622 {strides = array<i32>} : memref<80x64xf32, #tpu.memory_space<vmem>>, vector<1x16xf32>,
        %mul3A_623 = arith.constant 4 : i32
        %mul3A_624 = arith.muli %scan3A_264, %mul3A_623 : i32
        %add3A_625 = arith.constant 2 : i32
        %add3A_626 = arith.addi %mul3A_624, %add3A_625 : i32
        %get3A_627 = arith.index_cast %add3A_626 : i32 to index
        %get3A_628 = arith.constant 0 : index
        %get3A_629 = tpu.vector_load %arg21[%get3A_627, %get3A_628] {strides = array<i32>} : memref<80x64xf32, #tpu.memory_space<vmem>>, vector<1x16xf32>,
        %get3A_630 = vector.shape_cast %get3A_629 : vector<1x16xf32> to vector<16xf32>
        %get3A_631 = arith.index_cast %add3A_626 : i32 to index
        %get3A_632 = arith.constant 0 : index
        %get3A_633 = tpu.vector_load %arg23[%get3A_631, %get3A_632] {strides = array<i32>} : memref<80x64xf32, #tpu.memory_space<vmem>>, vector<1x16xf32>,
        %get3A_634 = vector.shape_cast %get3A_633 : vector<1x16xf32> to vector<16xf32>
        %add3A_635 = arith.addf %get3A_630, %get3A_634 : vector<16xf32>
        %get3A_636 = arith.index_cast %add3A_626 : i32 to index
        %get3A_637 = arith.constant 0 : index
        %get3A_638 = tpu.vector_load %arg25[%get3A_636, %get3A_637] {strides = array<i32>} : memref<80x64xf32, #tpu.memory_space<vmem>>, vector<1x16xf32>,
        %get3A_639 = vector.shape_cast %get3A_638 : vector<1x16xf32> to vector<16xf32>
        %add3A_640 = arith.addf %add3A_635, %get3A_639 : vector<16xf32>
        %swap3A_641 = arith.index_cast %add3A_626 : i32 to index
        %swap3A_642 = arith.constant 0 : index
        %swap3A_643 = tpu.vector_load %arg29[%swap3A_641, %swap3A_642] {strides = array<i32>} : memref<80x64xf32, #tpu.memory_space<vmem>>, vector<1x16xf32>,
        %swap3A_644 = vector.shape_cast %swap3A_643 : vector<1x16xf32> to vector<16xf32>
        %swap3A_645 = vector.shape_cast %add3A_640 : vector<16xf32> to vector<1x16xf32>
        tpu.vector_store %arg29[%swap3A_641, %swap3A_642], %swap3A_645 {strides = array<i32>} : memref<80x64xf32, #tpu.memory_space<vmem>>, vector<1x16xf32>,
        %neg3A_646 = arith.constant 0.000000e+00 : f32
        %neg3A_647 = vector.broadcast %neg3A_646 : f32 to vector<16xf32>
        %neg3A_648 = arith.subf %neg3A_647, %add3A_640 : vector<16xf32>
        %exp3A_649 = math.exp %neg3A_648 : vector<16xf32>
        %add3A_650 = arith.constant 1.000000e+00 : f32
        %add3A_651 = vector.broadcast %add3A_650 : f32 to vector<16xf32>
        %add3A_652 = arith.addf %add3A_651, %exp3A_649 : vector<16xf32>
        %div3A_653 = arith.constant 1.000000e+00 : f32
        %div3A_654 = vector.broadcast %div3A_653 : f32 to vector<16xf32>
        %div3A_655 = arith.divf %div3A_654, %add3A_652 : vector<16xf32>
        %swap3A_656 = arith.index_cast %add3A_626 : i32 to index
        %swap3A_657 = arith.constant 0 : index
        %swap3A_658 = tpu.vector_load %arg21[%swap3A_656, %swap3A_657] {strides = array<i32>} : memref<80x64xf32, #tpu.memory_space<vmem>>, vector<1x16xf32>,
        %swap3A_659 = vector.shape_cast %swap3A_658 : vector<1x16xf32> to vector<16xf32>
        %swap3A_660 = vector.shape_cast %div3A_655 : vector<16xf32> to vector<1x16xf32>
        tpu.vector_store %arg21[%swap3A_656, %swap3A_657], %swap3A_660 {strides = array<i32>} : memref<80x64xf32, #tpu.memory_space<vmem>>, vector<1x16xf32>,
        %get3A_661 = arith.index_cast %add3A_626 : i32 to index
        %get3A_662 = arith.constant 0 : index
        %get3A_663 = tpu.vector_load %arg27[%get3A_661, %get3A_662] {strides = array<i32>} : memref<80x64xf32, #tpu.memory_space<vmem>>, vector<1x16xf32>,
        %get3A_664 = vector.shape_cast %get3A_663 : vector<1x16xf32> to vector<16xf32>
        %mul3A_665 = arith.mulf %div3A_655, %get3A_664 : vector<16xf32>
        %swap3A_666 = arith.index_cast %add3A_626 : i32 to index
        %swap3A_667 = arith.constant 0 : index
        %swap3A_668 = tpu.vector_load %arg23[%swap3A_666, %swap3A_667] {strides = array<i32>} : memref<80x64xf32, #tpu.memory_space<vmem>>, vector<1x16xf32>,
        %swap3A_669 = vector.shape_cast %swap3A_668 : vector<1x16xf32> to vector<16xf32>
        %swap3A_670 = vector.shape_cast %mul3A_665 : vector<16xf32> to vector<1x16xf32>
        tpu.vector_store %arg23[%swap3A_666, %swap3A_667], %swap3A_670 {strides = array<i32>} : memref<80x64xf32, #tpu.memory_space<vmem>>, vector<1x16xf32>,
        %get3A_671 = arith.index_cast %add3A_626 : i32 to index
        %get3A_672 = arith.constant 16 : index
        %get3A_673 = tpu.vector_load %arg21[%get3A_671, %get3A_672] {strides = array<i32>} : memref<80x64xf32, #tpu.memory_space<vmem>>, vector<1x16xf32>,
        %get3A_674 = vector.shape_cast %get3A_673 : vector<1x16xf32> to vector<16xf32>
        %get3A_675 = arith.index_cast %add3A_626 : i32 to index
        %get3A_676 = arith.constant 16 : index
        %get3A_677 = tpu.vector_load %arg23[%get3A_675, %get3A_676] {strides = array<i32>} : memref<80x64xf32, #tpu.memory_space<vmem>>, vector<1x16xf32>,
        %get3A_678 = vector.shape_cast %get3A_677 : vector<1x16xf32> to vector<16xf32>
        %add3A_679 = arith.addf %get3A_674, %get3A_678 : vector<16xf32>
        %get3A_680 = arith.index_cast %add3A_626 : i32 to index
        %get3A_681 = arith.constant 16 : index
        %get3A_682 = tpu.vector_load %arg25[%get3A_680, %get3A_681] {strides = array<i32>} : memref<80x64xf32, #tpu.memory_space<vmem>>, vector<1x16xf32>,
        %get3A_683 = vector.shape_cast %get3A_682 : vector<1x16xf32> to vector<16xf32>
        %add3A_684 = arith.addf %add3A_679, %get3A_683 : vector<16xf32>
        %swap3A_685 = arith.index_cast %add3A_626 : i32 to index
        %swap3A_686 = arith.constant 16 : index
        %swap3A_687 = tpu.vector_load %arg29[%swap3A_685, %swap3A_686] {strides = array<i32>} : memref<80x64xf32, #tpu.memory_space<vmem>>, vector<1x16xf32>,
        %swap3A_688 = vector.shape_cast %swap3A_687 : vector<1x16xf32> to vector<16xf32>
        %swap3A_689 = vector.shape_cast %add3A_684 : vector<16xf32> to vector<1x16xf32>
        tpu.vector_store %arg29[%swap3A_685, %swap3A_686], %swap3A_689 {strides = array<i32>} : memref<80x64xf32, #tpu.memory_space<vmem>>, vector<1x16xf32>,
        %neg3A_690 = arith.constant 0.000000e+00 : f32
        %neg3A_691 = vector.broadcast %neg3A_690 : f32 to vector<16xf32>
        %neg3A_692 = arith.subf %neg3A_691, %add3A_684 : vector<16xf32>
        %exp3A_693 = math.exp %neg3A_692 : vector<16xf32>
        %add3A_694 = arith.constant 1.000000e+00 : f32
        %add3A_695 = vector.broadcast %add3A_694 : f32 to vector<16xf32>
        %add3A_696 = arith.addf %add3A_695, %exp3A_693 : vector<16xf32>
        %div3A_697 = arith.constant 1.000000e+00 : f32
        %div3A_698 = vector.broadcast %div3A_697 : f32 to vector<16xf32>
        %div3A_699 = arith.divf %div3A_698, %add3A_696 : vector<16xf32>
        %swap3A_700 = arith.index_cast %add3A_626 : i32 to index
        %swap3A_701 = arith.constant 16 : index
        %swap3A_702 = tpu.vector_load %arg21[%swap3A_700, %swap3A_701] {strides = array<i32>} : memref<80x64xf32, #tpu.memory_space<vmem>>, vector<1x16xf32>,
        %swap3A_703 = vector.shape_cast %swap3A_702 : vector<1x16xf32> to vector<16xf32>
        %swap3A_704 = vector.shape_cast %div3A_699 : vector<16xf32> to vector<1x16xf32>
        tpu.vector_store %arg21[%swap3A_700, %swap3A_701], %swap3A_704 {strides = array<i32>} : memref<80x64xf32, #tpu.memory_space<vmem>>, vector<1x16xf32>,
        %get3A_705 = arith.index_cast %add3A_626 : i32 to index
        %get3A_706 = arith.constant 16 : index
        %get3A_707 = tpu.vector_load %arg27[%get3A_705, %get3A_706] {strides = array<i32>} : memref<80x64xf32, #tpu.memory_space<vmem>>, vector<1x16xf32>,
        %get3A_708 = vector.shape_cast %get3A_707 : vector<1x16xf32> to vector<16xf32>
        %mul3A_709 = arith.mulf %div3A_699, %get3A_708 : vector<16xf32>
        %swap3A_710 = arith.index_cast %add3A_626 : i32 to index
        %swap3A_711 = arith.constant 16 : index
        %swap3A_712 = tpu.vector_load %arg23[%swap3A_710, %swap3A_711] {strides = array<i32>} : memref<80x64xf32, #tpu.memory_space<vmem>>, vector<1x16xf32>,
        %swap3A_713 = vector.shape_cast %swap3A_712 : vector<1x16xf32> to vector<16xf32>
        %swap3A_714 = vector.shape_cast %mul3A_709 : vector<16xf32> to vector<1x16xf32>
        tpu.vector_store %arg23[%swap3A_710, %swap3A_711], %swap3A_714 {strides = array<i32>} : memref<80x64xf32, #tpu.memory_space<vmem>>, vector<1x16xf32>,
        %get3A_715 = arith.index_cast %add3A_626 : i32 to index
        %get3A_716 = arith.constant 32 : index
        %get3A_717 = tpu.vector_load %arg21[%get3A_715, %get3A_716] {strides = array<i32>} : memref<80x64xf32, #tpu.memory_space<vmem>>, vector<1x16xf32>,
        %get3A_718 = vector.shape_cast %get3A_717 : vector<1x16xf32> to vector<16xf32>
        %get3A_719 = arith.index_cast %add3A_626 : i32 to index
        %get3A_720 = arith.constant 32 : index
        %get3A_721 = tpu.vector_load %arg23[%get3A_719, %get3A_720] {strides = array<i32>} : memref<80x64xf32, #tpu.memory_space<vmem>>, vector<1x16xf32>,
        %get3A_722 = vector.shape_cast %get3A_721 : vector<1x16xf32> to vector<16xf32>
        %add3A_723 = arith.addf %get3A_718, %get3A_722 : vector<16xf32>
        %get3A_724 = arith.index_cast %add3A_626 : i32 to index
        %get3A_725 = arith.constant 32 : index
        %get3A_726 = tpu.vector_load %arg25[%get3A_724, %get3A_725] {strides = array<i32>} : memref<80x64xf32, #tpu.memory_space<vmem>>, vector<1x16xf32>,
        %get3A_727 = vector.shape_cast %get3A_726 : vector<1x16xf32> to vector<16xf32>
        %add3A_728 = arith.addf %add3A_723, %get3A_727 : vector<16xf32>
        %swap3A_729 = arith.index_cast %add3A_626 : i32 to index
        %swap3A_730 = arith.constant 32 : index
        %swap3A_731 = tpu.vector_load %arg29[%swap3A_729, %swap3A_730] {strides = array<i32>} : memref<80x64xf32, #tpu.memory_space<vmem>>, vector<1x16xf32>,
        %swap3A_732 = vector.shape_cast %swap3A_731 : vector<1x16xf32> to vector<16xf32>
        %swap3A_733 = vector.shape_cast %add3A_728 : vector<16xf32> to vector<1x16xf32>
        tpu.vector_store %arg29[%swap3A_729, %swap3A_730], %swap3A_733 {strides = array<i32>} : memref<80x64xf32, #tpu.memory_space<vmem>>, vector<1x16xf32>,
        %neg3A_734 = arith.constant 0.000000e+00 : f32
        %neg3A_735 = vector.broadcast %neg3A_734 : f32 to vector<16xf32>
        %neg3A_736 = arith.subf %neg3A_735, %add3A_728 : vector<16xf32>
        %exp3A_737 = math.exp %neg3A_736 : vector<16xf32>
        %add3A_738 = arith.constant 1.000000e+00 : f32
        %add3A_739 = vector.broadcast %add3A_738 : f32 to vector<16xf32>
        %add3A_740 = arith.addf %add3A_739, %exp3A_737 : vector<16xf32>
        %div3A_741 = arith.constant 1.000000e+00 : f32
        %div3A_742 = vector.broadcast %div3A_741 : f32 to vector<16xf32>
        %div3A_743 = arith.divf %div3A_742, %add3A_740 : vector<16xf32>
        %swap3A_744 = arith.index_cast %add3A_626 : i32 to index
        %swap3A_745 = arith.constant 32 : index
        %swap3A_746 = tpu.vector_load %arg21[%swap3A_744, %swap3A_745] {strides = array<i32>} : memref<80x64xf32, #tpu.memory_space<vmem>>, vector<1x16xf32>,
        %swap3A_747 = vector.shape_cast %swap3A_746 : vector<1x16xf32> to vector<16xf32>
        %swap3A_748 = vector.shape_cast %div3A_743 : vector<16xf32> to vector<1x16xf32>
        tpu.vector_store %arg21[%swap3A_744, %swap3A_745], %swap3A_748 {strides = array<i32>} : memref<80x64xf32, #tpu.memory_space<vmem>>, vector<1x16xf32>,
        %get3A_749 = arith.index_cast %add3A_626 : i32 to index
        %get3A_750 = arith.constant 32 : index
        %get3A_751 = tpu.vector_load %arg27[%get3A_749, %get3A_750] {strides = array<i32>} : memref<80x64xf32, #tpu.memory_space<vmem>>, vector<1x16xf32>,
        %get3A_752 = vector.shape_cast %get3A_751 : vector<1x16xf32> to vector<16xf32>
        %mul3A_753 = arith.mulf %div3A_743, %get3A_752 : vector<16xf32>
        %swap3A_754 = arith.index_cast %add3A_626 : i32 to index
        %swap3A_755 = arith.constant 32 : index
        %swap3A_756 = tpu.vector_load %arg23[%swap3A_754, %swap3A_755] {strides = array<i32>} : memref<80x64xf32, #tpu.memory_space<vmem>>, vector<1x16xf32>,
        %swap3A_757 = vector.shape_cast %swap3A_756 : vector<1x16xf32> to vector<16xf32>
        %swap3A_758 = vector.shape_cast %mul3A_753 : vector<16xf32> to vector<1x16xf32>
        tpu.vector_store %arg23[%swap3A_754, %swap3A_755], %swap3A_758 {strides = array<i32>} : memref<80x64xf32, #tpu.memory_space<vmem>>, vector<1x16xf32>,
        %get3A_759 = arith.index_cast %add3A_626 : i32 to index
        %get3A_760 = arith.constant 48 : index
        %get3A_761 = tpu.vector_load %arg21[%get3A_759, %get3A_760] {strides = array<i32>} : memref<80x64xf32, #tpu.memory_space<vmem>>, vector<1x16xf32>,
        %get3A_762 = vector.shape_cast %get3A_761 : vector<1x16xf32> to vector<16xf32>
        %get3A_763 = arith.index_cast %add3A_626 : i32 to index
        %get3A_764 = arith.constant 48 : index
        %get3A_765 = tpu.vector_load %arg23[%get3A_763, %get3A_764] {strides = array<i32>} : memref<80x64xf32, #tpu.memory_space<vmem>>, vector<1x16xf32>,
        %get3A_766 = vector.shape_cast %get3A_765 : vector<1x16xf32> to vector<16xf32>
        %add3A_767 = arith.addf %get3A_762, %get3A_766 : vector<16xf32>
        %get3A_768 = arith.index_cast %add3A_626 : i32 to index
        %get3A_769 = arith.constant 48 : index
        %get3A_770 = tpu.vector_load %arg25[%get3A_768, %get3A_769] {strides = array<i32>} : memref<80x64xf32, #tpu.memory_space<vmem>>, vector<1x16xf32>,
        %get3A_771 = vector.shape_cast %get3A_770 : vector<1x16xf32> to vector<16xf32>
        %add3A_772 = arith.addf %add3A_767, %get3A_771 : vector<16xf32>
        %swap3A_773 = arith.index_cast %add3A_626 : i32 to index
        %swap3A_774 = arith.constant 48 : index
        %swap3A_775 = tpu.vector_load %arg29[%swap3A_773, %swap3A_774] {strides = array<i32>} : memref<80x64xf32, #tpu.memory_space<vmem>>, vector<1x16xf32>,
        %swap3A_776 = vector.shape_cast %swap3A_775 : vector<1x16xf32> to vector<16xf32>
        %swap3A_777 = vector.shape_cast %add3A_772 : vector<16xf32> to vector<1x16xf32>
        tpu.vector_store %arg29[%swap3A_773, %swap3A_774], %swap3A_777 {strides = array<i32>} : memref<80x64xf32, #tpu.memory_space<vmem>>, vector<1x16xf32>,
        %neg3A_778 = arith.constant 0.000000e+00 : f32
        %neg3A_779 = vector.broadcast %neg3A_778 : f32 to vector<16xf32>
        %neg3A_780 = arith.subf %neg3A_779, %add3A_772 : vector<16xf32>
        %exp3A_781 = math.exp %neg3A_780 : vector<16xf32>
        %add3A_782 = arith.constant 1.000000e+00 : f32
        %add3A_783 = vector.broadcast %add3A_782 : f32 to vector<16xf32>
        %add3A_784 = arith.addf %add3A_783, %exp3A_781 : vector<16xf32>
        %div3A_785 = arith.constant 1.000000e+00 : f32
        %div3A_786 = vector.broadcast %div3A_785 : f32 to vector<16xf32>
        %div3A_787 = arith.divf %div3A_786, %add3A_784 : vector<16xf32>
        %swap3A_788 = arith.index_cast %add3A_626 : i32 to index
        %swap3A_789 = arith.constant 48 : index
        %swap3A_790 = tpu.vector_load %arg21[%swap3A_788, %swap3A_789] {strides = array<i32>} : memref<80x64xf32, #tpu.memory_space<vmem>>, vector<1x16xf32>,
        %swap3A_791 = vector.shape_cast %swap3A_790 : vector<1x16xf32> to vector<16xf32>
        %swap3A_792 = vector.shape_cast %div3A_787 : vector<16xf32> to vector<1x16xf32>
        tpu.vector_store %arg21[%swap3A_788, %swap3A_789], %swap3A_792 {strides = array<i32>} : memref<80x64xf32, #tpu.memory_space<vmem>>, vector<1x16xf32>,
        %get3A_793 = arith.index_cast %add3A_626 : i32 to index
        %get3A_794 = arith.constant 48 : index
        %get3A_795 = tpu.vector_load %arg27[%get3A_793, %get3A_794] {strides = array<i32>} : memref<80x64xf32, #tpu.memory_space<vmem>>, vector<1x16xf32>,
        %get3A_796 = vector.shape_cast %get3A_795 : vector<1x16xf32> to vector<16xf32>
        %mul3A_797 = arith.mulf %div3A_787, %get3A_796 : vector<16xf32>
        %swap3A_798 = arith.index_cast %add3A_626 : i32 to index
        %swap3A_799 = arith.constant 48 : index
        %swap3A_800 = tpu.vector_load %arg23[%swap3A_798, %swap3A_799] {strides = array<i32>} : memref<80x64xf32, #tpu.memory_space<vmem>>, vector<1x16xf32>,
        %swap3A_801 = vector.shape_cast %swap3A_800 : vector<1x16xf32> to vector<16xf32>
        %swap3A_802 = vector.shape_cast %mul3A_797 : vector<16xf32> to vector<1x16xf32>
        tpu.vector_store %arg23[%swap3A_798, %swap3A_799], %swap3A_802 {strides = array<i32>} : memref<80x64xf32, #tpu.memory_space<vmem>>, vector<1x16xf32>,
        %mul3A_803 = arith.constant 4 : i32
        %mul3A_804 = arith.muli %scan3A_264, %mul3A_803 : i32
        %add3A_805 = arith.constant 3 : i32
        %add3A_806 = arith.addi %mul3A_804, %add3A_805 : i32
        %get3A_807 = arith.index_cast %add3A_806 : i32 to index
        %get3A_808 = arith.constant 0 : index
        %get3A_809 = tpu.vector_load %arg21[%get3A_807, %get3A_808] {strides = array<i32>} : memref<80x64xf32, #tpu.memory_space<vmem>>, vector<1x16xf32>,
        %get3A_810 = vector.shape_cast %get3A_809 : vector<1x16xf32> to vector<16xf32>
        %get3A_811 = arith.index_cast %add3A_806 : i32 to index
        %get3A_812 = arith.constant 0 : index
        %get3A_813 = tpu.vector_load %arg23[%get3A_811, %get3A_812] {strides = array<i32>} : memref<80x64xf32, #tpu.memory_space<vmem>>, vector<1x16xf32>,
        %get3A_814 = vector.shape_cast %get3A_813 : vector<1x16xf32> to vector<16xf32>
        %add3A_815 = arith.addf %get3A_810, %get3A_814 : vector<16xf32>
        %get3A_816 = arith.index_cast %add3A_806 : i32 to index
        %get3A_817 = arith.constant 0 : index
        %get3A_818 = tpu.vector_load %arg25[%get3A_816, %get3A_817] {strides = array<i32>} : memref<80x64xf32, #tpu.memory_space<vmem>>, vector<1x16xf32>,
        %get3A_819 = vector.shape_cast %get3A_818 : vector<1x16xf32> to vector<16xf32>
        %add3A_820 = arith.addf %add3A_815, %get3A_819 : vector<16xf32>
        %swap3A_821 = arith.index_cast %add3A_806 : i32 to index
        %swap3A_822 = arith.constant 0 : index
        %swap3A_823 = tpu.vector_load %arg29[%swap3A_821, %swap3A_822] {strides = array<i32>} : memref<80x64xf32, #tpu.memory_space<vmem>>, vector<1x16xf32>,
        %swap3A_824 = vector.shape_cast %swap3A_823 : vector<1x16xf32> to vector<16xf32>
        %swap3A_825 = vector.shape_cast %add3A_820 : vector<16xf32> to vector<1x16xf32>
        tpu.vector_store %arg29[%swap3A_821, %swap3A_822], %swap3A_825 {strides = array<i32>} : memref<80x64xf32, #tpu.memory_space<vmem>>, vector<1x16xf32>,
        %neg3A_826 = arith.constant 0.000000e+00 : f32
        %neg3A_827 = vector.broadcast %neg3A_826 : f32 to vector<16xf32>
        %neg3A_828 = arith.subf %neg3A_827, %add3A_820 : vector<16xf32>
        %exp3A_829 = math.exp %neg3A_828 : vector<16xf32>
        %add3A_830 = arith.constant 1.000000e+00 : f32
        %add3A_831 = vector.broadcast %add3A_830 : f32 to vector<16xf32>
        %add3A_832 = arith.addf %add3A_831, %exp3A_829 : vector<16xf32>
        %div3A_833 = arith.constant 1.000000e+00 : f32
        %div3A_834 = vector.broadcast %div3A_833 : f32 to vector<16xf32>
        %div3A_835 = arith.divf %div3A_834, %add3A_832 : vector<16xf32>
        %swap3A_836 = arith.index_cast %add3A_806 : i32 to index
        %swap3A_837 = arith.constant 0 : index
        %swap3A_838 = tpu.vector_load %arg21[%swap3A_836, %swap3A_837] {strides = array<i32>} : memref<80x64xf32, #tpu.memory_space<vmem>>, vector<1x16xf32>,
        %swap3A_839 = vector.shape_cast %swap3A_838 : vector<1x16xf32> to vector<16xf32>
        %swap3A_840 = vector.shape_cast %div3A_835 : vector<16xf32> to vector<1x16xf32>
        tpu.vector_store %arg21[%swap3A_836, %swap3A_837], %swap3A_840 {strides = array<i32>} : memref<80x64xf32, #tpu.memory_space<vmem>>, vector<1x16xf32>,
        %get3A_841 = arith.index_cast %add3A_806 : i32 to index
        %get3A_842 = arith.constant 0 : index
        %get3A_843 = tpu.vector_load %arg27[%get3A_841, %get3A_842] {strides = array<i32>} : memref<80x64xf32, #tpu.memory_space<vmem>>, vector<1x16xf32>,
        %get3A_844 = vector.shape_cast %get3A_843 : vector<1x16xf32> to vector<16xf32>
        %mul3A_845 = arith.mulf %div3A_835, %get3A_844 : vector<16xf32>
        %swap3A_846 = arith.index_cast %add3A_806 : i32 to index
        %swap3A_847 = arith.constant 0 : index
        %swap3A_848 = tpu.vector_load %arg23[%swap3A_846, %swap3A_847] {strides = array<i32>} : memref<80x64xf32, #tpu.memory_space<vmem>>, vector<1x16xf32>,
        %swap3A_849 = vector.shape_cast %swap3A_848 : vector<1x16xf32> to vector<16xf32>
        %swap3A_850 = vector.shape_cast %mul3A_845 : vector<16xf32> to vector<1x16xf32>
        tpu.vector_store %arg23[%swap3A_846, %swap3A_847], %swap3A_850 {strides = array<i32>} : memref<80x64xf32, #tpu.memory_space<vmem>>, vector<1x16xf32>,
        %get3A_851 = arith.index_cast %add3A_806 : i32 to index
        %get3A_852 = arith.constant 16 : index
        %get3A_853 = tpu.vector_load %arg21[%get3A_851, %get3A_852] {strides = array<i32>} : memref<80x64xf32, #tpu.memory_space<vmem>>, vector<1x16xf32>,
        %get3A_854 = vector.shape_cast %get3A_853 : vector<1x16xf32> to vector<16xf32>
        %get3A_855 = arith.index_cast %add3A_806 : i32 to index
        %get3A_856 = arith.constant 16 : index
        %get3A_857 = tpu.vector_load %arg23[%get3A_855, %get3A_856] {strides = array<i32>} : memref<80x64xf32, #tpu.memory_space<vmem>>, vector<1x16xf32>,
        %get3A_858 = vector.shape_cast %get3A_857 : vector<1x16xf32> to vector<16xf32>
        %add3A_859 = arith.addf %get3A_854, %get3A_858 : vector<16xf32>
        %get3A_860 = arith.index_cast %add3A_806 : i32 to index
        %get3A_861 = arith.constant 16 : index
        %get3A_862 = tpu.vector_load %arg25[%get3A_860, %get3A_861] {strides = array<i32>} : memref<80x64xf32, #tpu.memory_space<vmem>>, vector<1x16xf32>,
        %get3A_863 = vector.shape_cast %get3A_862 : vector<1x16xf32> to vector<16xf32>
        %add3A_864 = arith.addf %add3A_859, %get3A_863 : vector<16xf32>
        %swap3A_865 = arith.index_cast %add3A_806 : i32 to index
        %swap3A_866 = arith.constant 16 : index
        %swap3A_867 = tpu.vector_load %arg29[%swap3A_865, %swap3A_866] {strides = array<i32>} : memref<80x64xf32, #tpu.memory_space<vmem>>, vector<1x16xf32>,
        %swap3A_868 = vector.shape_cast %swap3A_867 : vector<1x16xf32> to vector<16xf32>
        %swap3A_869 = vector.shape_cast %add3A_864 : vector<16xf32> to vector<1x16xf32>
        tpu.vector_store %arg29[%swap3A_865, %swap3A_866], %swap3A_869 {strides = array<i32>} : memref<80x64xf32, #tpu.memory_space<vmem>>, vector<1x16xf32>,
        %neg3A_870 = arith.constant 0.000000e+00 : f32
        %neg3A_871 = vector.broadcast %neg3A_870 : f32 to vector<16xf32>
        %neg3A_872 = arith.subf %neg3A_871, %add3A_864 : vector<16xf32>
        %exp3A_873 = math.exp %neg3A_872 : vector<16xf32>
        %add3A_874 = arith.constant 1.000000e+00 : f32
        %add3A_875 = vector.broadcast %add3A_874 : f32 to vector<16xf32>
        %add3A_876 = arith.addf %add3A_875, %exp3A_873 : vector<16xf32>
        %div3A_877 = arith.constant 1.000000e+00 : f32
        %div3A_878 = vector.broadcast %div3A_877 : f32 to vector<16xf32>
        %div3A_879 = arith.divf %div3A_878, %add3A_876 : vector<16xf32>
        %swap3A_880 = arith.index_cast %add3A_806 : i32 to index
        %swap3A_881 = arith.constant 16 : index
        %swap3A_882 = tpu.vector_load %arg21[%swap3A_880, %swap3A_881] {strides = array<i32>} : memref<80x64xf32, #tpu.memory_space<vmem>>, vector<1x16xf32>,
        %swap3A_883 = vector.shape_cast %swap3A_882 : vector<1x16xf32> to vector<16xf32>
        %swap3A_884 = vector.shape_cast %div3A_879 : vector<16xf32> to vector<1x16xf32>
        tpu.vector_store %arg21[%swap3A_880, %swap3A_881], %swap3A_884 {strides = array<i32>} : memref<80x64xf32, #tpu.memory_space<vmem>>, vector<1x16xf32>,
        %get3A_885 = arith.index_cast %add3A_806 : i32 to index
        %get3A_886 = arith.constant 16 : index
        %get3A_887 = tpu.vector_load %arg27[%get3A_885, %get3A_886] {strides = array<i32>} : memref<80x64xf32, #tpu.memory_space<vmem>>, vector<1x16xf32>,
        %get3A_888 = vector.shape_cast %get3A_887 : vector<1x16xf32> to vector<16xf32>
        %mul3A_889 = arith.mulf %div3A_879, %get3A_888 : vector<16xf32>
        %swap3A_890 = arith.index_cast %add3A_806 : i32 to index
        %swap3A_891 = arith.constant 16 : index
        %swap3A_892 = tpu.vector_load %arg23[%swap3A_890, %swap3A_891] {strides = array<i32>} : memref<80x64xf32, #tpu.memory_space<vmem>>, vector<1x16xf32>,
        %swap3A_893 = vector.shape_cast %swap3A_892 : vector<1x16xf32> to vector<16xf32>
        %swap3A_894 = vector.shape_cast %mul3A_889 : vector<16xf32> to vector<1x16xf32>
        tpu.vector_store %arg23[%swap3A_890, %swap3A_891], %swap3A_894 {strides = array<i32>} : memref<80x64xf32, #tpu.memory_space<vmem>>, vector<1x16xf32>,
        %get3A_895 = arith.index_cast %add3A_806 : i32 to index
        %get3A_896 = arith.constant 32 : index
        %get3A_897 = tpu.vector_load %arg21[%get3A_895, %get3A_896] {strides = array<i32>} : memref<80x64xf32, #tpu.memory_space<vmem>>, vector<1x16xf32>,
        %get3A_898 = vector.shape_cast %get3A_897 : vector<1x16xf32> to vector<16xf32>
        %get3A_899 = arith.index_cast %add3A_806 : i32 to index
        %get3A_900 = arith.constant 32 : index
        %get3A_901 = tpu.vector_load %arg23[%get3A_899, %get3A_900] {strides = array<i32>} : memref<80x64xf32, #tpu.memory_space<vmem>>, vector<1x16xf32>,
        %get3A_902 = vector.shape_cast %get3A_901 : vector<1x16xf32> to vector<16xf32>
        %add3A_903 = arith.addf %get3A_898, %get3A_902 : vector<16xf32>
        %get3A_904 = arith.index_cast %add3A_806 : i32 to index
        %get3A_905 = arith.constant 32 : index
        %get3A_906 = tpu.vector_load %arg25[%get3A_904, %get3A_905] {strides = array<i32>} : memref<80x64xf32, #tpu.memory_space<vmem>>, vector<1x16xf32>,
        %get3A_907 = vector.shape_cast %get3A_906 : vector<1x16xf32> to vector<16xf32>
        %add3A_908 = arith.addf %add3A_903, %get3A_907 : vector<16xf32>
        %swap3A_909 = arith.index_cast %add3A_806 : i32 to index
        %swap3A_910 = arith.constant 32 : index
        %swap3A_911 = tpu.vector_load %arg29[%swap3A_909, %swap3A_910] {strides = array<i32>} : memref<80x64xf32, #tpu.memory_space<vmem>>, vector<1x16xf32>,
        %swap3A_912 = vector.shape_cast %swap3A_911 : vector<1x16xf32> to vector<16xf32>
        %swap3A_913 = vector.shape_cast %add3A_908 : vector<16xf32> to vector<1x16xf32>
        tpu.vector_store %arg29[%swap3A_909, %swap3A_910], %swap3A_913 {strides = array<i32>} : memref<80x64xf32, #tpu.memory_space<vmem>>, vector<1x16xf32>,
        %neg3A_914 = arith.constant 0.000000e+00 : f32
        %neg3A_915 = vector.broadcast %neg3A_914 : f32 to vector<16xf32>
        %neg3A_916 = arith.subf %neg3A_915, %add3A_908 : vector<16xf32>
        %exp3A_917 = math.exp %neg3A_916 : vector<16xf32>
        %add3A_918 = arith.constant 1.000000e+00 : f32
        %add3A_919 = vector.broadcast %add3A_918 : f32 to vector<16xf32>
        %add3A_920 = arith.addf %add3A_919, %exp3A_917 : vector<16xf32>
        %div3A_921 = arith.constant 1.000000e+00 : f32
        %div3A_922 = vector.broadcast %div3A_921 : f32 to vector<16xf32>
        %div3A_923 = arith.divf %div3A_922, %add3A_920 : vector<16xf32>
        %swap3A_924 = arith.index_cast %add3A_806 : i32 to index
        %swap3A_925 = arith.constant 32 : index
        %swap3A_926 = tpu.vector_load %arg21[%swap3A_924, %swap3A_925] {strides = array<i32>} : memref<80x64xf32, #tpu.memory_space<vmem>>, vector<1x16xf32>,
        %swap3A_927 = vector.shape_cast %swap3A_926 : vector<1x16xf32> to vector<16xf32>
        %swap3A_928 = vector.shape_cast %div3A_923 : vector<16xf32> to vector<1x16xf32>
        tpu.vector_store %arg21[%swap3A_924, %swap3A_925], %swap3A_928 {strides = array<i32>} : memref<80x64xf32, #tpu.memory_space<vmem>>, vector<1x16xf32>,
        %get3A_929 = arith.index_cast %add3A_806 : i32 to index
        %get3A_930 = arith.constant 32 : index
        %get3A_931 = tpu.vector_load %arg27[%get3A_929, %get3A_930] {strides = array<i32>} : memref<80x64xf32, #tpu.memory_space<vmem>>, vector<1x16xf32>,
        %get3A_932 = vector.shape_cast %get3A_931 : vector<1x16xf32> to vector<16xf32>
        %mul3A_933 = arith.mulf %div3A_923, %get3A_932 : vector<16xf32>
        %swap3A_934 = arith.index_cast %add3A_806 : i32 to index
        %swap3A_935 = arith.constant 32 : index
        %swap3A_936 = tpu.vector_load %arg23[%swap3A_934, %swap3A_935] {strides = array<i32>} : memref<80x64xf32, #tpu.memory_space<vmem>>, vector<1x16xf32>,
        %swap3A_937 = vector.shape_cast %swap3A_936 : vector<1x16xf32> to vector<16xf32>
        %swap3A_938 = vector.shape_cast %mul3A_933 : vector<16xf32> to vector<1x16xf32>
        tpu.vector_store %arg23[%swap3A_934, %swap3A_935], %swap3A_938 {strides = array<i32>} : memref<80x64xf32, #tpu.memory_space<vmem>>, vector<1x16xf32>,
        %get3A_939 = arith.index_cast %add3A_806 : i32 to index
        %get3A_940 = arith.constant 48 : index
        %get3A_941 = tpu.vector_load %arg21[%get3A_939, %get3A_940] {strides = array<i32>} : memref<80x64xf32, #tpu.memory_space<vmem>>, vector<1x16xf32>,
        %get3A_942 = vector.shape_cast %get3A_941 : vector<1x16xf32> to vector<16xf32>
        %get3A_943 = arith.index_cast %add3A_806 : i32 to index
        %get3A_944 = arith.constant 48 : index
        %get3A_945 = tpu.vector_load %arg23[%get3A_943, %get3A_944] {strides = array<i32>} : memref<80x64xf32, #tpu.memory_space<vmem>>, vector<1x16xf32>,
        %get3A_946 = vector.shape_cast %get3A_945 : vector<1x16xf32> to vector<16xf32>
        %add3A_947 = arith.addf %get3A_942, %get3A_946 : vector<16xf32>
        %get3A_948 = arith.index_cast %add3A_806 : i32 to index
        %get3A_949 = arith.constant 48 : index
        %get3A_950 = tpu.vector_load %arg25[%get3A_948, %get3A_949] {strides = array<i32>} : memref<80x64xf32, #tpu.memory_space<vmem>>, vector<1x16xf32>,
        %get3A_951 = vector.shape_cast %get3A_950 : vector<1x16xf32> to vector<16xf32>
        %add3A_952 = arith.addf %add3A_947, %get3A_951 : vector<16xf32>
        %swap3A_953 = arith.index_cast %add3A_806 : i32 to index
        %swap3A_954 = arith.constant 48 : index
        %swap3A_955 = tpu.vector_load %arg29[%swap3A_953, %swap3A_954] {strides = array<i32>} : memref<80x64xf32, #tpu.memory_space<vmem>>, vector<1x16xf32>,
        %swap3A_956 = vector.shape_cast %swap3A_955 : vector<1x16xf32> to vector<16xf32>
        %swap3A_957 = vector.shape_cast %add3A_952 : vector<16xf32> to vector<1x16xf32>
        tpu.vector_store %arg29[%swap3A_953, %swap3A_954], %swap3A_957 {strides = array<i32>} : memref<80x64xf32, #tpu.memory_space<vmem>>, vector<1x16xf32>,
        %neg3A_958 = arith.constant 0.000000e+00 : f32
        %neg3A_959 = vector.broadcast %neg3A_958 : f32 to vector<16xf32>
        %neg3A_960 = arith.subf %neg3A_959, %add3A_952 : vector<16xf32>
        %exp3A_961 = math.exp %neg3A_960 : vector<16xf32>
        %add3A_962 = arith.constant 1.000000e+00 : f32
        %add3A_963 = vector.broadcast %add3A_962 : f32 to vector<16xf32>
        %add3A_964 = arith.addf %add3A_963, %exp3A_961 : vector<16xf32>
        %div3A_965 = arith.constant 1.000000e+00 : f32
        %div3A_966 = vector.broadcast %div3A_965 : f32 to vector<16xf32>
        %div3A_967 = arith.divf %div3A_966, %add3A_964 : vector<16xf32>
        %swap3A_968 = arith.index_cast %add3A_806 : i32 to index
        %swap3A_969 = arith.constant 48 : index
        %swap3A_970 = tpu.vector_load %arg21[%swap3A_968, %swap3A_969] {strides = array<i32>} : memref<80x64xf32, #tpu.memory_space<vmem>>, vector<1x16xf32>,
        %swap3A_971 = vector.shape_cast %swap3A_970 : vector<1x16xf32> to vector<16xf32>
        %swap3A_972 = vector.shape_cast %div3A_967 : vector<16xf32> to vector<1x16xf32>
        tpu.vector_store %arg21[%swap3A_968, %swap3A_969], %swap3A_972 {strides = array<i32>} : memref<80x64xf32, #tpu.memory_space<vmem>>, vector<1x16xf32>,
        %get3A_973 = arith.index_cast %add3A_806 : i32 to index
        %get3A_974 = arith.constant 48 : index
        %get3A_975 = tpu.vector_load %arg27[%get3A_973, %get3A_974] {strides = array<i32>} : memref<80x64xf32, #tpu.memory_space<vmem>>, vector<1x16xf32>,
        %get3A_976 = vector.shape_cast %get3A_975 : vector<1x16xf32> to vector<16xf32>
        %mul3A_977 = arith.mulf %div3A_967, %get3A_976 : vector<16xf32>
        %swap3A_978 = arith.index_cast %add3A_806 : i32 to index
        %swap3A_979 = arith.constant 48 : index
        %swap3A_980 = tpu.vector_load %arg23[%swap3A_978, %swap3A_979] {strides = array<i32>} : memref<80x64xf32, #tpu.memory_space<vmem>>, vector<1x16xf32>,
        %swap3A_981 = vector.shape_cast %swap3A_980 : vector<1x16xf32> to vector<16xf32>
        %swap3A_982 = vector.shape_cast %mul3A_977 : vector<16xf32> to vector<1x16xf32>
        tpu.vector_store %arg23[%swap3A_978, %swap3A_979], %swap3A_982 {strides = array<i32>} : memref<80x64xf32, #tpu.memory_space<vmem>>, vector<1x16xf32>,
        %scan3A_983 = arith.constant 0 : i32
        scf.yield %scan3A_983 : i32
      }
      %scan3A_203 = arith.constant 20 : i32
      %mul3A_204 = arith.constant 64 : i32
      %mul3A_205 = arith.muli %arg0, %mul3A_204 : i32
      %dma_start3A_206 = tpu.memref_slice %arg8[%add3A_172, %mul3A_205] : memref<320000x128xf32, #tpu.memory_space<hbm>> -> memref<80x64xf32, #tpu.memory_space<hbm>>
      %dma_start3A_207 = tpu.memref_slice %arg8[%add3A_172, %mul3A_205] : memref<320000x128xf32, #tpu.memory_space<hbm>> -> memref<80x64xf32, #tpu.memory_space<hbm>>
      tpu.enqueue_dma source(%arg29 : memref<80x64xf32, #tpu.memory_space<vmem>>) target(%dma_start3A_207 : memref<80x64xf32, #tpu.memory_space<hbm>>) target_semaphore(%arg49 : memref<!tpu.dma_semaphore, #tpu.memory_space<semaphore_mem>>)
      %dma_start3A_208 = arith.constant 0 : i32
      %dma_start3A_209 = arith.constant 0 : i32
      %dma_start3A_210 = tpu.memref_slice %arg31[%dma_start3A_208, %dma_start3A_209] : memref<10000x64xf32, #tpu.memory_space<vmem_shared>> -> memref<10000x64xf32, #tpu.memory_space<vmem_shared>>
      tpu.enqueue_indirect_dma source(%arg23 : memref<80x64xf32, #tpu.memory_space<vmem>>) target(%dma_start3A_210 : memref<10000x64xf32, #tpu.memory_space<vmem_shared>>) offsets(%arg19 : memref<80xi32, #tpu.memory_space<vmem>>) semaphore(%arg45 : memref<!tpu.dma_semaphore, #tpu.memory_space<semaphore_mem>>) {add = true}
      %dma_start3A_211 = arith.constant 0 : i32
      %dma_start3A_212 = arith.constant 0 : i32
      %dma_start3A_213 = tpu.memref_slice %arg32[%dma_start3A_211, %dma_start3A_212] : memref<10000x64xf32, #tpu.memory_space<vmem_shared>> -> memref<10000x64xf32, #tpu.memory_space<vmem_shared>>
      tpu.enqueue_indirect_dma source(%arg21 : memref<80x64xf32, #tpu.memory_space<vmem>>) target(%dma_start3A_213 : memref<10000x64xf32, #tpu.memory_space<vmem_shared>>) offsets(%arg19 : memref<80xi32, #tpu.memory_space<vmem>>) semaphore(%arg47 : memref<!tpu.dma_semaphore, #tpu.memory_space<semaphore_mem>>) {add = true}
      %mul3A_214 = arith.constant 2 : i32
      %mul3A_215 = arith.muli %mul3A_214, %scan3A_166 : i32
      %add3A_216 = arith.constant 1 : i32
      %add3A_217 = arith.addi %mul3A_215, %add3A_216 : i32
      %mul3A_218 = arith.constant 80 : i32
      %mul3A_219 = arith.muli %add3A_217, %mul3A_218 : i32
      %add3A_220 = arith.addi %mul3A_6, %mul3A_219 : i32
      %dma_wait3A_221 = arith.constant 0 : i32
      %dma_wait3A_222 = arith.constant 0 : i32
      %dma_wait3A_223 = tpu.memref_slice %arg4[%dma_wait3A_221, %dma_wait3A_222] : memref<20000x64xf32, #tpu.memory_space<hbm>> -> memref<20000x64xf32, #tpu.memory_space<hbm>>
      tpu.wait_indirect_dma semaphore(%arg38 : memref<!tpu.dma_semaphore, #tpu.memory_space<semaphore_mem>>) src(%dma_wait3A_223 : memref<20000x64xf32, #tpu.memory_space<hbm>>) dst(%arg24 : memref<80x64xf32, #tpu.memory_space<vmem>>)
      %dma_wait3A_224 = arith.constant 0 : i32
      %dma_wait3A_225 = arith.constant 0 : i32
      %dma_wait3A_226 = tpu.memref_slice %arg5[%dma_wait3A_224, %dma_wait3A_225] : memref<20000x64xf32, #tpu.memory_space<hbm>> -> memref<20000x64xf32, #tpu.memory_space<hbm>>
      tpu.wait_indirect_dma semaphore(%arg40 : memref<!tpu.dma_semaphore, #tpu.memory_space<semaphore_mem>>) src(%dma_wait3A_226 : memref<20000x64xf32, #tpu.memory_space<hbm>>) dst(%arg26 : memref<80x64xf32, #tpu.memory_space<vmem>>)
      %dma_wait3A_227 = arith.constant 0 : i32
      %dma_wait3A_228 = arith.constant 0 : i32
      %dma_wait3A_229 = tpu.memref_slice %arg6[%dma_wait3A_227, %dma_wait3A_228] : memref<20000x64xf32, #tpu.memory_space<hbm>> -> memref<20000x64xf32, #tpu.memory_space<hbm>>
      tpu.wait_indirect_dma semaphore(%arg42 : memref<!tpu.dma_semaphore, #tpu.memory_space<semaphore_mem>>) src(%dma_wait3A_229 : memref<20000x64xf32, #tpu.memory_space<hbm>>) dst(%arg28 : memref<80x64xf32, #tpu.memory_space<vmem>>)
      %mul3A_230 = arith.constant 64 : i32
      %mul3A_231 = arith.muli %arg0, %mul3A_230 : i32
      %dma_wait3A_232 = tpu.memref_slice %arg7[%add3A_220, %mul3A_231] : memref<320000x128xf32, #tpu.memory_space<hbm>> -> memref<80x64xf32, #tpu.memory_space<hbm>>
      %dma_wait3A_233 = tpu.memref_slice %arg7[%add3A_220, %mul3A_231] : memref<320000x128xf32, #tpu.memory_space<hbm>> -> memref<80x64xf32, #tpu.memory_space<hbm>>
      tpu.wait_dma2 semaphore(%arg44 : memref<!tpu.dma_semaphore, #tpu.memory_space<semaphore_mem>>) src(%dma_wait3A_233 : memref<80x64xf32, #tpu.memory_space<hbm>>) dst(%arg22 : memref<80x64xf32, #tpu.memory_space<vmem>>)
      %add3A_234 = arith.constant 1 : i32
      %add3A_235 = arith.addi %add3A_217, %add3A_234 : i32
      %lt3A_236 = arith.constant 250 : i32
      %lt3A_237 = arith.cmpi slt, %add3A_235, %lt3A_236 : i32
      %convert_element_type3A_238 = arith.extui %lt3A_237 : i1 to i32
      %cond3A_239 = arith.constant 0 : i32
      %cond3A_240 = arith.cmpi ne, %convert_element_type3A_238, %cond3A_239 : i32
      scf.if %cond3A_240 {
        %ge3A_264 = arith.constant 1 : i32
        %ge3A_265 = arith.cmpi sge, %add3A_217, %ge3A_264 : i32
        %convert_element_type3A_266 = arith.extui %ge3A_265 : i1 to i32
        %cond3A_267 = arith.constant 0 : i32
        %cond3A_268 = arith.cmpi ne, %convert_element_type3A_266, %cond3A_267 : i32
        scf.if %cond3A_268 {
          %dma_wait3A_414 = arith.constant 0 : i32
          %dma_wait3A_415 = arith.constant 0 : i32
          %dma_wait3A_416 = tpu.memref_slice %arg31[%dma_wait3A_414, %dma_wait3A_415] : memref<10000x64xf32, #tpu.memory_space<vmem_shared>> -> memref<10000x64xf32, #tpu.memory_space<vmem_shared>>
          tpu.wait_indirect_dma semaphore(%arg45 : memref<!tpu.dma_semaphore, #tpu.memory_space<semaphore_mem>>) src(%arg23 : memref<80x64xf32, #tpu.memory_space<vmem>>) dst(%dma_wait3A_416 : memref<10000x64xf32, #tpu.memory_space<vmem_shared>>)
          %dma_wait3A_417 = arith.constant 0 : i32
          %dma_wait3A_418 = arith.constant 0 : i32
          %dma_wait3A_419 = tpu.memref_slice %arg32[%dma_wait3A_417, %dma_wait3A_418] : memref<10000x64xf32, #tpu.memory_space<vmem_shared>> -> memref<10000x64xf32, #tpu.memory_space<vmem_shared>>
          tpu.wait_indirect_dma semaphore(%arg47 : memref<!tpu.dma_semaphore, #tpu.memory_space<semaphore_mem>>) src(%arg21 : memref<80x64xf32, #tpu.memory_space<vmem>>) dst(%dma_wait3A_419 : memref<10000x64xf32, #tpu.memory_space<vmem_shared>>)
        } else {
        }
        %add3A_269 = arith.constant 80 : i32
        %add3A_270 = arith.addi %add3A_220, %add3A_269 : i32
        %dma_wait3A_271 = tpu.memref_slice %arg2[%add3A_270] : memref<320000xi32, #tpu.memory_space<hbm>> -> memref<80xi32, #tpu.memory_space<hbm>>
        %dma_wait3A_272 = tpu.memref_slice %arg2[%add3A_270] : memref<320000xi32, #tpu.memory_space<hbm>> -> memref<80xi32, #tpu.memory_space<hbm>>
        tpu.wait_dma2 semaphore(%arg33 : memref<!tpu.dma_semaphore, #tpu.memory_space<semaphore_mem>>) src(%dma_wait3A_272 : memref<80xi32, #tpu.memory_space<hbm>>) dst(%arg11 : memref<80xi32, #tpu.memory_space<vmem>>)
        %add3A_273 = arith.constant 80 : i32
        %add3A_274 = arith.addi %add3A_220, %add3A_273 : i32
        %dma_wait3A_275 = tpu.memref_slice %arg3[%add3A_274] : memref<320000xi32, #tpu.memory_space<hbm>> -> memref<80xi32, #tpu.memory_space<hbm>>
        %dma_wait3A_276 = tpu.memref_slice %arg3[%add3A_274] : memref<320000xi32, #tpu.memory_space<hbm>> -> memref<80xi32, #tpu.memory_space<hbm>>
        tpu.wait_dma2 semaphore(%arg35 : memref<!tpu.dma_semaphore, #tpu.memory_space<semaphore_mem>>) src(%dma_wait3A_276 : memref<80xi32, #tpu.memory_space<hbm>>) dst(%arg13 : memref<80xi32, #tpu.memory_space<vmem>>)
        %add3A_277 = arith.constant 80 : i32
        %add3A_278 = arith.addi %add3A_220, %add3A_277 : i32
        %get3A_279 = arith.constant 0 : index
        %get3A_280 = tpu.vector_load %arg11[%get3A_279] {strides = array<i32>} : memref<80xi32, #tpu.memory_space<vmem>>, vector<16xi32>,
        %get3A_281 = vector.shape_cast %get3A_280 : vector<16xi32> to vector<16xi32>
        %add3A_282 = arith.addi %get3A_281, %broadcast_in_dim3A : vector<16xi32>
        %swap3A_283 = arith.constant 0 : index
        %swap3A_284 = tpu.vector_load %arg15[%swap3A_283] {strides = array<i32>} : memref<80xi32, #tpu.memory_space<vmem>>, vector<16xi32>,
        %swap3A_285 = vector.shape_cast %swap3A_284 : vector<16xi32> to vector<16xi32>
        %swap3A_286 = vector.shape_cast %add3A_282 : vector<16xi32> to vector<16xi32>
        tpu.vector_store %arg15[%swap3A_283], %swap3A_286 {strides = array<i32>} : memref<80xi32, #tpu.memory_space<vmem>>, vector<16xi32>,
        %get3A_287 = arith.constant 0 : index
        %get3A_288 = tpu.vector_load %arg13[%get3A_287] {strides = array<i32>} : memref<80xi32, #tpu.memory_space<vmem>>, vector<16xi32>,
        %get3A_289 = vector.shape_cast %get3A_288 : vector<16xi32> to vector<16xi32>
        %add3A_290 = arith.addi %get3A_289, %broadcast_in_dim3A : vector<16xi32>
        %swap3A_291 = arith.constant 0 : index
        %swap3A_292 = tpu.vector_load %arg17[%swap3A_291] {strides = array<i32>} : memref<80xi32, #tpu.memory_space<vmem>>, vector<16xi32>,
        %swap3A_293 = vector.shape_cast %swap3A_292 : vector<16xi32> to vector<16xi32>
        %swap3A_294 = vector.shape_cast %add3A_290 : vector<16xi32> to vector<16xi32>
        tpu.vector_store %arg17[%swap3A_291], %swap3A_294 {strides = array<i32>} : memref<80xi32, #tpu.memory_space<vmem>>, vector<16xi32>,
        %get3A_295 = arith.constant 0 : index
        %get3A_296 = tpu.vector_load %arg13[%get3A_295] {strides = array<i32>} : memref<80xi32, #tpu.memory_space<vmem>>, vector<16xi32>,
        %get3A_297 = vector.shape_cast %get3A_296 : vector<16xi32> to vector<16xi32>
        %swap3A_298 = arith.constant 0 : index
        %swap3A_299 = tpu.vector_load %arg19[%swap3A_298] {strides = array<i32>} : memref<80xi32, #tpu.memory_space<vmem>>, vector<16xi32>,
        %swap3A_300 = vector.shape_cast %swap3A_299 : vector<16xi32> to vector<16xi32>
        %swap3A_301 = vector.shape_cast %get3A_297 : vector<16xi32> to vector<16xi32>
        tpu.vector_store %arg19[%swap3A_298], %swap3A_301 {strides = array<i32>} : memref<80xi32, #tpu.memory_space<vmem>>, vector<16xi32>,
        %get3A_302 = arith.constant 16 : index
        %get3A_303 = tpu.vector_load %arg11[%get3A_302] {strides = array<i32>} : memref<80xi32, #tpu.memory_space<vmem>>, vector<16xi32>,
        %get3A_304 = vector.shape_cast %get3A_303 : vector<16xi32> to vector<16xi32>
        %add3A_305 = arith.addi %get3A_304, %broadcast_in_dim3A : vector<16xi32>
        %swap3A_306 = arith.constant 16 : index
        %swap3A_307 = tpu.vector_load %arg15[%swap3A_306] {strides = array<i32>} : memref<80xi32, #tpu.memory_space<vmem>>, vector<16xi32>,
        %swap3A_308 = vector.shape_cast %swap3A_307 : vector<16xi32> to vector<16xi32>
        %swap3A_309 = vector.shape_cast %add3A_305 : vector<16xi32> to vector<16xi32>
        tpu.vector_store %arg15[%swap3A_306], %swap3A_309 {strides = array<i32>} : memref<80xi32, #tpu.memory_space<vmem>>, vector<16xi32>,
        %get3A_310 = arith.constant 16 : index
        %get3A_311 = tpu.vector_load %arg13[%get3A_310] {strides = array<i32>} : memref<80xi32, #tpu.memory_space<vmem>>, vector<16xi32>,
        %get3A_312 = vector.shape_cast %get3A_311 : vector<16xi32> to vector<16xi32>
        %add3A_313 = arith.addi %get3A_312, %broadcast_in_dim3A : vector<16xi32>
        %swap3A_314 = arith.constant 16 : index
        %swap3A_315 = tpu.vector_load %arg17[%swap3A_314] {strides = array<i32>} : memref<80xi32, #tpu.memory_space<vmem>>, vector<16xi32>,
        %swap3A_316 = vector.shape_cast %swap3A_315 : vector<16xi32> to vector<16xi32>
        %swap3A_317 = vector.shape_cast %add3A_313 : vector<16xi32> to vector<16xi32>
        tpu.vector_store %arg17[%swap3A_314], %swap3A_317 {strides = array<i32>} : memref<80xi32, #tpu.memory_space<vmem>>, vector<16xi32>,
        %get3A_318 = arith.constant 16 : index
        %get3A_319 = tpu.vector_load %arg13[%get3A_318] {strides = array<i32>} : memref<80xi32, #tpu.memory_space<vmem>>, vector<16xi32>,
        %get3A_320 = vector.shape_cast %get3A_319 : vector<16xi32> to vector<16xi32>
        %swap3A_321 = arith.constant 16 : index
        %swap3A_322 = tpu.vector_load %arg19[%swap3A_321] {strides = array<i32>} : memref<80xi32, #tpu.memory_space<vmem>>, vector<16xi32>,
        %swap3A_323 = vector.shape_cast %swap3A_322 : vector<16xi32> to vector<16xi32>
        %swap3A_324 = vector.shape_cast %get3A_320 : vector<16xi32> to vector<16xi32>
        tpu.vector_store %arg19[%swap3A_321], %swap3A_324 {strides = array<i32>} : memref<80xi32, #tpu.memory_space<vmem>>, vector<16xi32>,
        %get3A_325 = arith.constant 32 : index
        %get3A_326 = tpu.vector_load %arg11[%get3A_325] {strides = array<i32>} : memref<80xi32, #tpu.memory_space<vmem>>, vector<16xi32>,
        %get3A_327 = vector.shape_cast %get3A_326 : vector<16xi32> to vector<16xi32>
        %add3A_328 = arith.addi %get3A_327, %broadcast_in_dim3A : vector<16xi32>
        %swap3A_329 = arith.constant 32 : index
        %swap3A_330 = tpu.vector_load %arg15[%swap3A_329] {strides = array<i32>} : memref<80xi32, #tpu.memory_space<vmem>>, vector<16xi32>,
        %swap3A_331 = vector.shape_cast %swap3A_330 : vector<16xi32> to vector<16xi32>
        %swap3A_332 = vector.shape_cast %add3A_328 : vector<16xi32> to vector<16xi32>
        tpu.vector_store %arg15[%swap3A_329], %swap3A_332 {strides = array<i32>} : memref<80xi32, #tpu.memory_space<vmem>>, vector<16xi32>,
        %get3A_333 = arith.constant 32 : index
        %get3A_334 = tpu.vector_load %arg13[%get3A_333] {strides = array<i32>} : memref<80xi32, #tpu.memory_space<vmem>>, vector<16xi32>,
        %get3A_335 = vector.shape_cast %get3A_334 : vector<16xi32> to vector<16xi32>
        %add3A_336 = arith.addi %get3A_335, %broadcast_in_dim3A : vector<16xi32>
        %swap3A_337 = arith.constant 32 : index
        %swap3A_338 = tpu.vector_load %arg17[%swap3A_337] {strides = array<i32>} : memref<80xi32, #tpu.memory_space<vmem>>, vector<16xi32>,
        %swap3A_339 = vector.shape_cast %swap3A_338 : vector<16xi32> to vector<16xi32>
        %swap3A_340 = vector.shape_cast %add3A_336 : vector<16xi32> to vector<16xi32>
        tpu.vector_store %arg17[%swap3A_337], %swap3A_340 {strides = array<i32>} : memref<80xi32, #tpu.memory_space<vmem>>, vector<16xi32>,
        %get3A_341 = arith.constant 32 : index
        %get3A_342 = tpu.vector_load %arg13[%get3A_341] {strides = array<i32>} : memref<80xi32, #tpu.memory_space<vmem>>, vector<16xi32>,
        %get3A_343 = vector.shape_cast %get3A_342 : vector<16xi32> to vector<16xi32>
        %swap3A_344 = arith.constant 32 : index
        %swap3A_345 = tpu.vector_load %arg19[%swap3A_344] {strides = array<i32>} : memref<80xi32, #tpu.memory_space<vmem>>, vector<16xi32>,
        %swap3A_346 = vector.shape_cast %swap3A_345 : vector<16xi32> to vector<16xi32>
        %swap3A_347 = vector.shape_cast %get3A_343 : vector<16xi32> to vector<16xi32>
        tpu.vector_store %arg19[%swap3A_344], %swap3A_347 {strides = array<i32>} : memref<80xi32, #tpu.memory_space<vmem>>, vector<16xi32>,
        %get3A_348 = arith.constant 48 : index
        %get3A_349 = tpu.vector_load %arg11[%get3A_348] {strides = array<i32>} : memref<80xi32, #tpu.memory_space<vmem>>, vector<16xi32>,
        %get3A_350 = vector.shape_cast %get3A_349 : vector<16xi32> to vector<16xi32>
        %add3A_351 = arith.addi %get3A_350, %broadcast_in_dim3A : vector<16xi32>
        %swap3A_352 = arith.constant 48 : index
        %swap3A_353 = tpu.vector_load %arg15[%swap3A_352] {strides = array<i32>} : memref<80xi32, #tpu.memory_space<vmem>>, vector<16xi32>,
        %swap3A_354 = vector.shape_cast %swap3A_353 : vector<16xi32> to vector<16xi32>
        %swap3A_355 = vector.shape_cast %add3A_351 : vector<16xi32> to vector<16xi32>
        tpu.vector_store %arg15[%swap3A_352], %swap3A_355 {strides = array<i32>} : memref<80xi32, #tpu.memory_space<vmem>>, vector<16xi32>,
        %get3A_356 = arith.constant 48 : index
        %get3A_357 = tpu.vector_load %arg13[%get3A_356] {strides = array<i32>} : memref<80xi32, #tpu.memory_space<vmem>>, vector<16xi32>,
        %get3A_358 = vector.shape_cast %get3A_357 : vector<16xi32> to vector<16xi32>
        %add3A_359 = arith.addi %get3A_358, %broadcast_in_dim3A : vector<16xi32>
        %swap3A_360 = arith.constant 48 : index
        %swap3A_361 = tpu.vector_load %arg17[%swap3A_360] {strides = array<i32>} : memref<80xi32, #tpu.memory_space<vmem>>, vector<16xi32>,
        %swap3A_362 = vector.shape_cast %swap3A_361 : vector<16xi32> to vector<16xi32>
        %swap3A_363 = vector.shape_cast %add3A_359 : vector<16xi32> to vector<16xi32>
        tpu.vector_store %arg17[%swap3A_360], %swap3A_363 {strides = array<i32>} : memref<80xi32, #tpu.memory_space<vmem>>, vector<16xi32>,
        %get3A_364 = arith.constant 48 : index
        %get3A_365 = tpu.vector_load %arg13[%get3A_364] {strides = array<i32>} : memref<80xi32, #tpu.memory_space<vmem>>, vector<16xi32>,
        %get3A_366 = vector.shape_cast %get3A_365 : vector<16xi32> to vector<16xi32>
        %swap3A_367 = arith.constant 48 : index
        %swap3A_368 = tpu.vector_load %arg19[%swap3A_367] {strides = array<i32>} : memref<80xi32, #tpu.memory_space<vmem>>, vector<16xi32>,
        %swap3A_369 = vector.shape_cast %swap3A_368 : vector<16xi32> to vector<16xi32>
        %swap3A_370 = vector.shape_cast %get3A_366 : vector<16xi32> to vector<16xi32>
        tpu.vector_store %arg19[%swap3A_367], %swap3A_370 {strides = array<i32>} : memref<80xi32, #tpu.memory_space<vmem>>, vector<16xi32>,
        %get3A_371 = arith.constant 64 : index
        %get3A_372 = tpu.vector_load %arg11[%get3A_371] {strides = array<i32>} : memref<80xi32, #tpu.memory_space<vmem>>, vector<16xi32>,
        %get3A_373 = vector.shape_cast %get3A_372 : vector<16xi32> to vector<16xi32>
        %add3A_374 = arith.addi %get3A_373, %broadcast_in_dim3A : vector<16xi32>
        %swap3A_375 = arith.constant 64 : index
        %swap3A_376 = tpu.vector_load %arg15[%swap3A_375] {strides = array<i32>} : memref<80xi32, #tpu.memory_space<vmem>>, vector<16xi32>,
        %swap3A_377 = vector.shape_cast %swap3A_376 : vector<16xi32> to vector<16xi32>
        %swap3A_378 = vector.shape_cast %add3A_374 : vector<16xi32> to vector<16xi32>
        tpu.vector_store %arg15[%swap3A_375], %swap3A_378 {strides = array<i32>} : memref<80xi32, #tpu.memory_space<vmem>>, vector<16xi32>,
        %get3A_379 = arith.constant 64 : index
        %get3A_380 = tpu.vector_load %arg13[%get3A_379] {strides = array<i32>} : memref<80xi32, #tpu.memory_space<vmem>>, vector<16xi32>,
        %get3A_381 = vector.shape_cast %get3A_380 : vector<16xi32> to vector<16xi32>
        %add3A_382 = arith.addi %get3A_381, %broadcast_in_dim3A : vector<16xi32>
        %swap3A_383 = arith.constant 64 : index
        %swap3A_384 = tpu.vector_load %arg17[%swap3A_383] {strides = array<i32>} : memref<80xi32, #tpu.memory_space<vmem>>, vector<16xi32>,
        %swap3A_385 = vector.shape_cast %swap3A_384 : vector<16xi32> to vector<16xi32>
        %swap3A_386 = vector.shape_cast %add3A_382 : vector<16xi32> to vector<16xi32>
        tpu.vector_store %arg17[%swap3A_383], %swap3A_386 {strides = array<i32>} : memref<80xi32, #tpu.memory_space<vmem>>, vector<16xi32>,
        %get3A_387 = arith.constant 64 : index
        %get3A_388 = tpu.vector_load %arg13[%get3A_387] {strides = array<i32>} : memref<80xi32, #tpu.memory_space<vmem>>, vector<16xi32>,
        %get3A_389 = vector.shape_cast %get3A_388 : vector<16xi32> to vector<16xi32>
        %swap3A_390 = arith.constant 64 : index
        %swap3A_391 = tpu.vector_load %arg19[%swap3A_390] {strides = array<i32>} : memref<80xi32, #tpu.memory_space<vmem>>, vector<16xi32>,
        %swap3A_392 = vector.shape_cast %swap3A_391 : vector<16xi32> to vector<16xi32>
        %swap3A_393 = vector.shape_cast %get3A_389 : vector<16xi32> to vector<16xi32>
        tpu.vector_store %arg19[%swap3A_390], %swap3A_393 {strides = array<i32>} : memref<80xi32, #tpu.memory_space<vmem>>, vector<16xi32>,
        %dma_start3A_394 = arith.constant 0 : i32
        %dma_start3A_395 = arith.constant 0 : i32
        %dma_start3A_396 = tpu.memref_slice %arg4[%dma_start3A_394, %dma_start3A_395] : memref<20000x64xf32, #tpu.memory_space<hbm>> -> memref<20000x64xf32, #tpu.memory_space<hbm>>
        tpu.enqueue_indirect_dma source(%dma_start3A_396 : memref<20000x64xf32, #tpu.memory_space<hbm>>) target(%arg23 : memref<80x64xf32, #tpu.memory_space<vmem>>) offsets(%arg15 : memref<80xi32, #tpu.memory_space<vmem>>) semaphore(%arg37 : memref<!tpu.dma_semaphore, #tpu.memory_space<semaphore_mem>>)
        %dma_start3A_397 = arith.constant 0 : i32
        %dma_start3A_398 = arith.constant 0 : i32
        %dma_start3A_399 = tpu.memref_slice %arg5[%dma_start3A_397, %dma_start3A_398] : memref<20000x64xf32, #tpu.memory_space<hbm>> -> memref<20000x64xf32, #tpu.memory_space<hbm>>
        tpu.enqueue_indirect_dma source(%dma_start3A_399 : memref<20000x64xf32, #tpu.memory_space<hbm>>) target(%arg25 : memref<80x64xf32, #tpu.memory_space<vmem>>) offsets(%arg17 : memref<80xi32, #tpu.memory_space<vmem>>) semaphore(%arg39 : memref<!tpu.dma_semaphore, #tpu.memory_space<semaphore_mem>>)
        %dma_start3A_400 = arith.constant 0 : i32
        %dma_start3A_401 = arith.constant 0 : i32
        %dma_start3A_402 = tpu.memref_slice %arg6[%dma_start3A_400, %dma_start3A_401] : memref<20000x64xf32, #tpu.memory_space<hbm>> -> memref<20000x64xf32, #tpu.memory_space<hbm>>
        tpu.enqueue_indirect_dma source(%dma_start3A_402 : memref<20000x64xf32, #tpu.memory_space<hbm>>) target(%arg27 : memref<80x64xf32, #tpu.memory_space<vmem>>) offsets(%arg15 : memref<80xi32, #tpu.memory_space<vmem>>) semaphore(%arg41 : memref<!tpu.dma_semaphore, #tpu.memory_space<semaphore_mem>>)
        %mul3A_403 = arith.constant 64 : i32
        %mul3A_404 = arith.muli %arg0, %mul3A_403 : i32
        %dma_start3A_405 = tpu.memref_slice %arg7[%add3A_278, %mul3A_404] : memref<320000x128xf32, #tpu.memory_space<hbm>> -> memref<80x64xf32, #tpu.memory_space<hbm>>
        %dma_start3A_406 = tpu.memref_slice %arg7[%add3A_278, %mul3A_404] : memref<320000x128xf32, #tpu.memory_space<hbm>> -> memref<80x64xf32, #tpu.memory_space<hbm>>
        tpu.enqueue_dma source(%dma_start3A_406 : memref<80x64xf32, #tpu.memory_space<hbm>>) target(%arg21 : memref<80x64xf32, #tpu.memory_space<vmem>>) target_semaphore(%arg43 : memref<!tpu.dma_semaphore, #tpu.memory_space<semaphore_mem>>)
        %add3A_407 = arith.constant 2 : i32
        %add3A_408 = arith.addi %add3A_217, %add3A_407 : i32
        %lt3A_409 = arith.constant 250 : i32
        %lt3A_410 = arith.cmpi slt, %add3A_408, %lt3A_409 : i32
        %convert_element_type3A_411 = arith.extui %lt3A_410 : i1 to i32
        %cond3A_412 = arith.constant 0 : i32
        %cond3A_413 = arith.cmpi ne, %convert_element_type3A_411, %cond3A_412 : i32
        scf.if %cond3A_413 {
          %add3A_414 = arith.constant 160 : i32
          %add3A_415 = arith.addi %add3A_220, %add3A_414 : i32
          %dma_start3A_416 = tpu.memref_slice %arg2[%add3A_415] : memref<320000xi32, #tpu.memory_space<hbm>> -> memref<80xi32, #tpu.memory_space<hbm>>
          %dma_start3A_417 = tpu.memref_slice %arg2[%add3A_415] : memref<320000xi32, #tpu.memory_space<hbm>> -> memref<80xi32, #tpu.memory_space<hbm>>
          tpu.enqueue_dma source(%dma_start3A_417 : memref<80xi32, #tpu.memory_space<hbm>>) target(%arg12 : memref<80xi32, #tpu.memory_space<vmem>>) target_semaphore(%arg34 : memref<!tpu.dma_semaphore, #tpu.memory_space<semaphore_mem>>)
          %add3A_418 = arith.constant 160 : i32
          %add3A_419 = arith.addi %add3A_220, %add3A_418 : i32
          %dma_start3A_420 = tpu.memref_slice %arg3[%add3A_419] : memref<320000xi32, #tpu.memory_space<hbm>> -> memref<80xi32, #tpu.memory_space<hbm>>
          %dma_start3A_421 = tpu.memref_slice %arg3[%add3A_419] : memref<320000xi32, #tpu.memory_space<hbm>> -> memref<80xi32, #tpu.memory_space<hbm>>
          tpu.enqueue_dma source(%dma_start3A_421 : memref<80xi32, #tpu.memory_space<hbm>>) target(%arg14 : memref<80xi32, #tpu.memory_space<vmem>>) target_semaphore(%arg36 : memref<!tpu.dma_semaphore, #tpu.memory_space<semaphore_mem>>)
        } else {
        }
      } else {
      }
      %ge3A_241 = arith.constant 1 : i32
      %ge3A_242 = arith.cmpi sge, %add3A_217, %ge3A_241 : i32
      %convert_element_type3A_243 = arith.extui %ge3A_242 : i1 to i32
      %cond3A_244 = arith.constant 0 : i32
      %cond3A_245 = arith.cmpi ne, %convert_element_type3A_243, %cond3A_244 : i32
      scf.if %cond3A_245 {
        %mul3A_264 = arith.constant 64 : i32
        %mul3A_265 = arith.muli %arg0, %mul3A_264 : i32
        %dma_wait3A_266 = tpu.memref_slice %arg8[%add3A_220, %mul3A_265] : memref<320000x128xf32, #tpu.memory_space<hbm>> -> memref<80x64xf32, #tpu.memory_space<hbm>>
        %dma_wait3A_267 = tpu.memref_slice %arg8[%add3A_220, %mul3A_265] : memref<320000x128xf32, #tpu.memory_space<hbm>> -> memref<80x64xf32, #tpu.memory_space<hbm>>
        tpu.wait_dma2 semaphore(%arg49 : memref<!tpu.dma_semaphore, #tpu.memory_space<semaphore_mem>>) src(%arg29 : memref<80x64xf32, #tpu.memory_space<vmem>>) dst(%dma_wait3A_267 : memref<80x64xf32, #tpu.memory_space<hbm>>)
      } else {
      }
      %scan3A_246 = arith.constant 0 : i32
      %scan3A_247 = arith.constant 0 : i32
      %scan3A_248 = arith.constant 20 : i32
      %scan3A_249 = arith.addi %scan3A_247, %scan3A_248 : i32
      %scan3A_250 = arith.constant 1 : i32
      %scan3A_251 = scf.for %scan3A_264 = %scan3A_247 to %scan3A_249 step %scan3A_250 iter_args(%scan3A_265 = %scan3A_246) -> (i32)  : i32 {
        %mul3A_266 = arith.constant 4 : i32
        %mul3A_267 = arith.muli %scan3A_264, %mul3A_266 : i32
        %add3A_268 = arith.constant 0 : i32
        %add3A_269 = arith.addi %mul3A_267, %add3A_268 : i32
        %get3A_270 = arith.index_cast %add3A_269 : i32 to index
        %get3A_271 = arith.constant 0 : index
        %get3A_272 = tpu.vector_load %arg22[%get3A_270, %get3A_271] {strides = array<i32>} : memref<80x64xf32, #tpu.memory_space<vmem>>, vector<1x16xf32>,
        %get3A_273 = vector.shape_cast %get3A_272 : vector<1x16xf32> to vector<16xf32>
        %get3A_274 = arith.index_cast %add3A_269 : i32 to index
        %get3A_275 = arith.constant 0 : index
        %get3A_276 = tpu.vector_load %arg24[%get3A_274, %get3A_275] {strides = array<i32>} : memref<80x64xf32, #tpu.memory_space<vmem>>, vector<1x16xf32>,
        %get3A_277 = vector.shape_cast %get3A_276 : vector<1x16xf32> to vector<16xf32>
        %add3A_278 = arith.addf %get3A_273, %get3A_277 : vector<16xf32>
        %get3A_279 = arith.index_cast %add3A_269 : i32 to index
        %get3A_280 = arith.constant 0 : index
        %get3A_281 = tpu.vector_load %arg26[%get3A_279, %get3A_280] {strides = array<i32>} : memref<80x64xf32, #tpu.memory_space<vmem>>, vector<1x16xf32>,
        %get3A_282 = vector.shape_cast %get3A_281 : vector<1x16xf32> to vector<16xf32>
        %add3A_283 = arith.addf %add3A_278, %get3A_282 : vector<16xf32>
        %swap3A_284 = arith.index_cast %add3A_269 : i32 to index
        %swap3A_285 = arith.constant 0 : index
        %swap3A_286 = tpu.vector_load %arg29[%swap3A_284, %swap3A_285] {strides = array<i32>} : memref<80x64xf32, #tpu.memory_space<vmem>>, vector<1x16xf32>,
        %swap3A_287 = vector.shape_cast %swap3A_286 : vector<1x16xf32> to vector<16xf32>
        %swap3A_288 = vector.shape_cast %add3A_283 : vector<16xf32> to vector<1x16xf32>
        tpu.vector_store %arg29[%swap3A_284, %swap3A_285], %swap3A_288 {strides = array<i32>} : memref<80x64xf32, #tpu.memory_space<vmem>>, vector<1x16xf32>,
        %neg3A = arith.constant 0.000000e+00 : f32
        %neg3A_289 = vector.broadcast %neg3A : f32 to vector<16xf32>
        %neg3A_290 = arith.subf %neg3A_289, %add3A_283 : vector<16xf32>
        %exp3A = math.exp %neg3A_290 : vector<16xf32>
        %add3A_291 = arith.constant 1.000000e+00 : f32
        %add3A_292 = vector.broadcast %add3A_291 : f32 to vector<16xf32>
        %add3A_293 = arith.addf %add3A_292, %exp3A : vector<16xf32>
        %div3A = arith.constant 1.000000e+00 : f32
        %div3A_294 = vector.broadcast %div3A : f32 to vector<16xf32>
        %div3A_295 = arith.divf %div3A_294, %add3A_293 : vector<16xf32>
        %swap3A_296 = arith.index_cast %add3A_269 : i32 to index
        %swap3A_297 = arith.constant 0 : index
        %swap3A_298 = tpu.vector_load %arg22[%swap3A_296, %swap3A_297] {strides = array<i32>} : memref<80x64xf32, #tpu.memory_space<vmem>>, vector<1x16xf32>,
        %swap3A_299 = vector.shape_cast %swap3A_298 : vector<1x16xf32> to vector<16xf32>
        %swap3A_300 = vector.shape_cast %div3A_295 : vector<16xf32> to vector<1x16xf32>
        tpu.vector_store %arg22[%swap3A_296, %swap3A_297], %swap3A_300 {strides = array<i32>} : memref<80x64xf32, #tpu.memory_space<vmem>>, vector<1x16xf32>,
        %get3A_301 = arith.index_cast %add3A_269 : i32 to index
        %get3A_302 = arith.constant 0 : index
        %get3A_303 = tpu.vector_load %arg28[%get3A_301, %get3A_302] {strides = array<i32>} : memref<80x64xf32, #tpu.memory_space<vmem>>, vector<1x16xf32>,
        %get3A_304 = vector.shape_cast %get3A_303 : vector<1x16xf32> to vector<16xf32>
        %mul3A_305 = arith.mulf %div3A_295, %get3A_304 : vector<16xf32>
        %swap3A_306 = arith.index_cast %add3A_269 : i32 to index
        %swap3A_307 = arith.constant 0 : index
        %swap3A_308 = tpu.vector_load %arg24[%swap3A_306, %swap3A_307] {strides = array<i32>} : memref<80x64xf32, #tpu.memory_space<vmem>>, vector<1x16xf32>,
        %swap3A_309 = vector.shape_cast %swap3A_308 : vector<1x16xf32> to vector<16xf32>
        %swap3A_310 = vector.shape_cast %mul3A_305 : vector<16xf32> to vector<1x16xf32>
        tpu.vector_store %arg24[%swap3A_306, %swap3A_307], %swap3A_310 {strides = array<i32>} : memref<80x64xf32, #tpu.memory_space<vmem>>, vector<1x16xf32>,
        %get3A_311 = arith.index_cast %add3A_269 : i32 to index
        %get3A_312 = arith.constant 16 : index
        %get3A_313 = tpu.vector_load %arg22[%get3A_311, %get3A_312] {strides = array<i32>} : memref<80x64xf32, #tpu.memory_space<vmem>>, vector<1x16xf32>,
        %get3A_314 = vector.shape_cast %get3A_313 : vector<1x16xf32> to vector<16xf32>
        %get3A_315 = arith.index_cast %add3A_269 : i32 to index
        %get3A_316 = arith.constant 16 : index
        %get3A_317 = tpu.vector_load %arg24[%get3A_315, %get3A_316] {strides = array<i32>} : memref<80x64xf32, #tpu.memory_space<vmem>>, vector<1x16xf32>,
        %get3A_318 = vector.shape_cast %get3A_317 : vector<1x16xf32> to vector<16xf32>
        %add3A_319 = arith.addf %get3A_314, %get3A_318 : vector<16xf32>
        %get3A_320 = arith.index_cast %add3A_269 : i32 to index
        %get3A_321 = arith.constant 16 : index
        %get3A_322 = tpu.vector_load %arg26[%get3A_320, %get3A_321] {strides = array<i32>} : memref<80x64xf32, #tpu.memory_space<vmem>>, vector<1x16xf32>,
        %get3A_323 = vector.shape_cast %get3A_322 : vector<1x16xf32> to vector<16xf32>
        %add3A_324 = arith.addf %add3A_319, %get3A_323 : vector<16xf32>
        %swap3A_325 = arith.index_cast %add3A_269 : i32 to index
        %swap3A_326 = arith.constant 16 : index
        %swap3A_327 = tpu.vector_load %arg29[%swap3A_325, %swap3A_326] {strides = array<i32>} : memref<80x64xf32, #tpu.memory_space<vmem>>, vector<1x16xf32>,
        %swap3A_328 = vector.shape_cast %swap3A_327 : vector<1x16xf32> to vector<16xf32>
        %swap3A_329 = vector.shape_cast %add3A_324 : vector<16xf32> to vector<1x16xf32>
        tpu.vector_store %arg29[%swap3A_325, %swap3A_326], %swap3A_329 {strides = array<i32>} : memref<80x64xf32, #tpu.memory_space<vmem>>, vector<1x16xf32>,
        %neg3A_330 = arith.constant 0.000000e+00 : f32
        %neg3A_331 = vector.broadcast %neg3A_330 : f32 to vector<16xf32>
        %neg3A_332 = arith.subf %neg3A_331, %add3A_324 : vector<16xf32>
        %exp3A_333 = math.exp %neg3A_332 : vector<16xf32>
        %add3A_334 = arith.constant 1.000000e+00 : f32
        %add3A_335 = vector.broadcast %add3A_334 : f32 to vector<16xf32>
        %add3A_336 = arith.addf %add3A_335, %exp3A_333 : vector<16xf32>
        %div3A_337 = arith.constant 1.000000e+00 : f32
        %div3A_338 = vector.broadcast %div3A_337 : f32 to vector<16xf32>
        %div3A_339 = arith.divf %div3A_338, %add3A_336 : vector<16xf32>
        %swap3A_340 = arith.index_cast %add3A_269 : i32 to index
        %swap3A_341 = arith.constant 16 : index
        %swap3A_342 = tpu.vector_load %arg22[%swap3A_340, %swap3A_341] {strides = array<i32>} : memref<80x64xf32, #tpu.memory_space<vmem>>, vector<1x16xf32>,
        %swap3A_343 = vector.shape_cast %swap3A_342 : vector<1x16xf32> to vector<16xf32>
        %swap3A_344 = vector.shape_cast %div3A_339 : vector<16xf32> to vector<1x16xf32>
        tpu.vector_store %arg22[%swap3A_340, %swap3A_341], %swap3A_344 {strides = array<i32>} : memref<80x64xf32, #tpu.memory_space<vmem>>, vector<1x16xf32>,
        %get3A_345 = arith.index_cast %add3A_269 : i32 to index
        %get3A_346 = arith.constant 16 : index
        %get3A_347 = tpu.vector_load %arg28[%get3A_345, %get3A_346] {strides = array<i32>} : memref<80x64xf32, #tpu.memory_space<vmem>>, vector<1x16xf32>,
        %get3A_348 = vector.shape_cast %get3A_347 : vector<1x16xf32> to vector<16xf32>
        %mul3A_349 = arith.mulf %div3A_339, %get3A_348 : vector<16xf32>
        %swap3A_350 = arith.index_cast %add3A_269 : i32 to index
        %swap3A_351 = arith.constant 16 : index
        %swap3A_352 = tpu.vector_load %arg24[%swap3A_350, %swap3A_351] {strides = array<i32>} : memref<80x64xf32, #tpu.memory_space<vmem>>, vector<1x16xf32>,
        %swap3A_353 = vector.shape_cast %swap3A_352 : vector<1x16xf32> to vector<16xf32>
        %swap3A_354 = vector.shape_cast %mul3A_349 : vector<16xf32> to vector<1x16xf32>
        tpu.vector_store %arg24[%swap3A_350, %swap3A_351], %swap3A_354 {strides = array<i32>} : memref<80x64xf32, #tpu.memory_space<vmem>>, vector<1x16xf32>,
        %get3A_355 = arith.index_cast %add3A_269 : i32 to index
        %get3A_356 = arith.constant 32 : index
        %get3A_357 = tpu.vector_load %arg22[%get3A_355, %get3A_356] {strides = array<i32>} : memref<80x64xf32, #tpu.memory_space<vmem>>, vector<1x16xf32>,
        %get3A_358 = vector.shape_cast %get3A_357 : vector<1x16xf32> to vector<16xf32>
        %get3A_359 = arith.index_cast %add3A_269 : i32 to index
        %get3A_360 = arith.constant 32 : index
        %get3A_361 = tpu.vector_load %arg24[%get3A_359, %get3A_360] {strides = array<i32>} : memref<80x64xf32, #tpu.memory_space<vmem>>, vector<1x16xf32>,
        %get3A_362 = vector.shape_cast %get3A_361 : vector<1x16xf32> to vector<16xf32>
        %add3A_363 = arith.addf %get3A_358, %get3A_362 : vector<16xf32>
        %get3A_364 = arith.index_cast %add3A_269 : i32 to index
        %get3A_365 = arith.constant 32 : index
        %get3A_366 = tpu.vector_load %arg26[%get3A_364, %get3A_365] {strides = array<i32>} : memref<80x64xf32, #tpu.memory_space<vmem>>, vector<1x16xf32>,
        %get3A_367 = vector.shape_cast %get3A_366 : vector<1x16xf32> to vector<16xf32>
        %add3A_368 = arith.addf %add3A_363, %get3A_367 : vector<16xf32>
        %swap3A_369 = arith.index_cast %add3A_269 : i32 to index
        %swap3A_370 = arith.constant 32 : index
        %swap3A_371 = tpu.vector_load %arg29[%swap3A_369, %swap3A_370] {strides = array<i32>} : memref<80x64xf32, #tpu.memory_space<vmem>>, vector<1x16xf32>,
        %swap3A_372 = vector.shape_cast %swap3A_371 : vector<1x16xf32> to vector<16xf32>
        %swap3A_373 = vector.shape_cast %add3A_368 : vector<16xf32> to vector<1x16xf32>
        tpu.vector_store %arg29[%swap3A_369, %swap3A_370], %swap3A_373 {strides = array<i32>} : memref<80x64xf32, #tpu.memory_space<vmem>>, vector<1x16xf32>,
        %neg3A_374 = arith.constant 0.000000e+00 : f32
        %neg3A_375 = vector.broadcast %neg3A_374 : f32 to vector<16xf32>
        %neg3A_376 = arith.subf %neg3A_375, %add3A_368 : vector<16xf32>
        %exp3A_377 = math.exp %neg3A_376 : vector<16xf32>
        %add3A_378 = arith.constant 1.000000e+00 : f32
        %add3A_379 = vector.broadcast %add3A_378 : f32 to vector<16xf32>
        %add3A_380 = arith.addf %add3A_379, %exp3A_377 : vector<16xf32>
        %div3A_381 = arith.constant 1.000000e+00 : f32
        %div3A_382 = vector.broadcast %div3A_381 : f32 to vector<16xf32>
        %div3A_383 = arith.divf %div3A_382, %add3A_380 : vector<16xf32>
        %swap3A_384 = arith.index_cast %add3A_269 : i32 to index
        %swap3A_385 = arith.constant 32 : index
        %swap3A_386 = tpu.vector_load %arg22[%swap3A_384, %swap3A_385] {strides = array<i32>} : memref<80x64xf32, #tpu.memory_space<vmem>>, vector<1x16xf32>,
        %swap3A_387 = vector.shape_cast %swap3A_386 : vector<1x16xf32> to vector<16xf32>
        %swap3A_388 = vector.shape_cast %div3A_383 : vector<16xf32> to vector<1x16xf32>
        tpu.vector_store %arg22[%swap3A_384, %swap3A_385], %swap3A_388 {strides = array<i32>} : memref<80x64xf32, #tpu.memory_space<vmem>>, vector<1x16xf32>,
        %get3A_389 = arith.index_cast %add3A_269 : i32 to index
        %get3A_390 = arith.constant 32 : index
        %get3A_391 = tpu.vector_load %arg28[%get3A_389, %get3A_390] {strides = array<i32>} : memref<80x64xf32, #tpu.memory_space<vmem>>, vector<1x16xf32>,
        %get3A_392 = vector.shape_cast %get3A_391 : vector<1x16xf32> to vector<16xf32>
        %mul3A_393 = arith.mulf %div3A_383, %get3A_392 : vector<16xf32>
        %swap3A_394 = arith.index_cast %add3A_269 : i32 to index
        %swap3A_395 = arith.constant 32 : index
        %swap3A_396 = tpu.vector_load %arg24[%swap3A_394, %swap3A_395] {strides = array<i32>} : memref<80x64xf32, #tpu.memory_space<vmem>>, vector<1x16xf32>,
        %swap3A_397 = vector.shape_cast %swap3A_396 : vector<1x16xf32> to vector<16xf32>
        %swap3A_398 = vector.shape_cast %mul3A_393 : vector<16xf32> to vector<1x16xf32>
        tpu.vector_store %arg24[%swap3A_394, %swap3A_395], %swap3A_398 {strides = array<i32>} : memref<80x64xf32, #tpu.memory_space<vmem>>, vector<1x16xf32>,
        %get3A_399 = arith.index_cast %add3A_269 : i32 to index
        %get3A_400 = arith.constant 48 : index
        %get3A_401 = tpu.vector_load %arg22[%get3A_399, %get3A_400] {strides = array<i32>} : memref<80x64xf32, #tpu.memory_space<vmem>>, vector<1x16xf32>,
        %get3A_402 = vector.shape_cast %get3A_401 : vector<1x16xf32> to vector<16xf32>
        %get3A_403 = arith.index_cast %add3A_269 : i32 to index
        %get3A_404 = arith.constant 48 : index
        %get3A_405 = tpu.vector_load %arg24[%get3A_403, %get3A_404] {strides = array<i32>} : memref<80x64xf32, #tpu.memory_space<vmem>>, vector<1x16xf32>,
        %get3A_406 = vector.shape_cast %get3A_405 : vector<1x16xf32> to vector<16xf32>
        %add3A_407 = arith.addf %get3A_402, %get3A_406 : vector<16xf32>
        %get3A_408 = arith.index_cast %add3A_269 : i32 to index
        %get3A_409 = arith.constant 48 : index
        %get3A_410 = tpu.vector_load %arg26[%get3A_408, %get3A_409] {strides = array<i32>} : memref<80x64xf32, #tpu.memory_space<vmem>>, vector<1x16xf32>,
        %get3A_411 = vector.shape_cast %get3A_410 : vector<1x16xf32> to vector<16xf32>
        %add3A_412 = arith.addf %add3A_407, %get3A_411 : vector<16xf32>
        %swap3A_413 = arith.index_cast %add3A_269 : i32 to index
        %swap3A_414 = arith.constant 48 : index
        %swap3A_415 = tpu.vector_load %arg29[%swap3A_413, %swap3A_414] {strides = array<i32>} : memref<80x64xf32, #tpu.memory_space<vmem>>, vector<1x16xf32>,
        %swap3A_416 = vector.shape_cast %swap3A_415 : vector<1x16xf32> to vector<16xf32>
        %swap3A_417 = vector.shape_cast %add3A_412 : vector<16xf32> to vector<1x16xf32>
        tpu.vector_store %arg29[%swap3A_413, %swap3A_414], %swap3A_417 {strides = array<i32>} : memref<80x64xf32, #tpu.memory_space<vmem>>, vector<1x16xf32>,
        %neg3A_418 = arith.constant 0.000000e+00 : f32
        %neg3A_419 = vector.broadcast %neg3A_418 : f32 to vector<16xf32>
        %neg3A_420 = arith.subf %neg3A_419, %add3A_412 : vector<16xf32>
        %exp3A_421 = math.exp %neg3A_420 : vector<16xf32>
        %add3A_422 = arith.constant 1.000000e+00 : f32
        %add3A_423 = vector.broadcast %add3A_422 : f32 to vector<16xf32>
        %add3A_424 = arith.addf %add3A_423, %exp3A_421 : vector<16xf32>
        %div3A_425 = arith.constant 1.000000e+00 : f32
        %div3A_426 = vector.broadcast %div3A_425 : f32 to vector<16xf32>
        %div3A_427 = arith.divf %div3A_426, %add3A_424 : vector<16xf32>
        %swap3A_428 = arith.index_cast %add3A_269 : i32 to index
        %swap3A_429 = arith.constant 48 : index
        %swap3A_430 = tpu.vector_load %arg22[%swap3A_428, %swap3A_429] {strides = array<i32>} : memref<80x64xf32, #tpu.memory_space<vmem>>, vector<1x16xf32>,
        %swap3A_431 = vector.shape_cast %swap3A_430 : vector<1x16xf32> to vector<16xf32>
        %swap3A_432 = vector.shape_cast %div3A_427 : vector<16xf32> to vector<1x16xf32>
        tpu.vector_store %arg22[%swap3A_428, %swap3A_429], %swap3A_432 {strides = array<i32>} : memref<80x64xf32, #tpu.memory_space<vmem>>, vector<1x16xf32>,
        %get3A_433 = arith.index_cast %add3A_269 : i32 to index
        %get3A_434 = arith.constant 48 : index
        %get3A_435 = tpu.vector_load %arg28[%get3A_433, %get3A_434] {strides = array<i32>} : memref<80x64xf32, #tpu.memory_space<vmem>>, vector<1x16xf32>,
        %get3A_436 = vector.shape_cast %get3A_435 : vector<1x16xf32> to vector<16xf32>
        %mul3A_437 = arith.mulf %div3A_427, %get3A_436 : vector<16xf32>
        %swap3A_438 = arith.index_cast %add3A_269 : i32 to index
        %swap3A_439 = arith.constant 48 : index
        %swap3A_440 = tpu.vector_load %arg24[%swap3A_438, %swap3A_439] {strides = array<i32>} : memref<80x64xf32, #tpu.memory_space<vmem>>, vector<1x16xf32>,
        %swap3A_441 = vector.shape_cast %swap3A_440 : vector<1x16xf32> to vector<16xf32>
        %swap3A_442 = vector.shape_cast %mul3A_437 : vector<16xf32> to vector<1x16xf32>
        tpu.vector_store %arg24[%swap3A_438, %swap3A_439], %swap3A_442 {strides = array<i32>} : memref<80x64xf32, #tpu.memory_space<vmem>>, vector<1x16xf32>,
        %mul3A_443 = arith.constant 4 : i32
        %mul3A_444 = arith.muli %scan3A_264, %mul3A_443 : i32
        %add3A_445 = arith.constant 1 : i32
        %add3A_446 = arith.addi %mul3A_444, %add3A_445 : i32
        %get3A_447 = arith.index_cast %add3A_446 : i32 to index
        %get3A_448 = arith.constant 0 : index
        %get3A_449 = tpu.vector_load %arg22[%get3A_447, %get3A_448] {strides = array<i32>} : memref<80x64xf32, #tpu.memory_space<vmem>>, vector<1x16xf32>,
        %get3A_450 = vector.shape_cast %get3A_449 : vector<1x16xf32> to vector<16xf32>
        %get3A_451 = arith.index_cast %add3A_446 : i32 to index
        %get3A_452 = arith.constant 0 : index
        %get3A_453 = tpu.vector_load %arg24[%get3A_451, %get3A_452] {strides = array<i32>} : memref<80x64xf32, #tpu.memory_space<vmem>>, vector<1x16xf32>,
        %get3A_454 = vector.shape_cast %get3A_453 : vector<1x16xf32> to vector<16xf32>
        %add3A_455 = arith.addf %get3A_450, %get3A_454 : vector<16xf32>
        %get3A_456 = arith.index_cast %add3A_446 : i32 to index
        %get3A_457 = arith.constant 0 : index
        %get3A_458 = tpu.vector_load %arg26[%get3A_456, %get3A_457] {strides = array<i32>} : memref<80x64xf32, #tpu.memory_space<vmem>>, vector<1x16xf32>,
        %get3A_459 = vector.shape_cast %get3A_458 : vector<1x16xf32> to vector<16xf32>
        %add3A_460 = arith.addf %add3A_455, %get3A_459 : vector<16xf32>
        %swap3A_461 = arith.index_cast %add3A_446 : i32 to index
        %swap3A_462 = arith.constant 0 : index
        %swap3A_463 = tpu.vector_load %arg29[%swap3A_461, %swap3A_462] {strides = array<i32>} : memref<80x64xf32, #tpu.memory_space<vmem>>, vector<1x16xf32>,
        %swap3A_464 = vector.shape_cast %swap3A_463 : vector<1x16xf32> to vector<16xf32>
        %swap3A_465 = vector.shape_cast %add3A_460 : vector<16xf32> to vector<1x16xf32>
        tpu.vector_store %arg29[%swap3A_461, %swap3A_462], %swap3A_465 {strides = array<i32>} : memref<80x64xf32, #tpu.memory_space<vmem>>, vector<1x16xf32>,
        %neg3A_466 = arith.constant 0.000000e+00 : f32
        %neg3A_467 = vector.broadcast %neg3A_466 : f32 to vector<16xf32>
        %neg3A_468 = arith.subf %neg3A_467, %add3A_460 : vector<16xf32>
        %exp3A_469 = math.exp %neg3A_468 : vector<16xf32>
        %add3A_470 = arith.constant 1.000000e+00 : f32
        %add3A_471 = vector.broadcast %add3A_470 : f32 to vector<16xf32>
        %add3A_472 = arith.addf %add3A_471, %exp3A_469 : vector<16xf32>
        %div3A_473 = arith.constant 1.000000e+00 : f32
        %div3A_474 = vector.broadcast %div3A_473 : f32 to vector<16xf32>
        %div3A_475 = arith.divf %div3A_474, %add3A_472 : vector<16xf32>
        %swap3A_476 = arith.index_cast %add3A_446 : i32 to index
        %swap3A_477 = arith.constant 0 : index
        %swap3A_478 = tpu.vector_load %arg22[%swap3A_476, %swap3A_477] {strides = array<i32>} : memref<80x64xf32, #tpu.memory_space<vmem>>, vector<1x16xf32>,
        %swap3A_479 = vector.shape_cast %swap3A_478 : vector<1x16xf32> to vector<16xf32>
        %swap3A_480 = vector.shape_cast %div3A_475 : vector<16xf32> to vector<1x16xf32>
        tpu.vector_store %arg22[%swap3A_476, %swap3A_477], %swap3A_480 {strides = array<i32>} : memref<80x64xf32, #tpu.memory_space<vmem>>, vector<1x16xf32>,
        %get3A_481 = arith.index_cast %add3A_446 : i32 to index
        %get3A_482 = arith.constant 0 : index
        %get3A_483 = tpu.vector_load %arg28[%get3A_481, %get3A_482] {strides = array<i32>} : memref<80x64xf32, #tpu.memory_space<vmem>>, vector<1x16xf32>,
        %get3A_484 = vector.shape_cast %get3A_483 : vector<1x16xf32> to vector<16xf32>
        %mul3A_485 = arith.mulf %div3A_475, %get3A_484 : vector<16xf32>
        %swap3A_486 = arith.index_cast %add3A_446 : i32 to index
        %swap3A_487 = arith.constant 0 : index
        %swap3A_488 = tpu.vector_load %arg24[%swap3A_486, %swap3A_487] {strides = array<i32>} : memref<80x64xf32, #tpu.memory_space<vmem>>, vector<1x16xf32>,
        %swap3A_489 = vector.shape_cast %swap3A_488 : vector<1x16xf32> to vector<16xf32>
        %swap3A_490 = vector.shape_cast %mul3A_485 : vector<16xf32> to vector<1x16xf32>
        tpu.vector_store %arg24[%swap3A_486, %swap3A_487], %swap3A_490 {strides = array<i32>} : memref<80x64xf32, #tpu.memory_space<vmem>>, vector<1x16xf32>,
        %get3A_491 = arith.index_cast %add3A_446 : i32 to index
        %get3A_492 = arith.constant 16 : index
        %get3A_493 = tpu.vector_load %arg22[%get3A_491, %get3A_492] {strides = array<i32>} : memref<80x64xf32, #tpu.memory_space<vmem>>, vector<1x16xf32>,
        %get3A_494 = vector.shape_cast %get3A_493 : vector<1x16xf32> to vector<16xf32>
        %get3A_495 = arith.index_cast %add3A_446 : i32 to index
        %get3A_496 = arith.constant 16 : index
        %get3A_497 = tpu.vector_load %arg24[%get3A_495, %get3A_496] {strides = array<i32>} : memref<80x64xf32, #tpu.memory_space<vmem>>, vector<1x16xf32>,
        %get3A_498 = vector.shape_cast %get3A_497 : vector<1x16xf32> to vector<16xf32>
        %add3A_499 = arith.addf %get3A_494, %get3A_498 : vector<16xf32>
        %get3A_500 = arith.index_cast %add3A_446 : i32 to index
        %get3A_501 = arith.constant 16 : index
        %get3A_502 = tpu.vector_load %arg26[%get3A_500, %get3A_501] {strides = array<i32>} : memref<80x64xf32, #tpu.memory_space<vmem>>, vector<1x16xf32>,
        %get3A_503 = vector.shape_cast %get3A_502 : vector<1x16xf32> to vector<16xf32>
        %add3A_504 = arith.addf %add3A_499, %get3A_503 : vector<16xf32>
        %swap3A_505 = arith.index_cast %add3A_446 : i32 to index
        %swap3A_506 = arith.constant 16 : index
        %swap3A_507 = tpu.vector_load %arg29[%swap3A_505, %swap3A_506] {strides = array<i32>} : memref<80x64xf32, #tpu.memory_space<vmem>>, vector<1x16xf32>,
        %swap3A_508 = vector.shape_cast %swap3A_507 : vector<1x16xf32> to vector<16xf32>
        %swap3A_509 = vector.shape_cast %add3A_504 : vector<16xf32> to vector<1x16xf32>
        tpu.vector_store %arg29[%swap3A_505, %swap3A_506], %swap3A_509 {strides = array<i32>} : memref<80x64xf32, #tpu.memory_space<vmem>>, vector<1x16xf32>,
        %neg3A_510 = arith.constant 0.000000e+00 : f32
        %neg3A_511 = vector.broadcast %neg3A_510 : f32 to vector<16xf32>
        %neg3A_512 = arith.subf %neg3A_511, %add3A_504 : vector<16xf32>
        %exp3A_513 = math.exp %neg3A_512 : vector<16xf32>
        %add3A_514 = arith.constant 1.000000e+00 : f32
        %add3A_515 = vector.broadcast %add3A_514 : f32 to vector<16xf32>
        %add3A_516 = arith.addf %add3A_515, %exp3A_513 : vector<16xf32>
        %div3A_517 = arith.constant 1.000000e+00 : f32
        %div3A_518 = vector.broadcast %div3A_517 : f32 to vector<16xf32>
        %div3A_519 = arith.divf %div3A_518, %add3A_516 : vector<16xf32>
        %swap3A_520 = arith.index_cast %add3A_446 : i32 to index
        %swap3A_521 = arith.constant 16 : index
        %swap3A_522 = tpu.vector_load %arg22[%swap3A_520, %swap3A_521] {strides = array<i32>} : memref<80x64xf32, #tpu.memory_space<vmem>>, vector<1x16xf32>,
        %swap3A_523 = vector.shape_cast %swap3A_522 : vector<1x16xf32> to vector<16xf32>
        %swap3A_524 = vector.shape_cast %div3A_519 : vector<16xf32> to vector<1x16xf32>
        tpu.vector_store %arg22[%swap3A_520, %swap3A_521], %swap3A_524 {strides = array<i32>} : memref<80x64xf32, #tpu.memory_space<vmem>>, vector<1x16xf32>,
        %get3A_525 = arith.index_cast %add3A_446 : i32 to index
        %get3A_526 = arith.constant 16 : index
        %get3A_527 = tpu.vector_load %arg28[%get3A_525, %get3A_526] {strides = array<i32>} : memref<80x64xf32, #tpu.memory_space<vmem>>, vector<1x16xf32>,
        %get3A_528 = vector.shape_cast %get3A_527 : vector<1x16xf32> to vector<16xf32>
        %mul3A_529 = arith.mulf %div3A_519, %get3A_528 : vector<16xf32>
        %swap3A_530 = arith.index_cast %add3A_446 : i32 to index
        %swap3A_531 = arith.constant 16 : index
        %swap3A_532 = tpu.vector_load %arg24[%swap3A_530, %swap3A_531] {strides = array<i32>} : memref<80x64xf32, #tpu.memory_space<vmem>>, vector<1x16xf32>,
        %swap3A_533 = vector.shape_cast %swap3A_532 : vector<1x16xf32> to vector<16xf32>
        %swap3A_534 = vector.shape_cast %mul3A_529 : vector<16xf32> to vector<1x16xf32>
        tpu.vector_store %arg24[%swap3A_530, %swap3A_531], %swap3A_534 {strides = array<i32>} : memref<80x64xf32, #tpu.memory_space<vmem>>, vector<1x16xf32>,
        %get3A_535 = arith.index_cast %add3A_446 : i32 to index
        %get3A_536 = arith.constant 32 : index
        %get3A_537 = tpu.vector_load %arg22[%get3A_535, %get3A_536] {strides = array<i32>} : memref<80x64xf32, #tpu.memory_space<vmem>>, vector<1x16xf32>,
        %get3A_538 = vector.shape_cast %get3A_537 : vector<1x16xf32> to vector<16xf32>
        %get3A_539 = arith.index_cast %add3A_446 : i32 to index
        %get3A_540 = arith.constant 32 : index
        %get3A_541 = tpu.vector_load %arg24[%get3A_539, %get3A_540] {strides = array<i32>} : memref<80x64xf32, #tpu.memory_space<vmem>>, vector<1x16xf32>,
        %get3A_542 = vector.shape_cast %get3A_541 : vector<1x16xf32> to vector<16xf32>
        %add3A_543 = arith.addf %get3A_538, %get3A_542 : vector<16xf32>
        %get3A_544 = arith.index_cast %add3A_446 : i32 to index
        %get3A_545 = arith.constant 32 : index
        %get3A_546 = tpu.vector_load %arg26[%get3A_544, %get3A_545] {strides = array<i32>} : memref<80x64xf32, #tpu.memory_space<vmem>>, vector<1x16xf32>,
        %get3A_547 = vector.shape_cast %get3A_546 : vector<1x16xf32> to vector<16xf32>
        %add3A_548 = arith.addf %add3A_543, %get3A_547 : vector<16xf32>
        %swap3A_549 = arith.index_cast %add3A_446 : i32 to index
        %swap3A_550 = arith.constant 32 : index
        %swap3A_551 = tpu.vector_load %arg29[%swap3A_549, %swap3A_550] {strides = array<i32>} : memref<80x64xf32, #tpu.memory_space<vmem>>, vector<1x16xf32>,
        %swap3A_552 = vector.shape_cast %swap3A_551 : vector<1x16xf32> to vector<16xf32>
        %swap3A_553 = vector.shape_cast %add3A_548 : vector<16xf32> to vector<1x16xf32>
        tpu.vector_store %arg29[%swap3A_549, %swap3A_550], %swap3A_553 {strides = array<i32>} : memref<80x64xf32, #tpu.memory_space<vmem>>, vector<1x16xf32>,
        %neg3A_554 = arith.constant 0.000000e+00 : f32
        %neg3A_555 = vector.broadcast %neg3A_554 : f32 to vector<16xf32>
        %neg3A_556 = arith.subf %neg3A_555, %add3A_548 : vector<16xf32>
        %exp3A_557 = math.exp %neg3A_556 : vector<16xf32>
        %add3A_558 = arith.constant 1.000000e+00 : f32
        %add3A_559 = vector.broadcast %add3A_558 : f32 to vector<16xf32>
        %add3A_560 = arith.addf %add3A_559, %exp3A_557 : vector<16xf32>
        %div3A_561 = arith.constant 1.000000e+00 : f32
        %div3A_562 = vector.broadcast %div3A_561 : f32 to vector<16xf32>
        %div3A_563 = arith.divf %div3A_562, %add3A_560 : vector<16xf32>
        %swap3A_564 = arith.index_cast %add3A_446 : i32 to index
        %swap3A_565 = arith.constant 32 : index
        %swap3A_566 = tpu.vector_load %arg22[%swap3A_564, %swap3A_565] {strides = array<i32>} : memref<80x64xf32, #tpu.memory_space<vmem>>, vector<1x16xf32>,
        %swap3A_567 = vector.shape_cast %swap3A_566 : vector<1x16xf32> to vector<16xf32>
        %swap3A_568 = vector.shape_cast %div3A_563 : vector<16xf32> to vector<1x16xf32>
        tpu.vector_store %arg22[%swap3A_564, %swap3A_565], %swap3A_568 {strides = array<i32>} : memref<80x64xf32, #tpu.memory_space<vmem>>, vector<1x16xf32>,
        %get3A_569 = arith.index_cast %add3A_446 : i32 to index
        %get3A_570 = arith.constant 32 : index
        %get3A_571 = tpu.vector_load %arg28[%get3A_569, %get3A_570] {strides = array<i32>} : memref<80x64xf32, #tpu.memory_space<vmem>>, vector<1x16xf32>,
        %get3A_572 = vector.shape_cast %get3A_571 : vector<1x16xf32> to vector<16xf32>
        %mul3A_573 = arith.mulf %div3A_563, %get3A_572 : vector<16xf32>
        %swap3A_574 = arith.index_cast %add3A_446 : i32 to index
        %swap3A_575 = arith.constant 32 : index
        %swap3A_576 = tpu.vector_load %arg24[%swap3A_574, %swap3A_575] {strides = array<i32>} : memref<80x64xf32, #tpu.memory_space<vmem>>, vector<1x16xf32>,
        %swap3A_577 = vector.shape_cast %swap3A_576 : vector<1x16xf32> to vector<16xf32>
        %swap3A_578 = vector.shape_cast %mul3A_573 : vector<16xf32> to vector<1x16xf32>
        tpu.vector_store %arg24[%swap3A_574, %swap3A_575], %swap3A_578 {strides = array<i32>} : memref<80x64xf32, #tpu.memory_space<vmem>>, vector<1x16xf32>,
        %get3A_579 = arith.index_cast %add3A_446 : i32 to index
        %get3A_580 = arith.constant 48 : index
        %get3A_581 = tpu.vector_load %arg22[%get3A_579, %get3A_580] {strides = array<i32>} : memref<80x64xf32, #tpu.memory_space<vmem>>, vector<1x16xf32>,
        %get3A_582 = vector.shape_cast %get3A_581 : vector<1x16xf32> to vector<16xf32>
        %get3A_583 = arith.index_cast %add3A_446 : i32 to index
        %get3A_584 = arith.constant 48 : index
        %get3A_585 = tpu.vector_load %arg24[%get3A_583, %get3A_584] {strides = array<i32>} : memref<80x64xf32, #tpu.memory_space<vmem>>, vector<1x16xf32>,
        %get3A_586 = vector.shape_cast %get3A_585 : vector<1x16xf32> to vector<16xf32>
        %add3A_587 = arith.addf %get3A_582, %get3A_586 : vector<16xf32>
        %get3A_588 = arith.index_cast %add3A_446 : i32 to index
        %get3A_589 = arith.constant 48 : index
        %get3A_590 = tpu.vector_load %arg26[%get3A_588, %get3A_589] {strides = array<i32>} : memref<80x64xf32, #tpu.memory_space<vmem>>, vector<1x16xf32>,
        %get3A_591 = vector.shape_cast %get3A_590 : vector<1x16xf32> to vector<16xf32>
        %add3A_592 = arith.addf %add3A_587, %get3A_591 : vector<16xf32>
        %swap3A_593 = arith.index_cast %add3A_446 : i32 to index
        %swap3A_594 = arith.constant 48 : index
        %swap3A_595 = tpu.vector_load %arg29[%swap3A_593, %swap3A_594] {strides = array<i32>} : memref<80x64xf32, #tpu.memory_space<vmem>>, vector<1x16xf32>,
        %swap3A_596 = vector.shape_cast %swap3A_595 : vector<1x16xf32> to vector<16xf32>
        %swap3A_597 = vector.shape_cast %add3A_592 : vector<16xf32> to vector<1x16xf32>
        tpu.vector_store %arg29[%swap3A_593, %swap3A_594], %swap3A_597 {strides = array<i32>} : memref<80x64xf32, #tpu.memory_space<vmem>>, vector<1x16xf32>,
        %neg3A_598 = arith.constant 0.000000e+00 : f32
        %neg3A_599 = vector.broadcast %neg3A_598 : f32 to vector<16xf32>
        %neg3A_600 = arith.subf %neg3A_599, %add3A_592 : vector<16xf32>
        %exp3A_601 = math.exp %neg3A_600 : vector<16xf32>
        %add3A_602 = arith.constant 1.000000e+00 : f32
        %add3A_603 = vector.broadcast %add3A_602 : f32 to vector<16xf32>
        %add3A_604 = arith.addf %add3A_603, %exp3A_601 : vector<16xf32>
        %div3A_605 = arith.constant 1.000000e+00 : f32
        %div3A_606 = vector.broadcast %div3A_605 : f32 to vector<16xf32>
        %div3A_607 = arith.divf %div3A_606, %add3A_604 : vector<16xf32>
        %swap3A_608 = arith.index_cast %add3A_446 : i32 to index
        %swap3A_609 = arith.constant 48 : index
        %swap3A_610 = tpu.vector_load %arg22[%swap3A_608, %swap3A_609] {strides = array<i32>} : memref<80x64xf32, #tpu.memory_space<vmem>>, vector<1x16xf32>,
        %swap3A_611 = vector.shape_cast %swap3A_610 : vector<1x16xf32> to vector<16xf32>
        %swap3A_612 = vector.shape_cast %div3A_607 : vector<16xf32> to vector<1x16xf32>
        tpu.vector_store %arg22[%swap3A_608, %swap3A_609], %swap3A_612 {strides = array<i32>} : memref<80x64xf32, #tpu.memory_space<vmem>>, vector<1x16xf32>,
        %get3A_613 = arith.index_cast %add3A_446 : i32 to index
        %get3A_614 = arith.constant 48 : index
        %get3A_615 = tpu.vector_load %arg28[%get3A_613, %get3A_614] {strides = array<i32>} : memref<80x64xf32, #tpu.memory_space<vmem>>, vector<1x16xf32>,
        %get3A_616 = vector.shape_cast %get3A_615 : vector<1x16xf32> to vector<16xf32>
        %mul3A_617 = arith.mulf %div3A_607, %get3A_616 : vector<16xf32>
        %swap3A_618 = arith.index_cast %add3A_446 : i32 to index
        %swap3A_619 = arith.constant 48 : index
        %swap3A_620 = tpu.vector_load %arg24[%swap3A_618, %swap3A_619] {strides = array<i32>} : memref<80x64xf32, #tpu.memory_space<vmem>>, vector<1x16xf32>,
        %swap3A_621 = vector.shape_cast %swap3A_620 : vector<1x16xf32> to vector<16xf32>
        %swap3A_622 = vector.shape_cast %mul3A_617 : vector<16xf32> to vector<1x16xf32>
        tpu.vector_store %arg24[%swap3A_618, %swap3A_619], %swap3A_622 {strides = array<i32>} : memref<80x64xf32, #tpu.memory_space<vmem>>, vector<1x16xf32>,
        %mul3A_623 = arith.constant 4 : i32
        %mul3A_624 = arith.muli %scan3A_264, %mul3A_623 : i32
        %add3A_625 = arith.constant 2 : i32
        %add3A_626 = arith.addi %mul3A_624, %add3A_625 : i32
        %get3A_627 = arith.index_cast %add3A_626 : i32 to index
        %get3A_628 = arith.constant 0 : index
        %get3A_629 = tpu.vector_load %arg22[%get3A_627, %get3A_628] {strides = array<i32>} : memref<80x64xf32, #tpu.memory_space<vmem>>, vector<1x16xf32>,
        %get3A_630 = vector.shape_cast %get3A_629 : vector<1x16xf32> to vector<16xf32>
        %get3A_631 = arith.index_cast %add3A_626 : i32 to index
        %get3A_632 = arith.constant 0 : index
        %get3A_633 = tpu.vector_load %arg24[%get3A_631, %get3A_632] {strides = array<i32>} : memref<80x64xf32, #tpu.memory_space<vmem>>, vector<1x16xf32>,
        %get3A_634 = vector.shape_cast %get3A_633 : vector<1x16xf32> to vector<16xf32>
        %add3A_635 = arith.addf %get3A_630, %get3A_634 : vector<16xf32>
        %get3A_636 = arith.index_cast %add3A_626 : i32 to index
        %get3A_637 = arith.constant 0 : index
        %get3A_638 = tpu.vector_load %arg26[%get3A_636, %get3A_637] {strides = array<i32>} : memref<80x64xf32, #tpu.memory_space<vmem>>, vector<1x16xf32>,
        %get3A_639 = vector.shape_cast %get3A_638 : vector<1x16xf32> to vector<16xf32>
        %add3A_640 = arith.addf %add3A_635, %get3A_639 : vector<16xf32>
        %swap3A_641 = arith.index_cast %add3A_626 : i32 to index
        %swap3A_642 = arith.constant 0 : index
        %swap3A_643 = tpu.vector_load %arg29[%swap3A_641, %swap3A_642] {strides = array<i32>} : memref<80x64xf32, #tpu.memory_space<vmem>>, vector<1x16xf32>,
        %swap3A_644 = vector.shape_cast %swap3A_643 : vector<1x16xf32> to vector<16xf32>
        %swap3A_645 = vector.shape_cast %add3A_640 : vector<16xf32> to vector<1x16xf32>
        tpu.vector_store %arg29[%swap3A_641, %swap3A_642], %swap3A_645 {strides = array<i32>} : memref<80x64xf32, #tpu.memory_space<vmem>>, vector<1x16xf32>,
        %neg3A_646 = arith.constant 0.000000e+00 : f32
        %neg3A_647 = vector.broadcast %neg3A_646 : f32 to vector<16xf32>
        %neg3A_648 = arith.subf %neg3A_647, %add3A_640 : vector<16xf32>
        %exp3A_649 = math.exp %neg3A_648 : vector<16xf32>
        %add3A_650 = arith.constant 1.000000e+00 : f32
        %add3A_651 = vector.broadcast %add3A_650 : f32 to vector<16xf32>
        %add3A_652 = arith.addf %add3A_651, %exp3A_649 : vector<16xf32>
        %div3A_653 = arith.constant 1.000000e+00 : f32
        %div3A_654 = vector.broadcast %div3A_653 : f32 to vector<16xf32>
        %div3A_655 = arith.divf %div3A_654, %add3A_652 : vector<16xf32>
        %swap3A_656 = arith.index_cast %add3A_626 : i32 to index
        %swap3A_657 = arith.constant 0 : index
        %swap3A_658 = tpu.vector_load %arg22[%swap3A_656, %swap3A_657] {strides = array<i32>} : memref<80x64xf32, #tpu.memory_space<vmem>>, vector<1x16xf32>,
        %swap3A_659 = vector.shape_cast %swap3A_658 : vector<1x16xf32> to vector<16xf32>
        %swap3A_660 = vector.shape_cast %div3A_655 : vector<16xf32> to vector<1x16xf32>
        tpu.vector_store %arg22[%swap3A_656, %swap3A_657], %swap3A_660 {strides = array<i32>} : memref<80x64xf32, #tpu.memory_space<vmem>>, vector<1x16xf32>,
        %get3A_661 = arith.index_cast %add3A_626 : i32 to index
        %get3A_662 = arith.constant 0 : index
        %get3A_663 = tpu.vector_load %arg28[%get3A_661, %get3A_662] {strides = array<i32>} : memref<80x64xf32, #tpu.memory_space<vmem>>, vector<1x16xf32>,
        %get3A_664 = vector.shape_cast %get3A_663 : vector<1x16xf32> to vector<16xf32>
        %mul3A_665 = arith.mulf %div3A_655, %get3A_664 : vector<16xf32>
        %swap3A_666 = arith.index_cast %add3A_626 : i32 to index
        %swap3A_667 = arith.constant 0 : index
        %swap3A_668 = tpu.vector_load %arg24[%swap3A_666, %swap3A_667] {strides = array<i32>} : memref<80x64xf32, #tpu.memory_space<vmem>>, vector<1x16xf32>,
        %swap3A_669 = vector.shape_cast %swap3A_668 : vector<1x16xf32> to vector<16xf32>
        %swap3A_670 = vector.shape_cast %mul3A_665 : vector<16xf32> to vector<1x16xf32>
        tpu.vector_store %arg24[%swap3A_666, %swap3A_667], %swap3A_670 {strides = array<i32>} : memref<80x64xf32, #tpu.memory_space<vmem>>, vector<1x16xf32>,
        %get3A_671 = arith.index_cast %add3A_626 : i32 to index
        %get3A_672 = arith.constant 16 : index
        %get3A_673 = tpu.vector_load %arg22[%get3A_671, %get3A_672] {strides = array<i32>} : memref<80x64xf32, #tpu.memory_space<vmem>>, vector<1x16xf32>,
        %get3A_674 = vector.shape_cast %get3A_673 : vector<1x16xf32> to vector<16xf32>
        %get3A_675 = arith.index_cast %add3A_626 : i32 to index
        %get3A_676 = arith.constant 16 : index
        %get3A_677 = tpu.vector_load %arg24[%get3A_675, %get3A_676] {strides = array<i32>} : memref<80x64xf32, #tpu.memory_space<vmem>>, vector<1x16xf32>,
        %get3A_678 = vector.shape_cast %get3A_677 : vector<1x16xf32> to vector<16xf32>
        %add3A_679 = arith.addf %get3A_674, %get3A_678 : vector<16xf32>
        %get3A_680 = arith.index_cast %add3A_626 : i32 to index
        %get3A_681 = arith.constant 16 : index
        %get3A_682 = tpu.vector_load %arg26[%get3A_680, %get3A_681] {strides = array<i32>} : memref<80x64xf32, #tpu.memory_space<vmem>>, vector<1x16xf32>,
        %get3A_683 = vector.shape_cast %get3A_682 : vector<1x16xf32> to vector<16xf32>
        %add3A_684 = arith.addf %add3A_679, %get3A_683 : vector<16xf32>
        %swap3A_685 = arith.index_cast %add3A_626 : i32 to index
        %swap3A_686 = arith.constant 16 : index
        %swap3A_687 = tpu.vector_load %arg29[%swap3A_685, %swap3A_686] {strides = array<i32>} : memref<80x64xf32, #tpu.memory_space<vmem>>, vector<1x16xf32>,
        %swap3A_688 = vector.shape_cast %swap3A_687 : vector<1x16xf32> to vector<16xf32>
        %swap3A_689 = vector.shape_cast %add3A_684 : vector<16xf32> to vector<1x16xf32>
        tpu.vector_store %arg29[%swap3A_685, %swap3A_686], %swap3A_689 {strides = array<i32>} : memref<80x64xf32, #tpu.memory_space<vmem>>, vector<1x16xf32>,
        %neg3A_690 = arith.constant 0.000000e+00 : f32
        %neg3A_691 = vector.broadcast %neg3A_690 : f32 to vector<16xf32>
        %neg3A_692 = arith.subf %neg3A_691, %add3A_684 : vector<16xf32>
        %exp3A_693 = math.exp %neg3A_692 : vector<16xf32>
        %add3A_694 = arith.constant 1.000000e+00 : f32
        %add3A_695 = vector.broadcast %add3A_694 : f32 to vector<16xf32>
        %add3A_696 = arith.addf %add3A_695, %exp3A_693 : vector<16xf32>
        %div3A_697 = arith.constant 1.000000e+00 : f32
        %div3A_698 = vector.broadcast %div3A_697 : f32 to vector<16xf32>
        %div3A_699 = arith.divf %div3A_698, %add3A_696 : vector<16xf32>
        %swap3A_700 = arith.index_cast %add3A_626 : i32 to index
        %swap3A_701 = arith.constant 16 : index
        %swap3A_702 = tpu.vector_load %arg22[%swap3A_700, %swap3A_701] {strides = array<i32>} : memref<80x64xf32, #tpu.memory_space<vmem>>, vector<1x16xf32>,
        %swap3A_703 = vector.shape_cast %swap3A_702 : vector<1x16xf32> to vector<16xf32>
        %swap3A_704 = vector.shape_cast %div3A_699 : vector<16xf32> to vector<1x16xf32>
        tpu.vector_store %arg22[%swap3A_700, %swap3A_701], %swap3A_704 {strides = array<i32>} : memref<80x64xf32, #tpu.memory_space<vmem>>, vector<1x16xf32>,
        %get3A_705 = arith.index_cast %add3A_626 : i32 to index
        %get3A_706 = arith.constant 16 : index
        %get3A_707 = tpu.vector_load %arg28[%get3A_705, %get3A_706] {strides = array<i32>} : memref<80x64xf32, #tpu.memory_space<vmem>>, vector<1x16xf32>,
        %get3A_708 = vector.shape_cast %get3A_707 : vector<1x16xf32> to vector<16xf32>
        %mul3A_709 = arith.mulf %div3A_699, %get3A_708 : vector<16xf32>
        %swap3A_710 = arith.index_cast %add3A_626 : i32 to index
        %swap3A_711 = arith.constant 16 : index
        %swap3A_712 = tpu.vector_load %arg24[%swap3A_710, %swap3A_711] {strides = array<i32>} : memref<80x64xf32, #tpu.memory_space<vmem>>, vector<1x16xf32>,
        %swap3A_713 = vector.shape_cast %swap3A_712 : vector<1x16xf32> to vector<16xf32>
        %swap3A_714 = vector.shape_cast %mul3A_709 : vector<16xf32> to vector<1x16xf32>
        tpu.vector_store %arg24[%swap3A_710, %swap3A_711], %swap3A_714 {strides = array<i32>} : memref<80x64xf32, #tpu.memory_space<vmem>>, vector<1x16xf32>,
        %get3A_715 = arith.index_cast %add3A_626 : i32 to index
        %get3A_716 = arith.constant 32 : index
        %get3A_717 = tpu.vector_load %arg22[%get3A_715, %get3A_716] {strides = array<i32>} : memref<80x64xf32, #tpu.memory_space<vmem>>, vector<1x16xf32>,
        %get3A_718 = vector.shape_cast %get3A_717 : vector<1x16xf32> to vector<16xf32>
        %get3A_719 = arith.index_cast %add3A_626 : i32 to index
        %get3A_720 = arith.constant 32 : index
        %get3A_721 = tpu.vector_load %arg24[%get3A_719, %get3A_720] {strides = array<i32>} : memref<80x64xf32, #tpu.memory_space<vmem>>, vector<1x16xf32>,
        %get3A_722 = vector.shape_cast %get3A_721 : vector<1x16xf32> to vector<16xf32>
        %add3A_723 = arith.addf %get3A_718, %get3A_722 : vector<16xf32>
        %get3A_724 = arith.index_cast %add3A_626 : i32 to index
        %get3A_725 = arith.constant 32 : index
        %get3A_726 = tpu.vector_load %arg26[%get3A_724, %get3A_725] {strides = array<i32>} : memref<80x64xf32, #tpu.memory_space<vmem>>, vector<1x16xf32>,
        %get3A_727 = vector.shape_cast %get3A_726 : vector<1x16xf32> to vector<16xf32>
        %add3A_728 = arith.addf %add3A_723, %get3A_727 : vector<16xf32>
        %swap3A_729 = arith.index_cast %add3A_626 : i32 to index
        %swap3A_730 = arith.constant 32 : index
        %swap3A_731 = tpu.vector_load %arg29[%swap3A_729, %swap3A_730] {strides = array<i32>} : memref<80x64xf32, #tpu.memory_space<vmem>>, vector<1x16xf32>,
        %swap3A_732 = vector.shape_cast %swap3A_731 : vector<1x16xf32> to vector<16xf32>
        %swap3A_733 = vector.shape_cast %add3A_728 : vector<16xf32> to vector<1x16xf32>
        tpu.vector_store %arg29[%swap3A_729, %swap3A_730], %swap3A_733 {strides = array<i32>} : memref<80x64xf32, #tpu.memory_space<vmem>>, vector<1x16xf32>,
        %neg3A_734 = arith.constant 0.000000e+00 : f32
        %neg3A_735 = vector.broadcast %neg3A_734 : f32 to vector<16xf32>
        %neg3A_736 = arith.subf %neg3A_735, %add3A_728 : vector<16xf32>
        %exp3A_737 = math.exp %neg3A_736 : vector<16xf32>
        %add3A_738 = arith.constant 1.000000e+00 : f32
        %add3A_739 = vector.broadcast %add3A_738 : f32 to vector<16xf32>
        %add3A_740 = arith.addf %add3A_739, %exp3A_737 : vector<16xf32>
        %div3A_741 = arith.constant 1.000000e+00 : f32
        %div3A_742 = vector.broadcast %div3A_741 : f32 to vector<16xf32>
        %div3A_743 = arith.divf %div3A_742, %add3A_740 : vector<16xf32>
        %swap3A_744 = arith.index_cast %add3A_626 : i32 to index
        %swap3A_745 = arith.constant 32 : index
        %swap3A_746 = tpu.vector_load %arg22[%swap3A_744, %swap3A_745] {strides = array<i32>} : memref<80x64xf32, #tpu.memory_space<vmem>>, vector<1x16xf32>,
        %swap3A_747 = vector.shape_cast %swap3A_746 : vector<1x16xf32> to vector<16xf32>
        %swap3A_748 = vector.shape_cast %div3A_743 : vector<16xf32> to vector<1x16xf32>
        tpu.vector_store %arg22[%swap3A_744, %swap3A_745], %swap3A_748 {strides = array<i32>} : memref<80x64xf32, #tpu.memory_space<vmem>>, vector<1x16xf32>,
        %get3A_749 = arith.index_cast %add3A_626 : i32 to index
        %get3A_750 = arith.constant 32 : index
        %get3A_751 = tpu.vector_load %arg28[%get3A_749, %get3A_750] {strides = array<i32>} : memref<80x64xf32, #tpu.memory_space<vmem>>, vector<1x16xf32>,
        %get3A_752 = vector.shape_cast %get3A_751 : vector<1x16xf32> to vector<16xf32>
        %mul3A_753 = arith.mulf %div3A_743, %get3A_752 : vector<16xf32>
        %swap3A_754 = arith.index_cast %add3A_626 : i32 to index
        %swap3A_755 = arith.constant 32 : index
        %swap3A_756 = tpu.vector_load %arg24[%swap3A_754, %swap3A_755] {strides = array<i32>} : memref<80x64xf32, #tpu.memory_space<vmem>>, vector<1x16xf32>,
        %swap3A_757 = vector.shape_cast %swap3A_756 : vector<1x16xf32> to vector<16xf32>
        %swap3A_758 = vector.shape_cast %mul3A_753 : vector<16xf32> to vector<1x16xf32>
        tpu.vector_store %arg24[%swap3A_754, %swap3A_755], %swap3A_758 {strides = array<i32>} : memref<80x64xf32, #tpu.memory_space<vmem>>, vector<1x16xf32>,
        %get3A_759 = arith.index_cast %add3A_626 : i32 to index
        %get3A_760 = arith.constant 48 : index
        %get3A_761 = tpu.vector_load %arg22[%get3A_759, %get3A_760] {strides = array<i32>} : memref<80x64xf32, #tpu.memory_space<vmem>>, vector<1x16xf32>,
        %get3A_762 = vector.shape_cast %get3A_761 : vector<1x16xf32> to vector<16xf32>
        %get3A_763 = arith.index_cast %add3A_626 : i32 to index
        %get3A_764 = arith.constant 48 : index
        %get3A_765 = tpu.vector_load %arg24[%get3A_763, %get3A_764] {strides = array<i32>} : memref<80x64xf32, #tpu.memory_space<vmem>>, vector<1x16xf32>,
        %get3A_766 = vector.shape_cast %get3A_765 : vector<1x16xf32> to vector<16xf32>
        %add3A_767 = arith.addf %get3A_762, %get3A_766 : vector<16xf32>
        %get3A_768 = arith.index_cast %add3A_626 : i32 to index
        %get3A_769 = arith.constant 48 : index
        %get3A_770 = tpu.vector_load %arg26[%get3A_768, %get3A_769] {strides = array<i32>} : memref<80x64xf32, #tpu.memory_space<vmem>>, vector<1x16xf32>,
        %get3A_771 = vector.shape_cast %get3A_770 : vector<1x16xf32> to vector<16xf32>
        %add3A_772 = arith.addf %add3A_767, %get3A_771 : vector<16xf32>
        %swap3A_773 = arith.index_cast %add3A_626 : i32 to index
        %swap3A_774 = arith.constant 48 : index
        %swap3A_775 = tpu.vector_load %arg29[%swap3A_773, %swap3A_774] {strides = array<i32>} : memref<80x64xf32, #tpu.memory_space<vmem>>, vector<1x16xf32>,
        %swap3A_776 = vector.shape_cast %swap3A_775 : vector<1x16xf32> to vector<16xf32>
        %swap3A_777 = vector.shape_cast %add3A_772 : vector<16xf32> to vector<1x16xf32>
        tpu.vector_store %arg29[%swap3A_773, %swap3A_774], %swap3A_777 {strides = array<i32>} : memref<80x64xf32, #tpu.memory_space<vmem>>, vector<1x16xf32>,
        %neg3A_778 = arith.constant 0.000000e+00 : f32
        %neg3A_779 = vector.broadcast %neg3A_778 : f32 to vector<16xf32>
        %neg3A_780 = arith.subf %neg3A_779, %add3A_772 : vector<16xf32>
        %exp3A_781 = math.exp %neg3A_780 : vector<16xf32>
        %add3A_782 = arith.constant 1.000000e+00 : f32
        %add3A_783 = vector.broadcast %add3A_782 : f32 to vector<16xf32>
        %add3A_784 = arith.addf %add3A_783, %exp3A_781 : vector<16xf32>
        %div3A_785 = arith.constant 1.000000e+00 : f32
        %div3A_786 = vector.broadcast %div3A_785 : f32 to vector<16xf32>
        %div3A_787 = arith.divf %div3A_786, %add3A_784 : vector<16xf32>
        %swap3A_788 = arith.index_cast %add3A_626 : i32 to index
        %swap3A_789 = arith.constant 48 : index
        %swap3A_790 = tpu.vector_load %arg22[%swap3A_788, %swap3A_789] {strides = array<i32>} : memref<80x64xf32, #tpu.memory_space<vmem>>, vector<1x16xf32>,
        %swap3A_791 = vector.shape_cast %swap3A_790 : vector<1x16xf32> to vector<16xf32>
        %swap3A_792 = vector.shape_cast %div3A_787 : vector<16xf32> to vector<1x16xf32>
        tpu.vector_store %arg22[%swap3A_788, %swap3A_789], %swap3A_792 {strides = array<i32>} : memref<80x64xf32, #tpu.memory_space<vmem>>, vector<1x16xf32>,
        %get3A_793 = arith.index_cast %add3A_626 : i32 to index
        %get3A_794 = arith.constant 48 : index
        %get3A_795 = tpu.vector_load %arg28[%get3A_793, %get3A_794] {strides = array<i32>} : memref<80x64xf32, #tpu.memory_space<vmem>>, vector<1x16xf32>,
        %get3A_796 = vector.shape_cast %get3A_795 : vector<1x16xf32> to vector<16xf32>
        %mul3A_797 = arith.mulf %div3A_787, %get3A_796 : vector<16xf32>
        %swap3A_798 = arith.index_cast %add3A_626 : i32 to index
        %swap3A_799 = arith.constant 48 : index
        %swap3A_800 = tpu.vector_load %arg24[%swap3A_798, %swap3A_799] {strides = array<i32>} : memref<80x64xf32, #tpu.memory_space<vmem>>, vector<1x16xf32>,
        %swap3A_801 = vector.shape_cast %swap3A_800 : vector<1x16xf32> to vector<16xf32>
        %swap3A_802 = vector.shape_cast %mul3A_797 : vector<16xf32> to vector<1x16xf32>
        tpu.vector_store %arg24[%swap3A_798, %swap3A_799], %swap3A_802 {strides = array<i32>} : memref<80x64xf32, #tpu.memory_space<vmem>>, vector<1x16xf32>,
        %mul3A_803 = arith.constant 4 : i32
        %mul3A_804 = arith.muli %scan3A_264, %mul3A_803 : i32
        %add3A_805 = arith.constant 3 : i32
        %add3A_806 = arith.addi %mul3A_804, %add3A_805 : i32
        %get3A_807 = arith.index_cast %add3A_806 : i32 to index
        %get3A_808 = arith.constant 0 : index
        %get3A_809 = tpu.vector_load %arg22[%get3A_807, %get3A_808] {strides = array<i32>} : memref<80x64xf32, #tpu.memory_space<vmem>>, vector<1x16xf32>,
        %get3A_810 = vector.shape_cast %get3A_809 : vector<1x16xf32> to vector<16xf32>
        %get3A_811 = arith.index_cast %add3A_806 : i32 to index
        %get3A_812 = arith.constant 0 : index
        %get3A_813 = tpu.vector_load %arg24[%get3A_811, %get3A_812] {strides = array<i32>} : memref<80x64xf32, #tpu.memory_space<vmem>>, vector<1x16xf32>,
        %get3A_814 = vector.shape_cast %get3A_813 : vector<1x16xf32> to vector<16xf32>
        %add3A_815 = arith.addf %get3A_810, %get3A_814 : vector<16xf32>
        %get3A_816 = arith.index_cast %add3A_806 : i32 to index
        %get3A_817 = arith.constant 0 : index
        %get3A_818 = tpu.vector_load %arg26[%get3A_816, %get3A_817] {strides = array<i32>} : memref<80x64xf32, #tpu.memory_space<vmem>>, vector<1x16xf32>,
        %get3A_819 = vector.shape_cast %get3A_818 : vector<1x16xf32> to vector<16xf32>
        %add3A_820 = arith.addf %add3A_815, %get3A_819 : vector<16xf32>
        %swap3A_821 = arith.index_cast %add3A_806 : i32 to index
        %swap3A_822 = arith.constant 0 : index
        %swap3A_823 = tpu.vector_load %arg29[%swap3A_821, %swap3A_822] {strides = array<i32>} : memref<80x64xf32, #tpu.memory_space<vmem>>, vector<1x16xf32>,
        %swap3A_824 = vector.shape_cast %swap3A_823 : vector<1x16xf32> to vector<16xf32>
        %swap3A_825 = vector.shape_cast %add3A_820 : vector<16xf32> to vector<1x16xf32>
        tpu.vector_store %arg29[%swap3A_821, %swap3A_822], %swap3A_825 {strides = array<i32>} : memref<80x64xf32, #tpu.memory_space<vmem>>, vector<1x16xf32>,
        %neg3A_826 = arith.constant 0.000000e+00 : f32
        %neg3A_827 = vector.broadcast %neg3A_826 : f32 to vector<16xf32>
        %neg3A_828 = arith.subf %neg3A_827, %add3A_820 : vector<16xf32>
        %exp3A_829 = math.exp %neg3A_828 : vector<16xf32>
        %add3A_830 = arith.constant 1.000000e+00 : f32
        %add3A_831 = vector.broadcast %add3A_830 : f32 to vector<16xf32>
        %add3A_832 = arith.addf %add3A_831, %exp3A_829 : vector<16xf32>
        %div3A_833 = arith.constant 1.000000e+00 : f32
        %div3A_834 = vector.broadcast %div3A_833 : f32 to vector<16xf32>
        %div3A_835 = arith.divf %div3A_834, %add3A_832 : vector<16xf32>
        %swap3A_836 = arith.index_cast %add3A_806 : i32 to index
        %swap3A_837 = arith.constant 0 : index
        %swap3A_838 = tpu.vector_load %arg22[%swap3A_836, %swap3A_837] {strides = array<i32>} : memref<80x64xf32, #tpu.memory_space<vmem>>, vector<1x16xf32>,
        %swap3A_839 = vector.shape_cast %swap3A_838 : vector<1x16xf32> to vector<16xf32>
        %swap3A_840 = vector.shape_cast %div3A_835 : vector<16xf32> to vector<1x16xf32>
        tpu.vector_store %arg22[%swap3A_836, %swap3A_837], %swap3A_840 {strides = array<i32>} : memref<80x64xf32, #tpu.memory_space<vmem>>, vector<1x16xf32>,
        %get3A_841 = arith.index_cast %add3A_806 : i32 to index
        %get3A_842 = arith.constant 0 : index
        %get3A_843 = tpu.vector_load %arg28[%get3A_841, %get3A_842] {strides = array<i32>} : memref<80x64xf32, #tpu.memory_space<vmem>>, vector<1x16xf32>,
        %get3A_844 = vector.shape_cast %get3A_843 : vector<1x16xf32> to vector<16xf32>
        %mul3A_845 = arith.mulf %div3A_835, %get3A_844 : vector<16xf32>
        %swap3A_846 = arith.index_cast %add3A_806 : i32 to index
        %swap3A_847 = arith.constant 0 : index
        %swap3A_848 = tpu.vector_load %arg24[%swap3A_846, %swap3A_847] {strides = array<i32>} : memref<80x64xf32, #tpu.memory_space<vmem>>, vector<1x16xf32>,
        %swap3A_849 = vector.shape_cast %swap3A_848 : vector<1x16xf32> to vector<16xf32>
        %swap3A_850 = vector.shape_cast %mul3A_845 : vector<16xf32> to vector<1x16xf32>
        tpu.vector_store %arg24[%swap3A_846, %swap3A_847], %swap3A_850 {strides = array<i32>} : memref<80x64xf32, #tpu.memory_space<vmem>>, vector<1x16xf32>,
        %get3A_851 = arith.index_cast %add3A_806 : i32 to index
        %get3A_852 = arith.constant 16 : index
        %get3A_853 = tpu.vector_load %arg22[%get3A_851, %get3A_852] {strides = array<i32>} : memref<80x64xf32, #tpu.memory_space<vmem>>, vector<1x16xf32>,
        %get3A_854 = vector.shape_cast %get3A_853 : vector<1x16xf32> to vector<16xf32>
        %get3A_855 = arith.index_cast %add3A_806 : i32 to index
        %get3A_856 = arith.constant 16 : index
        %get3A_857 = tpu.vector_load %arg24[%get3A_855, %get3A_856] {strides = array<i32>} : memref<80x64xf32, #tpu.memory_space<vmem>>, vector<1x16xf32>,
        %get3A_858 = vector.shape_cast %get3A_857 : vector<1x16xf32> to vector<16xf32>
        %add3A_859 = arith.addf %get3A_854, %get3A_858 : vector<16xf32>
        %get3A_860 = arith.index_cast %add3A_806 : i32 to index
        %get3A_861 = arith.constant 16 : index
        %get3A_862 = tpu.vector_load %arg26[%get3A_860, %get3A_861] {strides = array<i32>} : memref<80x64xf32, #tpu.memory_space<vmem>>, vector<1x16xf32>,
        %get3A_863 = vector.shape_cast %get3A_862 : vector<1x16xf32> to vector<16xf32>
        %add3A_864 = arith.addf %add3A_859, %get3A_863 : vector<16xf32>
        %swap3A_865 = arith.index_cast %add3A_806 : i32 to index
        %swap3A_866 = arith.constant 16 : index
        %swap3A_867 = tpu.vector_load %arg29[%swap3A_865, %swap3A_866] {strides = array<i32>} : memref<80x64xf32, #tpu.memory_space<vmem>>, vector<1x16xf32>,
        %swap3A_868 = vector.shape_cast %swap3A_867 : vector<1x16xf32> to vector<16xf32>
        %swap3A_869 = vector.shape_cast %add3A_864 : vector<16xf32> to vector<1x16xf32>
        tpu.vector_store %arg29[%swap3A_865, %swap3A_866], %swap3A_869 {strides = array<i32>} : memref<80x64xf32, #tpu.memory_space<vmem>>, vector<1x16xf32>,
        %neg3A_870 = arith.constant 0.000000e+00 : f32
        %neg3A_871 = vector.broadcast %neg3A_870 : f32 to vector<16xf32>
        %neg3A_872 = arith.subf %neg3A_871, %add3A_864 : vector<16xf32>
        %exp3A_873 = math.exp %neg3A_872 : vector<16xf32>
        %add3A_874 = arith.constant 1.000000e+00 : f32
        %add3A_875 = vector.broadcast %add3A_874 : f32 to vector<16xf32>
        %add3A_876 = arith.addf %add3A_875, %exp3A_873 : vector<16xf32>
        %div3A_877 = arith.constant 1.000000e+00 : f32
        %div3A_878 = vector.broadcast %div3A_877 : f32 to vector<16xf32>
        %div3A_879 = arith.divf %div3A_878, %add3A_876 : vector<16xf32>
        %swap3A_880 = arith.index_cast %add3A_806 : i32 to index
        %swap3A_881 = arith.constant 16 : index
        %swap3A_882 = tpu.vector_load %arg22[%swap3A_880, %swap3A_881] {strides = array<i32>} : memref<80x64xf32, #tpu.memory_space<vmem>>, vector<1x16xf32>,
        %swap3A_883 = vector.shape_cast %swap3A_882 : vector<1x16xf32> to vector<16xf32>
        %swap3A_884 = vector.shape_cast %div3A_879 : vector<16xf32> to vector<1x16xf32>
        tpu.vector_store %arg22[%swap3A_880, %swap3A_881], %swap3A_884 {strides = array<i32>} : memref<80x64xf32, #tpu.memory_space<vmem>>, vector<1x16xf32>,
        %get3A_885 = arith.index_cast %add3A_806 : i32 to index
        %get3A_886 = arith.constant 16 : index
        %get3A_887 = tpu.vector_load %arg28[%get3A_885, %get3A_886] {strides = array<i32>} : memref<80x64xf32, #tpu.memory_space<vmem>>, vector<1x16xf32>,
        %get3A_888 = vector.shape_cast %get3A_887 : vector<1x16xf32> to vector<16xf32>
        %mul3A_889 = arith.mulf %div3A_879, %get3A_888 : vector<16xf32>
        %swap3A_890 = arith.index_cast %add3A_806 : i32 to index
        %swap3A_891 = arith.constant 16 : index
        %swap3A_892 = tpu.vector_load %arg24[%swap3A_890, %swap3A_891] {strides = array<i32>} : memref<80x64xf32, #tpu.memory_space<vmem>>, vector<1x16xf32>,
        %swap3A_893 = vector.shape_cast %swap3A_892 : vector<1x16xf32> to vector<16xf32>
        %swap3A_894 = vector.shape_cast %mul3A_889 : vector<16xf32> to vector<1x16xf32>
        tpu.vector_store %arg24[%swap3A_890, %swap3A_891], %swap3A_894 {strides = array<i32>} : memref<80x64xf32, #tpu.memory_space<vmem>>, vector<1x16xf32>,
        %get3A_895 = arith.index_cast %add3A_806 : i32 to index
        %get3A_896 = arith.constant 32 : index
        %get3A_897 = tpu.vector_load %arg22[%get3A_895, %get3A_896] {strides = array<i32>} : memref<80x64xf32, #tpu.memory_space<vmem>>, vector<1x16xf32>,
        %get3A_898 = vector.shape_cast %get3A_897 : vector<1x16xf32> to vector<16xf32>
        %get3A_899 = arith.index_cast %add3A_806 : i32 to index
        %get3A_900 = arith.constant 32 : index
        %get3A_901 = tpu.vector_load %arg24[%get3A_899, %get3A_900] {strides = array<i32>} : memref<80x64xf32, #tpu.memory_space<vmem>>, vector<1x16xf32>,
        %get3A_902 = vector.shape_cast %get3A_901 : vector<1x16xf32> to vector<16xf32>
        %add3A_903 = arith.addf %get3A_898, %get3A_902 : vector<16xf32>
        %get3A_904 = arith.index_cast %add3A_806 : i32 to index
        %get3A_905 = arith.constant 32 : index
        %get3A_906 = tpu.vector_load %arg26[%get3A_904, %get3A_905] {strides = array<i32>} : memref<80x64xf32, #tpu.memory_space<vmem>>, vector<1x16xf32>,
        %get3A_907 = vector.shape_cast %get3A_906 : vector<1x16xf32> to vector<16xf32>
        %add3A_908 = arith.addf %add3A_903, %get3A_907 : vector<16xf32>
        %swap3A_909 = arith.index_cast %add3A_806 : i32 to index
        %swap3A_910 = arith.constant 32 : index
        %swap3A_911 = tpu.vector_load %arg29[%swap3A_909, %swap3A_910] {strides = array<i32>} : memref<80x64xf32, #tpu.memory_space<vmem>>, vector<1x16xf32>,
        %swap3A_912 = vector.shape_cast %swap3A_911 : vector<1x16xf32> to vector<16xf32>
        %swap3A_913 = vector.shape_cast %add3A_908 : vector<16xf32> to vector<1x16xf32>
        tpu.vector_store %arg29[%swap3A_909, %swap3A_910], %swap3A_913 {strides = array<i32>} : memref<80x64xf32, #tpu.memory_space<vmem>>, vector<1x16xf32>,
        %neg3A_914 = arith.constant 0.000000e+00 : f32
        %neg3A_915 = vector.broadcast %neg3A_914 : f32 to vector<16xf32>
        %neg3A_916 = arith.subf %neg3A_915, %add3A_908 : vector<16xf32>
        %exp3A_917 = math.exp %neg3A_916 : vector<16xf32>
        %add3A_918 = arith.constant 1.000000e+00 : f32
        %add3A_919 = vector.broadcast %add3A_918 : f32 to vector<16xf32>
        %add3A_920 = arith.addf %add3A_919, %exp3A_917 : vector<16xf32>
        %div3A_921 = arith.constant 1.000000e+00 : f32
        %div3A_922 = vector.broadcast %div3A_921 : f32 to vector<16xf32>
        %div3A_923 = arith.divf %div3A_922, %add3A_920 : vector<16xf32>
        %swap3A_924 = arith.index_cast %add3A_806 : i32 to index
        %swap3A_925 = arith.constant 32 : index
        %swap3A_926 = tpu.vector_load %arg22[%swap3A_924, %swap3A_925] {strides = array<i32>} : memref<80x64xf32, #tpu.memory_space<vmem>>, vector<1x16xf32>,
        %swap3A_927 = vector.shape_cast %swap3A_926 : vector<1x16xf32> to vector<16xf32>
        %swap3A_928 = vector.shape_cast %div3A_923 : vector<16xf32> to vector<1x16xf32>
        tpu.vector_store %arg22[%swap3A_924, %swap3A_925], %swap3A_928 {strides = array<i32>} : memref<80x64xf32, #tpu.memory_space<vmem>>, vector<1x16xf32>,
        %get3A_929 = arith.index_cast %add3A_806 : i32 to index
        %get3A_930 = arith.constant 32 : index
        %get3A_931 = tpu.vector_load %arg28[%get3A_929, %get3A_930] {strides = array<i32>} : memref<80x64xf32, #tpu.memory_space<vmem>>, vector<1x16xf32>,
        %get3A_932 = vector.shape_cast %get3A_931 : vector<1x16xf32> to vector<16xf32>
        %mul3A_933 = arith.mulf %div3A_923, %get3A_932 : vector<16xf32>
        %swap3A_934 = arith.index_cast %add3A_806 : i32 to index
        %swap3A_935 = arith.constant 32 : index
        %swap3A_936 = tpu.vector_load %arg24[%swap3A_934, %swap3A_935] {strides = array<i32>} : memref<80x64xf32, #tpu.memory_space<vmem>>, vector<1x16xf32>,
        %swap3A_937 = vector.shape_cast %swap3A_936 : vector<1x16xf32> to vector<16xf32>
        %swap3A_938 = vector.shape_cast %mul3A_933 : vector<16xf32> to vector<1x16xf32>
        tpu.vector_store %arg24[%swap3A_934, %swap3A_935], %swap3A_938 {strides = array<i32>} : memref<80x64xf32, #tpu.memory_space<vmem>>, vector<1x16xf32>,
        %get3A_939 = arith.index_cast %add3A_806 : i32 to index
        %get3A_940 = arith.constant 48 : index
        %get3A_941 = tpu.vector_load %arg22[%get3A_939, %get3A_940] {strides = array<i32>} : memref<80x64xf32, #tpu.memory_space<vmem>>, vector<1x16xf32>,
        %get3A_942 = vector.shape_cast %get3A_941 : vector<1x16xf32> to vector<16xf32>
        %get3A_943 = arith.index_cast %add3A_806 : i32 to index
        %get3A_944 = arith.constant 48 : index
        %get3A_945 = tpu.vector_load %arg24[%get3A_943, %get3A_944] {strides = array<i32>} : memref<80x64xf32, #tpu.memory_space<vmem>>, vector<1x16xf32>,
        %get3A_946 = vector.shape_cast %get3A_945 : vector<1x16xf32> to vector<16xf32>
        %add3A_947 = arith.addf %get3A_942, %get3A_946 : vector<16xf32>
        %get3A_948 = arith.index_cast %add3A_806 : i32 to index
        %get3A_949 = arith.constant 48 : index
        %get3A_950 = tpu.vector_load %arg26[%get3A_948, %get3A_949] {strides = array<i32>} : memref<80x64xf32, #tpu.memory_space<vmem>>, vector<1x16xf32>,
        %get3A_951 = vector.shape_cast %get3A_950 : vector<1x16xf32> to vector<16xf32>
        %add3A_952 = arith.addf %add3A_947, %get3A_951 : vector<16xf32>
        %swap3A_953 = arith.index_cast %add3A_806 : i32 to index
        %swap3A_954 = arith.constant 48 : index
        %swap3A_955 = tpu.vector_load %arg29[%swap3A_953, %swap3A_954] {strides = array<i32>} : memref<80x64xf32, #tpu.memory_space<vmem>>, vector<1x16xf32>,
        %swap3A_956 = vector.shape_cast %swap3A_955 : vector<1x16xf32> to vector<16xf32>
        %swap3A_957 = vector.shape_cast %add3A_952 : vector<16xf32> to vector<1x16xf32>
        tpu.vector_store %arg29[%swap3A_953, %swap3A_954], %swap3A_957 {strides = array<i32>} : memref<80x64xf32, #tpu.memory_space<vmem>>, vector<1x16xf32>,
        %neg3A_958 = arith.constant 0.000000e+00 : f32
        %neg3A_959 = vector.broadcast %neg3A_958 : f32 to vector<16xf32>
        %neg3A_960 = arith.subf %neg3A_959, %add3A_952 : vector<16xf32>
        %exp3A_961 = math.exp %neg3A_960 : vector<16xf32>
        %add3A_962 = arith.constant 1.000000e+00 : f32
        %add3A_963 = vector.broadcast %add3A_962 : f32 to vector<16xf32>
        %add3A_964 = arith.addf %add3A_963, %exp3A_961 : vector<16xf32>
        %div3A_965 = arith.constant 1.000000e+00 : f32
        %div3A_966 = vector.broadcast %div3A_965 : f32 to vector<16xf32>
        %div3A_967 = arith.divf %div3A_966, %add3A_964 : vector<16xf32>
        %swap3A_968 = arith.index_cast %add3A_806 : i32 to index
        %swap3A_969 = arith.constant 48 : index
        %swap3A_970 = tpu.vector_load %arg22[%swap3A_968, %swap3A_969] {strides = array<i32>} : memref<80x64xf32, #tpu.memory_space<vmem>>, vector<1x16xf32>,
        %swap3A_971 = vector.shape_cast %swap3A_970 : vector<1x16xf32> to vector<16xf32>
        %swap3A_972 = vector.shape_cast %div3A_967 : vector<16xf32> to vector<1x16xf32>
        tpu.vector_store %arg22[%swap3A_968, %swap3A_969], %swap3A_972 {strides = array<i32>} : memref<80x64xf32, #tpu.memory_space<vmem>>, vector<1x16xf32>,
        %get3A_973 = arith.index_cast %add3A_806 : i32 to index
        %get3A_974 = arith.constant 48 : index
        %get3A_975 = tpu.vector_load %arg28[%get3A_973, %get3A_974] {strides = array<i32>} : memref<80x64xf32, #tpu.memory_space<vmem>>, vector<1x16xf32>,
        %get3A_976 = vector.shape_cast %get3A_975 : vector<1x16xf32> to vector<16xf32>
        %mul3A_977 = arith.mulf %div3A_967, %get3A_976 : vector<16xf32>
        %swap3A_978 = arith.index_cast %add3A_806 : i32 to index
        %swap3A_979 = arith.constant 48 : index
        %swap3A_980 = tpu.vector_load %arg24[%swap3A_978, %swap3A_979] {strides = array<i32>} : memref<80x64xf32, #tpu.memory_space<vmem>>, vector<1x16xf32>,
        %swap3A_981 = vector.shape_cast %swap3A_980 : vector<1x16xf32> to vector<16xf32>
        %swap3A_982 = vector.shape_cast %mul3A_977 : vector<16xf32> to vector<1x16xf32>
        tpu.vector_store %arg24[%swap3A_978, %swap3A_979], %swap3A_982 {strides = array<i32>} : memref<80x64xf32, #tpu.memory_space<vmem>>, vector<1x16xf32>,
        %scan3A_983 = arith.constant 0 : i32
        scf.yield %scan3A_983 : i32
      }
      %scan3A_252 = arith.constant 20 : i32
      %mul3A_253 = arith.constant 64 : i32
      %mul3A_254 = arith.muli %arg0, %mul3A_253 : i32
      %dma_start3A_255 = tpu.memref_slice %arg8[%add3A_220, %mul3A_254] : memref<320000x128xf32, #tpu.memory_space<hbm>> -> memref<80x64xf32, #tpu.memory_space<hbm>>
      %dma_start3A_256 = tpu.memref_slice %arg8[%add3A_220, %mul3A_254] : memref<320000x128xf32, #tpu.memory_space<hbm>> -> memref<80x64xf32, #tpu.memory_space<hbm>>
      tpu.enqueue_dma source(%arg29 : memref<80x64xf32, #tpu.memory_space<vmem>>) target(%dma_start3A_256 : memref<80x64xf32, #tpu.memory_space<hbm>>) target_semaphore(%arg49 : memref<!tpu.dma_semaphore, #tpu.memory_space<semaphore_mem>>)
      %dma_start3A_257 = arith.constant 0 : i32
      %dma_start3A_258 = arith.constant 0 : i32
      %dma_start3A_259 = tpu.memref_slice %arg31[%dma_start3A_257, %dma_start3A_258] : memref<10000x64xf32, #tpu.memory_space<vmem_shared>> -> memref<10000x64xf32, #tpu.memory_space<vmem_shared>>
      tpu.enqueue_indirect_dma source(%arg24 : memref<80x64xf32, #tpu.memory_space<vmem>>) target(%dma_start3A_259 : memref<10000x64xf32, #tpu.memory_space<vmem_shared>>) offsets(%arg20 : memref<80xi32, #tpu.memory_space<vmem>>) semaphore(%arg46 : memref<!tpu.dma_semaphore, #tpu.memory_space<semaphore_mem>>) {add = true}
      %dma_start3A_260 = arith.constant 0 : i32
      %dma_start3A_261 = arith.constant 0 : i32
      %dma_start3A_262 = tpu.memref_slice %arg32[%dma_start3A_260, %dma_start3A_261] : memref<10000x64xf32, #tpu.memory_space<vmem_shared>> -> memref<10000x64xf32, #tpu.memory_space<vmem_shared>>
      tpu.enqueue_indirect_dma source(%arg22 : memref<80x64xf32, #tpu.memory_space<vmem>>) target(%dma_start3A_262 : memref<10000x64xf32, #tpu.memory_space<vmem_shared>>) offsets(%arg20 : memref<80xi32, #tpu.memory_space<vmem>>) semaphore(%arg48 : memref<!tpu.dma_semaphore, #tpu.memory_space<semaphore_mem>>) {add = true}
      %scan3A_263 = arith.constant 0 : i32
      scf.yield %scan3A_263 : i32
    }
    %scan3A_144 = arith.constant 125 : i32
    %dma_wait3A = arith.constant 0 : i32
    %dma_wait3A_145 = arith.constant 0 : i32
    %dma_wait3A_146 = tpu.memref_slice %arg31[%dma_wait3A, %dma_wait3A_145] : memref<10000x64xf32, #tpu.memory_space<vmem_shared>> -> memref<10000x64xf32, #tpu.memory_space<vmem_shared>>
    tpu.wait_indirect_dma semaphore(%arg45 : memref<!tpu.dma_semaphore, #tpu.memory_space<semaphore_mem>>) src(%arg23 : memref<80x64xf32, #tpu.memory_space<vmem>>) dst(%dma_wait3A_146 : memref<10000x64xf32, #tpu.memory_space<vmem_shared>>)
    %dma_wait3A_147 = arith.constant 0 : i32
    %dma_wait3A_148 = arith.constant 0 : i32
    %dma_wait3A_149 = tpu.memref_slice %arg32[%dma_wait3A_147, %dma_wait3A_148] : memref<10000x64xf32, #tpu.memory_space<vmem_shared>> -> memref<10000x64xf32, #tpu.memory_space<vmem_shared>>
    tpu.wait_indirect_dma semaphore(%arg47 : memref<!tpu.dma_semaphore, #tpu.memory_space<semaphore_mem>>) src(%arg21 : memref<80x64xf32, #tpu.memory_space<vmem>>) dst(%dma_wait3A_149 : memref<10000x64xf32, #tpu.memory_space<vmem_shared>>)
    %dma_wait3A_150 = arith.constant 0 : i32
    %dma_wait3A_151 = arith.constant 0 : i32
    %dma_wait3A_152 = tpu.memref_slice %arg31[%dma_wait3A_150, %dma_wait3A_151] : memref<10000x64xf32, #tpu.memory_space<vmem_shared>> -> memref<10000x64xf32, #tpu.memory_space<vmem_shared>>
    tpu.wait_indirect_dma semaphore(%arg46 : memref<!tpu.dma_semaphore, #tpu.memory_space<semaphore_mem>>) src(%arg24 : memref<80x64xf32, #tpu.memory_space<vmem>>) dst(%dma_wait3A_152 : memref<10000x64xf32, #tpu.memory_space<vmem_shared>>)
    %dma_wait3A_153 = arith.constant 0 : i32
    %dma_wait3A_154 = arith.constant 0 : i32
    %dma_wait3A_155 = tpu.memref_slice %arg32[%dma_wait3A_153, %dma_wait3A_154] : memref<10000x64xf32, #tpu.memory_space<vmem_shared>> -> memref<10000x64xf32, #tpu.memory_space<vmem_shared>>
    tpu.wait_indirect_dma semaphore(%arg48 : memref<!tpu.dma_semaphore, #tpu.memory_space<semaphore_mem>>) src(%arg22 : memref<80x64xf32, #tpu.memory_space<vmem>>) dst(%dma_wait3A_155 : memref<10000x64xf32, #tpu.memory_space<vmem_shared>>)
    %mul3A_156 = arith.constant 64 : i32
    %mul3A_157 = arith.muli %arg0, %mul3A_156 : i32
    %dma_wait3A_158 = tpu.memref_slice %arg8[%mul3A_6, %mul3A_157] : memref<320000x128xf32, #tpu.memory_space<hbm>> -> memref<80x64xf32, #tpu.memory_space<hbm>>
    %dma_wait3A_159 = tpu.memref_slice %arg8[%mul3A_6, %mul3A_157] : memref<320000x128xf32, #tpu.memory_space<hbm>> -> memref<80x64xf32, #tpu.memory_space<hbm>>
    tpu.wait_dma2 semaphore(%arg49 : memref<!tpu.dma_semaphore, #tpu.memory_space<semaphore_mem>>) src(%arg29 : memref<80x64xf32, #tpu.memory_space<vmem>>) dst(%dma_wait3A_159 : memref<80x64xf32, #tpu.memory_space<hbm>>)
    %barrier3A_160 = arith.constant 0 : index
    tpu.barrier barrier_id(%barrier3A_160)
    %lt3A_161 = arith.constant 10 : i32
    %lt3A_162 = arith.cmpi slt, %arg1, %lt3A_161 : i32
    %convert_element_type3A_163 = arith.extui %lt3A_162 : i1 to i32
    %cond3A_164 = arith.constant 0 : i32
    %cond3A_165 = arith.cmpi ne, %convert_element_type3A_163, %cond3A_164 : i32
    scf.if %cond3A_165 {
      %add3A_166 = arith.addi %mul3A_0, %mul3A_2 : i32
      "tpu.region"() ({
        %run_scoped3A = tpu.sem_alloc : memref<!tpu.dma_semaphore, #tpu.memory_space<semaphore_mem>>
        %dma_start3A_168 = arith.constant 0 : i32
        %dma_start3A_169 = tpu.memref_slice %arg9[%add3A_166, %dma_start3A_168] : memref<20000x64xf32, #tpu.memory_space<hbm>> -> memref<1000x64xf32, #tpu.memory_space<hbm>>
        %dma_start3A_170 = arith.constant 0 : i32
        %dma_start3A_171 = tpu.memref_slice %arg31[%mul3A_2, %dma_start3A_170] : memref<10000x64xf32, #tpu.memory_space<vmem_shared>> -> memref<1000x64xf32, #tpu.memory_space<vmem_shared>>
        tpu.enqueue_dma source(%dma_start3A_171 : memref<1000x64xf32, #tpu.memory_space<vmem_shared>>) target(%dma_start3A_169 : memref<1000x64xf32, #tpu.memory_space<hbm>>) target_semaphore(%run_scoped3A : memref<!tpu.dma_semaphore, #tpu.memory_space<semaphore_mem>>)
        %dma_wait3A_172 = arith.constant 0 : i32
        %dma_wait3A_173 = tpu.memref_slice %arg9[%add3A_166, %dma_wait3A_172] : memref<20000x64xf32, #tpu.memory_space<hbm>> -> memref<1000x64xf32, #tpu.memory_space<hbm>>
        %dma_wait3A_174 = arith.constant 0 : i32
        %dma_wait3A_175 = tpu.memref_slice %arg31[%mul3A_2, %dma_wait3A_174] : memref<10000x64xf32, #tpu.memory_space<vmem_shared>> -> memref<1000x64xf32, #tpu.memory_space<vmem_shared>>
        tpu.wait_dma2 semaphore(%run_scoped3A : memref<!tpu.dma_semaphore, #tpu.memory_space<semaphore_mem>>) src(%dma_wait3A_175 : memref<1000x64xf32, #tpu.memory_space<vmem_shared>>) dst(%dma_wait3A_173 : memref<1000x64xf32, #tpu.memory_space<hbm>>)
        tpu.yield
      }) : () -> ()
      %add3A_167 = arith.addi %mul3A_0, %mul3A_2 : i32
      "tpu.region"() ({
        %run_scoped3A = tpu.sem_alloc : memref<!tpu.dma_semaphore, #tpu.memory_space<semaphore_mem>>
        %dma_start3A_168 = arith.constant 0 : i32
        %dma_start3A_169 = tpu.memref_slice %arg10[%add3A_167, %dma_start3A_168] : memref<20000x64xf32, #tpu.memory_space<hbm>> -> memref<1000x64xf32, #tpu.memory_space<hbm>>
        %dma_start3A_170 = arith.constant 0 : i32
        %dma_start3A_171 = tpu.memref_slice %arg32[%mul3A_2, %dma_start3A_170] : memref<10000x64xf32, #tpu.memory_space<vmem_shared>> -> memref<1000x64xf32, #tpu.memory_space<vmem_shared>>
        tpu.enqueue_dma source(%dma_start3A_171 : memref<1000x64xf32, #tpu.memory_space<vmem_shared>>) target(%dma_start3A_169 : memref<1000x64xf32, #tpu.memory_space<hbm>>) target_semaphore(%run_scoped3A : memref<!tpu.dma_semaphore, #tpu.memory_space<semaphore_mem>>)
        %dma_wait3A_172 = arith.constant 0 : i32
        %dma_wait3A_173 = tpu.memref_slice %arg10[%add3A_167, %dma_wait3A_172] : memref<20000x64xf32, #tpu.memory_space<hbm>> -> memref<1000x64xf32, #tpu.memory_space<hbm>>
        %dma_wait3A_174 = arith.constant 0 : i32
        %dma_wait3A_175 = tpu.memref_slice %arg32[%mul3A_2, %dma_wait3A_174] : memref<10000x64xf32, #tpu.memory_space<vmem_shared>> -> memref<1000x64xf32, #tpu.memory_space<vmem_shared>>
        tpu.wait_dma2 semaphore(%run_scoped3A : memref<!tpu.dma_semaphore, #tpu.memory_space<semaphore_mem>>) src(%dma_wait3A_175 : memref<1000x64xf32, #tpu.memory_space<vmem_shared>>) dst(%dma_wait3A_173 : memref<1000x64xf32, #tpu.memory_space<hbm>>)
        tpu.yield
      }) : () -> ()
    } else {
    }
    return
  }
}

module attributes {stable_mosaic.version = 14 : i64} {
  func.func @_node_mm_body(%arg0: i32, %arg1: i32, %arg2: memref<1000x128xf32, #tpu.memory_space<vmem>>, %arg3: memref<1x128x256xf32, #tpu.memory_space<vmem>>, %arg4: memref<1x1x256xf32, #tpu.memory_space<vmem>>, %arg5: memref<1000x64xf32, #tpu.memory_space<vmem>>, %arg6: memref<1000x64xf32, #tpu.memory_space<vmem>>, %arg7: memref<1000x64xf32, #tpu.memory_space<vmem>>, %arg8: memref<1000x64xf32, #tpu.memory_space<vmem>>) attributes {dimension_semantics = [#tpu.dimension_semantics<arbitrary>, #tpu.dimension_semantics<arbitrary>], iteration_bounds = array<i64: 10, 2>, scalar_prefetch = 0 : i64, scratch_operands = 0 : i64, tpu.core_type = #tpu.core_type<tc>, window_params = [{transform_indices = @transform_0, window_bounds = array<i64: 1000, 128>}, {transform_indices = @transform_1, window_bounds = array<i64: 1, 128, 256>}, {transform_indices = @transform_2, window_bounds = array<i64: 1, 1, 256>}, {transform_indices = @transform_3, window_bounds = array<i64: 1000, 64>}, {transform_indices = @transform_4, window_bounds = array<i64: 1000, 64>}, {transform_indices = @transform_5, window_bounds = array<i64: 1000, 64>}, {transform_indices = @transform_6, window_bounds = array<i64: 1000, 64>}]} {
    %get3A = arith.constant 0 : index
    %get3A_0 = arith.constant 0 : index
    %get3A_1 = vector.load %arg2[%get3A, %get3A_0] : memref<1000x128xf32, #tpu.memory_space<vmem>>, vector<1000x128xf32>
    %get3A_2 = arith.constant 0 : index
    %get3A_3 = arith.constant 0 : index
    %get3A_4 = arith.constant 0 : index
    %get3A_5 = vector.load %arg3[%get3A_2, %get3A_3, %get3A_4] : memref<1x128x256xf32, #tpu.memory_space<vmem>>, vector<1x128x256xf32>
    %get3A_6 = vector.shape_cast %get3A_5 : vector<1x128x256xf32> to vector<128x256xf32>
    %dot_general3A = arith.constant dense<0.000000e+00> : vector<1000x256xf32>
    %dot_general3A_7 = tpu.matmul %get3A_1, %get3A_6, %dot_general3A {dimension_numbers = #tpu.dot_dimension_numbers<[1], [0], [0], [1], [0, 0, 1, 1], [], []>, transpose_lhs_hint = false} : vector<1000x128xf32>, vector<128x256xf32>, vector<1000x256xf32> -> vector<1000x256xf32>
    %get3A_8 = arith.constant 0 : index
    %get3A_9 = arith.constant 0 : index
    %get3A_10 = arith.constant 0 : index
    %get3A_11 = vector.load %arg4[%get3A_8, %get3A_9, %get3A_10] : memref<1x1x256xf32, #tpu.memory_space<vmem>>, vector<1x1x256xf32>
    %get3A_12 = vector.shape_cast %get3A_11 : vector<1x1x256xf32> to vector<1x256xf32>
    %add3A = vector.broadcast %get3A_12 : vector<1x256xf32> to vector<1000x256xf32>
    %add3A_13 = arith.addf %dot_general3A_7, %add3A : vector<1000x256xf32>
    %slice3A = vector.extract_strided_slice %add3A_13 {offsets = [0, 0], sizes = [1000, 64], strides = [1, 1]} : vector<1000x256xf32> to vector<1000x64xf32>
    %swap3A = arith.constant 0 : index
    %swap3A_14 = arith.constant 0 : index
    %swap3A_15 = vector.load %arg5[%swap3A, %swap3A_14] : memref<1000x64xf32, #tpu.memory_space<vmem>>, vector<1000x64xf32>
    tpu.vector_store %arg5[%swap3A, %swap3A_14], %slice3A {strides = array<i32>} : memref<1000x64xf32, #tpu.memory_space<vmem>>, vector<1000x64xf32>,
    %slice3A_16 = vector.extract_strided_slice %add3A_13 {offsets = [0, 64], sizes = [1000, 64], strides = [1, 1]} : vector<1000x256xf32> to vector<1000x64xf32>
    %swap3A_17 = arith.constant 0 : index
    %swap3A_18 = arith.constant 0 : index
    %swap3A_19 = vector.load %arg6[%swap3A_17, %swap3A_18] : memref<1000x64xf32, #tpu.memory_space<vmem>>, vector<1000x64xf32>
    tpu.vector_store %arg6[%swap3A_17, %swap3A_18], %slice3A_16 {strides = array<i32>} : memref<1000x64xf32, #tpu.memory_space<vmem>>, vector<1000x64xf32>,
    %slice3A_20 = vector.extract_strided_slice %add3A_13 {offsets = [0, 128], sizes = [1000, 64], strides = [1, 1]} : vector<1000x256xf32> to vector<1000x64xf32>
    %swap3A_21 = arith.constant 0 : index
    %swap3A_22 = arith.constant 0 : index
    %swap3A_23 = vector.load %arg7[%swap3A_21, %swap3A_22] : memref<1000x64xf32, #tpu.memory_space<vmem>>, vector<1000x64xf32>
    tpu.vector_store %arg7[%swap3A_21, %swap3A_22], %slice3A_20 {strides = array<i32>} : memref<1000x64xf32, #tpu.memory_space<vmem>>, vector<1000x64xf32>,
    %slice3A_24 = vector.extract_strided_slice %add3A_13 {offsets = [0, 192], sizes = [1000, 64], strides = [1, 1]} : vector<1000x256xf32> to vector<1000x64xf32>
    %swap3A_25 = arith.constant 0 : index
    %swap3A_26 = arith.constant 0 : index
    %swap3A_27 = vector.load %arg8[%swap3A_25, %swap3A_26] : memref<1000x64xf32, #tpu.memory_space<vmem>>, vector<1000x64xf32>
    tpu.vector_store %arg8[%swap3A_25, %swap3A_26], %slice3A_24 {strides = array<i32>} : memref<1000x64xf32, #tpu.memory_space<vmem>>, vector<1000x64xf32>,
    return
  }
  func.func @transform_0(%arg0: i32, %arg1: i32) -> (i32, i32) {
    %c0_i32 = arith.constant 0 : i32
    %c0_i32_0 = arith.constant 0 : i32
    return %arg0, %c0_i32 : i32, i32
  }
  func.func @transform_1(%arg0: i32, %arg1: i32) -> (i32, i32, i32) {
    %c0_i32 = arith.constant 0 : i32
    %c0_i32_0 = arith.constant 0 : i32
    %c0_i32_1 = arith.constant 0 : i32
    return %arg1, %c0_i32, %c0_i32_0 : i32, i32, i32
  }
  func.func @transform_2(%arg0: i32, %arg1: i32) -> (i32, i32, i32) {
    %c0_i32 = arith.constant 0 : i32
    %c0_i32_0 = arith.constant 0 : i32
    %c0_i32_1 = arith.constant 0 : i32
    return %arg1, %c0_i32, %c0_i32_0 : i32, i32, i32
  }
  func.func @transform_3(%arg0: i32, %arg1: i32) -> (i32, i32) {
    %mul3A = arith.constant 10 : i32
    %mul3A_0 = arith.muli %arg1, %mul3A : i32
    %add3A = arith.addi %mul3A_0, %arg0 : i32
    %c0_i32 = arith.constant 0 : i32
    %c0_i32_1 = arith.constant 0 : i32
    return %add3A, %c0_i32 : i32, i32
  }
  func.func @transform_4(%arg0: i32, %arg1: i32) -> (i32, i32) {
    %mul3A = arith.constant 10 : i32
    %mul3A_0 = arith.muli %arg1, %mul3A : i32
    %add3A = arith.addi %mul3A_0, %arg0 : i32
    %c0_i32 = arith.constant 0 : i32
    %c0_i32_1 = arith.constant 0 : i32
    return %add3A, %c0_i32 : i32, i32
  }
  func.func @transform_5(%arg0: i32, %arg1: i32) -> (i32, i32) {
    %mul3A = arith.constant 10 : i32
    %mul3A_0 = arith.muli %arg1, %mul3A : i32
    %add3A = arith.addi %mul3A_0, %arg0 : i32
    %c0_i32 = arith.constant 0 : i32
    %c0_i32_1 = arith.constant 0 : i32
    return %add3A, %c0_i32 : i32, i32
  }
  func.func @transform_6(%arg0: i32, %arg1: i32) -> (i32, i32) {
    %mul3A = arith.constant 10 : i32
    %mul3A_0 = arith.muli %arg1, %mul3A : i32
    %add3A = arith.addi %mul3A_0, %arg0 : i32
    %c0_i32 = arith.constant 0 : i32
    %c0_i32_1 = arith.constant 0 : i32
    return %add3A, %c0_i32 : i32, i32
  }
}

module attributes {stable_mosaic.version = 14 : i64} {
  func.func @_edge_mm_body(%arg0: i32, %arg1: memref<2000x128xf32, #tpu.memory_space<vmem>>, %arg2: memref<128x128xf32, #tpu.memory_space<vmem>>, %arg3: memref<1x128xf32, #tpu.memory_space<vmem>>, %arg4: memref<2000x128xf32, #tpu.memory_space<vmem>>) attributes {dimension_semantics = [#tpu.dimension_semantics<arbitrary>], iteration_bounds = array<i64: 160>, scalar_prefetch = 0 : i64, scratch_operands = 0 : i64, tpu.core_type = #tpu.core_type<tc>, window_params = [{transform_indices = @transform_0, window_bounds = array<i64: 2000, 128>}, {pipeline_mode = #tpu.pipeline_mode<synchronous>, transform_indices = @transform_1, window_bounds = array<i64: 128, 128>}, {pipeline_mode = #tpu.pipeline_mode<synchronous>, transform_indices = @transform_2, window_bounds = array<i64: 1, 128>}, {transform_indices = @transform_3, window_bounds = array<i64: 2000, 128>}]} {
    %get3A = arith.constant 0 : index
    %get3A_0 = arith.constant 0 : index
    %get3A_1 = vector.load %arg1[%get3A, %get3A_0] : memref<2000x128xf32, #tpu.memory_space<vmem>>, vector<2000x128xf32>
    %get3A_2 = arith.constant 0 : index
    %get3A_3 = arith.constant 0 : index
    %get3A_4 = vector.load %arg2[%get3A_2, %get3A_3] : memref<128x128xf32, #tpu.memory_space<vmem>>, vector<128x128xf32>
    %dot_general3A = arith.constant dense<0.000000e+00> : vector<2000x128xf32>
    %dot_general3A_5 = tpu.matmul %get3A_1, %get3A_4, %dot_general3A {dimension_numbers = #tpu.dot_dimension_numbers<[1], [0], [0], [1], [0, 0, 1, 1], [], []>, transpose_lhs_hint = false} : vector<2000x128xf32>, vector<128x128xf32>, vector<2000x128xf32> -> vector<2000x128xf32>
    %get3A_6 = arith.constant 0 : index
    %get3A_7 = arith.constant 0 : index
    %get3A_8 = vector.load %arg3[%get3A_6, %get3A_7] : memref<1x128xf32, #tpu.memory_space<vmem>>, vector<1x128xf32>
    %add3A = vector.broadcast %get3A_8 : vector<1x128xf32> to vector<2000x128xf32>
    %add3A_9 = arith.addf %dot_general3A_5, %add3A : vector<2000x128xf32>
    %swap3A = arith.constant 0 : index
    %swap3A_10 = arith.constant 0 : index
    %swap3A_11 = vector.load %arg4[%swap3A, %swap3A_10] : memref<2000x128xf32, #tpu.memory_space<vmem>>, vector<2000x128xf32>
    tpu.vector_store %arg4[%swap3A, %swap3A_10], %add3A_9 {strides = array<i32>} : memref<2000x128xf32, #tpu.memory_space<vmem>>, vector<2000x128xf32>,
    return
  }
  func.func @transform_0(%arg0: i32) -> (i32, i32) {
    %c0_i32 = arith.constant 0 : i32
    %c0_i32_0 = arith.constant 0 : i32
    return %arg0, %c0_i32 : i32, i32
  }
  func.func @transform_1(%arg0: i32) -> (i32, i32) {
    %c0_i32 = arith.constant 0 : i32
    %c0_i32_0 = arith.constant 0 : i32
    %c0_i32_1 = arith.constant 0 : i32
    return %c0_i32, %c0_i32_0 : i32, i32
  }
  func.func @transform_2(%arg0: i32) -> (i32, i32) {
    %c0_i32 = arith.constant 0 : i32
    %c0_i32_0 = arith.constant 0 : i32
    %c0_i32_1 = arith.constant 0 : i32
    return %c0_i32, %c0_i32_0 : i32, i32
  }
  func.func @transform_3(%arg0: i32) -> (i32, i32) {
    %c0_i32 = arith.constant 0 : i32
    %c0_i32_0 = arith.constant 0 : i32
    return %arg0, %c0_i32 : i32, i32
  }
}

module attributes {stable_mosaic.version = 14 : i64} {
  func.func @_e_fin_body(%arg0: i32, %arg1: i32, %arg2: memref<2000x128xf32, #tpu.memory_space<vmem>>, %arg3: memref<1x128xf32, #tpu.memory_space<vmem>>, %arg4: memref<1x128xf32, #tpu.memory_space<vmem>>, %arg5: memref<2000x128xf32, #tpu.memory_space<vmem>>, %arg6: memref<2x128xf32, #tpu.memory_space<vmem>>) attributes {dimension_semantics = [#tpu.dimension_semantics<arbitrary>, #tpu.dimension_semantics<arbitrary>], iteration_bounds = array<i64: 2, 160>, scalar_prefetch = 0 : i64, scratch_operands = 1 : i64, tpu.core_type = #tpu.core_type<tc>, window_params = [{transform_indices = @transform_0, window_bounds = array<i64: 2000, 128>}, {pipeline_mode = #tpu.pipeline_mode<synchronous>, transform_indices = @transform_1, window_bounds = array<i64: 1, 128>}, {pipeline_mode = #tpu.pipeline_mode<synchronous>, transform_indices = @transform_2, window_bounds = array<i64: 1, 128>}, {transform_indices = @transform_3, window_bounds = array<i64: 2000, 128>}]} {
    %eq3A = arith.constant 0 : i32
    %eq3A_0 = arith.cmpi eq, %arg0, %eq3A : i32
    %eq3A_1 = arith.constant 0 : i32
    %eq3A_2 = arith.cmpi eq, %arg1, %eq3A_1 : i32
    %and3A = arith.andi %eq3A_0, %eq3A_2 : i1
    %convert_element_type3A = arith.extui %and3A : i1 to i32
    %cond3A = arith.constant 0 : i32
    %cond3A_3 = arith.cmpi ne, %convert_element_type3A, %cond3A : i32
    scf.if %cond3A_3 {
      %broadcast_in_dim3A = arith.constant 0.000000e+00 : f32
      %broadcast_in_dim3A_14 = vector.broadcast %broadcast_in_dim3A : f32 to vector<2x128xf32>
      %swap3A = arith.constant 0 : index
      %swap3A_15 = arith.constant 0 : index
      %swap3A_16 = vector.load %arg6[%swap3A, %swap3A_15] : memref<2x128xf32, #tpu.memory_space<vmem>>, vector<2x128xf32>
      tpu.vector_store %arg6[%swap3A, %swap3A_15], %broadcast_in_dim3A_14 {strides = array<i32>} : memref<2x128xf32, #tpu.memory_space<vmem>>, vector<2x128xf32>,
    } else {
    }
    %eq3A_4 = arith.constant 0 : i32
    %eq3A_5 = arith.cmpi eq, %arg0, %eq3A_4 : i32
    %convert_element_type3A_6 = arith.extui %eq3A_5 : i1 to i32
    %cond3A_7 = arith.constant 0 : i32
    %cond3A_8 = arith.cmpi ne, %convert_element_type3A_6, %cond3A_7 : i32
    scf.if %cond3A_8 {
      %get3A = arith.constant 0 : index
      %get3A_14 = arith.constant 0 : index
      %get3A_15 = vector.load %arg2[%get3A, %get3A_14] : memref<2000x128xf32, #tpu.memory_space<vmem>>, vector<2000x128xf32>
      %get3A_16 = arith.constant 0 : index
      %get3A_17 = arith.constant 0 : index
      %get3A_18 = vector.load %arg6[%get3A_16, %get3A_17] : memref<2x128xf32, #tpu.memory_space<vmem>>, vector<1x128xf32>
      %get3A_19 = vector.shape_cast %get3A_18 : vector<1x128xf32> to vector<128xf32>
      %reduce_sum3A = arith.constant dense<0.000000e+00> : vector<128xf32>
      %reduce_sum3A_20 = vector.multi_reduction <add>, %get3A_15, %reduce_sum3A [0] : vector<2000x128xf32> to vector<128xf32>
      %add3A = arith.addf %get3A_19, %reduce_sum3A_20 : vector<128xf32>
      %swap3A = arith.constant 0 : index
      %swap3A_21 = arith.constant 0 : index
      %swap3A_22 = vector.load %arg6[%swap3A, %swap3A_21] : memref<2x128xf32, #tpu.memory_space<vmem>>, vector<1x128xf32>
      %swap3A_23 = vector.shape_cast %swap3A_22 : vector<1x128xf32> to vector<128xf32>
      %swap3A_24 = vector.shape_cast %add3A : vector<128xf32> to vector<1x128xf32>
      tpu.vector_store %arg6[%swap3A, %swap3A_21], %swap3A_24 {strides = array<i32>} : memref<2x128xf32, #tpu.memory_space<vmem>>, vector<1x128xf32>,
      %get3A_25 = arith.constant 1 : index
      %get3A_26 = arith.constant 0 : index
      %get3A_27 = vector.load %arg6[%get3A_25, %get3A_26] : memref<2x128xf32, #tpu.memory_space<vmem>>, vector<1x128xf32>
      %get3A_28 = vector.shape_cast %get3A_27 : vector<1x128xf32> to vector<128xf32>
      %mul3A = arith.mulf %get3A_15, %get3A_15 : vector<2000x128xf32>
      %reduce_sum3A_29 = arith.constant dense<0.000000e+00> : vector<128xf32>
      %reduce_sum3A_30 = vector.multi_reduction <add>, %mul3A, %reduce_sum3A_29 [0] : vector<2000x128xf32> to vector<128xf32>
      %add3A_31 = arith.addf %get3A_28, %reduce_sum3A_30 : vector<128xf32>
      %swap3A_32 = arith.constant 1 : index
      %swap3A_33 = arith.constant 0 : index
      %swap3A_34 = vector.load %arg6[%swap3A_32, %swap3A_33] : memref<2x128xf32, #tpu.memory_space<vmem>>, vector<1x128xf32>
      %swap3A_35 = vector.shape_cast %swap3A_34 : vector<1x128xf32> to vector<128xf32>
      %swap3A_36 = vector.shape_cast %add3A_31 : vector<128xf32> to vector<1x128xf32>
      tpu.vector_store %arg6[%swap3A_32, %swap3A_33], %swap3A_36 {strides = array<i32>} : memref<2x128xf32, #tpu.memory_space<vmem>>, vector<1x128xf32>,
    } else {
    }
    %eq3A_9 = arith.constant 1 : i32
    %eq3A_10 = arith.cmpi eq, %arg0, %eq3A_9 : i32
    %convert_element_type3A_11 = arith.extui %eq3A_10 : i1 to i32
    %cond3A_12 = arith.constant 0 : i32
    %cond3A_13 = arith.cmpi ne, %convert_element_type3A_11, %cond3A_12 : i32
    scf.if %cond3A_13 {
      %get3A = arith.constant 0 : index
      %get3A_14 = arith.constant 0 : index
      %get3A_15 = vector.load %arg6[%get3A, %get3A_14] : memref<2x128xf32, #tpu.memory_space<vmem>>, vector<1x128xf32>
      %get3A_16 = vector.shape_cast %get3A_15 : vector<1x128xf32> to vector<128xf32>
      %mul3A = arith.constant 3.125000e-06 : f32
      %mul3A_17 = vector.broadcast %mul3A : f32 to vector<128xf32>
      %mul3A_18 = arith.mulf %get3A_16, %mul3A_17 : vector<128xf32>
      %get3A_19 = arith.constant 1 : index
      %get3A_20 = arith.constant 0 : index
      %get3A_21 = vector.load %arg6[%get3A_19, %get3A_20] : memref<2x128xf32, #tpu.memory_space<vmem>>, vector<1x128xf32>
      %get3A_22 = vector.shape_cast %get3A_21 : vector<1x128xf32> to vector<128xf32>
      %mul3A_23 = arith.constant 3.125000e-06 : f32
      %mul3A_24 = vector.broadcast %mul3A_23 : f32 to vector<128xf32>
      %mul3A_25 = arith.mulf %get3A_22, %mul3A_24 : vector<128xf32>
      %mul3A_26 = arith.mulf %mul3A_18, %mul3A_18 : vector<128xf32>
      %sub3A = arith.subf %mul3A_25, %mul3A_26 : vector<128xf32>
      %get3A_27 = arith.constant 0 : index
      %get3A_28 = arith.constant 0 : index
      %get3A_29 = vector.load %arg3[%get3A_27, %get3A_28] : memref<1x128xf32, #tpu.memory_space<vmem>>, vector<1x128xf32>
      %get3A_30 = vector.shape_cast %get3A_29 : vector<1x128xf32> to vector<128xf32>
      %add3A = arith.constant 9.99999974E-6 : f32
      %add3A_31 = vector.broadcast %add3A : f32 to vector<128xf32>
      %add3A_32 = arith.addf %sub3A, %add3A_31 : vector<128xf32>
      %sqrt3A = math.sqrt %add3A_32 : vector<128xf32>
      %div3A = arith.divf %get3A_30, %sqrt3A : vector<128xf32>
      %broadcast_in_dim3A = vector.shape_cast %div3A : vector<128xf32> to vector<1x128xf32>
      %get3A_33 = arith.constant 0 : index
      %get3A_34 = arith.constant 0 : index
      %get3A_35 = vector.load %arg2[%get3A_33, %get3A_34] : memref<2000x128xf32, #tpu.memory_space<vmem>>, vector<2000x128xf32>
      %broadcast_in_dim3A_36 = vector.shape_cast %mul3A_18 : vector<128xf32> to vector<1x128xf32>
      %sub3A_37 = vector.broadcast %broadcast_in_dim3A_36 : vector<1x128xf32> to vector<2000x128xf32>
      %sub3A_38 = arith.subf %get3A_35, %sub3A_37 : vector<2000x128xf32>
      %mul3A_39 = vector.broadcast %broadcast_in_dim3A : vector<1x128xf32> to vector<2000x128xf32>
      %mul3A_40 = arith.mulf %mul3A_39, %sub3A_38 : vector<2000x128xf32>
      %get3A_41 = arith.constant 0 : index
      %get3A_42 = arith.constant 0 : index
      %get3A_43 = vector.load %arg4[%get3A_41, %get3A_42] : memref<1x128xf32, #tpu.memory_space<vmem>>, vector<1x128xf32>
      %get3A_44 = vector.shape_cast %get3A_43 : vector<1x128xf32> to vector<128xf32>
      %broadcast_in_dim3A_45 = vector.shape_cast %get3A_44 : vector<128xf32> to vector<1x128xf32>
      %add3A_46 = vector.broadcast %broadcast_in_dim3A_45 : vector<1x128xf32> to vector<2000x128xf32>
      %add3A_47 = arith.addf %mul3A_40, %add3A_46 : vector<2000x128xf32>
      %max3A = arith.constant 0.000000e+00 : f32
      %max3A_48 = vector.broadcast %max3A : f32 to vector<2000x128xf32>
      %max3A_49 = arith.maximumf %add3A_47, %max3A_48 : vector<2000x128xf32>
      %swap3A = arith.constant 0 : index
      %swap3A_50 = arith.constant 0 : index
      %swap3A_51 = vector.load %arg5[%swap3A, %swap3A_50] : memref<2000x128xf32, #tpu.memory_space<vmem>>, vector<2000x128xf32>
      tpu.vector_store %arg5[%swap3A, %swap3A_50], %max3A_49 {strides = array<i32>} : memref<2000x128xf32, #tpu.memory_space<vmem>>, vector<2000x128xf32>,
    } else {
    }
    return
  }
  func.func @transform_0(%arg0: i32, %arg1: i32) -> (i32, i32) {
    %c0_i32 = arith.constant 0 : i32
    %c0_i32_0 = arith.constant 0 : i32
    return %arg1, %c0_i32 : i32, i32
  }
  func.func @transform_1(%arg0: i32, %arg1: i32) -> (i32, i32) {
    %c0_i32 = arith.constant 0 : i32
    %c0_i32_0 = arith.constant 0 : i32
    %c0_i32_1 = arith.constant 0 : i32
    return %c0_i32, %c0_i32_0 : i32, i32
  }
  func.func @transform_2(%arg0: i32, %arg1: i32) -> (i32, i32) {
    %c0_i32 = arith.constant 0 : i32
    %c0_i32_0 = arith.constant 0 : i32
    %c0_i32_1 = arith.constant 0 : i32
    return %c0_i32, %c0_i32_0 : i32, i32
  }
  func.func @transform_3(%arg0: i32, %arg1: i32) -> (i32, i32) {
    %mul3A = arith.muli %arg1, %arg0 : i32
    %c0_i32 = arith.constant 0 : i32
    %c0_i32_0 = arith.constant 0 : i32
    return %mul3A, %c0_i32 : i32, i32
  }
}

module attributes {stable_mosaic.version = 14 : i64} {
  func.func @_h_fin_body(%arg0: memref<20000x64xf32, #tpu.memory_space<vmem>>, %arg1: memref<20000x64xf32, #tpu.memory_space<vmem>>, %arg2: memref<20000x64xf32, #tpu.memory_space<vmem>>, %arg3: memref<10000x128xf32, #tpu.memory_space<vmem>>, %arg4: memref<1x128xf32, #tpu.memory_space<vmem>>, %arg5: memref<1x128xf32, #tpu.memory_space<vmem>>, %arg6: memref<10000x128xf32, #tpu.memory_space<vmem>>) attributes {dimension_semantics = [], scalar_prefetch = 0 : i64, scratch_operands = 0 : i64, tpu.core_type = #tpu.core_type<tc>} {
    %get3A = arith.constant 0 : index
    %get3A_0 = arith.constant 0 : index
    %get3A_1 = vector.load %arg0[%get3A, %get3A_0] : memref<20000x64xf32, #tpu.memory_space<vmem>>, vector<20000x64xf32>
    %get3A_2 = arith.constant 0 : index
    %get3A_3 = arith.constant 0 : index
    %get3A_4 = vector.load %arg1[%get3A_2, %get3A_3] : memref<20000x64xf32, #tpu.memory_space<vmem>>, vector<20000x64xf32>
    %get3A_5 = arith.constant 0 : index
    %get3A_6 = arith.constant 0 : index
    %get3A_7 = vector.load %arg2[%get3A_5, %get3A_6] : memref<20000x64xf32, #tpu.memory_space<vmem>>, vector<20000x64xf32>
    %slice3A = vector.extract_strided_slice %get3A_1 {offsets = [0, 0], sizes = [10000, 64], strides = [1, 1]} : vector<20000x64xf32> to vector<10000x64xf32>
    %slice3A_8 = vector.extract_strided_slice %get3A_4 {offsets = [0, 0], sizes = [10000, 64], strides = [1, 1]} : vector<20000x64xf32> to vector<10000x64xf32>
    %slice3A_9 = vector.extract_strided_slice %get3A_7 {offsets = [0, 0], sizes = [10000, 64], strides = [1, 1]} : vector<20000x64xf32> to vector<10000x64xf32>
    %add3A = arith.constant 9.99999997E-7 : f32
    %add3A_10 = vector.broadcast %add3A : f32 to vector<10000x64xf32>
    %add3A_11 = arith.addf %slice3A_9, %add3A_10 : vector<10000x64xf32>
    %div3A = arith.divf %slice3A_8, %add3A_11 : vector<10000x64xf32>
    %add3A_12 = arith.addf %slice3A, %div3A : vector<10000x64xf32>
    %slice3A_13 = vector.extract_strided_slice %get3A_1 {offsets = [10000, 0], sizes = [10000, 64], strides = [1, 1]} : vector<20000x64xf32> to vector<10000x64xf32>
    %slice3A_14 = vector.extract_strided_slice %get3A_4 {offsets = [10000, 0], sizes = [10000, 64], strides = [1, 1]} : vector<20000x64xf32> to vector<10000x64xf32>
    %slice3A_15 = vector.extract_strided_slice %get3A_7 {offsets = [10000, 0], sizes = [10000, 64], strides = [1, 1]} : vector<20000x64xf32> to vector<10000x64xf32>
    %add3A_16 = arith.constant 9.99999997E-7 : f32
    %add3A_17 = vector.broadcast %add3A_16 : f32 to vector<10000x64xf32>
    %add3A_18 = arith.addf %slice3A_15, %add3A_17 : vector<10000x64xf32>
    %div3A_19 = arith.divf %slice3A_14, %add3A_18 : vector<10000x64xf32>
    %add3A_20 = arith.addf %slice3A_13, %div3A_19 : vector<10000x64xf32>
    %concatenate3A = tpu.concatenate %add3A_12, %add3A_20 in 1 : vector<10000x64xf32>, vector<10000x64xf32> -> vector<10000x128xf32>
    %slice3A_21 = vector.extract_strided_slice %get3A_7 {offsets = [0, 0], sizes = [10000, 64], strides = [1, 1]} : vector<20000x64xf32> to vector<10000x64xf32>
    %reduce_max3A = arith.constant dense<0xFF800000> : vector<10000xf32>
    %reduce_max3A_22 = vector.multi_reduction <maximumf>, %slice3A_21, %reduce_max3A [1] : vector<10000x64xf32> to vector<10000xf32>
    %broadcast_in_dim3A = vector.shape_cast %reduce_max3A_22 : vector<10000xf32> to vector<10000x1xf32>
    %gt3A = arith.constant 0.000000e+00 : f32
    %gt3A_23 = vector.broadcast %gt3A : f32 to vector<10000x1xf32>
    %gt3A_24 = arith.cmpf ogt, %broadcast_in_dim3A, %gt3A_23 : vector<10000x1xf32>
    %get3A_25 = arith.constant 0 : index
    %get3A_26 = arith.constant 0 : index
    %get3A_27 = vector.load %arg3[%get3A_25, %get3A_26] : memref<10000x128xf32, #tpu.memory_space<vmem>>, vector<10000x128xf32>
    %broadcast_in_dim3A_28 = vector.shape_cast %gt3A_24 : vector<10000x1xi1> to vector<10000x1xi1>
    %broadcast_in_dim3A_29 = vector.broadcast %broadcast_in_dim3A_28 : vector<10000x1xi1> to vector<10000x128xi1>
    %select_n3A = arith.select %broadcast_in_dim3A_29, %concatenate3A, %get3A_27 : vector<10000x128xi1>, vector<10000x128xf32>
    %reduce_sum3A = arith.constant dense<0.000000e+00> : vector<128xf32>
    %reduce_sum3A_30 = vector.multi_reduction <add>, %select_n3A, %reduce_sum3A [0] : vector<10000x128xf32> to vector<128xf32>
    %broadcast_in_dim3A_31 = vector.shape_cast %reduce_sum3A_30 : vector<128xf32> to vector<1x128xf32>
    %div3A_32 = arith.constant 1.000000e+04 : f32
    %div3A_33 = vector.broadcast %div3A_32 : f32 to vector<1x128xf32>
    %div3A_34 = arith.divf %broadcast_in_dim3A_31, %div3A_33 : vector<1x128xf32>
    %sub3A = vector.broadcast %div3A_34 : vector<1x128xf32> to vector<10000x128xf32>
    %sub3A_35 = arith.subf %select_n3A, %sub3A : vector<10000x128xf32>
    %mul3A = arith.mulf %sub3A_35, %sub3A_35 : vector<10000x128xf32>
    %reduce_sum3A_36 = arith.constant dense<0.000000e+00> : vector<128xf32>
    %reduce_sum3A_37 = vector.multi_reduction <add>, %mul3A, %reduce_sum3A_36 [0] : vector<10000x128xf32> to vector<128xf32>
    %broadcast_in_dim3A_38 = vector.shape_cast %reduce_sum3A_37 : vector<128xf32> to vector<1x128xf32>
    %div3A_39 = arith.constant 1.000000e+04 : f32
    %div3A_40 = vector.broadcast %div3A_39 : f32 to vector<1x128xf32>
    %div3A_41 = arith.divf %broadcast_in_dim3A_38, %div3A_40 : vector<1x128xf32>
    %get3A_42 = arith.constant 0 : index
    %get3A_43 = arith.constant 0 : index
    %get3A_44 = vector.load %arg4[%get3A_42, %get3A_43] : memref<1x128xf32, #tpu.memory_space<vmem>>, vector<1x128xf32>
    %mul3A_45 = vector.broadcast %get3A_44 : vector<1x128xf32> to vector<10000x128xf32>
    %mul3A_46 = arith.mulf %mul3A_45, %sub3A_35 : vector<10000x128xf32>
    %add3A_47 = arith.constant 9.99999974E-6 : f32
    %add3A_48 = vector.broadcast %add3A_47 : f32 to vector<1x128xf32>
    %add3A_49 = arith.addf %div3A_41, %add3A_48 : vector<1x128xf32>
    %sqrt3A = math.sqrt %add3A_49 : vector<1x128xf32>
    %div3A_50 = vector.broadcast %sqrt3A : vector<1x128xf32> to vector<10000x128xf32>
    %div3A_51 = arith.divf %mul3A_46, %div3A_50 : vector<10000x128xf32>
    %get3A_52 = arith.constant 0 : index
    %get3A_53 = arith.constant 0 : index
    %get3A_54 = vector.load %arg5[%get3A_52, %get3A_53] : memref<1x128xf32, #tpu.memory_space<vmem>>, vector<1x128xf32>
    %add3A_55 = vector.broadcast %get3A_54 : vector<1x128xf32> to vector<10000x128xf32>
    %add3A_56 = arith.addf %div3A_51, %add3A_55 : vector<10000x128xf32>
    %max3A = arith.constant 0.000000e+00 : f32
    %max3A_57 = vector.broadcast %max3A : f32 to vector<10000x128xf32>
    %max3A_58 = arith.maximumf %add3A_56, %max3A_57 : vector<10000x128xf32>
    %swap3A = arith.constant 0 : index
    %swap3A_59 = arith.constant 0 : index
    %swap3A_60 = vector.load %arg6[%swap3A, %swap3A_59] : memref<10000x128xf32, #tpu.memory_space<vmem>>, vector<10000x128xf32>
    tpu.vector_store %arg6[%swap3A, %swap3A_59], %max3A_58 {strides = array<i32>} : memref<10000x128xf32, #tpu.memory_space<vmem>>, vector<10000x128xf32>,
    return
  }
}

</mosaic_0001>

<sc_bundles>
// kernel: kernel.7.cloned.1.call-start
scs
__scs_entry_jumppad:
0x0: {  	(pc) =	sbr.rel $0x88, $3  }
0x1: {  	(tag) =	ssettag $0x0;
	lr =	simm.s32 $0x1  }
0x2: {  	[smem:$0x3F90] =	sst lr;
	_ =	strace $0xD0000000  }
0x3: {  	_ = 	snop  }
0x4: {  	_ = 	snop  }
0x5: {  	_ = 	snop  }
0x6: {  	_ = 	snop  }
0x7: {  	_ = 	snop  }
__scs_overlays_trampoline_lowered:
0x8: {  	[smem:$0x3F9F] =	sst s0  }
0x9: {  	[smem:$0x3FA0] =	sst s1  }
0xa: {  	[smem:$0x3FA1] =	sst s2  }
0xb: {  	[smem:$0x3FA2] =	sst s3  }
0xc: {  	[smem:$0x3FA3] =	sst s4  }
0xd: {  	[smem:$0x3FA4] =	sst s5  }
0xe: {  	[smem:$0x3FA5] =	sst s6  }
0xf: {  	[smem:$0x3FA6] =	sst s7  }
0x10: {  	[smem:$0x3FA7] =	sst s8  }
0x11: {  	[smem:$0x3FA8] =	sst s9;
	s0 =	simm.s32 @!p0 $0x0  }
0x12: {  	s1 =	sld [smem:$0x3F8E];
	s0 =	simm.s32 @p0 $0x1  }
0x13: {  	[smem:$0x3FA9] =	sst s0;
	s0 =	simm.s32 @!p1 $0x0  }
0x14: {  	s2 =	sld [smem:$0x3F8D];
	s0 =	simm.s32 @p1 $0x1  }
0x15: {  	[smem:$0x3FAA] =	sst s0;
	s0 =	simm.s32 @!p2 $0x0  }
0x16: {  	s3 =	sld [smem:$0x3FDB];
	s0 =	simm.s32 @p2 $0x1  }
0x17: {  	s4 =	simm.s32 $0x1BF5;
	[smem:$0x3FAC] =	sst s0  }
0x18: {  	s0 =	sld [smem:$0x3F8F];
	_ =	swait.ge [sflag:s4], $0x0  }
0x19: {  	s7 =	sld [smem:$0x3F90]  }
0x1a: {  	s8 =	sadd.s32 $0xFFFFE003, lr  }
0x1b: {  	s9 =	sadd.s32 $0xFFFFFEF7, lr;
	s5 =	simm.s32 $0xFFFFFFFF;
	p2 =	slt.u32 s8, $0xFFFFF086  }
0x1c: {  	p1 =	slt.u32 s9, $0xF7A;
	s5 =	simm.s32 @!p2 $0x0  }
0x1d: {  	s5 =	simm.s32 @p1 $0x1;
	p0 =	seq.s32 s7, s2  }
0x1e: {  	s7 =	smul.u32 @!p0 $0xF7A, s2;
	p2 =	seq.s32 @!p0 s5, $0x0  }
0x1f: {  	s9 =	smul.u32 $0xF7A, s1;
	s8 =	simm.s32 @!p0 $0x1BF5;
	p2 =	por !p2, p0  }
0x20: {  	[sflag:s8] =	ssyncset.s32 @!p0 $0xFFFFF086;
	s6 =	sadd.s32 @!p0 s3, s7;
	s7 =	simm.s32 @!p0 $0x108  }
0x21: {  	s3 =	sadd.s32 s3, s9;
	s6 =	sadd.s32 @!p0 $0x88, s6;
	s7 =	simm.s32 @p2 $0x1082  }
0x22: {  	[simem:s7], [sflag:s8] =	dma.local @!p0 [hbm:s6], $0xF7A  }
0x23: {  	s9 =	sor.u32 $0xD0000000, s2;
	s6 =	simm.s32 $0x108;
	_ =	swait.ge @!p0 [sflag:s8], $0x0  }
0x24: {  	s3 =	sadd.s32 $0x88, s3;
	s6 =	simm.s32 @!p1 $0x1082;
	[sflag:s4] =	ssyncset.s32 $0xFFFFF086  }
0x25: {  	[simem:s6], [sflag:s4] =	dma.local [hbm:s3], $0xF7A  }
0x26: {  	[smem:$0x3F90] =	sst s1;
	(tag) =	ssettag s2;
	_ =	strace s9  }
0x27: {  	s1 =	sld [smem:$0x3FA0]  }
0x28: {  	s2 =	sld [smem:$0x3FA1]  }
0x29: {  	s4 =	sld [smem:$0x3FA3]  }
0x2a: {  	p0 =	seq.s32 s5, $0x0;
	s5 =	sld [smem:$0x3FA4]  }
0x2b: {  	s6 =	sld [smem:$0x3FA5]  }
0x2c: {  	s7 =	sld [smem:$0x3FA6]  }
0x2d: {  	s3 =	simm.s32 $0x108;
	s8 =	sld [smem:$0x3FA7]  }
0x2e: {  	s3 =	simm.s32 @!p0 $0x1082;
	s9 =	sld [smem:$0x3FA8]  }
0x2f: {  	lr =	sadd.s32 s0, s3;
	s0 =	sld [smem:$0x3F9F]  }
0x30: {  	s3 =	sld [smem:$0x3FA2]  }
0x31: {  	[smem:$0x3FAB] =	sst s10  }
0x32: {  	s10 =	sld [smem:$0x3FA9];
	_ =	sdelay $0x3  }
0x33: {  	p0 =	seq.s32 s10, $0x1;
	s10 =	sld [smem:$0x3FAB];
	_ =	sdelay $0x3  }
0x34: {  	[smem:$0x3FAB] =	sst s10  }
0x35: {  	s10 =	sld [smem:$0x3FAA];
	_ =	sdelay $0x3  }
0x36: {  	p1 =	seq.s32 s10, $0x1;
	s10 =	sld [smem:$0x3FAB];
	_ =	sdelay $0x3  }
0x37: {  	[smem:$0x3FAB] =	sst s10  }
0x38: {  	s10 =	sld [smem:$0x3FAC]  }
0x39: {  	_ = 	snop;
	(pc) =	sbr.ind lr, $3  }
0x3a: {  	_ = 	snop  }
0x3b: {  	_ = 	snop  }
0x3c: {  	p2 =	seq.s32 s10, $0x1;
	s10 =	sld [smem:$0x3FAB]  }
0x3d: {  	_ =	shalt  }
0x3e: {  	_ =	shalt  }
0x3f: {  	_ =	shalt  }
0x40: {  	_ =	shalt  }
0x41: {  	_ =	shalt  }
0x42: {  	_ =	shalt  }
0x43: {  	_ =	shalt  }
0x44: {  	_ =	shalt  }
0x45: {  	_ =	shalt  }
0x46: {  	_ =	shalt  }
0x47: {  	_ =	shalt  }
0x48: {  	_ =	shalt  }
0x49: {  	_ =	shalt  }
0x4a: {  	_ =	shalt  }
0x4b: {  	_ =	shalt  }
0x4c: {  	_ =	shalt  }
0x4d: {  	_ =	shalt  }
0x4e: {  	_ =	shalt  }
0x4f: {  	_ =	shalt  }
0x50: {  	_ =	shalt  }
0x51: {  	_ =	shalt  }
0x52: {  	_ =	shalt  }
0x53: {  	_ =	shalt  }
0x54: {  	_ =	shalt  }
0x55: {  	_ =	shalt  }
0x56: {  	_ =	shalt  }
0x57: {  	_ =	shalt  }
0x58: {  	_ =	shalt  }
0x59: {  	_ =	shalt  }
0x5a: {  	_ =	shalt  }
0x5b: {  	_ =	shalt  }
0x5c: {  	_ =	shalt  }
0x5d: {  	_ =	shalt  }
0x5e: {  	_ =	shalt  }
0x5f: {  	_ =	shalt  }
0x60: {  	_ =	shalt  }
0x61: {  	_ =	shalt  }
0x62: {  	_ =	shalt  }
0x63: {  	_ =	shalt  }
0x64: {  	_ =	shalt  }
0x65: {  	_ =	shalt  }
0x66: {  	_ =	shalt  }
0x67: {  	_ =	shalt  }
0x68: {  	_ =	shalt  }
0x69: {  	_ =	shalt  }
0x6a: {  	_ =	shalt  }
0x6b: {  	_ =	shalt  }
0x6c: {  	_ =	shalt  }
0x6d: {  	_ =	shalt  }
0x6e: {  	_ =	shalt  }
0x6f: {  	_ =	shalt  }
0x70: {  	_ =	shalt  }
0x71: {  	_ =	shalt  }
0x72: {  	_ =	shalt  }
0x73: {  	_ =	shalt  }
0x74: {  	_ =	shalt  }
0x75: {  	_ =	shalt  }
0x76: {  	_ =	shalt  }
0x77: {  	_ =	shalt  }
0x78: {  	_ =	shalt  }
0x79: {  	_ =	shalt  }
0x7a: {  	_ =	shalt  }
0x7b: {  	_ =	shalt  }
0x7c: {  	_ =	shalt  }
0x7d: {  	_ =	shalt  }
0x7e: {  	_ =	shalt  }
0x7f: {  	_ =	shalt  }
0x80: {  	_ =	shalt  }
0x81: {  	_ =	shalt  }
0x82: {  	_ =	shalt  }
0x83: {  	_ =	shalt  }
0x84: {  	_ =	shalt  }
0x85: {  	_ =	shalt  }
0x86: {  	_ =	shalt  }
0x87: {  	_ =	shalt  }
.Lfunc_end0:
.L_simem_size_0:
called_computation_lowered:
.L_overlay_start_0:
0x88: {  	s2 =	sld [smem:$0x3FD9]  }
0x89: {  	s3 =	sld [smem:$0x3FFE];
	_ =	sdelay $0x1  }
0x8a: {  	s1 =	srdreg.scid  }
0x8b: {  	s0 =	sand.u32 $0x1, s1  }
0x8c: {  	s14 =	sshll.u32 s0, $0xA;
	s2 =	sadd.s32 s3, s2  }
0x8d: {  	s2 =	sadd.s32 s2, s14  }
0x8e: {  	[smem:$0x3FB7] =	sst s2  }
0x8f: {  	_ = 	snop  }
0x90: {  	s2 =	sld [smem:$0x3FD0];
	_ =	sdelay $0x2  }
0x91: {  	s15 =	simm.s32 $0xA;
	s4 =	simm.s32 $0x10  }
0x92: {  	[smem:s4], [sflag:s15] =	dma.local [hbm:s2], $0x1  }
0x93: {  	_ =	swait.eq [sflag:s15], $0x1  }
0x94: {  	[sflag:s15] =	ssyncset.done $0x0  }
0x95: {  	s16 =	sld [smem:$0x10];
	[sflag:s15] =	ssyncadd.s32 $0xFFFFFFFF  }
0x96: {  	s17 =	sld [smem:$0x11];
	(tm) =	ssettm $0x1  }
0x97: {  	s18 =	sld [smem:$0x3FFB];
	_ =	sdelay $0x3  }
0x98: {  	_ =	strace s18  }
0x99: {  	s4 =	sld [smem:$0x3FFC];
	_ =	sdelay $0x3  }
0x9a: {  	_ =	strace s4  }
0x9b: {  	s4 =	sld [smem:$0x3FFD];
	_ =	sdelay $0x3  }
0x9c: {  	_ =	strace s4  }
0x9d: {  	_ =	strace $0x8FFFFFFF  }
0x9e: {  	s19 =	sld [smem:$0x3FDB];
	_ =	sdelay $0x1  }
0x9f: {  	s5 =	simm.s32 $_scs_section_size  }
0xa0: {  	s6 =	simm.s32 $_size__tile_overlayer_lowered;
	s7 =	simm.s32 $_tile_overlayer_lowered  }
0xa1: {  	s22 =	simm.s32 $0x1BFF;
	s21 =	sshll.u32 s7, $0x1;
	s4 =	sadd.s32 s5, s19  }
0xa2: {  	s8 =	simm.s32 $0x0;
	s20 =	sshll.u32 s6, $0x1;
	s6 =	sadd.s32 s21, s4  }
0xa3: {  	[timem:s8], [sflag:s22] =	dma.local [hbm:s6], s20  }
0xa4: {  	_ =	swait.ge [sflag:s22], s20  }
0xa5: {  	s5 =	ssub.s32 $0x0, s20;
	[sflag:s22] =	ssyncset.done $0x0  }
0xa6: {  	[sflag:s22] =	ssyncadd.s32 s5;
	_ =	sdelay $0x1  }
0xa7: {  	s23 =	simm.s32 $0x1B8B  }
0xa8: {  	_ =	swait.ge [sflag:s23], $0x1  }
0xa9: {  	[sflag:s23] =	ssyncset.done $0x0  }
0xaa: {  	s25 =	simm.s32 $0x1B8E;
	s24 =	sld [smem:$0x3FFE];
	[sflag:s23] =	ssyncadd.s32 $0xFFFFFFFF  }
0xab: {  	s26 =	simm.s32 $execute0_lowered;
	[smem:$0x3FD2] =	sst s25  }
0xac: {  	s6 =	sshll.u32 s26, $0x1;
	_ =	strace $0x80000046;
	[dreg:$0x1] =	wrdreg $0xFFFFFFFF  }
0xad: {  	s28 =	simm.s32 $_size_execute0_lowered;
	s4 =	sadd.s32 s4, s6;
	[dreg:$0x0] =	wrdreg $0x0  }
0xae: {  	s6 =	sshll.u32 s28, $0x1;
	[dreg:$0x2] =	wrdreg s4  }
0xaf: {  	[dreg:$0x3] =	wrdreg s6  }
0xb0: {  	[dreg:$0x4] =	wrdreg $0xC0  }
0xb1: {  	_ =	task [dreg:s8], $0x5FFFF  }
0xb2: {  	[dreg:$0x1] =	wrdreg $0xFFFFFFFF  }
0xb3: {  	[dreg:$0x0] =	wrdreg $0x60  }
0xb4: {  	[dreg:$0x2] =	wrdreg s24  }
0xb5: {  	[dreg:$0x3] =	wrdreg s16  }
0xb6: {  	[dreg:$0x4] =	wrdreg s17  }
0xb7: {  	[dreg:$0x5] =	wrdreg $0xC1200  }
0xb8: {  	[dreg:$0x6] =	wrdreg $0x15D600  }
0xb9: {  	[dreg:$0x7] =	wrdreg $0x9  }
0xba: {  	_ =	task.clear_ibuf [dreg:s8], $0x8FFFF;
	_ =	strace $0x90000046  }
0xbb: {  	s29 =	simm.s32 $0x9;
	_ =	strace $0x80000048  }
0xbc: {  	_ =	swait.ge [sflag:s29], $0x1  }
0xbd: {  	[sflag:s29] =	ssyncadd.s32 $0xFFFFFFFF  }
0xbe: {  	_ =	strace $0x90000048  }
0xbf: {  	_ =	sfence  }
0xc0: {  	s30 =	sld [smem:$0x0];
	_ =	sdelay $0x2  }
0xc1: {  	s31 =	sshll.u32 s1, $0xD;
	s1 =	sshrl.u32 s1, $0x2  }
0xc2: {  	s3 =	sand.u32 $0x4000, s31;
	s1 =	sadd.s32 s1, s30  }
0xc3: {  	s0 =	sor.u32 s3, s0;
	s1 =	sshll.u32 s1, $0x11  }
0xc4: {  	s0 =	sor.u32 s1, s0  }
0xc5: {  	s0 =	sadd.s32 $0x8F2B, s0  }
0xc6: {  	[sflag:s0] =	ssyncadd.remote.s32 $0x1  }
0xc7: {  	_ =	sfence.sel $0xFFFF  }
0xc8: {  	[dreg:$0x0] =	wrdreg $0xFFFFFFFF;
	(pc) =	sbr.abs _section_cstart, $3  }
0xc9: {  	[dreg:$0x1] =	wrdreg $0xFFFFFFFF  }
0xca: {  	_ =	task.clear_ibuf [dreg:s8], $0x2FFFF;
	_ =	strace $0x9FFFFFFF  }
0xcb: {  	(tm) =	ssettm $0x7FFFFFFF  }
tec
execute0_lowered:
.L_overlay_start_1:
0x0: {  	(tag) =	ssettag $0x1  }
0x1: {  	s0 =	rddreg [dreg:$0x0]  }
0x2: {  	s11 =	rddreg [dreg:$0x2]  }
0x3: {  	s13 =	rddreg [dreg:$0x3]  }
0x4: {  	s15 =	rddreg [dreg:$0x4];
	s1 =	srdreg.scid;
	s3 =	simm.s32 $0x0  }
0x5: {  	s16 =	stileid.u32;
	s29 =	simm.s32 $0xB720;
	s30 =	simm.s32 $0x12  }
0x6: {  	s31 =	simm.s32 $0x3F20;
	s2 =	sand.u32 $0x1, s1;
	s8 =	smul.u32 $0x3E8, s16  }
0x7: {  	[smem:$0x7FF] =	sst s3;
	s7 =	sadd.s32 $0xE400, s0;
	s17 =	smul.u32 $0x4E20, s16  }
0x8: {  	s18 =	sadd.s32 $0x4600, s0;
	s4 =	sadd.s32 $0x18200, s0;
	s6 =	smul.u32 $0x271000, s16  }
0x9: {  	s10 =	sadd.s32 $0x3F400, s0;
	s12 =	sadd.s32 $0x129A00, s0;
	s23 =	smul.u32 $0xFA00, s16  }
0xa: {  	s25 =	smul.u32 $0x3E800, s16;
	p0 =	sgt.u32 s16, $0x9;
	p1 =	slt.u32 s16, $0xA  }
0xb: {  	s1 =	smul.u32 $0x2710, s2;
	_ =	strace $0x80000047;
	s9 =	ssub.s32 $0x2, s2  }
0xc: {  	[dreg:$0x12] =	wrdreg s4;
	s14 =	sshrl.u32 s9, $0x1;
	s5 =	sshrl.u32 s17, $0x3  }
0xd: {  	[dreg:$0x6] =	wrdreg s17;
	s22 =	sadd.s32 $0x50, s17;
	s17 =	simm.s32 $0x4  }
0xe: {  	s3 =	sadd.s32 s8, s1;
	s19 =	sadd.s32 s7, s5;
	s20 =	sadd.s32 s18, s5  }
0xf: {  	[dreg:$0x9] =	wrdreg s22;
	s4 =	sshrl.u32 s22, $0x3;
	s8 =	smov.u32 s7  }
0x10: {  	s22 =	simm.s32 $0x5;
	s5 =	simm.s32 $0x6;
	[dreg:$0x7] =	wrdreg s19  }
0x11: {  	s3 =	sshll.u32 s3, $0x3;
	[dreg:$0x8] =	wrdreg s20;
	s24 =	sadd.s32 s7, s4  }
0x12: {  	s4 =	sadd.s32 s18, s4;
	s19 =	simm.s32 $0x80;
	s20 =	simm.s32 $0x8  }
0x13: {  	s0 =	sadd.s32 s3, s0;
	s3 =	ssub.s32 s9, s14;
	[dreg:$0xb] =	wrdreg s24  }
0x14: {  	s14 =	sshll.u32 s2, $0x6;
	s9 =	smov.u32 s18;
	[dreg:$0xc] =	wrdreg s4  }
0x15: {  	s4 =	sadd.s32 s23, s15;
	s18 =	simm.s32 $0x40;
	s21 =	sor.u32 s14, s6  }
0x16: {  	s26 =	sadd.s32 $0x102800, s0;
	s0 =	sadd.s32 $0x66600, s0;
	s3 =	smax.u32 s3, $0x1  }
0x17: {  	s28 =	sor.u32 $0x2800, s14;
	s6 =	simm.s32 $0x0;
	[dreg:$0xd] =	wrdreg s26  }
0x18: {  	s2 =	sshrl.u32 s21, $0x3;
	[dreg:$0xe] =	wrdreg s0;
	s0 =	sadd.s32 s23, s13  }
0x19: {  	[dreg:$0xf] =	wrdreg s3;
	s26 =	simm.s32 $0x9;
	s2 =	sadd.s32 s11, s2  }
0x1a: {  	s3 =	simm.s32 $0xA;
	s0 =	sshrl.u32 @!p0 s0, $0x3;
	[dreg:$0xa] =	wrdreg s2  }
0x1b: {  	s11 =	simm.s32 $0x11;
	s2 =	sshrl.u32 s25, $0x2;
	[dreg:$0x10] =	wrdreg s0  }
0x1c: {  	s0 =	sshrl.u32 @!p0 s4, $0x3;
	s25 =	simm.s32 $0x7;
	s4 =	simm.s32 $0xC  }
0x1d: {  	s23 =	sadd.s32 s2, s13;
	s24 =	sadd.s32 s2, s15;
	[dreg:$0x11] =	wrdreg s0  }
0x1e: {  	v1 =	vimm.f32 $0.0e+00;
	v0 =	vmov s1;
	s0 =	simm.s32 $0x50;
	s13 =	simm.s32 $0xB;
	s15 =	simm.s32 $0x2  }
.LBB2_1:
.Ltmp0:
0x1f: {  	(pc) =	sbr.rel @!p1 .LBB2_7-.Ltmp0, $2  }
0x20: {  	_ =	sdelay $0x2  }
0x21: {  	[dreg:$0x13] =	wrdreg s6  }
0x22: {  	s2 =	simm.s32 $0x100;
	s1 =	simm.s32 $0x0  }
.LBB2_3:
0x23: {  	p2 =	seq.s32 s2, $0x2700;
	[tilespmem:s1+$0xB750] =	vst v1;
	s6 =	smov.u32 s2;
	s2 =	sadd.s32 $0x100, s2  }
.Ltmp1:
0x24: {  	[tilespmem:s1+$0xB740] =	vst v1;
	(pc) =	sbr.rel @!p2 .LBB2_3-.Ltmp1, $3  }
0x25: {  	[tilespmem:s1+$0xB720] =	vst v1  }
0x26: {  	[tilespmem:s1+$0xB730] =	vst v1;
	_ =	sdelay $0x1  }
0x27: {  	s1 =	sshra.s32 s6, $0x2  }
0x28: {  	[tilespmem:s1+$0xB750] =	vst v1  }
0x29: {  	[tilespmem:s1+$0xB740] =	vst v1  }
0x2a: {  	[tilespmem:s1+$0xB720] =	vst v1  }
0x2b: {  	[tilespmem:s1+$0xB730] =	vst v1;
	s16 =	sadd.s32 $0x0, s23  }
0x2c: {  	[spmem:s16] =	stream.linear.scatter [tilespmem:s29], [sflag:$0x12], $0xA00, $0x38;
	[tilespmem:$0x1F9A0] =	vst v63  }
0x2d: {  	_ =	swait.ge [sflag:s30], $0xA00  }
0x2e: {  	[sflag:s30] =	ssyncset.done $0x0  }
0x2f: {  	s21 =	sadd.s32 $0x0, s24;
	[sflag:s30] =	ssyncadd.s32 $0xFFFFF600  }
0x30: {  	[spmem:s21] =	stream.linear.scatter [tilespmem:s29], [sflag:$0x12], $0xA00, $0x38;
	[tilespmem:$0x1F9A0] =	vst v63  }
0x31: {  	_ =	swait.ge [sflag:s30], $0xA00  }
0x32: {  	s2 =	simm.s32 $0x5000;
	s1 =	simm.s32 $0xA00;
	[sflag:s30] =	ssyncset.done $0x0  }
.LBB2_5:
0x33: {  	s6 =	sadd.s32 s1, s23  }
0x34: {  	[sflag:s30] =	ssyncadd.s32 $0xFFFFF600;
	s16 =	smov.u32 s2;
	s21 =	sadd.s32 $0x2800, s2  }
0x35: {  	[spmem:s6] =	stream.linear.scatter [tilespmem:s29], [sflag:$0x12], $0xA00, $0x38;
	[tilespmem:$0x1F9A0] =	vst v63  }
0x36: {  	p2 =	sne.s32 s2, $0x3C000;
	_ =	swait.ge [sflag:s30], $0xA00  }
.Ltmp2:
0x37: {  	[sflag:s30] =	ssyncset.done $0x0;
	(pc) =	sbr.rel @p2 .LBB2_5-.Ltmp2, $4  }
0x38: {  	s1 =	sadd.s32 s1, s24;
	[sflag:s30] =	ssyncadd.s32 $0xFFFFF600  }
0x39: {  	[spmem:s1] =	stream.linear.scatter [tilespmem:s29], [sflag:$0x12], $0xA00, $0x38;
	[tilespmem:$0x1F9A0] =	vst v63  }
0x3a: {  	_ =	swait.ge [sflag:s30], $0xA00  }
0x3b: {  	s2 =	smov.u32 s21;
	s1 =	sshra.s32 s16, $0x2;
	[sflag:s30] =	ssyncset.done $0x0  }
0x3c: {  	s2 =	sadd.s32 s1, s23;
	[sflag:s30] =	ssyncadd.s32 $0xFFFFF600  }
0x3d: {  	[spmem:s2] =	stream.linear.scatter [tilespmem:s29], [sflag:$0x12], $0xA00, $0x38;
	[tilespmem:$0x1F9A0] =	vst v63  }
0x3e: {  	_ =	swait.ge [sflag:s30], $0xA00  }
0x3f: {  	[sflag:s30] =	ssyncset.done $0x0  }
0x40: {  	s21 =	sadd.s32 s1, s24;
	[sflag:s30] =	ssyncadd.s32 $0xFFFFF600  }
0x41: {  	[spmem:s21] =	stream.linear.scatter [tilespmem:s29], [sflag:$0x12], $0xA00, $0x38;
	[tilespmem:$0x1F9A0] =	vst v63  }
0x42: {  	_ =	swait.ge [sflag:s30], $0xA00  }
0x43: {  	[sflag:s30] =	ssyncset.done $0x0  }
0x44: {  	[sflag:s30] =	ssyncadd.s32 $0xFFFFF600  }
.LBB2_7:
0x45: {  	[bflag:$0x0] =	sbarrier.arrive $0xFFFF  }
0x46: {  	s21 =	simm.s32 $0x0;
	s1 =	rddreg [dreg:$0x7]  }
0x47: {  	[tilespmem:s21], [sflag:$0x12] =	stream.linear.gather [hbm4b:s1+s21], $0x50, $0x38;
	[tilespmem:$0x1F9A0] =	vst v63  }
0x48: {  	_ =	swait.ge [sflag:s30], $0x50  }
0x49: {  	[sflag:s30] =	ssyncset.done $0x0  }
0x4a: {  	s2 =	simm.s32 $0xA0;
	s7 =	rddreg [dreg:$0x8];
	[sflag:s30] =	ssyncadd.s32 $0xFFFFFFB0  }
0x4b: {  	[tilespmem:s2], [sflag:$0x12] =	stream.linear.gather [hbm4b:s7+s21], $0x50, $0x38;
	[tilespmem:$0x1F9A0] =	vst v63  }
0x4c: {  	_ =	swait.ge [sflag:s30], $0x50  }
0x4d: {  	[sflag:s30] =	ssyncset.done $0x0  }
0x4e: {  	[sflag:s30] =	ssyncadd.s32 $0xFFFFFFB0  }
0x4f: {  	v2 =	vld [tilespmem:$0x0]  }
0x50: {  	v4 =	vld [tilespmem:$0xA0]  }
0x51: {  	v3 =	vld [tilespmem:$0xA0]  }
0x52: {  	v7 =	vld [tilespmem:$0xB0]  }
0x53: {  	v57 =	vld [tilespmem:$0xC0]  }
0x54: {  	v61 =	vld [tilespmem:$0xD0]  }
0x55: {  	v63 =	vld [tilespmem:$0xE0];
	v2 =	vadd.s32 v0, v2;
	[tilespmem:$0x280] =	vst v4  }
0x56: {  	[tilespmem:$0x140] =	vst v2;
	v2 =	vadd.s32 v0, v3;
	v3 =	vld [tilespmem:$0x20]  }
0x57: {  	[tilespmem:$0x1E0] =	vst v2;
	v2 =	vld [tilespmem:$0xC0]  }
0x58: {  	v5 =	vld [tilespmem:$0x10];
	[tilespmem:$0x290] =	vst v7  }
0x59: {  	v6 =	vld [tilespmem:$0xB0];
	[tilespmem:$0x2A0] =	vst v57  }
0x5a: {  	v59 =	vld [tilespmem:$0x30];
	[tilespmem:$0x2B0] =	vst v61  }
0x5b: {  	v60 =	vld [tilespmem:$0xD0];
	[tilespmem:$0x2C0] =	vst v63;
	v3 =	vadd.s32 v0, v3  }
0x5c: {  	[tilespmem:$0x160] =	vst v3;
	v2 =	vadd.s32 v0, v2;
	v3 =	vld [tilespmem:$0x40]  }
0x5d: {  	v56 =	vadd.s32 v0, v5;
	[tilespmem:$0x200] =	vst v2;
	v2 =	vld [tilespmem:$0xE0]  }
0x5e: {  	v58 =	vadd.s32 v0, v6;
	[tilespmem:$0x150] =	vst v56  }
0x5f: {  	v62 =	vadd.s32 v0, v59;
	[tilespmem:$0x1F0] =	vst v58  }
0x60: {  	v4 =	vadd.s32 v0, v60;
	[tilespmem:$0x170] =	vst v62  }
0x61: {  	[tilespmem:$0x210] =	vst v4;
	v3 =	vadd.s32 v0, v3  }
0x62: {  	[tilespmem:$0x180] =	vst v3;
	v2 =	vadd.s32 v0, v2  }
0x63: {  	s6 =	simm.s32 $0x2B20;
	s2 =	simm.s32 $0x140;
	s16 =	rddreg [dreg:$0x1];
	[tilespmem:$0x220] =	vst v2  }
0x64: {  	[tilespmem:s6], [sflag:$0x5] =	stream.indirect.gather [hbm4b:s16+s0], $0x40, s2, s0, $0xb8;
	[tilespmem:$0x1F9A0] =	vst v63  }
0x65: {  	s7 =	rddreg [dreg:$0x12];
	s6 =	simm.s32 $0x1E0;
	s16 =	simm.s32 $0x5320  }
0x66: {  	[tilespmem:s16], [sflag:$0x7] =	stream.indirect.gather [hbm4b:s7+s0], $0x40, s6, s0, $0xb8;
	[tilespmem:$0x1F9A0] =	vst v63  }
0x67: {  	s6 =	simm.s32 $0x7B20  }
0x68: {  	[tilespmem:s6], [sflag:$0x9] =	stream.indirect.gather [hbm4b:s10+s0], $0x40, s2, s0, $0xb8;
	[tilespmem:$0x1F9A0] =	vst v63  }
0x69: {  	s7 =	rddreg [dreg:$0xa];
	s16 =	simm.s32 $0x320  }
0x6a: {  	[tilespmem:s16], [sflag:$0xB] =	stream.strided.gather [hbm4b:s7+s18], $0x1400, s19, s18, $0x38;
	[tilespmem:$0x1F9A0] =	vst v63  }
0x6b: {  	s6 =	rddreg [dreg:$0xb]  }
0x6c: {  	[tilespmem:s0], [sflag:$0x2] =	stream.linear.gather [hbm4b:s6+s21], $0x50, $0x38;
	[tilespmem:$0x1F9A0] =	vst v63  }
0x6d: {  	s7 =	rddreg [dreg:$0xc];
	s16 =	simm.s32 $0xF0  }
0x6e: {  	[tilespmem:s16], [sflag:$0x4] =	stream.linear.gather [hbm4b:s7+s21], $0x50, $0x38;
	[tilespmem:$0x1F9A0] =	vst v63  }
0x6f: {  	s7 =	simm.s32 $0x1720  }
.LBB2_8:
0x70: {  	_ =	swait.ge [sflag:s22], $0x1400  }
0x71: {  	[sflag:s22] =	ssyncset.done $0x0  }
0x72: {  	[sflag:s22] =	ssyncadd.s32 $0xFFFFEC00  }
0x73: {  	_ =	swait.ge [sflag:s25], $0x1400  }
0x74: {  	[sflag:s25] =	ssyncset.done $0x0  }
0x75: {  	[sflag:s25] =	ssyncadd.s32 $0xFFFFEC00  }
0x76: {  	_ =	swait.ge [sflag:s26], $0x1400  }
0x77: {  	[sflag:s26] =	ssyncset.done $0x0  }
0x78: {  	[sflag:s26] =	ssyncadd.s32 $0xFFFFEC00  }
0x79: {  	_ =	swait.ge [sflag:s13], $0x1400  }
0x7a: {  	p2 =	seq.s32 s21, $0x0;
	[sflag:s13] =	ssyncset.done $0x0  }
0x7b: {  	s1 =	simm.s32 @!p2 $0xE;
	[sflag:s13] =	ssyncadd.s32 $0xFFFFEC00  }
0x7c: {  	_ =	swait.ge @!p2 [sflag:s1], $0x1400  }
0x7d: {  	[sflag:s1] =	ssyncset.done @!p2 $0x0  }
0x7e: {  	[sflag:s1] =	ssyncadd.s32 @!p2 $0xFFFFEC00;
	s1 =	simm.s32 @!p2 $0x10  }
0x7f: {  	_ =	swait.ge @!p2 [sflag:s1], $0x1400  }
0x80: {  	[sflag:s1] =	ssyncset.done @!p2 $0x0  }
0x81: {  	[sflag:s1] =	ssyncadd.s32 @!p2 $0xFFFFEC00  }
0x82: {  	_ =	swait.ge [sflag:s15], $0x50  }
0x83: {  	[sflag:s15] =	ssyncset.done $0x0  }
0x84: {  	[sflag:s15] =	ssyncadd.s32 $0xFFFFFFB0  }
0x85: {  	_ =	swait.ge [sflag:s17], $0x50  }
0x86: {  	[sflag:s17] =	ssyncset.done $0x0  }
0x87: {  	[sflag:s17] =	ssyncadd.s32 $0xFFFFFFB0  }
0x88: {  	v2 =	vld [tilespmem:$0x50]  }
0x89: {  	v4 =	vld [tilespmem:$0xF0]  }
0x8a: {  	v5 =	vld [tilespmem:$0x60]  }
0x8b: {  	v3 =	vld [tilespmem:$0xF0]  }
0x8c: {  	v6 =	vld [tilespmem:$0x100];
	_ =	sdelay $0x1  }
0x8d: {  	v7 =	vld [tilespmem:$0x100]  }
0x8e: {  	v2 =	vadd.s32 v0, v2;
	[tilespmem:$0x2D0] =	vst v4;
	v4 =	vadd.s32 v0, v5;
	v5 =	vld [tilespmem:$0x110]  }
0x8f: {  	[tilespmem:$0x190] =	vst v2;
	v2 =	vadd.s32 v0, v3;
	v3 =	vld [tilespmem:$0x70]  }
0x90: {  	[tilespmem:$0x1A0] =	vst v4;
	v4 =	vadd.s32 v0, v6;
	v6 =	vld [tilespmem:$0x80]  }
0x91: {  	[tilespmem:$0x230] =	vst v2;
	v2 =	vld [tilespmem:$0x110]  }
0x92: {  	[tilespmem:$0x2E0] =	vst v7  }
0x93: {  	v7 =	vld [tilespmem:$0x120];
	[tilespmem:$0x240] =	vst v4  }
0x94: {  	v4 =	vld [tilespmem:$0x120];
	[tilespmem:$0x2F0] =	vst v5;
	v3 =	vadd.s32 v0, v3  }
0x95: {  	v5 =	vadd.s32 v0, v6;
	[tilespmem:$0x1B0] =	vst v3;
	v3 =	vld [tilespmem:$0x90]  }
0x96: {  	v2 =	vadd.s32 v0, v2;
	[tilespmem:$0x1C0] =	vst v5;
	v5 =	vld [tilespmem:$0x130]  }
0x97: {  	[tilespmem:$0x250] =	vst v2;
	v2 =	vld [tilespmem:$0x130];
	_ =	sdelay $0x1  }
0x98: {  	[tilespmem:$0x300] =	vst v7;
	v4 =	vadd.s32 v0, v4  }
0x99: {  	[tilespmem:$0x260] =	vst v4  }
0x9a: {  	v3 =	vadd.s32 v0, v3;
	[tilespmem:$0x310] =	vst v5  }
0x9b: {  	[tilespmem:$0x1D0] =	vst v3;
	v2 =	vadd.s32 v0, v2  }
0x9c: {  	s2 =	simm.s32 $0x190;
	s16 =	simm.s32 $0x6720;
	s6 =	rddreg [dreg:$0x1];
	[tilespmem:$0x270] =	vst v2  }
0x9d: {  	[tilespmem:s31], [sflag:$0x6] =	stream.indirect.gather [hbm4b:s6+s0], $0x40, s2, s0, $0xb8;
	[tilespmem:$0x1F9A0] =	vst v63  }
0x9e: {  	s1 =	simm.s32 $0x230;
	s6 =	smul.u32 $0xA0, s21;
	s31 =	rddreg [dreg:$0x12]  }
0x9f: {  	[tilespmem:s16], [sflag:$0x8] =	stream.indirect.gather [hbm4b:s31+s0], $0x40, s1, s0, $0xb8;
	[tilespmem:$0x1F9A0] =	vst v63  }
0xa0: {  	s16 =	rddreg [dreg:$0x6]  }
0xa1: {  	s1 =	sadd.s32 s16, s6;
	s16 =	simm.s32 $0x8F20  }
0xa2: {  	[tilespmem:s16], [sflag:$0xA] =	stream.indirect.gather [hbm4b:s10+s0], $0x40, s2, s0, $0xb8;
	[tilespmem:$0x1F9A0] =	vst v63  }
0xa3: {  	s31 =	sshll.u32 s1, $0x7  }
0xa4: {  	p2 =	seq.s32 s21, $0x7C;
	s16 =	sadd.s32 s28, s31  }
0xa5: {  	s1 =	sshrl.u32 @!p2 s1, $0x3;
	s2 =	sshrl.u32 s16, $0x3;
	s16 =	rddreg [dreg:$0x2]  }
0xa6: {  	s1 =	sadd.s32 @!p2 $0x14, s1;
	s2 =	sadd.s32 s16, s2  }
0xa7: {  	[tilespmem:s7], [sflag:$0xC] =	stream.strided.gather [hbm4b:s2+s18], $0x1400, s19, s18, $0x38;
	[tilespmem:$0x1F9A0] =	vst v63  }
0xa8: {  	p3 =	seq.s32 @!p2 s21, $0x0;
	s16 =	simm.s32 @!p2 $0x0;
	s2 =	sadd.s32 @!p2 s8, s1  }
0xa9: {  	[tilespmem:s16], [sflag:$0x1] =	stream.linear.gather @!p2 [hbm4b:s2+s16], $0x50, $0x38;
	[tilespmem:$0x1F9A0] =	vst v63  }
0xaa: {  	p3 =	por p2, !p3;
	s1 =	sadd.s32 @!p2 s9, s1;
	s2 =	simm.s32 @!p2 $0xA0  }
0xab: {  	[tilespmem:s2], [sflag:$0x3] =	stream.linear.gather @!p2 [hbm4b:s1+s16], $0x50, $0x38;
	[tilespmem:$0x1F9A0] =	vst v63  }
0xac: {  	_ =	swait.ge @p3 [sflag:s11], $0x1400  }
0xad: {  	[sflag:s11] =	ssyncset.done @p3 $0x0  }
0xae: {  	s2 =	simm.s32 $0x0;
	[sflag:s11] =	ssyncadd.s32 @p3 $0xFFFFEC00  }
0xaf: {  	v2 =	vld [tilespmem:s2+$0x3E0]  }
0xb0: {  	v3 =	vld [tilespmem:s2+$0x5400]  }
0xb1: {  	v4 =	vld [tilespmem:s2+$0x2BE0]  }
0xb2: {  	v5 =	vld [tilespmem:s2+$0x2B70]  }
0xb3: {  	v6 =	vld [tilespmem:s2+$0x3D0]  }
0xb4: {  	v7 =	vld [tilespmem:s2+$0x3F0]  }
0xb5: {  	v8 =	vld [tilespmem:s2+$0x2BD0]  }
0xb6: {  	v9 =	vld [tilespmem:s2+$0x2BC0]  }
0xb7: {  	v10 =	vld [tilespmem:s2+$0x3C0]  }
0xb8: {  	v11 =	vld [tilespmem:s2+$0x2B60]  }
0xb9: {  	v12 =	vld [tilespmem:s2+$0x5410]  }
0xba: {  	v13 =	vld [tilespmem:s2+$0x2C10]  }
0xbb: {  	v14 =	vld [tilespmem:s2+$0x410]  }
0xbc: {  	v15 =	vld [tilespmem:s2+$0x370]  }
0xbd: {  	v16 =	vld [tilespmem:s2+$0x5370]  }
0xbe: {  	v17 =	vld [tilespmem:s2+$0x350]  }
0xbf: {  	v18 =	vld [tilespmem:s2+$0x320]  }
0xc0: {  	v20 =	vld [tilespmem:s2+$0x2BF0]  }
0xc1: {  	v21 =	vld [tilespmem:s2+$0x5360]  }
0xc2: {  	v22 =	vld [tilespmem:s2+$0x2B20];
	v13 =	vadd.f32 v13, v14  }
0xc3: {  	v23 =	vld [tilespmem:s2+$0x360];
	v5 =	vadd.f32 v5, v15  }
0xc4: {  	v24 =	vld [tilespmem:s2+$0x2B90];
	v12 =	vadd.f32 v12, v13  }
0xc5: {  	v26 =	vld [tilespmem:s2+$0x53F0];
	v5 =	vadd.f32 v16, v5  }
0xc6: {  	v28 =	vld [tilespmem:s2+$0x2B40];
	[tilespmem:s2+$0xA410] =	vst v12;
	v12 =	vsub.f32 $0.0e+00, v12  }
0xc7: {  	v16 =	vld [tilespmem:s2+$0x53E0];
	[tilespmem:s2+$0xA370] =	vst v5;
	v5 =	vsub.f32 $0.0e+00, v5  }
0xc8: {  	v14 =	vld [tilespmem:s2+$0x53D0];
	v12 =	vmul.f32 $1.442695020e+00, v12  }
0xc9: {  	v11 =	vadd.f32 v11, v23;
	v23 =	vld [tilespmem:s2+$0x2B30];
	v5 =	vmul.f32 $1.442695020e+00, v5  }
0xca: {  	v9 =	vadd.f32 v9, v10;
	v10 =	vld [tilespmem:s2+$0x340];
	v2 =	vadd.f32 v4, v2;
	(erf) = vpow2.f32 v12  }
0xcb: {  	v7 =	vadd.f32 v20, v7;
	v13 =	vld [tilespmem:s2+$0x53C0];
	v11 =	vadd.f32 v21, v11;
	(erf) = vpow2.f32 v5  }
0xcc: {  	v6 =	vadd.f32 v8, v6;
	v21 =	vld [tilespmem:s2+$0x330];
	v2 =	vadd.f32 v16, v2  }
0xcd: {  	v4 =	vadd.f32 v26, v7;
	v7 =	vld [tilespmem:s2+$0x2B50];
	[tilespmem:s2+$0xA360] =	vst v11;
	v11 =	vsub.f32 $0.0e+00, v11  }
0xce: {  	v6 =	vadd.f32 v14, v6;
	v14 =	vld [tilespmem:s2+$0x5340];
	[tilespmem:s2+$0xA3E0] =	vst v2;
	v2 =	vsub.f32 $0.0e+00, v2  }
0xcf: {  	v11 =	vmul.f32 $1.442695020e+00, v11;
	v16 =	vld [tilespmem:s2+$0x5350]  }
0xd0: {  	v25 =	vld [tilespmem:s2+$0x390];
	[tilespmem:s2+$0xA3F0] =	vst v4;
	v4 =	vsub.f32 $0.0e+00, v4;
	v2 =	vmul.f32 $1.442695020e+00, v2  }
0xd1: {  	v8 =	vld [tilespmem:s2+$0x5330];
	v10 =	vadd.f32 v28, v10;
	v9 =	vadd.f32 v13, v9;
	(erf) = vpow2.f32 v11  }
0xd2: {  	v21 =	vadd.f32 v23, v21;
	v5 =	vld [tilespmem:s2+$0x5390];
	(erf) = vpow2.f32 v2;
	v2 =	vadd.f32 v7, v17  }
0xd3: {  	v27 =	vld [tilespmem:s2+$0x5320];
	v12 =	vadd.f32 v22, v18;
	v10 =	vadd.f32 v14, v10;
	v20 =	vpop (erf)  }
0xd4: {  	v19 =	vld [tilespmem:s2+$0x2B80];
	v14 =	vadd.f32 v16, v2;
	v2 =	vsub.f32 $0.0e+00, v9;
	v62 =	vpop (erf)  }
0xd5: {  	v63 =	vld [tilespmem:s2+$0x400];
	v18 =	vadd.f32 v24, v25;
	v11 =	vadd.f32 $1.000000000e+00, v62  }
0xd6: {  	v4 =	vmul.f32 $1.442695020e+00, v4;
	[tilespmem:s2+$0xA3D0] =	vst v6;
	v13 =	vld [tilespmem:s2+$0x380];
	v6 =	vsub.f32 $0.0e+00, v6;
	v2 =	vmul.f32 $1.442695020e+00, v2  }
0xd7: {  	v8 =	vadd.f32 v8, v21;
	v18 =	vadd.f32 v5, v18;
	v5 =	vld [tilespmem:s2+$0x2C00];
	(erf) = vrcp.f32 v11  }
0xd8: {  	v22 =	vld [tilespmem:s2+$0x5380];
	v6 =	vmul.f32 $1.442695020e+00, v6;
	v12 =	vadd.f32 v27, v12;
	(erf) = vpow2.f32 v2  }
0xd9: {  	[tilespmem:s2+$0xA330] =	vst v8;
	v8 =	vsub.f32 $0.0e+00, v8;
	v7 =	vld [tilespmem:s2+$0x2BB0];
	(erf) = vpow2.f32 v4  }
0xda: {  	v20 =	vadd.f32 $1.000000000e+00, v20;
	v11 =	vld [tilespmem:s2+$0x3B0];
	(erf) = vpow2.f32 v6;
	v6 =	vsub.f32 $0.0e+00, v12  }
0xdb: {  	v15 =	vld [tilespmem:s2+$0x53B0];
	[tilespmem:s2+$0xA340] =	vst v10;
	v13 =	vadd.f32 v19, v13;
	v10 =	vsub.f32 $0.0e+00, v10  }
0xdc: {  	[tilespmem:s2+$0xA3C0] =	vst v9;
	v9 =	vld [tilespmem:s2+$0x7B70];
	v5 =	vadd.f32 v5, v63;
	(erf) = vrcp.f32 v20;
	v6 =	vmul.f32 $1.442695020e+00, v6  }
0xdd: {  	v19 =	vld [tilespmem:s2+$0x3A0];
	v13 =	vadd.f32 v22, v13;
	v10 =	vmul.f32 $1.442695020e+00, v10;
	[tilespmem:s2+$0xA350] =	vst v14;
	v14 =	vsub.f32 $0.0e+00, v14  }
0xde: {  	v16 =	vld [tilespmem:s2+$0x2BA0];
	v17 =	vpop (erf);
	v20 =	vadd.f32 v3, v5;
	v5 =	vmul.f32 $1.442695020e+00, v8;
	(erf) = vpow2.f32 v6  }
0xdf: {  	[tilespmem:s2+$0xA320] =	vst v12;
	v21 =	vpop (erf);
	v6 =	vadd.f32 v7, v11;
	v7 =	vsub.f32 $0.0e+00, v13;
	(erf) = vpow2.f32 v10  }
0xe0: {  	[tilespmem:s2+$0xA380] =	vst v13;
	v12 =	vld [tilespmem:s2+$0x7C10];
	v8 =	vadd.f32 $1.000000000e+00, v17;
	v10 =	vmul.f32 $1.442695020e+00, v14;
	v4 =	vpop (erf);
	(erf) = vpow2.f32 v5  }
0xe1: {  	v13 =	vmul.f32 $1.442695020e+00, v7;
	[tilespmem:s2+$0x370] =	vst v4;
	v4 =	vmul.f32 v4, v9;
	v9 =	vld [tilespmem:s2+$0x53A0]  }
0xe2: {  	v6 =	vadd.f32 v15, v6;
	v11 =	vpop (erf);
	(erf) = vrcp.f32 v8  }
0xe3: {  	v2 =	vld [tilespmem:s2+$0x7BA0];
	v15 =	vadd.f32 $1.000000000e+00, v21;
	v14 =	vpop (erf);
	(erf) = vpow2.f32 v10;
	v10 =	vadd.f32 v16, v19  }
0xe4: {  	v3 =	vld [tilespmem:s2+$0x7B90];
	[tilespmem:s2+$0xA3B0] =	vst v6;
	v11 =	vadd.f32 $1.000000000e+00, v11;
	v6 =	vsub.f32 $0.0e+00, v6;
	v16 =	vpop (erf);
	(erf) = vpow2.f32 v13  }
0xe5: {  	v17 =	vld [tilespmem:s2+$0x7BC0];
	v14 =	vadd.f32 $1.000000000e+00, v14;
	v13 =	vpop (erf);
	(erf) = vrcp.f32 v15;
	v15 =	vsub.f32 $0.0e+00, v20  }
0xe6: {  	v5 =	vld [tilespmem:s2+$0x7C00];
	[tilespmem:s2+$0x410] =	vst v13;
	v12 =	vmul.f32 v13, v12;
	v13 =	vadd.f32 $1.000000000e+00, v16;
	v10 =	vadd.f32 v9, v10  }
0xe7: {  	[tilespmem:s2+$0xA390] =	vst v18;
	v7 =	vld [tilespmem:s2+$0x7B80];
	(erf) = vrcp.f32 v11;
	v11 =	vsub.f32 $0.0e+00, v18;
	v16 =	vmul.f32 $1.442695020e+00, v6  }
0xe8: {  	v8 =	vld [tilespmem:s2+$0x7B30];
	v15 =	vmul.f32 $1.442695020e+00, v15;
	(erf) = vrcp.f32 v14;
	v19 =	vpop (erf);
	[tilespmem:s2+$0xA3A0] =	vst v10;
	v10 =	vsub.f32 $0.0e+00, v10  }
0xe9: {  	[tilespmem:s2+$0x2B70] =	vst v4;
	v4 =	vld [tilespmem:s2+$0x7BB0];
	(erf) = vrcp.f32 v13;
	v13 =	vmul.f32 $1.442695020e+00, v11;
	v18 =	vpop (erf)  }
0xea: {  	[tilespmem:s2+$0xA400] =	vst v20;
	v20 =	vld [tilespmem:s2+$0x7BE0];
	v6 =	vpop (erf);
	(erf) = vpow2.f32 v15  }
0xeb: {  	v9 =	vld [tilespmem:s2+$0x7B40];
	[tilespmem:s2+$0x2C10] =	vst v12;
	v12 =	vpop (erf);
	v15 =	vmul.f32 $1.442695020e+00, v10;
	(erf) = vpow2.f32 v16  }
0xec: {  	v14 =	vld [tilespmem:s2+$0x7BD0];
	v10 =	vpop (erf);
	(erf) = vpow2.f32 v13  }
0xed: {  	v11 =	vld [tilespmem:s2+$0x7BF0];
	v13 =	vpop (erf);
	(erf) = vpow2.f32 v15  }
0xee: {  	v19 =	vadd.f32 $1.000000000e+00, v19;
	v16 =	vld [tilespmem:s2+$0x7B60];
	v10 =	vadd.f32 $1.000000000e+00, v10;
	v21 =	vpop (erf)  }
0xef: {  	s1 =	simm.s32 $0x400;
	v18 =	vadd.f32 $1.000000000e+00, v18;
	v15 =	vadd.f32 $1.000000000e+00, v13;
	v13 =	vld [tilespmem:s2+$0x7B20];
	[tilespmem:s2+$0x3E0] =	vst v21;
	v20 =	vmul.f32 v21, v20  }
.LBB2_9:
0xf0: {  	s16 =	sshra.s32 s1, $0x2;
	p3 =	sne.s32 s1, $0x4C00;
	s1 =	sadd.s32 $0x400, s1;
	v21 =	vld [tilespmem:s2+$0x7B50];
	(erf) = vrcp.f32 v10;
	v22 =	vpop (erf)  }
0xf1: {  	v23 =	vadd.f32 $1.000000000e+00, v6;
	v10 =	vld [tilespmem:s16+$0x3E0];
	v24 =	vmul.f32 v22, v17;
	[tilespmem:s2+$0x2BE0] =	vst v20;
	(erf) = vrcp.f32 v19;
	v19 =	vpop (erf)  }
0xf2: {  	v6 =	vld [tilespmem:s16+$0x5400];
	[tilespmem:s2+$0x3F0] =	vst v19;
	v19 =	vmul.f32 v19, v11;
	(erf) = vrcp.f32 v18;
	v18 =	vpop (erf)  }
0xf3: {  	v11 =	vld [tilespmem:s16+$0x2BE0];
	v16 =	vmul.f32 v12, v16;
	[tilespmem:s2+$0x2BC0] =	vst v24;
	v24 =	vmul.f32 v18, v14;
	v17 =	vpop (erf)  }
0xf4: {  	v20 =	vld [tilespmem:s16+$0x2B70];
	[tilespmem:s2+$0x3D0] =	vst v18;
	v17 =	vadd.f32 $1.000000000e+00, v17;
	(erf) = vrcp.f32 v23;
	v18 =	vpop (erf)  }
0xf5: {  	v23 =	vld [tilespmem:s16+$0x3D0];
	v18 =	vadd.f32 $1.000000000e+00, v18;
	[tilespmem:s2+$0x2BD0] =	vst v24;
	(erf) = vrcp.f32 v15;
	v14 =	vpop (erf)  }
0xf6: {  	v15 =	vld [tilespmem:s16+$0x3F0];
	v24 =	vadd.f32 $1.000000000e+00, v14;
	[tilespmem:s2+$0x3C0] =	vst v22;
	v22 =	vpop (erf);
	(erf) = vrcp.f32 v17  }
0xf7: {  	v17 =	vld [tilespmem:s16+$0x2BD0];
	[tilespmem:s2+$0x2B60] =	vst v16;
	(erf) = vrcp.f32 v18  }
0xf8: {  	v16 =	vld [tilespmem:s16+$0x2BC0];
	[tilespmem:s2+$0x360] =	vst v12;
	(erf) = vrcp.f32 v24  }
0xf9: {  	v12 =	vld [tilespmem:s16+$0x3C0];
	[tilespmem:s2+$0x2BF0] =	vst v19;
	v14 =	vpop (erf)  }
0xfa: {  	v18 =	vld [tilespmem:s16+$0x2B60];
	v19 =	vmul.f32 v14, v21;
	v21 =	vadd.f32 $1.000000000e+00, v22;
	v22 =	vpop (erf)  }
0xfb: {  	v24 =	vld [tilespmem:s16+$0x5410];
	[tilespmem:s2+$0x320] =	vst v22;
	v26 =	vmul.f32 v22, v13;
	v22 =	vpop (erf)  }
0xfc: {  	v25 =	vld [tilespmem:s16+$0x2C10];
	[tilespmem:s2+$0x340] =	vst v22;
	v9 =	vmul.f32 v22, v9;
	(erf) = vrcp.f32 v21  }
0xfd: {  	v21 =	vld [tilespmem:s16+$0x410];
	[tilespmem:s2+$0x2B20] =	vst v26;
	v13 =	vpop (erf)  }
0xfe: {  	v22 =	vld [tilespmem:s16+$0x370];
	v8 =	vmul.f32 v13, v8;
	[tilespmem:s2+$0x350] =	vst v14;
	v14 =	vpop (erf)  }
0xff: {  	v26 =	vld [tilespmem:s16+$0x5370];
	[tilespmem:s2+$0x330] =	vst v13;
	v13 =	vmul.f32 v14, v7;
	v27 =	vpop (erf)  }
0x100: {  	v7 =	vld [tilespmem:s16+$0x350];
	[tilespmem:s2+$0x400] =	vst v27;
	v5 =	vmul.f32 v27, v5;
	v27 =	vpop (erf)  }
0x101: {  	v28 =	vld [tilespmem:s16+$0x320];
	[tilespmem:s2+$0x2B80] =	vst v13;
	v13 =	vmul.f32 v27, v4;
	v4 =	vpop (erf)  }
0x102: {  	v29 =	vld [tilespmem:s16+$0x2B80];
	v21 =	vadd.f32 v25, v21;
	[tilespmem:s2+$0x390] =	vst v4;
	v3 =	vmul.f32 v4, v3  }
0x103: {  	v25 =	vadd.f32 v20, v22;
	v20 =	vld [tilespmem:s16+$0x2BF0];
	[tilespmem:s2+$0x380] =	vst v14  }
0x104: {  	v14 =	vld [tilespmem:s16+$0x5360];
	v21 =	vadd.f32 v24, v21;
	[tilespmem:s2+$0x2B90] =	vst v3  }
0x105: {  	v3 =	vld [tilespmem:s16+$0x2B20];
	v22 =	vadd.f32 v26, v25;
	[tilespmem:s2+$0x2B50] =	vst v19;
	v4 =	vpop (erf)  }
0x106: {  	v19 =	vld [tilespmem:s16+$0x360];
	v24 =	vsub.f32 $0.0e+00, v21;
	v2 =	vmul.f32 v4, v2;
	[tilespmem:s2+$0x3B0] =	vst v27  }
0x107: {  	v25 =	vsub.f32 $0.0e+00, v22;
	v26 =	vld [tilespmem:s16+$0x2B90];
	[tilespmem:s2+$0x2B30] =	vst v8  }
0x108: {  	v8 =	vld [tilespmem:s16+$0x390];
	v24 =	vmul.f32 $1.442695020e+00, v24;
	[tilespmem:s2+$0x3A0] =	vst v4  }
0x109: {  	v25 =	vmul.f32 $1.442695020e+00, v25;
	v4 =	vld [tilespmem:s16+$0x53B0];
	[tilespmem:s2+$0x2B40] =	vst v9  }
0x10a: {  	v3 =	vadd.f32 v3, v28;
	v9 =	vld [tilespmem:s16+$0x53F0];
	(erf) = vpow2.f32 v24;
	[tilespmem:s2+$0x2BB0] =	vst v13  }
0x10b: {  	v12 =	vadd.f32 v16, v12;
	v13 =	vadd.f32 v18, v19;
	v16 =	vld [tilespmem:s16+$0x53E0];
	(erf) = vpow2.f32 v25;
	[tilespmem:s2+$0x2C00] =	vst v5  }
0x10c: {  	v5 =	vld [tilespmem:s16+$0x53D0];
	[tilespmem:s2+$0x2BA0] =	vst v2;
	s2 =	smov.u32 s16  }
0x10d: {  	v2 =	vadd.f32 v14, v13;
	[tilespmem:s2+$0xA370] =	vst v22;
	v13 =	vld [tilespmem:s2+$0x53C0];
	v14 =	vadd.f32 v17, v23  }
0x10e: {  	v8 =	vadd.f32 v26, v8;
	v17 =	vld [tilespmem:s2+$0x2B30];
	[tilespmem:s2+$0xA410] =	vst v21  }
0x10f: {  	v10 =	vadd.f32 v11, v10;
	v18 =	vld [tilespmem:s2+$0x330];
	[tilespmem:s2+$0xA360] =	vst v2;
	v2 =	vsub.f32 $0.0e+00, v2  }
0x110: {  	v11 =	vld [tilespmem:s2+$0x5320]  }
0x111: {  	v15 =	vadd.f32 v20, v15;
	v19 =	vld [tilespmem:s2+$0x5330];
	v21 =	vmul.f32 $1.442695020e+00, v2  }
0x112: {  	v10 =	vadd.f32 v16, v10;
	v5 =	vadd.f32 v5, v14;
	v20 =	vld [tilespmem:s2+$0x2B40]  }
0x113: {  	v9 =	vadd.f32 v9, v15;
	v12 =	vadd.f32 v13, v12;
	v14 =	vld [tilespmem:s2+$0x340];
	(erf) = vpow2.f32 v21;
	v2 =	vpop (erf)  }
0x114: {  	v15 =	vsub.f32 $0.0e+00, v10;
	v13 =	vld [tilespmem:s2+$0x5340];
	[tilespmem:s2+$0xA3D0] =	vst v5;
	v2 =	vadd.f32 $1.000000000e+00, v2;
	v16 =	vpop (erf)  }
0x115: {  	v22 =	vsub.f32 $0.0e+00, v9;
	v16 =	vadd.f32 $1.000000000e+00, v16;
	v21 =	vld [tilespmem:s2+$0x5390];
	[tilespmem:s2+$0xA3C0] =	vst v12  }
0x116: {  	v17 =	vadd.f32 v17, v18;
	v15 =	vmul.f32 $1.442695020e+00, v15;
	v12 =	vsub.f32 $0.0e+00, v12;
	v18 =	vld [tilespmem:s2+$0x2B50];
	[tilespmem:s2+$0xA3F0] =	vst v9  }
0x117: {  	v5 =	vsub.f32 $0.0e+00, v5;
	v3 =	vadd.f32 v11, v3;
	v9 =	vld [tilespmem:s2+$0x380];
	[tilespmem:s2+$0xA3E0] =	vst v10;
	v10 =	vmul.f32 $1.442695020e+00, v22  }
0x118: {  	v11 =	vadd.f32 v20, v14;
	v14 =	vld [tilespmem:s2+$0x5350];
	(erf) = vpow2.f32 v15  }
0x119: {  	v12 =	vmul.f32 $1.442695020e+00, v12;
	[tilespmem:s2+$0xA320] =	vst v3;
	v3 =	vsub.f32 $0.0e+00, v3;
	v15 =	vld [tilespmem:s2+$0x5380];
	(erf) = vrcp.f32 v16  }
0x11a: {  	v5 =	vmul.f32 $1.442695020e+00, v5;
	v16 =	vadd.f32 v19, v17;
	v8 =	vadd.f32 v21, v8;
	v17 =	vld [tilespmem:s2+$0x2C00]  }
0x11b: {  	v11 =	vadd.f32 v13, v11;
	v7 =	vadd.f32 v18, v7;
	v13 =	vld [tilespmem:s2+$0x400];
	(erf) = vpow2.f32 v12  }
0x11c: {  	v3 =	vmul.f32 $1.442695020e+00, v3;
	v9 =	vadd.f32 v29, v9;
	[tilespmem:s2+$0xA390] =	vst v8;
	v12 =	vld [tilespmem:s2+$0x3B0];
	v18 =	vpop (erf);
	(erf) = vpow2.f32 v10  }
0x11d: {  	v10 =	vsub.f32 $0.0e+00, v11;
	[tilespmem:s2+$0xA340] =	vst v11;
	v7 =	vadd.f32 v14, v7;
	v11 =	vld [tilespmem:s2+$0x2BB0];
	(erf) = vpow2.f32 v5  }
0x11e: {  	v5 =	vsub.f32 $0.0e+00, v16;
	[tilespmem:s2+$0xA330] =	vst v16;
	v14 =	vld [tilespmem:s2+$0x7B70];
	v9 =	vadd.f32 v15, v9;
	(erf) = vrcp.f32 v2  }
0x11f: {  	v2 =	vmul.f32 $1.442695020e+00, v10;
	[tilespmem:s2+$0xA350] =	vst v7;
	v7 =	vsub.f32 $0.0e+00, v7;
	v10 =	vld [tilespmem:s2+$0x2BA0];
	(erf) = vpow2.f32 v3  }
0x120: {  	v19 =	vmul.f32 $1.442695020e+00, v5;
	[tilespmem:s2+$0xA380] =	vst v9;
	v5 =	vsub.f32 $0.0e+00, v9;
	v9 =	vadd.f32 v17, v13  }
0x121: {  	v13 =	vadd.f32 $1.000000000e+00, v18;
	v17 =	vmul.f32 $1.442695020e+00, v7;
	v15 =	vld [tilespmem:s2+$0x3A0];
	(erf) = vpow2.f32 v2;
	v16 =	vpop (erf)  }
0x122: {  	v18 =	vmul.f32 $1.442695020e+00, v5;
	v2 =	vld [tilespmem:s2+$0x7BA0];
	v16 =	vadd.f32 $1.000000000e+00, v16;
	(erf) = vpow2.f32 v19;
	v3 =	vpop (erf)  }
0x123: {  	v19 =	vadd.f32 v6, v9;
	[tilespmem:s2+$0x370] =	vst v3;
	v3 =	vmul.f32 v3, v14;
	v14 =	vld [tilespmem:s2+$0x53A0];
	(erf) = vrcp.f32 v13  }
0x124: {  	v13 =	vsub.f32 $0.0e+00, v8;
	v8 =	vadd.f32 v11, v12;
	v9 =	vld [tilespmem:s2+$0x7C10];
	(erf) = vpow2.f32 v17;
	v7 =	vpop (erf)  }
0x125: {  	[tilespmem:s2+$0x2B70] =	vst v3;
	v3 =	vld [tilespmem:s2+$0x7B90];
	v11 =	vadd.f32 $1.000000000e+00, v7;
	v7 =	vsub.f32 $0.0e+00, v19;
	(erf) = vpow2.f32 v18;
	v5 =	vpop (erf)  }
0x126: {  	v8 =	vadd.f32 v4, v8;
	v10 =	vadd.f32 v10, v15;
	v4 =	vld [tilespmem:s2+$0x7BB0];
	[tilespmem:s2+$0xA400] =	vst v19;
	v6 =	vpop (erf);
	(erf) = vrcp.f32 v16  }
0x127: {  	v12 =	vadd.f32 $1.000000000e+00, v5;
	v6 =	vadd.f32 $1.000000000e+00, v6;
	v15 =	vmul.f32 $1.442695020e+00, v7;
	v5 =	vld [tilespmem:s2+$0x7C00];
	v16 =	vpop (erf)  }
0x128: {  	v7 =	vld [tilespmem:s2+$0x7B80];
	v10 =	vadd.f32 v14, v10;
	[tilespmem:s2+$0xA3B0] =	vst v8;
	v14 =	vsub.f32 $0.0e+00, v8;
	v18 =	vpop (erf);
	(erf) = vrcp.f32 v11  }
0x129: {  	v8 =	vld [tilespmem:s2+$0x7B30];
	[tilespmem:s2+$0x410] =	vst v16;
	v11 =	vmul.f32 v16, v9;
	(erf) = vrcp.f32 v12  }
0x12a: {  	v9 =	vld [tilespmem:s2+$0x7B40];
	[tilespmem:s2+$0xA3A0] =	vst v10;
	v19 =	vsub.f32 $0.0e+00, v10;
	v16 =	vmul.f32 $1.442695020e+00, v14;
	v20 =	vpop (erf);
	(erf) = vrcp.f32 v6  }
0x12b: {  	v22 =	vmul.f32 $1.442695020e+00, v13;
	v21 =	vld [tilespmem:s2+$0x7BE0];
	[tilespmem:s2+$0x2C10] =	vst v11;
	v6 =	vpop (erf);
	(erf) = vpow2.f32 v15  }
.Ltmp3:
0x12c: {  	v15 =	vmul.f32 $1.442695020e+00, v19;
	v14 =	vld [tilespmem:s2+$0x7BD0];
	v12 =	vpop (erf);
	(erf) = vpow2.f32 v16;
	(pc) =	sbr.rel @p3 .LBB2_9-.Ltmp3, $4  }
0x12d: {  	v17 =	vld [tilespmem:s2+$0x7BC0];
	v10 =	vpop (erf);
	(erf) = vpow2.f32 v22  }
0x12e: {  	v10 =	vadd.f32 $1.000000000e+00, v10;
	v11 =	vld [tilespmem:s2+$0x7BF0];
	v13 =	vpop (erf);
	(erf) = vpow2.f32 v15  }
0x12f: {  	v16 =	vld [tilespmem:s2+$0x7B60];
	v15 =	vadd.f32 $1.000000000e+00, v13;
	v22 =	vpop (erf)  }
0x130: {  	v19 =	vadd.f32 $1.000000000e+00, v18;
	v18 =	vadd.f32 $1.000000000e+00, v20;
	v13 =	vld [tilespmem:s2+$0x7B20];
	[tilespmem:s2+$0x3E0] =	vst v22;
	v20 =	vmul.f32 v22, v21  }
0x131: {  	(erf) = vrcp.f32 v10  }
0x132: {  	v42 =	vpop (erf);
	[tilespmem:s2+$0x360] =	vst v12;
	(erf) = vrcp.f32 v19  }
0x133: {  	v43 =	vpop (erf);
	[tilespmem:s2+$0x2BE0] =	vst v20;
	(erf) = vrcp.f32 v18  }
0x134: {  	v6 =	vadd.f32 $1.000000000e+00, v6;
	v17 =	vmul.f32 v42, v17;
	[tilespmem:s2+$0x3C0] =	vst v42  }
0x135: {  	v44 =	vpop (erf);
	[tilespmem:s2+$0x3F0] =	vst v43  }
0x136: {  	v50 =	vmul.f32 v43, v11;
	v45 =	vpop (erf);
	[tilespmem:s2+$0x2BC0] =	vst v17;
	(erf) = vrcp.f32 v6  }
0x137: {  	v21 =	vld [tilespmem:s2+$0x7B50];
	v14 =	vmul.f32 v44, v14;
	[tilespmem:s2+$0x3D0] =	vst v44;
	v46 =	vadd.f32 $1.000000000e+00, v45;
	v47 =	vpop (erf);
	(erf) = vrcp.f32 v15  }
0x138: {  	v16 =	vmul.f32 v12, v16;
	[tilespmem:s2+$0x2BF0] =	vst v50;
	v48 =	vpop (erf)  }
0x139: {  	v6 =	vadd.f32 $1.000000000e+00, v47;
	[tilespmem:s2+$0x2BD0] =	vst v14;
	(erf) = vrcp.f32 v46;
	v51 =	vpop (erf)  }
0x13a: {  	[tilespmem:s2+$0x2B60] =	vst v16;
	v49 =	vadd.f32 $1.000000000e+00, v48;
	v52 =	vpop (erf)  }
0x13b: {  	(erf) = vrcp.f32 v6;
	v53 =	vpop (erf);
	[tilespmem:s2+$0x350] =	vst v52  }
0x13c: {  	(erf) = vrcp.f32 v49;
	v60 =	vmul.f32 v52, v21;
	[tilespmem:s2+$0x320] =	vst v53;
	v54 =	vpop (erf)  }
0x13d: {  	v10 =	vadd.f32 $1.000000000e+00, v51;
	v6 =	vmul.f32 v53, v13;
	[tilespmem:s2+$0x340] =	vst v54  }
0x13e: {  	[tilespmem:s2+$0x2B50] =	vst v60  }
0x13f: {  	(erf) = vrcp.f32 v10;
	v55 =	vpop (erf);
	[tilespmem:s2+$0x2B20] =	vst v6  }
0x140: {  	v61 =	vmul.f32 v54, v9;
	v56 =	vpop (erf);
	[tilespmem:s2+$0x330] =	vst v55  }
0x141: {  	[tilespmem:s2+$0x380] =	vst v56  }
0x142: {  	v7 =	vmul.f32 v56, v7;
	[tilespmem:s2+$0x2B40] =	vst v61;
	v57 =	vpop (erf)  }
0x143: {  	[tilespmem:s2+$0x400] =	vst v57  }
0x144: {  	v58 =	vpop (erf);
	[tilespmem:s2+$0x2B80] =	vst v7  }
0x145: {  	v63 =	vmul.f32 v57, v5;
	v59 =	vpop (erf);
	[tilespmem:s2+$0x3B0] =	vst v58  }
0x146: {  	[tilespmem:s2+$0x390] =	vst v59;
	v3 =	vmul.f32 v59, v3  }
0x147: {  	[tilespmem:s2+$0x2C00] =	vst v63  }
0x148: {  	[tilespmem:s2+$0x2B90] =	vst v3;
	v3 =	vmul.f32 v55, v8;
	v62 =	vpop (erf)  }
0x149: {  	[tilespmem:s2+$0x3A0] =	vst v62;
	v2 =	vmul.f32 v62, v2  }
0x14a: {  	s1 =	sor.u32 s14, s31;
	[tilespmem:s2+$0x2B30] =	vst v3;
	v3 =	vmul.f32 v58, v4  }
0x14b: {  	s1 =	sshrl.u32 s1, $0x3;
	[tilespmem:s2+$0x2BA0] =	vst v2  }
0x14c: {  	s7 =	simm.s32 $0xA320;
	s1 =	sadd.s32 s12, s1;
	[tilespmem:s2+$0x2BB0] =	vst v3  }
0x14d: {  	[hbm4b:s1+s18] =	stream.strided.scatter [tilespmem:s7], [sflag:$0x11], $0x1400, s19, s18, $0x38;
	[tilespmem:$0x1F9A0] =	vst v63  }
0x14e: {  	s16 =	rddreg [dreg:$0x3];
	s31 =	simm.s32 $0x2B20;
	s7 =	simm.s32 $0x280  }
0x14f: {  	[spmem:s16] =	stream.indirect.scatter.add.f32 [tilespmem:s31], [sflag:$0xD], $0x40, s7, s0, $0xb8;
	[tilespmem:$0x1F9A0] =	vst v63  }
0x150: {  	s2 =	rddreg [dreg:$0x4];
	s16 =	simm.s32 $0x320  }
0x151: {  	[spmem:s2] =	stream.indirect.scatter.add.f32 [tilespmem:s16], [sflag:$0xF], $0x40, s7, s0, $0xb8;
	[tilespmem:$0x1F9A0] =	vst v63  }
0x152: {  	_ =	swait.ge [sflag:s5], $0x1400  }
0x153: {  	[sflag:s5] =	ssyncset.done $0x0  }
0x154: {  	[sflag:s5] =	ssyncadd.s32 $0xFFFFEC00  }
0x155: {  	_ =	swait.ge [sflag:s20], $0x1400  }
0x156: {  	[sflag:s20] =	ssyncset.done $0x0  }
0x157: {  	[sflag:s20] =	ssyncadd.s32 $0xFFFFEC00  }
0x158: {  	_ =	swait.ge [sflag:s3], $0x1400  }
.Ltmp4:
0x159: {  	[sflag:s3] =	ssyncset.done $0x0;
	(pc) =	sbr.rel @p2 .LBB2_12-.Ltmp4, $4  }
0x15a: {  	[sflag:s3] =	ssyncadd.s32 $0xFFFFEC00  }
0x15b: {  	_ =	swait.ge [sflag:s4], $0x1400  }
0x15c: {  	[sflag:s4] =	ssyncset.done $0x0;
	s31 =	rddreg [dreg:$0x9]  }
0x15d: {  	s6 =	sadd.s32 s6, s31;
	[sflag:s4] =	ssyncadd.s32 $0xFFFFEC00  }
0x15e: {  	s1 =	simm.s32 $0xD  }
0x15f: {  	_ =	swait.ge [sflag:s1], $0x1400  }
0x160: {  	[sflag:s1] =	ssyncset.done $0x0  }
0x161: {  	s31 =	simm.s32 $0xF;
	[sflag:s1] =	ssyncadd.s32 $0xFFFFEC00  }
0x162: {  	_ =	swait.ge [sflag:s31], $0x1400  }
0x163: {  	[sflag:s31] =	ssyncset.done $0x0  }
0x164: {  	s2 =	simm.s32 $0x1;
	[sflag:s31] =	ssyncadd.s32 $0xFFFFEC00  }
0x165: {  	_ =	swait.ge [sflag:s2], $0x50  }
0x166: {  	[sflag:s2] =	ssyncset.done $0x0  }
0x167: {  	s7 =	simm.s32 $0x3;
	[sflag:s2] =	ssyncadd.s32 $0xFFFFFFB0  }
0x168: {  	_ =	swait.ge [sflag:s7], $0x50  }
0x169: {  	[sflag:s7] =	ssyncset.done $0x0  }
0x16a: {  	[sflag:s7] =	ssyncadd.s32 $0xFFFFFFB0  }
0x16b: {  	v2 =	vld [tilespmem:$0x0]  }
0x16c: {  	v4 =	vld [tilespmem:$0xA0]  }
0x16d: {  	v3 =	vld [tilespmem:$0xA0]  }
0x16e: {  	v7 =	vld [tilespmem:$0xB0]  }
0x16f: {  	v57 =	vld [tilespmem:$0xC0]  }
0x170: {  	v61 =	vld [tilespmem:$0xD0]  }
0x171: {  	v63 =	vld [tilespmem:$0xE0];
	v2 =	vadd.s32 v0, v2;
	[tilespmem:$0x280] =	vst v4  }
0x172: {  	[tilespmem:$0x140] =	vst v2;
	v2 =	vadd.s32 v0, v3;
	v3 =	vld [tilespmem:$0x20]  }
0x173: {  	[tilespmem:$0x1E0] =	vst v2;
	v2 =	vld [tilespmem:$0xC0]  }
0x174: {  	v5 =	vld [tilespmem:$0x10];
	[tilespmem:$0x290] =	vst v7  }
0x175: {  	v6 =	vld [tilespmem:$0xB0];
	[tilespmem:$0x2A0] =	vst v57  }
0x176: {  	v59 =	vld [tilespmem:$0x30];
	[tilespmem:$0x2B0] =	vst v61  }
0x177: {  	v60 =	vld [tilespmem:$0xD0];
	[tilespmem:$0x2C0] =	vst v63;
	v3 =	vadd.s32 v0, v3  }
0x178: {  	[tilespmem:$0x160] =	vst v3;
	v2 =	vadd.s32 v0, v2;
	v3 =	vld [tilespmem:$0x40]  }
0x179: {  	v56 =	vadd.s32 v0, v5;
	[tilespmem:$0x200] =	vst v2;
	v2 =	vld [tilespmem:$0xE0]  }
0x17a: {  	v58 =	vadd.s32 v0, v6;
	[tilespmem:$0x150] =	vst v56  }
0x17b: {  	v62 =	vadd.s32 v0, v59;
	[tilespmem:$0x1F0] =	vst v58  }
0x17c: {  	v4 =	vadd.s32 v0, v60;
	[tilespmem:$0x170] =	vst v62  }
0x17d: {  	[tilespmem:$0x210] =	vst v4;
	v3 =	vadd.s32 v0, v3  }
0x17e: {  	[tilespmem:$0x180] =	vst v3;
	v2 =	vadd.s32 v0, v2  }
0x17f: {  	s16 =	simm.s32 $0x2B20;
	s2 =	simm.s32 $0x140;
	s1 =	rddreg [dreg:$0x1];
	[tilespmem:$0x220] =	vst v2  }
0x180: {  	[tilespmem:s16], [sflag:$0x5] =	stream.indirect.gather [hbm4b:s1+s0], $0x40, s2, s0, $0xb8;
	[tilespmem:$0x1F9A0] =	vst v63  }
0x181: {  	s31 =	simm.s32 $0x5320;
	s7 =	rddreg [dreg:$0x12];
	s16 =	simm.s32 $0x1E0  }
0x182: {  	[tilespmem:s31], [sflag:$0x7] =	stream.indirect.gather [hbm4b:s7+s0], $0x40, s16, s0, $0xb8;
	[tilespmem:$0x1F9A0] =	vst v63  }
0x183: {  	s16 =	sshll.u32 s6, $0x7  }
0x184: {  	s7 =	simm.s32 $0x7B20;
	s1 =	sadd.s32 s28, s16  }
0x185: {  	[tilespmem:s7], [sflag:$0x9] =	stream.indirect.gather [hbm4b:s10+s0], $0x40, s2, s0, $0xb8;
	[tilespmem:$0x1F9A0] =	vst v63  }
0x186: {  	s31 =	rddreg [dreg:$0x2];
	s1 =	sshrl.u32 s1, $0x3  }
0x187: {  	s16 =	sshrl.u32 s6, $0x3;
	s7 =	simm.s32 $0x320;
	s1 =	sadd.s32 s31, s1  }
0x188: {  	[tilespmem:s7], [sflag:$0xB] =	stream.strided.gather [hbm4b:s1+s18], $0x1400, s19, s18, $0x38;
	[tilespmem:$0x1F9A0] =	vst v63  }
0x189: {  	s1 =	sadd.s32 $0x14, s16  }
0x18a: {  	s7 =	simm.s32 $0x0;
	s31 =	sadd.s32 s8, s1  }
0x18b: {  	[tilespmem:s0], [sflag:$0x2] =	stream.linear.gather [hbm4b:s31+s7], $0x50, $0x38;
	[tilespmem:$0x1F9A0] =	vst v63  }
0x18c: {  	s1 =	sadd.s32 s9, s1;
	s31 =	simm.s32 $0xF0  }
0x18d: {  	[tilespmem:s31], [sflag:$0x4] =	stream.linear.gather [hbm4b:s1+s7], $0x50, $0x38;
	[tilespmem:$0x1F9A0] =	vst v63  }
.LBB2_12:
0x18e: {  	_ =	swait.ge [sflag:s11], $0x1400  }
0x18f: {  	[sflag:s11] =	ssyncset.done $0x0  }
0x190: {  	s31 =	simm.s32 $0x0;
	[sflag:s11] =	ssyncadd.s32 $0xFFFFEC00  }
0x191: {  	v2 =	vld [tilespmem:s31+$0x17E0]  }
0x192: {  	v3 =	vld [tilespmem:s31+$0x6800]  }
0x193: {  	v4 =	vld [tilespmem:s31+$0x3FE0]  }
0x194: {  	v5 =	vld [tilespmem:s31+$0x3F70]  }
0x195: {  	v6 =	vld [tilespmem:s31+$0x17D0]  }
0x196: {  	v7 =	vld [tilespmem:s31+$0x17F0]  }
0x197: {  	v8 =	vld [tilespmem:s31+$0x3FD0]  }
0x198: {  	v9 =	vld [tilespmem:s31+$0x3FC0]  }
0x199: {  	v10 =	vld [tilespmem:s31+$0x17C0]  }
0x19a: {  	v11 =	vld [tilespmem:s31+$0x3F60]  }
0x19b: {  	v12 =	vld [tilespmem:s31+$0x6810]  }
0x19c: {  	v13 =	vld [tilespmem:s31+$0x4010]  }
0x19d: {  	v14 =	vld [tilespmem:s31+$0x1810]  }
0x19e: {  	v15 =	vld [tilespmem:s31+$0x1770]  }
0x19f: {  	v16 =	vld [tilespmem:s31+$0x6770]  }
0x1a0: {  	v17 =	vld [tilespmem:s31+$0x1750]  }
0x1a1: {  	v18 =	vld [tilespmem:s31+$0x1720]  }
0x1a2: {  	v20 =	vld [tilespmem:s31+$0x3FF0]  }
0x1a3: {  	v21 =	vld [tilespmem:s31+$0x6760]  }
0x1a4: {  	v22 =	vld [tilespmem:s31+$0x3F20];
	v13 =	vadd.f32 v13, v14  }
0x1a5: {  	v23 =	vld [tilespmem:s31+$0x1760];
	v5 =	vadd.f32 v5, v15  }
0x1a6: {  	v24 =	vld [tilespmem:s31+$0x3F90];
	v12 =	vadd.f32 v12, v13  }
0x1a7: {  	v26 =	vld [tilespmem:s31+$0x67F0];
	v5 =	vadd.f32 v16, v5  }
0x1a8: {  	v28 =	vld [tilespmem:s31+$0x3F40];
	[tilespmem:s31+$0xA410] =	vst v12;
	v12 =	vsub.f32 $0.0e+00, v12  }
0x1a9: {  	v16 =	vld [tilespmem:s31+$0x67E0];
	[tilespmem:s31+$0xA370] =	vst v5;
	v5 =	vsub.f32 $0.0e+00, v5  }
0x1aa: {  	v14 =	vld [tilespmem:s31+$0x67D0];
	v12 =	vmul.f32 $1.442695020e+00, v12  }
0x1ab: {  	v11 =	vadd.f32 v11, v23;
	v23 =	vld [tilespmem:s31+$0x3F30];
	v5 =	vmul.f32 $1.442695020e+00, v5  }
0x1ac: {  	v9 =	vadd.f32 v9, v10;
	v10 =	vld [tilespmem:s31+$0x1740];
	v2 =	vadd.f32 v4, v2;
	(erf) = vpow2.f32 v12  }
0x1ad: {  	v7 =	vadd.f32 v20, v7;
	v13 =	vld [tilespmem:s31+$0x67C0];
	v11 =	vadd.f32 v21, v11;
	(erf) = vpow2.f32 v5  }
0x1ae: {  	v6 =	vadd.f32 v8, v6;
	v21 =	vld [tilespmem:s31+$0x1730];
	v2 =	vadd.f32 v16, v2  }
0x1af: {  	v4 =	vadd.f32 v26, v7;
	v7 =	vld [tilespmem:s31+$0x3F50];
	[tilespmem:s31+$0xA360] =	vst v11;
	v11 =	vsub.f32 $0.0e+00, v11  }
0x1b0: {  	v6 =	vadd.f32 v14, v6;
	v14 =	vld [tilespmem:s31+$0x6740];
	[tilespmem:s31+$0xA3E0] =	vst v2;
	v2 =	vsub.f32 $0.0e+00, v2  }
0x1b1: {  	v11 =	vmul.f32 $1.442695020e+00, v11;
	v16 =	vld [tilespmem:s31+$0x6750]  }
0x1b2: {  	v25 =	vld [tilespmem:s31+$0x1790];
	[tilespmem:s31+$0xA3F0] =	vst v4;
	v4 =	vsub.f32 $0.0e+00, v4;
	v2 =	vmul.f32 $1.442695020e+00, v2  }
0x1b3: {  	v8 =	vld [tilespmem:s31+$0x6730];
	v10 =	vadd.f32 v28, v10;
	v9 =	vadd.f32 v13, v9;
	(erf) = vpow2.f32 v11  }
0x1b4: {  	v21 =	vadd.f32 v23, v21;
	v5 =	vld [tilespmem:s31+$0x6790];
	(erf) = vpow2.f32 v2;
	v2 =	vadd.f32 v7, v17  }
0x1b5: {  	v27 =	vld [tilespmem:s31+$0x6720];
	v12 =	vadd.f32 v22, v18;
	v10 =	vadd.f32 v14, v10;
	v20 =	vpop (erf)  }
0x1b6: {  	v19 =	vld [tilespmem:s31+$0x3F80];
	v14 =	vadd.f32 v16, v2;
	v2 =	vsub.f32 $0.0e+00, v9;
	v62 =	vpop (erf)  }
0x1b7: {  	v63 =	vld [tilespmem:s31+$0x1800];
	v18 =	vadd.f32 v24, v25;
	v11 =	vadd.f32 $1.000000000e+00, v62  }
0x1b8: {  	v4 =	vmul.f32 $1.442695020e+00, v4;
	[tilespmem:s31+$0xA3D0] =	vst v6;
	v13 =	vld [tilespmem:s31+$0x1780];
	v6 =	vsub.f32 $0.0e+00, v6;
	v2 =	vmul.f32 $1.442695020e+00, v2  }
0x1b9: {  	v8 =	vadd.f32 v8, v21;
	v18 =	vadd.f32 v5, v18;
	v5 =	vld [tilespmem:s31+$0x4000];
	(erf) = vrcp.f32 v11  }
0x1ba: {  	v22 =	vld [tilespmem:s31+$0x6780];
	v6 =	vmul.f32 $1.442695020e+00, v6;
	v12 =	vadd.f32 v27, v12;
	(erf) = vpow2.f32 v2  }
0x1bb: {  	[tilespmem:s31+$0xA330] =	vst v8;
	v8 =	vsub.f32 $0.0e+00, v8;
	v7 =	vld [tilespmem:s31+$0x3FB0];
	(erf) = vpow2.f32 v4  }
0x1bc: {  	v20 =	vadd.f32 $1.000000000e+00, v20;
	v11 =	vld [tilespmem:s31+$0x17B0];
	(erf) = vpow2.f32 v6;
	v6 =	vsub.f32 $0.0e+00, v12  }
0x1bd: {  	v15 =	vld [tilespmem:s31+$0x67B0];
	[tilespmem:s31+$0xA340] =	vst v10;
	v13 =	vadd.f32 v19, v13;
	v10 =	vsub.f32 $0.0e+00, v10  }
0x1be: {  	[tilespmem:s31+$0xA3C0] =	vst v9;
	v9 =	vld [tilespmem:s31+$0x8F70];
	v5 =	vadd.f32 v5, v63;
	(erf) = vrcp.f32 v20;
	v6 =	vmul.f32 $1.442695020e+00, v6  }
0x1bf: {  	v19 =	vld [tilespmem:s31+$0x17A0];
	v13 =	vadd.f32 v22, v13;
	v10 =	vmul.f32 $1.442695020e+00, v10;
	[tilespmem:s31+$0xA350] =	vst v14;
	v14 =	vsub.f32 $0.0e+00, v14  }
0x1c0: {  	v16 =	vld [tilespmem:s31+$0x3FA0];
	v17 =	vpop (erf);
	v20 =	vadd.f32 v3, v5;
	v5 =	vmul.f32 $1.442695020e+00, v8;
	(erf) = vpow2.f32 v6  }
0x1c1: {  	[tilespmem:s31+$0xA320] =	vst v12;
	v21 =	vpop (erf);
	v6 =	vadd.f32 v7, v11;
	v7 =	vsub.f32 $0.0e+00, v13;
	(erf) = vpow2.f32 v10  }
0x1c2: {  	[tilespmem:s31+$0xA380] =	vst v13;
	v12 =	vld [tilespmem:s31+$0x9010];
	v8 =	vadd.f32 $1.000000000e+00, v17;
	v10 =	vmul.f32 $1.442695020e+00, v14;
	v4 =	vpop (erf);
	(erf) = vpow2.f32 v5  }
0x1c3: {  	v13 =	vmul.f32 $1.442695020e+00, v7;
	[tilespmem:s31+$0x1770] =	vst v4;
	v4 =	vmul.f32 v4, v9;
	v9 =	vld [tilespmem:s31+$0x67A0]  }
0x1c4: {  	v6 =	vadd.f32 v15, v6;
	v11 =	vpop (erf);
	(erf) = vrcp.f32 v8  }
0x1c5: {  	v2 =	vld [tilespmem:s31+$0x8FA0];
	v15 =	vadd.f32 $1.000000000e+00, v21;
	v14 =	vpop (erf);
	(erf) = vpow2.f32 v10;
	v10 =	vadd.f32 v16, v19  }
0x1c6: {  	v3 =	vld [tilespmem:s31+$0x8F90];
	[tilespmem:s31+$0xA3B0] =	vst v6;
	v11 =	vadd.f32 $1.000000000e+00, v11;
	v6 =	vsub.f32 $0.0e+00, v6;
	v16 =	vpop (erf);
	(erf) = vpow2.f32 v13  }
0x1c7: {  	v17 =	vld [tilespmem:s31+$0x8FC0];
	v14 =	vadd.f32 $1.000000000e+00, v14;
	v13 =	vpop (erf);
	(erf) = vrcp.f32 v15;
	v15 =	vsub.f32 $0.0e+00, v20  }
0x1c8: {  	v5 =	vld [tilespmem:s31+$0x9000];
	[tilespmem:s31+$0x1810] =	vst v13;
	v12 =	vmul.f32 v13, v12;
	v13 =	vadd.f32 $1.000000000e+00, v16;
	v10 =	vadd.f32 v9, v10  }
0x1c9: {  	[tilespmem:s31+$0xA390] =	vst v18;
	v7 =	vld [tilespmem:s31+$0x8F80];
	(erf) = vrcp.f32 v11;
	v11 =	vsub.f32 $0.0e+00, v18;
	v16 =	vmul.f32 $1.442695020e+00, v6  }
0x1ca: {  	v8 =	vld [tilespmem:s31+$0x8F30];
	v15 =	vmul.f32 $1.442695020e+00, v15;
	(erf) = vrcp.f32 v14;
	v19 =	vpop (erf);
	[tilespmem:s31+$0xA3A0] =	vst v10;
	v10 =	vsub.f32 $0.0e+00, v10  }
0x1cb: {  	[tilespmem:s31+$0x3F70] =	vst v4;
	v4 =	vld [tilespmem:s31+$0x8FB0];
	(erf) = vrcp.f32 v13;
	v13 =	vmul.f32 $1.442695020e+00, v11;
	v18 =	vpop (erf)  }
0x1cc: {  	[tilespmem:s31+$0xA400] =	vst v20;
	v20 =	vld [tilespmem:s31+$0x8FE0];
	v6 =	vpop (erf);
	(erf) = vpow2.f32 v15  }
0x1cd: {  	v9 =	vld [tilespmem:s31+$0x8F40];
	[tilespmem:s31+$0x4010] =	vst v12;
	v12 =	vpop (erf);
	v15 =	vmul.f32 $1.442695020e+00, v10;
	(erf) = vpow2.f32 v16  }
0x1ce: {  	v14 =	vld [tilespmem:s31+$0x8FD0];
	v10 =	vpop (erf);
	(erf) = vpow2.f32 v13  }
0x1cf: {  	v11 =	vld [tilespmem:s31+$0x8FF0];
	v13 =	vpop (erf);
	(erf) = vpow2.f32 v15  }
0x1d0: {  	v19 =	vadd.f32 $1.000000000e+00, v19;
	v16 =	vld [tilespmem:s31+$0x8F60];
	v10 =	vadd.f32 $1.000000000e+00, v10;
	v21 =	vpop (erf)  }
0x1d1: {  	s1 =	simm.s32 $0x400;
	v18 =	vadd.f32 $1.000000000e+00, v18;
	v15 =	vadd.f32 $1.000000000e+00, v13;
	v13 =	vld [tilespmem:s31+$0x8F20];
	[tilespmem:s31+$0x17E0] =	vst v21;
	v20 =	vmul.f32 v21, v20  }
.LBB2_13:
0x1d2: {  	s2 =	sshra.s32 s1, $0x2;
	p2 =	sne.s32 s1, $0x4C00;
	s1 =	sadd.s32 $0x400, s1;
	v21 =	vld [tilespmem:s31+$0x8F50];
	(erf) = vrcp.f32 v10;
	v22 =	vpop (erf)  }
0x1d3: {  	v23 =	vadd.f32 $1.000000000e+00, v6;
	v10 =	vld [tilespmem:s2+$0x17E0];
	v24 =	vmul.f32 v22, v17;
	[tilespmem:s31+$0x3FE0] =	vst v20;
	(erf) = vrcp.f32 v19;
	v19 =	vpop (erf)  }
0x1d4: {  	v6 =	vld [tilespmem:s2+$0x6800];
	[tilespmem:s31+$0x17F0] =	vst v19;
	v19 =	vmul.f32 v19, v11;
	(erf) = vrcp.f32 v18;
	v18 =	vpop (erf)  }
0x1d5: {  	v11 =	vld [tilespmem:s2+$0x3FE0];
	v16 =	vmul.f32 v12, v16;
	[tilespmem:s31+$0x3FC0] =	vst v24;
	v24 =	vmul.f32 v18, v14;
	v17 =	vpop (erf)  }
0x1d6: {  	v20 =	vld [tilespmem:s2+$0x3F70];
	[tilespmem:s31+$0x17D0] =	vst v18;
	v17 =	vadd.f32 $1.000000000e+00, v17;
	(erf) = vrcp.f32 v23;
	v18 =	vpop (erf)  }
0x1d7: {  	v23 =	vld [tilespmem:s2+$0x17D0];
	v18 =	vadd.f32 $1.000000000e+00, v18;
	[tilespmem:s31+$0x3FD0] =	vst v24;
	(erf) = vrcp.f32 v15;
	v14 =	vpop (erf)  }
0x1d8: {  	v15 =	vld [tilespmem:s2+$0x17F0];
	v24 =	vadd.f32 $1.000000000e+00, v14;
	[tilespmem:s31+$0x17C0] =	vst v22;
	v22 =	vpop (erf);
	(erf) = vrcp.f32 v17  }
0x1d9: {  	v17 =	vld [tilespmem:s2+$0x3FD0];
	[tilespmem:s31+$0x3F60] =	vst v16;
	(erf) = vrcp.f32 v18  }
0x1da: {  	v16 =	vld [tilespmem:s2+$0x3FC0];
	[tilespmem:s31+$0x1760] =	vst v12;
	(erf) = vrcp.f32 v24  }
0x1db: {  	v12 =	vld [tilespmem:s2+$0x17C0];
	[tilespmem:s31+$0x3FF0] =	vst v19;
	v14 =	vpop (erf)  }
0x1dc: {  	v18 =	vld [tilespmem:s2+$0x3F60];
	v19 =	vmul.f32 v14, v21;
	v21 =	vadd.f32 $1.000000000e+00, v22;
	v22 =	vpop (erf)  }
0x1dd: {  	v24 =	vld [tilespmem:s2+$0x6810];
	[tilespmem:s31+$0x1720] =	vst v22;
	v26 =	vmul.f32 v22, v13;
	v22 =	vpop (erf)  }
0x1de: {  	v25 =	vld [tilespmem:s2+$0x4010];
	[tilespmem:s31+$0x1740] =	vst v22;
	v9 =	vmul.f32 v22, v9;
	(erf) = vrcp.f32 v21  }
0x1df: {  	v21 =	vld [tilespmem:s2+$0x1810];
	[tilespmem:s31+$0x3F20] =	vst v26;
	v13 =	vpop (erf)  }
0x1e0: {  	v22 =	vld [tilespmem:s2+$0x1770];
	v8 =	vmul.f32 v13, v8;
	[tilespmem:s31+$0x1750] =	vst v14;
	v14 =	vpop (erf)  }
0x1e1: {  	v26 =	vld [tilespmem:s2+$0x6770];
	[tilespmem:s31+$0x1730] =	vst v13;
	v13 =	vmul.f32 v14, v7;
	v27 =	vpop (erf)  }
0x1e2: {  	v7 =	vld [tilespmem:s2+$0x1750];
	[tilespmem:s31+$0x1800] =	vst v27;
	v5 =	vmul.f32 v27, v5;
	v27 =	vpop (erf)  }
0x1e3: {  	v28 =	vld [tilespmem:s2+$0x1720];
	[tilespmem:s31+$0x3F80] =	vst v13;
	v13 =	vmul.f32 v27, v4;
	v4 =	vpop (erf)  }
0x1e4: {  	v29 =	vld [tilespmem:s2+$0x3F80];
	v21 =	vadd.f32 v25, v21;
	[tilespmem:s31+$0x1790] =	vst v4;
	v3 =	vmul.f32 v4, v3  }
0x1e5: {  	v25 =	vadd.f32 v20, v22;
	v20 =	vld [tilespmem:s2+$0x3FF0];
	[tilespmem:s31+$0x1780] =	vst v14  }
0x1e6: {  	v14 =	vld [tilespmem:s2+$0x6760];
	v21 =	vadd.f32 v24, v21;
	[tilespmem:s31+$0x3F90] =	vst v3  }
0x1e7: {  	v3 =	vld [tilespmem:s2+$0x3F20];
	v22 =	vadd.f32 v26, v25;
	[tilespmem:s31+$0x3F50] =	vst v19;
	v4 =	vpop (erf)  }
0x1e8: {  	v19 =	vld [tilespmem:s2+$0x1760];
	v24 =	vsub.f32 $0.0e+00, v21;
	v2 =	vmul.f32 v4, v2;
	[tilespmem:s31+$0x17B0] =	vst v27  }
0x1e9: {  	v25 =	vsub.f32 $0.0e+00, v22;
	v26 =	vld [tilespmem:s2+$0x3F90];
	[tilespmem:s31+$0x3F30] =	vst v8  }
0x1ea: {  	v8 =	vld [tilespmem:s2+$0x1790];
	v24 =	vmul.f32 $1.442695020e+00, v24;
	[tilespmem:s31+$0x17A0] =	vst v4  }
0x1eb: {  	v25 =	vmul.f32 $1.442695020e+00, v25;
	v4 =	vld [tilespmem:s2+$0x67B0];
	[tilespmem:s31+$0x3F40] =	vst v9  }
0x1ec: {  	v3 =	vadd.f32 v3, v28;
	v9 =	vld [tilespmem:s2+$0x67F0];
	(erf) = vpow2.f32 v24;
	[tilespmem:s31+$0x3FB0] =	vst v13  }
0x1ed: {  	v12 =	vadd.f32 v16, v12;
	v13 =	vadd.f32 v18, v19;
	v16 =	vld [tilespmem:s2+$0x67E0];
	(erf) = vpow2.f32 v25;
	[tilespmem:s31+$0x4000] =	vst v5  }
0x1ee: {  	v5 =	vld [tilespmem:s2+$0x67D0];
	[tilespmem:s31+$0x3FA0] =	vst v2;
	s31 =	smov.u32 s2  }
0x1ef: {  	v2 =	vadd.f32 v14, v13;
	[tilespmem:s31+$0xA370] =	vst v22;
	v13 =	vld [tilespmem:s31+$0x67C0];
	v14 =	vadd.f32 v17, v23  }
0x1f0: {  	v8 =	vadd.f32 v26, v8;
	v17 =	vld [tilespmem:s31+$0x3F30];
	[tilespmem:s31+$0xA410] =	vst v21  }
0x1f1: {  	v10 =	vadd.f32 v11, v10;
	v18 =	vld [tilespmem:s31+$0x1730];
	[tilespmem:s31+$0xA360] =	vst v2;
	v2 =	vsub.f32 $0.0e+00, v2  }
0x1f2: {  	v11 =	vld [tilespmem:s31+$0x6720]  }
0x1f3: {  	v15 =	vadd.f32 v20, v15;
	v19 =	vld [tilespmem:s31+$0x6730];
	v21 =	vmul.f32 $1.442695020e+00, v2  }
0x1f4: {  	v10 =	vadd.f32 v16, v10;
	v5 =	vadd.f32 v5, v14;
	v20 =	vld [tilespmem:s31+$0x3F40]  }
0x1f5: {  	v9 =	vadd.f32 v9, v15;
	v12 =	vadd.f32 v13, v12;
	v14 =	vld [tilespmem:s31+$0x1740];
	(erf) = vpow2.f32 v21;
	v2 =	vpop (erf)  }
0x1f6: {  	v15 =	vsub.f32 $0.0e+00, v10;
	v13 =	vld [tilespmem:s31+$0x6740];
	[tilespmem:s31+$0xA3D0] =	vst v5;
	v2 =	vadd.f32 $1.000000000e+00, v2;
	v16 =	vpop (erf)  }
0x1f7: {  	v22 =	vsub.f32 $0.0e+00, v9;
	v16 =	vadd.f32 $1.000000000e+00, v16;
	v21 =	vld [tilespmem:s31+$0x6790];
	[tilespmem:s31+$0xA3C0] =	vst v12  }
0x1f8: {  	v17 =	vadd.f32 v17, v18;
	v15 =	vmul.f32 $1.442695020e+00, v15;
	v12 =	vsub.f32 $0.0e+00, v12;
	v18 =	vld [tilespmem:s31+$0x3F50];
	[tilespmem:s31+$0xA3F0] =	vst v9  }
0x1f9: {  	v5 =	vsub.f32 $0.0e+00, v5;
	v3 =	vadd.f32 v11, v3;
	v9 =	vld [tilespmem:s31+$0x1780];
	[tilespmem:s31+$0xA3E0] =	vst v10;
	v10 =	vmul.f32 $1.442695020e+00, v22  }
0x1fa: {  	v11 =	vadd.f32 v20, v14;
	v14 =	vld [tilespmem:s31+$0x6750];
	(erf) = vpow2.f32 v15  }
0x1fb: {  	v12 =	vmul.f32 $1.442695020e+00, v12;
	[tilespmem:s31+$0xA320] =	vst v3;
	v3 =	vsub.f32 $0.0e+00, v3;
	v15 =	vld [tilespmem:s31+$0x6780];
	(erf) = vrcp.f32 v16  }
0x1fc: {  	v5 =	vmul.f32 $1.442695020e+00, v5;
	v16 =	vadd.f32 v19, v17;
	v8 =	vadd.f32 v21, v8;
	v17 =	vld [tilespmem:s31+$0x4000]  }
0x1fd: {  	v11 =	vadd.f32 v13, v11;
	v7 =	vadd.f32 v18, v7;
	v13 =	vld [tilespmem:s31+$0x1800];
	(erf) = vpow2.f32 v12  }
0x1fe: {  	v3 =	vmul.f32 $1.442695020e+00, v3;
	v9 =	vadd.f32 v29, v9;
	[tilespmem:s31+$0xA390] =	vst v8;
	v12 =	vld [tilespmem:s31+$0x17B0];
	v18 =	vpop (erf);
	(erf) = vpow2.f32 v10  }
0x1ff: {  	v10 =	vsub.f32 $0.0e+00, v11;
	[tilespmem:s31+$0xA340] =	vst v11;
	v7 =	vadd.f32 v14, v7;
	v11 =	vld [tilespmem:s31+$0x3FB0];
	(erf) = vpow2.f32 v5  }
0x200: {  	v5 =	vsub.f32 $0.0e+00, v16;
	[tilespmem:s31+$0xA330] =	vst v16;
	v14 =	vld [tilespmem:s31+$0x8F70];
	v9 =	vadd.f32 v15, v9;
	(erf) = vrcp.f32 v2  }
0x201: {  	v2 =	vmul.f32 $1.442695020e+00, v10;
	[tilespmem:s31+$0xA350] =	vst v7;
	v7 =	vsub.f32 $0.0e+00, v7;
	v10 =	vld [tilespmem:s31+$0x3FA0];
	(erf) = vpow2.f32 v3  }
0x202: {  	v19 =	vmul.f32 $1.442695020e+00, v5;
	[tilespmem:s31+$0xA380] =	vst v9;
	v5 =	vsub.f32 $0.0e+00, v9;
	v9 =	vadd.f32 v17, v13  }
0x203: {  	v13 =	vadd.f32 $1.000000000e+00, v18;
	v17 =	vmul.f32 $1.442695020e+00, v7;
	v15 =	vld [tilespmem:s31+$0x17A0];
	(erf) = vpow2.f32 v2;
	v16 =	vpop (erf)  }
0x204: {  	v18 =	vmul.f32 $1.442695020e+00, v5;
	v2 =	vld [tilespmem:s31+$0x8FA0];
	v16 =	vadd.f32 $1.000000000e+00, v16;
	(erf) = vpow2.f32 v19;
	v3 =	vpop (erf)  }
0x205: {  	v19 =	vadd.f32 v6, v9;
	[tilespmem:s31+$0x1770] =	vst v3;
	v3 =	vmul.f32 v3, v14;
	v14 =	vld [tilespmem:s31+$0x67A0];
	(erf) = vrcp.f32 v13  }
0x206: {  	v13 =	vsub.f32 $0.0e+00, v8;
	v8 =	vadd.f32 v11, v12;
	v9 =	vld [tilespmem:s31+$0x9010];
	(erf) = vpow2.f32 v17;
	v7 =	vpop (erf)  }
0x207: {  	[tilespmem:s31+$0x3F70] =	vst v3;
	v3 =	vld [tilespmem:s31+$0x8F90];
	v11 =	vadd.f32 $1.000000000e+00, v7;
	v7 =	vsub.f32 $0.0e+00, v19;
	(erf) = vpow2.f32 v18;
	v5 =	vpop (erf)  }
0x208: {  	v8 =	vadd.f32 v4, v8;
	v10 =	vadd.f32 v10, v15;
	v4 =	vld [tilespmem:s31+$0x8FB0];
	[tilespmem:s31+$0xA400] =	vst v19;
	v6 =	vpop (erf);
	(erf) = vrcp.f32 v16  }
0x209: {  	v12 =	vadd.f32 $1.000000000e+00, v5;
	v6 =	vadd.f32 $1.000000000e+00, v6;
	v15 =	vmul.f32 $1.442695020e+00, v7;
	v5 =	vld [tilespmem:s31+$0x9000];
	v16 =	vpop (erf)  }
0x20a: {  	v7 =	vld [tilespmem:s31+$0x8F80];
	v10 =	vadd.f32 v14, v10;
	[tilespmem:s31+$0xA3B0] =	vst v8;
	v14 =	vsub.f32 $0.0e+00, v8;
	v18 =	vpop (erf);
	(erf) = vrcp.f32 v11  }
0x20b: {  	v8 =	vld [tilespmem:s31+$0x8F30];
	[tilespmem:s31+$0x1810] =	vst v16;
	v11 =	vmul.f32 v16, v9;
	(erf) = vrcp.f32 v12  }
0x20c: {  	v9 =	vld [tilespmem:s31+$0x8F40];
	[tilespmem:s31+$0xA3A0] =	vst v10;
	v19 =	vsub.f32 $0.0e+00, v10;
	v16 =	vmul.f32 $1.442695020e+00, v14;
	v20 =	vpop (erf);
	(erf) = vrcp.f32 v6  }
0x20d: {  	v22 =	vmul.f32 $1.442695020e+00, v13;
	v21 =	vld [tilespmem:s31+$0x8FE0];
	[tilespmem:s31+$0x4010] =	vst v11;
	v6 =	vpop (erf);
	(erf) = vpow2.f32 v15  }
.Ltmp5:
0x20e: {  	v15 =	vmul.f32 $1.442695020e+00, v19;
	v14 =	vld [tilespmem:s31+$0x8FD0];
	v12 =	vpop (erf);
	(erf) = vpow2.f32 v16;
	(pc) =	sbr.rel @p2 .LBB2_13-.Ltmp5, $4  }
0x20f: {  	v17 =	vld [tilespmem:s31+$0x8FC0];
	v10 =	vpop (erf);
	(erf) = vpow2.f32 v22  }
0x210: {  	v10 =	vadd.f32 $1.000000000e+00, v10;
	v11 =	vld [tilespmem:s31+$0x8FF0];
	v13 =	vpop (erf);
	(erf) = vpow2.f32 v15  }
0x211: {  	v16 =	vld [tilespmem:s31+$0x8F60];
	v15 =	vadd.f32 $1.000000000e+00, v13;
	v22 =	vpop (erf)  }
0x212: {  	v19 =	vadd.f32 $1.000000000e+00, v18;
	v18 =	vadd.f32 $1.000000000e+00, v20;
	v13 =	vld [tilespmem:s31+$0x8F20];
	[tilespmem:s31+$0x17E0] =	vst v22;
	v20 =	vmul.f32 v22, v21  }
0x213: {  	(erf) = vrcp.f32 v10  }
0x214: {  	v42 =	vpop (erf);
	[tilespmem:s31+$0x1760] =	vst v12;
	(erf) = vrcp.f32 v19  }
0x215: {  	v43 =	vpop (erf);
	[tilespmem:s31+$0x3FE0] =	vst v20;
	(erf) = vrcp.f32 v18  }
0x216: {  	v6 =	vadd.f32 $1.000000000e+00, v6;
	v17 =	vmul.f32 v42, v17;
	[tilespmem:s31+$0x17C0] =	vst v42  }
0x217: {  	v44 =	vpop (erf);
	[tilespmem:s31+$0x17F0] =	vst v43  }
0x218: {  	v50 =	vmul.f32 v43, v11;
	v45 =	vpop (erf);
	[tilespmem:s31+$0x3FC0] =	vst v17;
	(erf) = vrcp.f32 v6  }
0x219: {  	v21 =	vld [tilespmem:s31+$0x8F50];
	v14 =	vmul.f32 v44, v14;
	[tilespmem:s31+$0x17D0] =	vst v44;
	v46 =	vadd.f32 $1.000000000e+00, v45;
	v47 =	vpop (erf);
	(erf) = vrcp.f32 v15  }
0x21a: {  	v16 =	vmul.f32 v12, v16;
	[tilespmem:s31+$0x3FF0] =	vst v50;
	v48 =	vpop (erf)  }
0x21b: {  	v6 =	vadd.f32 $1.000000000e+00, v47;
	[tilespmem:s31+$0x3FD0] =	vst v14;
	(erf) = vrcp.f32 v46;
	v51 =	vpop (erf)  }
0x21c: {  	[tilespmem:s31+$0x3F60] =	vst v16;
	v49 =	vadd.f32 $1.000000000e+00, v48;
	v52 =	vpop (erf)  }
0x21d: {  	(erf) = vrcp.f32 v6;
	v53 =	vpop (erf);
	[tilespmem:s31+$0x1750] =	vst v52  }
0x21e: {  	(erf) = vrcp.f32 v49;
	v60 =	vmul.f32 v52, v21;
	[tilespmem:s31+$0x1720] =	vst v53;
	v54 =	vpop (erf)  }
0x21f: {  	v10 =	vadd.f32 $1.000000000e+00, v51;
	v6 =	vmul.f32 v53, v13;
	[tilespmem:s31+$0x1740] =	vst v54  }
0x220: {  	[tilespmem:s31+$0x3F50] =	vst v60  }
0x221: {  	(erf) = vrcp.f32 v10;
	v55 =	vpop (erf);
	[tilespmem:s31+$0x3F20] =	vst v6  }
0x222: {  	v61 =	vmul.f32 v54, v9;
	v56 =	vpop (erf);
	[tilespmem:s31+$0x1730] =	vst v55  }
0x223: {  	[tilespmem:s31+$0x1780] =	vst v56  }
0x224: {  	v7 =	vmul.f32 v56, v7;
	[tilespmem:s31+$0x3F40] =	vst v61;
	v57 =	vpop (erf)  }
0x225: {  	[tilespmem:s31+$0x1800] =	vst v57  }
0x226: {  	v58 =	vpop (erf);
	[tilespmem:s31+$0x3F80] =	vst v7  }
0x227: {  	v63 =	vmul.f32 v57, v5;
	v59 =	vpop (erf);
	[tilespmem:s31+$0x17B0] =	vst v58  }
0x228: {  	[tilespmem:s31+$0x1790] =	vst v59;
	v3 =	vmul.f32 v59, v3  }
0x229: {  	[tilespmem:s31+$0x4000] =	vst v63  }
0x22a: {  	[tilespmem:s31+$0x3F90] =	vst v3;
	v3 =	vmul.f32 v55, v8;
	v62 =	vpop (erf)  }
0x22b: {  	s1 =	sshll.u32 s6, $0x7;
	[tilespmem:s31+$0x17A0] =	vst v62;
	v2 =	vmul.f32 v62, v2  }
0x22c: {  	s1 =	sor.u32 s14, s1;
	[tilespmem:s31+$0x3F30] =	vst v3;
	v3 =	vmul.f32 v58, v4  }
0x22d: {  	s21 =	sadd.s32 $0x1, s21;
	s1 =	sshrl.u32 s1, $0x3;
	[tilespmem:s31+$0x3FA0] =	vst v2  }
0x22e: {  	s2 =	simm.s32 $0xA320;
	p2 =	sne.s32 s21, $0x7D;
	s1 =	sadd.s32 s12, s1;
	[tilespmem:s31+$0x3FB0] =	vst v3  }
0x22f: {  	[hbm4b:s1+s18] =	stream.strided.scatter [tilespmem:s2], [sflag:$0x11], $0x1400, s19, s18, $0x38;
	[tilespmem:$0x1F9A0] =	vst v63  }
.Ltmp6:
0x230: {  	_ = 	snop;
	(pc) =	sbr.rel @p2 .LBB2_8-.Ltmp6, $4  }
0x231: {  	s6 =	simm.s32 $0x2D0;
	s31 =	simm.s32 $0x3F20;
	s2 =	rddreg [dreg:$0x3]  }
0x232: {  	[spmem:s2] =	stream.indirect.scatter.add.f32 [tilespmem:s31], [sflag:$0xE], $0x40, s6, s0, $0xb8;
	[tilespmem:$0x1F9A0] =	vst v63  }
0x233: {  	s16 =	rddreg [dreg:$0x4];
	s7 =	simm.s32 $0x1720  }
0x234: {  	[spmem:s16] =	stream.indirect.scatter.add.f32 [tilespmem:s7], [sflag:$0x10], $0x40, s6, s0, $0xb8;
	[tilespmem:$0x1F9A0] =	vst v63  }
0x235: {  	s1 =	simm.s32 $0xD  }
0x236: {  	_ =	swait.ge [sflag:s1], $0x1400  }
0x237: {  	[sflag:s1] =	ssyncset.done $0x0  }
0x238: {  	s2 =	simm.s32 $0xF;
	[sflag:s1] =	ssyncadd.s32 $0xFFFFEC00  }
0x239: {  	_ =	swait.ge [sflag:s2], $0x1400  }
0x23a: {  	[sflag:s2] =	ssyncset.done $0x0  }
0x23b: {  	s6 =	simm.s32 $0xE;
	[sflag:s2] =	ssyncadd.s32 $0xFFFFEC00  }
0x23c: {  	_ =	swait.ge [sflag:s6], $0x1400  }
0x23d: {  	[sflag:s6] =	ssyncset.done $0x0  }
0x23e: {  	s7 =	simm.s32 $0x10;
	[sflag:s6] =	ssyncadd.s32 $0xFFFFEC00  }
0x23f: {  	_ =	swait.ge [sflag:s7], $0x1400  }
0x240: {  	[sflag:s7] =	ssyncset.done $0x0  }
0x241: {  	[sflag:s7] =	ssyncadd.s32 $0xFFFFEC00  }
0x242: {  	_ =	swait.ge [sflag:s11], $0x1400  }
0x243: {  	[sflag:s11] =	ssyncset.done $0x0  }
0x244: {  	[sflag:s11] =	ssyncadd.s32 $0xFFFFEC00  }
0x245: {  	s1 =	stileid.u32;
	[bflag:$0x0] =	sbarrier.arrive $0xFFFF  }
0x246: {  	s1 =	sshll.u32 @!p0 s1, $0x6;
	s2 =	rddreg [dreg:$0xd]  }
0x247: {  	s1 =	sor.u32 @!p0 $0x1C12, s1;
	s6 =	rddreg [dreg:$0x10]  }
0x248: {  	[hbm:s2], [sflag:s1] =	dma.local @!p0 [spmem:s6], $0x1F40  }
0x249: {  	s2 =	simm.s32 @!p0 $0x12  }
0x24a: {  	_ =	swait.ge @!p0 [sflag:s2], $0x1F40  }
0x24b: {  	[sflag:s2] =	ssyncset.done @!p0 $0x0;
	s6 =	rddreg [dreg:$0xe]  }
0x24c: {  	s16 =	rddreg [dreg:$0x11];
	[sflag:s2] =	ssyncadd.s32 @!p0 $0xFFFFE0C0  }
0x24d: {  	[hbm:s6], [sflag:s1] =	dma.local @!p0 [spmem:s16], $0x1F40  }
0x24e: {  	_ =	swait.ge @!p0 [sflag:s2], $0x1F40  }
0x24f: {  	s16 =	rddreg [dreg:$0x13]  }
0x250: {  	s21 =	rddreg [dreg:$0xf];
	s6 =	sadd.s32 $0x1, s16  }
0x251: {  	p2 =	sne.s32 s6, s21  }
.Ltmp7:
0x252: {  	_ = 	snop;
	(pc) =	sbr.rel @p2 .LBB2_1-.Ltmp7, $3  }
0x253: {  	_ =	sdelay $0x1  }
0x254: {  	[sflag:s2] =	ssyncset.done @!p0 $0x0  }
0x255: {  	[sflag:s2] =	ssyncadd.s32 @!p0 $0xFFFFE0C0  }
0x256: {  	_ =	sfence.sel $0x180000  }
0x257: {  	[bflag:$0x0] =	sbarrier.arrive $0xFFFF  }
0x258: {  	_ =	strace $0x90000047  }
0x259: {  	s0 =	stileid.u32;
	[bflag:$0x2] =	sbarrier.arrive $0xFFFF  }
0x25a: {  	p0 =	sne.s32 s0, $0x0;
	s0 =	rddreg [dreg:$0x5]  }
0x25b: {  	s0 =	sadd.s32 @!p0 $0x100000, s0  }
0x25c: {  	[sflag:s0] =	ssyncadd.tile.s32 @!p0 $0x1;
	_ =	shalt  }
.Lfunc_end2:
_tile_overlayer_lowered:
.L_overlay_start_2:
0x25d: {  	(tag) =	ssettag $0x2  }
0x25e: {  	s0 =	rddreg [dreg:$0x0];
	s2 =	stileid.u32  }
0x25f: {  	s1 =	rddreg [dreg:$0x1];
	p0 =	sne.s32 s2, $0x0  }
0x260: {  	s3 =	rddreg [dreg:$0x2];
	[bflag:$0x3] =	sbarrier.arrive $0xFFFF;
	s2 =	simm.s32 @!p0 $0x1C12  }
0x261: {  	[timem:s3], [sflag:s2] =	dma.local @!p0 [hbm:s0], s1  }
0x262: {  	s0 =	simm.s32 @!p0 $0x12  }
0x263: {  	_ =	swait.ge @!p0 [sflag:s0], s1  }
0x264: {  	s1 =	ssub.s32 @!p0 $0x0, s1;
	[sflag:s0] =	ssyncset.done @!p0 $0x0  }
0x265: {  	[sflag:s0] =	ssyncadd.s32 @!p0 s1  }
0x266: {  	[bflag:$0x3] =	sbarrier.arrive $0xFFFF  }
0x267: {  	_ =	shalt  }

</sc_bundles>
